<compile_context>
chip_gen: v7x
topology: tpu7x:2x2x1
jax: 0.10.2.dev20260603
libtpu: 0.0.44.dev20260713+nightly
codegen_flags: <defaults>
</compile_context>

<pallas_src>
import dataclasses
import functools

import jax
import jax.numpy as jnp
from jax import lax
from jax.experimental import pallas as pl
from jax.experimental.pallas import tpu as pltpu
from jax.experimental.pallas import tpu_sc as plsc

BM = 1024
BN = 1024

def _sc_mesh():
    return plsc.VectorSubcoreMesh(core_axis_name="c", subcore_axis_name="s")

_SC_PARAMS = pltpu.CompilerParams()
if "needs_layout_passes" in pltpu.CompilerParams.__dataclass_fields__:
    _SC_PARAMS = dataclasses.replace(_SC_PARAMS, needs_layout_passes=False)



def _sim_body(hid_ref, pat_ref, sim_ref, top_ref, hn_ref, pn_ref, lmax_ref, lvc_ref):
    i = pl.program_id(0)
    j = pl.program_id(1)
    nj = pl.num_programs(1)

    @pl.when(j == 0)
    def _():
        h = hid_ref[...]
        nrm = jnp.sqrt(jnp.sum(h * h, axis=1, keepdims=True))
        hn_ref[...] = h / jnp.maximum(nrm, 1e-8)
        lmax_ref[...] = jnp.full((BM, 128), -jnp.inf, jnp.float32)
        lvc_ref[...] = jnp.zeros((BM, 128), jnp.int32)

    @pl.when(i == 0)
    def _():
        p = pat_ref[...]
        nrm = jnp.sqrt(jnp.sum(p * p, axis=0, keepdims=True))
        pn_ref[:, pl.ds(j * BN, BN)] = p / jnp.maximum(nrm, 1e-8)

    sim = jnp.dot(hn_ref[...], pn_ref[:, pl.ds(j * BN, BN)],
                  preferred_element_type=jnp.float32)
    sim_ref[...] = sim
    lmax = lmax_ref[...]
    lvc = lvc_ref[...]
    for vc in range(BN // 128):
        s = sim[:, vc * 128:(vc + 1) * 128]
        better = s > lmax
        lmax = jnp.where(better, s, lmax)
        lvc = jnp.where(better, jnp.full((BM, 128), j * (BN // 128) + vc,
                                         jnp.int32), lvc)
    lmax_ref[...] = lmax
    lvc_ref[...] = lvc

    @pl.when(j == nj - 1)
    def _():
        gidx = lvc * 128 + lax.broadcasted_iota(jnp.int32, (BM, 128), 1)
        rowmax = jnp.max(lmax, axis=1, keepdims=True)
        top_ref[...] = jnp.min(jnp.where(lmax == rowmax, gidx, BM * BN), axis=1)


def _sim_argmax(hidden_states, pattern_vectors):
    B, D = hidden_states.shape
    K = pattern_vectors.shape[0]
    pat_t = pattern_vectors.T
    grid = (B // BM, K // BN)
    return pl.pallas_call(
        _sim_body,
        grid=grid,
        in_specs=[
            pl.BlockSpec((BM, D), lambda i, j: (i, 0)),
            pl.BlockSpec((D, BN), lambda i, j: (0, j)),
        ],
        out_specs=[
            pl.BlockSpec((BM, BN), lambda i, j: (i, j)),
            pl.BlockSpec((BM,), lambda i, j: (i,)),
        ],
        out_shape=[
            jax.ShapeDtypeStruct((B, K), jnp.float32),
            jax.ShapeDtypeStruct((B,), jnp.int32),
        ],
        scratch_shapes=[
            pltpu.VMEM((BM, D), jnp.float32),
            pltpu.VMEM((D, K), jnp.float32),
            pltpu.VMEM((BM, 128), jnp.float32),
            pltpu.VMEM((BM, 128), jnp.int32),
        ],
    )(hidden_states, pat_t)



_NPAIR = 4096 * 19
_CCH = 8
_CPP = _NPAIR // _CCH
_CBINS = 2048


def _cooc_sc(p1, p2):
    @functools.partial(
        pl.kernel,
        mesh=_sc_mesh(),
        compiler_params=_SC_PARAMS,
        out_type=jax.ShapeDtypeStruct((65536,), jnp.float32),
        scratch_types=[
            pltpu.VMEM((_CPP,), jnp.int32),
            pltpu.VMEM((_CPP,), jnp.int32),
            pltpu.VMEM((_CBINS,), jnp.float32),
        ],
    )
    def k(p1_hbm, p2_hbm, out_hbm, pa_v, pb_v, tab_v):
        wid = lax.axis_index("c") * 16 + lax.axis_index("s")
        base = wid * _CBINS
        ones = jnp.full((16,), 1.0, jnp.float32)

        @pl.loop(0, _CBINS // 16)
        def _(q):
            tab_v[pl.ds(q * 16, 16)] = jnp.zeros((16,), jnp.float32)

        for ch in range(_CCH):
            pltpu.sync_copy(p1_hbm.at[pl.ds(ch * _CPP, _CPP)], pa_v)
            pltpu.sync_copy(p2_hbm.at[pl.ds(ch * _CPP, _CPP)], pb_v)

            @pl.loop(0, _CPP // 16)
            def _(q):
                a = pa_v[pl.ds(q * 16, 16)]
                b = pb_v[pl.ds(q * 16, 16)]
                g = a * 256 + b - base
                mask = (g >= 0) & (g < _CBINS)
                gc = jnp.where(mask, g, 0)
                plsc.addupdate_scatter(tab_v, [gc], ones, mask=mask)

        pltpu.sync_copy(tab_v, out_hbm.at[pl.ds(base, _CBINS)])

    return k(p1, p2)



_KPT = 256
_GCH = 64


def _usage_ctx_sc(top, hidden):
    B = top.shape[0]
    D = hidden.shape[1]

    @functools.partial(
        pl.kernel,
        mesh=_sc_mesh(),
        compiler_params=_SC_PARAMS,
        out_type=[
            jax.ShapeDtypeStruct((8192,), jnp.float32),
            jax.ShapeDtypeStruct((8192, D), jnp.float32),
        ],
        scratch_types=[
            pltpu.VMEM((B,), jnp.int32),
            pltpu.VMEM((B + 16,), jnp.int32),
            pltpu.VMEM((B + 16,), jnp.int32),
            pltpu.VMEM((_GCH, D), jnp.float32),
            pltpu.VMEM((_GCH, D), jnp.float32),
            pltpu.VMEM((_KPT,), jnp.float32),
            pltpu.VMEM((_KPT + 1, D), jnp.float32),
            pltpu.SemaphoreType.DMA,
            pltpu.SemaphoreType.DMA,
        ],
    )
    def k(top_hbm, hid_hbm, ouse_hbm, octx_hbm,
          idx_v, mypos_v, myloc_v, rows_a, rows_b, use_v, ctx_v, sem_a, sem_b):
        wid = lax.axis_index("c") * 16 + lax.axis_index("s")
        kbase = wid * _KPT
        ones = jnp.full((16,), 1.0, jnp.float32)
        lane = lax.iota(jnp.int32, 16)

        with jax.named_scope("u_top_dma"):
            pltpu.sync_copy(top_hbm, idx_v)

        @pl.loop(0, _KPT // 16)
        def _(q):
            use_v[pl.ds(q * 16, 16)] = jnp.zeros((16,), jnp.float32)

        with jax.named_scope("u_zero"):
            @pl.loop(0, _KPT + 1)
            def _(r):
                for u in range(D // 16):
                    ctx_v[r, pl.ds(u * 16, 16)] = jnp.zeros((16,), jnp.float32)

        @pl.loop(0, (B + 16) // 16)
        def _(q):
            mypos_v[pl.ds(q * 16, 16)] = jnp.zeros((16,), jnp.int32)
            myloc_v[pl.ds(q * 16, 16)] = jnp.full((16,), _KPT, jnp.int32)

        with jax.named_scope("u_scan"):
            @pl.loop(0, B // 16, init_carry=0)
            def n(q, cnt):
                g = idx_v[pl.ds(q * 16, 16)] - kbase
                mask = (g >= 0) & (g < _KPT)
                gc = jnp.where(mask, g, 0)
                plsc.addupdate_scatter(use_v, [gc], ones, mask=mask)
                plsc.store_compressed(mypos_v.at[pl.ds(cnt, 16)],
                                      lane + q * 16, mask=mask)
                plsc.store_compressed(myloc_v.at[pl.ds(cnt, 16)],
                                      jnp.where(mask, g, _KPT), mask=mask)
                return cnt + jnp.sum(mask.astype(jnp.int32))

        nch = lax.div(n + (_GCH - 1), _GCH)

        def start(w, buf, sem):
            pltpu.async_copy(hid_hbm.at[mypos_v.at[pl.ds(w * _GCH, _GCH)]],
                             buf, sem)

        def wait(buf, sem):
            pltpu.make_async_copy(
                hid_hbm.at[mypos_v.at[pl.ds(0, _GCH)]], buf, sem).wait()

        def accum(w, buf):
            @pl.loop(0, _GCH // 16)
            def _(h):
                locv = myloc_v[pl.ds(w * _GCH + h * 16, 16)]
                for l in range(16):
                    r = locv[l]

                    @pl.loop(0, D // 16)
                    def _(u):
                        sl = pl.ds(u * 16, 16)
                        ctx_v[r, sl] = ctx_v[r, sl] + buf[h * 16 + l, sl]

        with jax.named_scope("u_gather"):
            @pl.when(nch > 0)
            def _():
                start(0, rows_a, sem_a)

            @pl.loop(0, lax.div(nch + 1, 2))
            def _(p):
                w0 = 2 * p
                wait(rows_a, sem_a)

                @pl.when(w0 + 1 < nch)
                def _():
                    start(w0 + 1, rows_b, sem_b)
                accum(w0, rows_a)

                @pl.when(w0 + 2 < nch)
                def _():
                    start(w0 + 2, rows_a, sem_a)

                @pl.when(w0 + 1 < nch)
                def _():
                    wait(rows_b, sem_b)
                    accum(w0 + 1, rows_b)

        with jax.named_scope("u_out"):
            pltpu.sync_copy(use_v, ouse_hbm.at[pl.ds(kbase, _KPT)])
            pltpu.sync_copy(ctx_v.at[pl.ds(0, _KPT)],
                            octx_hbm.at[pl.ds(kbase, _KPT)])

    return k(top, hidden)


def kernel(phoneme_seq, hidden_states, pattern_vectors):
    similarity, top = _sim_argmax(hidden_states, pattern_vectors)

    p1 = phoneme_seq[:, :-1].reshape(-1)
    p2 = phoneme_seq[:, 1:].reshape(-1)
    cooccurrence = _cooc_sc(p1, p2).reshape(256, 256)

    usage_count, context_sum = _usage_ctx_sc(top, hidden_states)
    return (similarity, cooccurrence, usage_count, context_sum)

# --- scband reference (transcript-rebuilt; emitter-appended) ---
"""Pipeline reference for scband-phonetic-latent-space-15075335209401 (READ-ONLY COPY).

The authoritative reference and input builder live on the scoring server;
editing this copy changes nothing except your own understanding.
"""

import jax, jax.numpy as jnp
import numpy as np


def setup_inputs(seed: int = 0) -> dict:
    key = jax.random.key(seed)
    k1, k2, k3 = jax.random.split(key, 3)
    B, S, D, K = 4096, 20, 256, 8192
    phoneme_seq = jax.random.randint(k1, (B, S), 0, 256, dtype=jnp.int64) if jax.config.jax_enable_x64 else jax.random.randint(k1, (B, S), 0, 256, dtype=jnp.int32)
    hidden_states = jax.random.normal(k2, (B, D), dtype=jnp.float32)
    pattern_vectors = jax.random.normal(k3, (K, D), dtype=jnp.float32)
    return {"phoneme_seq": phoneme_seq, "hidden_states": hidden_states, "pattern_vectors": pattern_vectors}


def reference(phoneme_seq, hidden_states, pattern_vectors):
    # Faithful translation of PhoneticLatentSpace.update_statistics
    num_patterns, dim = pattern_vectors.shape
    # --- phoneme co-occurrence update (vectorized scatter-add) ---
    p1 = phoneme_seq[:, :-1].reshape(-1)
    p2 = phoneme_seq[:, 1:].reshape(-1)
    valid = ((p1 < 256) & (p2 < 256)).astype(jnp.float32)
    p1c = jnp.clip(p1, 0, 255)
    p2c = jnp.clip(p2, 0, 255)
    cooccurrence = jnp.zeros((256, 256), jnp.float32).at[p1c, p2c].add(valid)
    # --- cosine similarity to pattern vectors (F.cosine_similarity, eps=1e-8) ---
    h_norm = jnp.maximum(jnp.linalg.norm(hidden_states, axis=1, keepdims=True), 1e-8)
    p_norm = jnp.maximum(jnp.linalg.norm(pattern_vectors, axis=1, keepdims=True), 1e-8)
    hn = hidden_states / h_norm
    pn = pattern_vectors / p_norm
    similarity = hn @ pn.T  # [B, K]
    top_patterns = jnp.argmax(similarity, axis=1)
    # --- usage count (scatter-add of ones == bincount) ---
    usage_count = jnp.zeros((num_patterns,), jnp.float32).at[top_patterns].add(1.0)
    # --- context sum (scatter-add of hidden states by winning pattern) ---
    context_sum = jnp.zeros((num_patterns, dim), jnp.float32).at[top_patterns].add(hidden_states)
    return (similarity, cooccurrence, usage_count, context_sum)

if __name__ == "__main__":
    import jax
    _d = setup_inputs()
    print(jax.jit(kernel)(*tuple(_d.values())))

</pallas_src>

<mosaic_0001>
#map = affine_map<(d0, d1) -> (0)>
module attributes {stable_mosaic.version = 14 : i64} {
  func.func @k(%arg0: i32, %arg1: i32, %arg2: memref<77824xi32, #tpu.memory_space<hbm>>, %arg3: memref<77824xi32, #tpu.memory_space<hbm>>, %arg4: memref<65536xf32, #tpu.memory_space<hbm>>, %arg5: memref<9728xi32, #tpu.memory_space<vmem>>, %arg6: memref<9728xi32, #tpu.memory_space<vmem>>, %arg7: memref<2048xf32, #tpu.memory_space<vmem>>) attributes {dimension_semantics = [#tpu.dimension_semantics<core_parallel>, #tpu.dimension_semantics<subcore_parallel>], iteration_bounds = array<i64: 2, 16>, scalar_prefetch = 0 : i64, scratch_operands = 3 : i64, tpu.core_type = #tpu.core_type<sc_vector_subcore>, window_params = [{transform_indices = #map}, {transform_indices = #map}, {transform_indices = #map}]} {
    %mul3A = arith.constant 16 : i32
    %mul3A_0 = arith.muli %arg0, %mul3A : i32
    %add3A = arith.addi %mul3A_0, %arg1 : i32
    %mul3A_1 = arith.constant 2048 : i32
    %mul3A_2 = arith.muli %add3A, %mul3A_1 : i32
    %broadcast_in_dim3A = arith.constant 1.000000e+00 : f32
    %broadcast_in_dim3A_3 = vector.broadcast %broadcast_in_dim3A : f32 to vector<16xf32>
    %scan3A = arith.constant 0 : i32
    %scan3A_4 = arith.constant 128 : i32
    %scan3A_5 = arith.addi %scan3A, %scan3A_4 : i32
    %scan3A_6 = arith.constant 1 : i32
    scf.for %scan3A_48 = %scan3A to %scan3A_5 step %scan3A_6  : i32 {
      %mul3A_49 = arith.constant 1 : i32
      %mul3A_50 = arith.muli %scan3A_48, %mul3A_49 : i32
      %add3A_51 = arith.constant 0 : i32
      %add3A_52 = arith.addi %add3A_51, %mul3A_50 : i32
      %broadcast_in_dim3A_53 = arith.constant 0.000000e+00 : f32
      %broadcast_in_dim3A_54 = vector.broadcast %broadcast_in_dim3A_53 : f32 to vector<16xf32>
      %mul3A_55 = arith.constant 16 : i32
      %mul3A_56 = arith.muli %add3A_52, %mul3A_55 : i32
      %swap3A = arith.index_cast %mul3A_56 : i32 to index
      %swap3A_57 = tpu.vector_load %arg7[%swap3A] {strides = array<i32>} : memref<2048xf32, #tpu.memory_space<vmem>>, vector<16xf32>,
      tpu.vector_store %arg7[%swap3A], %broadcast_in_dim3A_54 {strides = array<i32>} : memref<2048xf32, #tpu.memory_space<vmem>>, vector<16xf32>,
    }
    %scan3A_7 = arith.constant 128 : i32
    "tpu.region"() ({
      %run_scoped3A = tpu.sem_alloc : memref<!tpu.dma_semaphore, #tpu.memory_space<semaphore_mem>>
      %dma_start3A = arith.constant 0 : i32
      %dma_start3A_48 = tpu.memref_slice %arg2[%dma_start3A] : memref<77824xi32, #tpu.memory_space<hbm>> -> memref<9728xi32, #tpu.memory_space<hbm>>
      %dma_start3A_49 = arith.constant 0 : i32
      %dma_start3A_50 = tpu.memref_slice %arg2[%dma_start3A_49] : memref<77824xi32, #tpu.memory_space<hbm>> -> memref<9728xi32, #tpu.memory_space<hbm>>
      tpu.enqueue_dma source(%dma_start3A_50 : memref<9728xi32, #tpu.memory_space<hbm>>) target(%arg5 : memref<9728xi32, #tpu.memory_space<vmem>>) target_semaphore(%run_scoped3A : memref<!tpu.dma_semaphore, #tpu.memory_space<semaphore_mem>>)
      %dma_wait3A = arith.constant 0 : i32
      %dma_wait3A_51 = tpu.memref_slice %arg2[%dma_wait3A] : memref<77824xi32, #tpu.memory_space<hbm>> -> memref<9728xi32, #tpu.memory_space<hbm>>
      %dma_wait3A_52 = arith.constant 0 : i32
      %dma_wait3A_53 = tpu.memref_slice %arg2[%dma_wait3A_52] : memref<77824xi32, #tpu.memory_space<hbm>> -> memref<9728xi32, #tpu.memory_space<hbm>>
      tpu.wait_dma2 semaphore(%run_scoped3A : memref<!tpu.dma_semaphore, #tpu.memory_space<semaphore_mem>>) src(%dma_wait3A_53 : memref<9728xi32, #tpu.memory_space<hbm>>) dst(%arg5 : memref<9728xi32, #tpu.memory_space<vmem>>)
      tpu.yield
    }) : () -> ()
    "tpu.region"() ({
      %run_scoped3A = tpu.sem_alloc : memref<!tpu.dma_semaphore, #tpu.memory_space<semaphore_mem>>
      %dma_start3A = arith.constant 0 : i32
      %dma_start3A_48 = tpu.memref_slice %arg3[%dma_start3A] : memref<77824xi32, #tpu.memory_space<hbm>> -> memref<9728xi32, #tpu.memory_space<hbm>>
      %dma_start3A_49 = arith.constant 0 : i32
      %dma_start3A_50 = tpu.memref_slice %arg3[%dma_start3A_49] : memref<77824xi32, #tpu.memory_space<hbm>> -> memref<9728xi32, #tpu.memory_space<hbm>>
      tpu.enqueue_dma source(%dma_start3A_50 : memref<9728xi32, #tpu.memory_space<hbm>>) target(%arg6 : memref<9728xi32, #tpu.memory_space<vmem>>) target_semaphore(%run_scoped3A : memref<!tpu.dma_semaphore, #tpu.memory_space<semaphore_mem>>)
      %dma_wait3A = arith.constant 0 : i32
      %dma_wait3A_51 = tpu.memref_slice %arg3[%dma_wait3A] : memref<77824xi32, #tpu.memory_space<hbm>> -> memref<9728xi32, #tpu.memory_space<hbm>>
      %dma_wait3A_52 = arith.constant 0 : i32
      %dma_wait3A_53 = tpu.memref_slice %arg3[%dma_wait3A_52] : memref<77824xi32, #tpu.memory_space<hbm>> -> memref<9728xi32, #tpu.memory_space<hbm>>
      tpu.wait_dma2 semaphore(%run_scoped3A : memref<!tpu.dma_semaphore, #tpu.memory_space<semaphore_mem>>) src(%dma_wait3A_53 : memref<9728xi32, #tpu.memory_space<hbm>>) dst(%arg6 : memref<9728xi32, #tpu.memory_space<vmem>>)
      tpu.yield
    }) : () -> ()
    %scan3A_8 = arith.constant 0 : i32
    %scan3A_9 = arith.constant 608 : i32
    %scan3A_10 = arith.addi %scan3A_8, %scan3A_9 : i32
    %scan3A_11 = arith.constant 1 : i32
    scf.for %scan3A_48 = %scan3A_8 to %scan3A_10 step %scan3A_11  : i32 {
      %mul3A_49 = arith.constant 1 : i32
      %mul3A_50 = arith.muli %scan3A_48, %mul3A_49 : i32
      %add3A_51 = arith.constant 0 : i32
      %add3A_52 = arith.addi %add3A_51, %mul3A_50 : i32
      %mul3A_53 = arith.constant 16 : i32
      %mul3A_54 = arith.muli %add3A_52, %mul3A_53 : i32
      %get3A = arith.index_cast %mul3A_54 : i32 to index
      %get3A_55 = tpu.vector_load %arg5[%get3A] {strides = array<i32>} : memref<9728xi32, #tpu.memory_space<vmem>>, vector<16xi32>,
      %mul3A_56 = arith.constant 16 : i32
      %mul3A_57 = arith.muli %add3A_52, %mul3A_56 : i32
      %get3A_58 = arith.index_cast %mul3A_57 : i32 to index
      %get3A_59 = tpu.vector_load %arg6[%get3A_58] {strides = array<i32>} : memref<9728xi32, #tpu.memory_space<vmem>>, vector<16xi32>,
      %mul3A_60 = arith.constant 256 : i32
      %mul3A_61 = vector.broadcast %mul3A_60 : i32 to vector<16xi32>
      %mul3A_62 = arith.muli %get3A_55, %mul3A_61 : vector<16xi32>
      %add3A_63 = arith.addi %mul3A_62, %get3A_59 : vector<16xi32>
      %sub3A = vector.broadcast %mul3A_2 : i32 to vector<16xi32>
      %sub3A_64 = arith.subi %add3A_63, %sub3A : vector<16xi32>
      %ge3A = arith.constant 0 : i32
      %ge3A_65 = vector.broadcast %ge3A : i32 to vector<16xi32>
      %ge3A_66 = arith.cmpi sge, %sub3A_64, %ge3A_65 : vector<16xi32>
      %lt3A = arith.constant 2048 : i32
      %lt3A_67 = vector.broadcast %lt3A : i32 to vector<16xi32>
      %lt3A_68 = arith.cmpi slt, %sub3A_64, %lt3A_67 : vector<16xi32>
      %and3A = arith.andi %ge3A_66, %lt3A_68 : vector<16xi1>
      %jit3A = arith.constant 0 : i32
      %broadcast_in_dim3A_69 = vector.broadcast %jit3A : i32 to vector<16xi32>
      %select_n3A = arith.select %and3A, %sub3A_64, %broadcast_in_dim3A_69 : vector<16xi1>, vector<16xi32>
      tpu.vector_store_idx %arg7[%select_n3A], %broadcast_in_dim3A_3 masked %and3A {add = true} : memref<2048xf32, #tpu.memory_space<vmem>>[vector<16xi32>], vector<16xf32>, vector<16xi1>
    }
    %scan3A_12 = arith.constant 608 : i32
    "tpu.region"() ({
      %run_scoped3A = tpu.sem_alloc : memref<!tpu.dma_semaphore, #tpu.memory_space<semaphore_mem>>
      %dma_start3A = arith.constant 9728 : i32
      %dma_start3A_48 = tpu.memref_slice %arg2[%dma_start3A] : memref<77824xi32, #tpu.memory_space<hbm>> -> memref<9728xi32, #tpu.memory_space<hbm>>
      %dma_start3A_49 = arith.constant 9728 : i32
      %dma_start3A_50 = tpu.memref_slice %arg2[%dma_start3A_49] : memref<77824xi32, #tpu.memory_space<hbm>> -> memref<9728xi32, #tpu.memory_space<hbm>>
      tpu.enqueue_dma source(%dma_start3A_50 : memref<9728xi32, #tpu.memory_space<hbm>>) target(%arg5 : memref<9728xi32, #tpu.memory_space<vmem>>) target_semaphore(%run_scoped3A : memref<!tpu.dma_semaphore, #tpu.memory_space<semaphore_mem>>)
      %dma_wait3A = arith.constant 9728 : i32
      %dma_wait3A_51 = tpu.memref_slice %arg2[%dma_wait3A] : memref<77824xi32, #tpu.memory_space<hbm>> -> memref<9728xi32, #tpu.memory_space<hbm>>
      %dma_wait3A_52 = arith.constant 9728 : i32
      %dma_wait3A_53 = tpu.memref_slice %arg2[%dma_wait3A_52] : memref<77824xi32, #tpu.memory_space<hbm>> -> memref<9728xi32, #tpu.memory_space<hbm>>
      tpu.wait_dma2 semaphore(%run_scoped3A : memref<!tpu.dma_semaphore, #tpu.memory_space<semaphore_mem>>) src(%dma_wait3A_53 : memref<9728xi32, #tpu.memory_space<hbm>>) dst(%arg5 : memref<9728xi32, #tpu.memory_space<vmem>>)
      tpu.yield
    }) : () -> ()
    "tpu.region"() ({
      %run_scoped3A = tpu.sem_alloc : memref<!tpu.dma_semaphore, #tpu.memory_space<semaphore_mem>>
      %dma_start3A = arith.constant 9728 : i32
      %dma_start3A_48 = tpu.memref_slice %arg3[%dma_start3A] : memref<77824xi32, #tpu.memory_space<hbm>> -> memref<9728xi32, #tpu.memory_space<hbm>>
      %dma_start3A_49 = arith.constant 9728 : i32
      %dma_start3A_50 = tpu.memref_slice %arg3[%dma_start3A_49] : memref<77824xi32, #tpu.memory_space<hbm>> -> memref<9728xi32, #tpu.memory_space<hbm>>
      tpu.enqueue_dma source(%dma_start3A_50 : memref<9728xi32, #tpu.memory_space<hbm>>) target(%arg6 : memref<9728xi32, #tpu.memory_space<vmem>>) target_semaphore(%run_scoped3A : memref<!tpu.dma_semaphore, #tpu.memory_space<semaphore_mem>>)
      %dma_wait3A = arith.constant 9728 : i32
      %dma_wait3A_51 = tpu.memref_slice %arg3[%dma_wait3A] : memref<77824xi32, #tpu.memory_space<hbm>> -> memref<9728xi32, #tpu.memory_space<hbm>>
      %dma_wait3A_52 = arith.constant 9728 : i32
      %dma_wait3A_53 = tpu.memref_slice %arg3[%dma_wait3A_52] : memref<77824xi32, #tpu.memory_space<hbm>> -> memref<9728xi32, #tpu.memory_space<hbm>>
      tpu.wait_dma2 semaphore(%run_scoped3A : memref<!tpu.dma_semaphore, #tpu.memory_space<semaphore_mem>>) src(%dma_wait3A_53 : memref<9728xi32, #tpu.memory_space<hbm>>) dst(%arg6 : memref<9728xi32, #tpu.memory_space<vmem>>)
      tpu.yield
    }) : () -> ()
    %scan3A_13 = arith.constant 0 : i32
    %scan3A_14 = arith.constant 608 : i32
    %scan3A_15 = arith.addi %scan3A_13, %scan3A_14 : i32
    %scan3A_16 = arith.constant 1 : i32
    scf.for %scan3A_48 = %scan3A_13 to %scan3A_15 step %scan3A_16  : i32 {
      %mul3A_49 = arith.constant 1 : i32
      %mul3A_50 = arith.muli %scan3A_48, %mul3A_49 : i32
      %add3A_51 = arith.constant 0 : i32
      %add3A_52 = arith.addi %add3A_51, %mul3A_50 : i32
      %mul3A_53 = arith.constant 16 : i32
      %mul3A_54 = arith.muli %add3A_52, %mul3A_53 : i32
      %get3A = arith.index_cast %mul3A_54 : i32 to index
      %get3A_55 = tpu.vector_load %arg5[%get3A] {strides = array<i32>} : memref<9728xi32, #tpu.memory_space<vmem>>, vector<16xi32>,
      %mul3A_56 = arith.constant 16 : i32
      %mul3A_57 = arith.muli %add3A_52, %mul3A_56 : i32
      %get3A_58 = arith.index_cast %mul3A_57 : i32 to index
      %get3A_59 = tpu.vector_load %arg6[%get3A_58] {strides = array<i32>} : memref<9728xi32, #tpu.memory_space<vmem>>, vector<16xi32>,
      %mul3A_60 = arith.constant 256 : i32
      %mul3A_61 = vector.broadcast %mul3A_60 : i32 to vector<16xi32>
      %mul3A_62 = arith.muli %get3A_55, %mul3A_61 : vector<16xi32>
      %add3A_63 = arith.addi %mul3A_62, %get3A_59 : vector<16xi32>
      %sub3A = vector.broadcast %mul3A_2 : i32 to vector<16xi32>
      %sub3A_64 = arith.subi %add3A_63, %sub3A : vector<16xi32>
      %ge3A = arith.constant 0 : i32
      %ge3A_65 = vector.broadcast %ge3A : i32 to vector<16xi32>
      %ge3A_66 = arith.cmpi sge, %sub3A_64, %ge3A_65 : vector<16xi32>
      %lt3A = arith.constant 2048 : i32
      %lt3A_67 = vector.broadcast %lt3A : i32 to vector<16xi32>
      %lt3A_68 = arith.cmpi slt, %sub3A_64, %lt3A_67 : vector<16xi32>
      %and3A = arith.andi %ge3A_66, %lt3A_68 : vector<16xi1>
      %jit3A = arith.constant 0 : i32
      %broadcast_in_dim3A_69 = vector.broadcast %jit3A : i32 to vector<16xi32>
      %select_n3A = arith.select %and3A, %sub3A_64, %broadcast_in_dim3A_69 : vector<16xi1>, vector<16xi32>
      tpu.vector_store_idx %arg7[%select_n3A], %broadcast_in_dim3A_3 masked %and3A {add = true} : memref<2048xf32, #tpu.memory_space<vmem>>[vector<16xi32>], vector<16xf32>, vector<16xi1>
    }
    %scan3A_17 = arith.constant 608 : i32
    "tpu.region"() ({
      %run_scoped3A = tpu.sem_alloc : memref<!tpu.dma_semaphore, #tpu.memory_space<semaphore_mem>>
      %dma_start3A = arith.constant 19456 : i32
      %dma_start3A_48 = tpu.memref_slice %arg2[%dma_start3A] : memref<77824xi32, #tpu.memory_space<hbm>> -> memref<9728xi32, #tpu.memory_space<hbm>>
      %dma_start3A_49 = arith.constant 19456 : i32
      %dma_start3A_50 = tpu.memref_slice %arg2[%dma_start3A_49] : memref<77824xi32, #tpu.memory_space<hbm>> -> memref<9728xi32, #tpu.memory_space<hbm>>
      tpu.enqueue_dma source(%dma_start3A_50 : memref<9728xi32, #tpu.memory_space<hbm>>) target(%arg5 : memref<9728xi32, #tpu.memory_space<vmem>>) target_semaphore(%run_scoped3A : memref<!tpu.dma_semaphore, #tpu.memory_space<semaphore_mem>>)
      %dma_wait3A = arith.constant 19456 : i32
      %dma_wait3A_51 = tpu.memref_slice %arg2[%dma_wait3A] : memref<77824xi32, #tpu.memory_space<hbm>> -> memref<9728xi32, #tpu.memory_space<hbm>>
      %dma_wait3A_52 = arith.constant 19456 : i32
      %dma_wait3A_53 = tpu.memref_slice %arg2[%dma_wait3A_52] : memref<77824xi32, #tpu.memory_space<hbm>> -> memref<9728xi32, #tpu.memory_space<hbm>>
      tpu.wait_dma2 semaphore(%run_scoped3A : memref<!tpu.dma_semaphore, #tpu.memory_space<semaphore_mem>>) src(%dma_wait3A_53 : memref<9728xi32, #tpu.memory_space<hbm>>) dst(%arg5 : memref<9728xi32, #tpu.memory_space<vmem>>)
      tpu.yield
    }) : () -> ()
    "tpu.region"() ({
      %run_scoped3A = tpu.sem_alloc : memref<!tpu.dma_semaphore, #tpu.memory_space<semaphore_mem>>
      %dma_start3A = arith.constant 19456 : i32
      %dma_start3A_48 = tpu.memref_slice %arg3[%dma_start3A] : memref<77824xi32, #tpu.memory_space<hbm>> -> memref<9728xi32, #tpu.memory_space<hbm>>
      %dma_start3A_49 = arith.constant 19456 : i32
      %dma_start3A_50 = tpu.memref_slice %arg3[%dma_start3A_49] : memref<77824xi32, #tpu.memory_space<hbm>> -> memref<9728xi32, #tpu.memory_space<hbm>>
      tpu.enqueue_dma source(%dma_start3A_50 : memref<9728xi32, #tpu.memory_space<hbm>>) target(%arg6 : memref<9728xi32, #tpu.memory_space<vmem>>) target_semaphore(%run_scoped3A : memref<!tpu.dma_semaphore, #tpu.memory_space<semaphore_mem>>)
      %dma_wait3A = arith.constant 19456 : i32
      %dma_wait3A_51 = tpu.memref_slice %arg3[%dma_wait3A] : memref<77824xi32, #tpu.memory_space<hbm>> -> memref<9728xi32, #tpu.memory_space<hbm>>
      %dma_wait3A_52 = arith.constant 19456 : i32
      %dma_wait3A_53 = tpu.memref_slice %arg3[%dma_wait3A_52] : memref<77824xi32, #tpu.memory_space<hbm>> -> memref<9728xi32, #tpu.memory_space<hbm>>
      tpu.wait_dma2 semaphore(%run_scoped3A : memref<!tpu.dma_semaphore, #tpu.memory_space<semaphore_mem>>) src(%dma_wait3A_53 : memref<9728xi32, #tpu.memory_space<hbm>>) dst(%arg6 : memref<9728xi32, #tpu.memory_space<vmem>>)
      tpu.yield
    }) : () -> ()
    %scan3A_18 = arith.constant 0 : i32
    %scan3A_19 = arith.constant 608 : i32
    %scan3A_20 = arith.addi %scan3A_18, %scan3A_19 : i32
    %scan3A_21 = arith.constant 1 : i32
    scf.for %scan3A_48 = %scan3A_18 to %scan3A_20 step %scan3A_21  : i32 {
      %mul3A_49 = arith.constant 1 : i32
      %mul3A_50 = arith.muli %scan3A_48, %mul3A_49 : i32
      %add3A_51 = arith.constant 0 : i32
      %add3A_52 = arith.addi %add3A_51, %mul3A_50 : i32
      %mul3A_53 = arith.constant 16 : i32
      %mul3A_54 = arith.muli %add3A_52, %mul3A_53 : i32
      %get3A = arith.index_cast %mul3A_54 : i32 to index
      %get3A_55 = tpu.vector_load %arg5[%get3A] {strides = array<i32>} : memref<9728xi32, #tpu.memory_space<vmem>>, vector<16xi32>,
      %mul3A_56 = arith.constant 16 : i32
      %mul3A_57 = arith.muli %add3A_52, %mul3A_56 : i32
      %get3A_58 = arith.index_cast %mul3A_57 : i32 to index
      %get3A_59 = tpu.vector_load %arg6[%get3A_58] {strides = array<i32>} : memref<9728xi32, #tpu.memory_space<vmem>>, vector<16xi32>,
      %mul3A_60 = arith.constant 256 : i32
      %mul3A_61 = vector.broadcast %mul3A_60 : i32 to vector<16xi32>
      %mul3A_62 = arith.muli %get3A_55, %mul3A_61 : vector<16xi32>
      %add3A_63 = arith.addi %mul3A_62, %get3A_59 : vector<16xi32>
      %sub3A = vector.broadcast %mul3A_2 : i32 to vector<16xi32>
      %sub3A_64 = arith.subi %add3A_63, %sub3A : vector<16xi32>
      %ge3A = arith.constant 0 : i32
      %ge3A_65 = vector.broadcast %ge3A : i32 to vector<16xi32>
      %ge3A_66 = arith.cmpi sge, %sub3A_64, %ge3A_65 : vector<16xi32>
      %lt3A = arith.constant 2048 : i32
      %lt3A_67 = vector.broadcast %lt3A : i32 to vector<16xi32>
      %lt3A_68 = arith.cmpi slt, %sub3A_64, %lt3A_67 : vector<16xi32>
      %and3A = arith.andi %ge3A_66, %lt3A_68 : vector<16xi1>
      %jit3A = arith.constant 0 : i32
      %broadcast_in_dim3A_69 = vector.broadcast %jit3A : i32 to vector<16xi32>
      %select_n3A = arith.select %and3A, %sub3A_64, %broadcast_in_dim3A_69 : vector<16xi1>, vector<16xi32>
      tpu.vector_store_idx %arg7[%select_n3A], %broadcast_in_dim3A_3 masked %and3A {add = true} : memref<2048xf32, #tpu.memory_space<vmem>>[vector<16xi32>], vector<16xf32>, vector<16xi1>
    }
    %scan3A_22 = arith.constant 608 : i32
    "tpu.region"() ({
      %run_scoped3A = tpu.sem_alloc : memref<!tpu.dma_semaphore, #tpu.memory_space<semaphore_mem>>
      %dma_start3A = arith.constant 29184 : i32
      %dma_start3A_48 = tpu.memref_slice %arg2[%dma_start3A] : memref<77824xi32, #tpu.memory_space<hbm>> -> memref<9728xi32, #tpu.memory_space<hbm>>
      %dma_start3A_49 = arith.constant 29184 : i32
      %dma_start3A_50 = tpu.memref_slice %arg2[%dma_start3A_49] : memref<77824xi32, #tpu.memory_space<hbm>> -> memref<9728xi32, #tpu.memory_space<hbm>>
      tpu.enqueue_dma source(%dma_start3A_50 : memref<9728xi32, #tpu.memory_space<hbm>>) target(%arg5 : memref<9728xi32, #tpu.memory_space<vmem>>) target_semaphore(%run_scoped3A : memref<!tpu.dma_semaphore, #tpu.memory_space<semaphore_mem>>)
      %dma_wait3A = arith.constant 29184 : i32
      %dma_wait3A_51 = tpu.memref_slice %arg2[%dma_wait3A] : memref<77824xi32, #tpu.memory_space<hbm>> -> memref<9728xi32, #tpu.memory_space<hbm>>
      %dma_wait3A_52 = arith.constant 29184 : i32
      %dma_wait3A_53 = tpu.memref_slice %arg2[%dma_wait3A_52] : memref<77824xi32, #tpu.memory_space<hbm>> -> memref<9728xi32, #tpu.memory_space<hbm>>
      tpu.wait_dma2 semaphore(%run_scoped3A : memref<!tpu.dma_semaphore, #tpu.memory_space<semaphore_mem>>) src(%dma_wait3A_53 : memref<9728xi32, #tpu.memory_space<hbm>>) dst(%arg5 : memref<9728xi32, #tpu.memory_space<vmem>>)
      tpu.yield
    }) : () -> ()
    "tpu.region"() ({
      %run_scoped3A = tpu.sem_alloc : memref<!tpu.dma_semaphore, #tpu.memory_space<semaphore_mem>>
      %dma_start3A = arith.constant 29184 : i32
      %dma_start3A_48 = tpu.memref_slice %arg3[%dma_start3A] : memref<77824xi32, #tpu.memory_space<hbm>> -> memref<9728xi32, #tpu.memory_space<hbm>>
      %dma_start3A_49 = arith.constant 29184 : i32
      %dma_start3A_50 = tpu.memref_slice %arg3[%dma_start3A_49] : memref<77824xi32, #tpu.memory_space<hbm>> -> memref<9728xi32, #tpu.memory_space<hbm>>
      tpu.enqueue_dma source(%dma_start3A_50 : memref<9728xi32, #tpu.memory_space<hbm>>) target(%arg6 : memref<9728xi32, #tpu.memory_space<vmem>>) target_semaphore(%run_scoped3A : memref<!tpu.dma_semaphore, #tpu.memory_space<semaphore_mem>>)
      %dma_wait3A = arith.constant 29184 : i32
      %dma_wait3A_51 = tpu.memref_slice %arg3[%dma_wait3A] : memref<77824xi32, #tpu.memory_space<hbm>> -> memref<9728xi32, #tpu.memory_space<hbm>>
      %dma_wait3A_52 = arith.constant 29184 : i32
      %dma_wait3A_53 = tpu.memref_slice %arg3[%dma_wait3A_52] : memref<77824xi32, #tpu.memory_space<hbm>> -> memref<9728xi32, #tpu.memory_space<hbm>>
      tpu.wait_dma2 semaphore(%run_scoped3A : memref<!tpu.dma_semaphore, #tpu.memory_space<semaphore_mem>>) src(%dma_wait3A_53 : memref<9728xi32, #tpu.memory_space<hbm>>) dst(%arg6 : memref<9728xi32, #tpu.memory_space<vmem>>)
      tpu.yield
    }) : () -> ()
    %scan3A_23 = arith.constant 0 : i32
    %scan3A_24 = arith.constant 608 : i32
    %scan3A_25 = arith.addi %scan3A_23, %scan3A_24 : i32
    %scan3A_26 = arith.constant 1 : i32
    scf.for %scan3A_48 = %scan3A_23 to %scan3A_25 step %scan3A_26  : i32 {
      %mul3A_49 = arith.constant 1 : i32
      %mul3A_50 = arith.muli %scan3A_48, %mul3A_49 : i32
      %add3A_51 = arith.constant 0 : i32
      %add3A_52 = arith.addi %add3A_51, %mul3A_50 : i32
      %mul3A_53 = arith.constant 16 : i32
      %mul3A_54 = arith.muli %add3A_52, %mul3A_53 : i32
      %get3A = arith.index_cast %mul3A_54 : i32 to index
      %get3A_55 = tpu.vector_load %arg5[%get3A] {strides = array<i32>} : memref<9728xi32, #tpu.memory_space<vmem>>, vector<16xi32>,
      %mul3A_56 = arith.constant 16 : i32
      %mul3A_57 = arith.muli %add3A_52, %mul3A_56 : i32
      %get3A_58 = arith.index_cast %mul3A_57 : i32 to index
      %get3A_59 = tpu.vector_load %arg6[%get3A_58] {strides = array<i32>} : memref<9728xi32, #tpu.memory_space<vmem>>, vector<16xi32>,
      %mul3A_60 = arith.constant 256 : i32
      %mul3A_61 = vector.broadcast %mul3A_60 : i32 to vector<16xi32>
      %mul3A_62 = arith.muli %get3A_55, %mul3A_61 : vector<16xi32>
      %add3A_63 = arith.addi %mul3A_62, %get3A_59 : vector<16xi32>
      %sub3A = vector.broadcast %mul3A_2 : i32 to vector<16xi32>
      %sub3A_64 = arith.subi %add3A_63, %sub3A : vector<16xi32>
      %ge3A = arith.constant 0 : i32
      %ge3A_65 = vector.broadcast %ge3A : i32 to vector<16xi32>
      %ge3A_66 = arith.cmpi sge, %sub3A_64, %ge3A_65 : vector<16xi32>
      %lt3A = arith.constant 2048 : i32
      %lt3A_67 = vector.broadcast %lt3A : i32 to vector<16xi32>
      %lt3A_68 = arith.cmpi slt, %sub3A_64, %lt3A_67 : vector<16xi32>
      %and3A = arith.andi %ge3A_66, %lt3A_68 : vector<16xi1>
      %jit3A = arith.constant 0 : i32
      %broadcast_in_dim3A_69 = vector.broadcast %jit3A : i32 to vector<16xi32>
      %select_n3A = arith.select %and3A, %sub3A_64, %broadcast_in_dim3A_69 : vector<16xi1>, vector<16xi32>
      tpu.vector_store_idx %arg7[%select_n3A], %broadcast_in_dim3A_3 masked %and3A {add = true} : memref<2048xf32, #tpu.memory_space<vmem>>[vector<16xi32>], vector<16xf32>, vector<16xi1>
    }
    %scan3A_27 = arith.constant 608 : i32
    "tpu.region"() ({
      %run_scoped3A = tpu.sem_alloc : memref<!tpu.dma_semaphore, #tpu.memory_space<semaphore_mem>>
      %dma_start3A = arith.constant 38912 : i32
      %dma_start3A_48 = tpu.memref_slice %arg2[%dma_start3A] : memref<77824xi32, #tpu.memory_space<hbm>> -> memref<9728xi32, #tpu.memory_space<hbm>>
      %dma_start3A_49 = arith.constant 38912 : i32
      %dma_start3A_50 = tpu.memref_slice %arg2[%dma_start3A_49] : memref<77824xi32, #tpu.memory_space<hbm>> -> memref<9728xi32, #tpu.memory_space<hbm>>
      tpu.enqueue_dma source(%dma_start3A_50 : memref<9728xi32, #tpu.memory_space<hbm>>) target(%arg5 : memref<9728xi32, #tpu.memory_space<vmem>>) target_semaphore(%run_scoped3A : memref<!tpu.dma_semaphore, #tpu.memory_space<semaphore_mem>>)
      %dma_wait3A = arith.constant 38912 : i32
      %dma_wait3A_51 = tpu.memref_slice %arg2[%dma_wait3A] : memref<77824xi32, #tpu.memory_space<hbm>> -> memref<9728xi32, #tpu.memory_space<hbm>>
      %dma_wait3A_52 = arith.constant 38912 : i32
      %dma_wait3A_53 = tpu.memref_slice %arg2[%dma_wait3A_52] : memref<77824xi32, #tpu.memory_space<hbm>> -> memref<9728xi32, #tpu.memory_space<hbm>>
      tpu.wait_dma2 semaphore(%run_scoped3A : memref<!tpu.dma_semaphore, #tpu.memory_space<semaphore_mem>>) src(%dma_wait3A_53 : memref<9728xi32, #tpu.memory_space<hbm>>) dst(%arg5 : memref<9728xi32, #tpu.memory_space<vmem>>)
      tpu.yield
    }) : () -> ()
    "tpu.region"() ({
      %run_scoped3A = tpu.sem_alloc : memref<!tpu.dma_semaphore, #tpu.memory_space<semaphore_mem>>
      %dma_start3A = arith.constant 38912 : i32
      %dma_start3A_48 = tpu.memref_slice %arg3[%dma_start3A] : memref<77824xi32, #tpu.memory_space<hbm>> -> memref<9728xi32, #tpu.memory_space<hbm>>
      %dma_start3A_49 = arith.constant 38912 : i32
      %dma_start3A_50 = tpu.memref_slice %arg3[%dma_start3A_49] : memref<77824xi32, #tpu.memory_space<hbm>> -> memref<9728xi32, #tpu.memory_space<hbm>>
      tpu.enqueue_dma source(%dma_start3A_50 : memref<9728xi32, #tpu.memory_space<hbm>>) target(%arg6 : memref<9728xi32, #tpu.memory_space<vmem>>) target_semaphore(%run_scoped3A : memref<!tpu.dma_semaphore, #tpu.memory_space<semaphore_mem>>)
      %dma_wait3A = arith.constant 38912 : i32
      %dma_wait3A_51 = tpu.memref_slice %arg3[%dma_wait3A] : memref<77824xi32, #tpu.memory_space<hbm>> -> memref<9728xi32, #tpu.memory_space<hbm>>
      %dma_wait3A_52 = arith.constant 38912 : i32
      %dma_wait3A_53 = tpu.memref_slice %arg3[%dma_wait3A_52] : memref<77824xi32, #tpu.memory_space<hbm>> -> memref<9728xi32, #tpu.memory_space<hbm>>
      tpu.wait_dma2 semaphore(%run_scoped3A : memref<!tpu.dma_semaphore, #tpu.memory_space<semaphore_mem>>) src(%dma_wait3A_53 : memref<9728xi32, #tpu.memory_space<hbm>>) dst(%arg6 : memref<9728xi32, #tpu.memory_space<vmem>>)
      tpu.yield
    }) : () -> ()
    %scan3A_28 = arith.constant 0 : i32
    %scan3A_29 = arith.constant 608 : i32
    %scan3A_30 = arith.addi %scan3A_28, %scan3A_29 : i32
    %scan3A_31 = arith.constant 1 : i32
    scf.for %scan3A_48 = %scan3A_28 to %scan3A_30 step %scan3A_31  : i32 {
      %mul3A_49 = arith.constant 1 : i32
      %mul3A_50 = arith.muli %scan3A_48, %mul3A_49 : i32
      %add3A_51 = arith.constant 0 : i32
      %add3A_52 = arith.addi %add3A_51, %mul3A_50 : i32
      %mul3A_53 = arith.constant 16 : i32
      %mul3A_54 = arith.muli %add3A_52, %mul3A_53 : i32
      %get3A = arith.index_cast %mul3A_54 : i32 to index
      %get3A_55 = tpu.vector_load %arg5[%get3A] {strides = array<i32>} : memref<9728xi32, #tpu.memory_space<vmem>>, vector<16xi32>,
      %mul3A_56 = arith.constant 16 : i32
      %mul3A_57 = arith.muli %add3A_52, %mul3A_56 : i32
      %get3A_58 = arith.index_cast %mul3A_57 : i32 to index
      %get3A_59 = tpu.vector_load %arg6[%get3A_58] {strides = array<i32>} : memref<9728xi32, #tpu.memory_space<vmem>>, vector<16xi32>,
      %mul3A_60 = arith.constant 256 : i32
      %mul3A_61 = vector.broadcast %mul3A_60 : i32 to vector<16xi32>
      %mul3A_62 = arith.muli %get3A_55, %mul3A_61 : vector<16xi32>
      %add3A_63 = arith.addi %mul3A_62, %get3A_59 : vector<16xi32>
      %sub3A = vector.broadcast %mul3A_2 : i32 to vector<16xi32>
      %sub3A_64 = arith.subi %add3A_63, %sub3A : vector<16xi32>
      %ge3A = arith.constant 0 : i32
      %ge3A_65 = vector.broadcast %ge3A : i32 to vector<16xi32>
      %ge3A_66 = arith.cmpi sge, %sub3A_64, %ge3A_65 : vector<16xi32>
      %lt3A = arith.constant 2048 : i32
      %lt3A_67 = vector.broadcast %lt3A : i32 to vector<16xi32>
      %lt3A_68 = arith.cmpi slt, %sub3A_64, %lt3A_67 : vector<16xi32>
      %and3A = arith.andi %ge3A_66, %lt3A_68 : vector<16xi1>
      %jit3A = arith.constant 0 : i32
      %broadcast_in_dim3A_69 = vector.broadcast %jit3A : i32 to vector<16xi32>
      %select_n3A = arith.select %and3A, %sub3A_64, %broadcast_in_dim3A_69 : vector<16xi1>, vector<16xi32>
      tpu.vector_store_idx %arg7[%select_n3A], %broadcast_in_dim3A_3 masked %and3A {add = true} : memref<2048xf32, #tpu.memory_space<vmem>>[vector<16xi32>], vector<16xf32>, vector<16xi1>
    }
    %scan3A_32 = arith.constant 608 : i32
    "tpu.region"() ({
      %run_scoped3A = tpu.sem_alloc : memref<!tpu.dma_semaphore, #tpu.memory_space<semaphore_mem>>
      %dma_start3A = arith.constant 48640 : i32
      %dma_start3A_48 = tpu.memref_slice %arg2[%dma_start3A] : memref<77824xi32, #tpu.memory_space<hbm>> -> memref<9728xi32, #tpu.memory_space<hbm>>
      %dma_start3A_49 = arith.constant 48640 : i32
      %dma_start3A_50 = tpu.memref_slice %arg2[%dma_start3A_49] : memref<77824xi32, #tpu.memory_space<hbm>> -> memref<9728xi32, #tpu.memory_space<hbm>>
      tpu.enqueue_dma source(%dma_start3A_50 : memref<9728xi32, #tpu.memory_space<hbm>>) target(%arg5 : memref<9728xi32, #tpu.memory_space<vmem>>) target_semaphore(%run_scoped3A : memref<!tpu.dma_semaphore, #tpu.memory_space<semaphore_mem>>)
      %dma_wait3A = arith.constant 48640 : i32
      %dma_wait3A_51 = tpu.memref_slice %arg2[%dma_wait3A] : memref<77824xi32, #tpu.memory_space<hbm>> -> memref<9728xi32, #tpu.memory_space<hbm>>
      %dma_wait3A_52 = arith.constant 48640 : i32
      %dma_wait3A_53 = tpu.memref_slice %arg2[%dma_wait3A_52] : memref<77824xi32, #tpu.memory_space<hbm>> -> memref<9728xi32, #tpu.memory_space<hbm>>
      tpu.wait_dma2 semaphore(%run_scoped3A : memref<!tpu.dma_semaphore, #tpu.memory_space<semaphore_mem>>) src(%dma_wait3A_53 : memref<9728xi32, #tpu.memory_space<hbm>>) dst(%arg5 : memref<9728xi32, #tpu.memory_space<vmem>>)
      tpu.yield
    }) : () -> ()
    "tpu.region"() ({
      %run_scoped3A = tpu.sem_alloc : memref<!tpu.dma_semaphore, #tpu.memory_space<semaphore_mem>>
      %dma_start3A = arith.constant 48640 : i32
      %dma_start3A_48 = tpu.memref_slice %arg3[%dma_start3A] : memref<77824xi32, #tpu.memory_space<hbm>> -> memref<9728xi32, #tpu.memory_space<hbm>>
      %dma_start3A_49 = arith.constant 48640 : i32
      %dma_start3A_50 = tpu.memref_slice %arg3[%dma_start3A_49] : memref<77824xi32, #tpu.memory_space<hbm>> -> memref<9728xi32, #tpu.memory_space<hbm>>
      tpu.enqueue_dma source(%dma_start3A_50 : memref<9728xi32, #tpu.memory_space<hbm>>) target(%arg6 : memref<9728xi32, #tpu.memory_space<vmem>>) target_semaphore(%run_scoped3A : memref<!tpu.dma_semaphore, #tpu.memory_space<semaphore_mem>>)
      %dma_wait3A = arith.constant 48640 : i32
      %dma_wait3A_51 = tpu.memref_slice %arg3[%dma_wait3A] : memref<77824xi32, #tpu.memory_space<hbm>> -> memref<9728xi32, #tpu.memory_space<hbm>>
      %dma_wait3A_52 = arith.constant 48640 : i32
      %dma_wait3A_53 = tpu.memref_slice %arg3[%dma_wait3A_52] : memref<77824xi32, #tpu.memory_space<hbm>> -> memref<9728xi32, #tpu.memory_space<hbm>>
      tpu.wait_dma2 semaphore(%run_scoped3A : memref<!tpu.dma_semaphore, #tpu.memory_space<semaphore_mem>>) src(%dma_wait3A_53 : memref<9728xi32, #tpu.memory_space<hbm>>) dst(%arg6 : memref<9728xi32, #tpu.memory_space<vmem>>)
      tpu.yield
    }) : () -> ()
    %scan3A_33 = arith.constant 0 : i32
    %scan3A_34 = arith.constant 608 : i32
    %scan3A_35 = arith.addi %scan3A_33, %scan3A_34 : i32
    %scan3A_36 = arith.constant 1 : i32
    scf.for %scan3A_48 = %scan3A_33 to %scan3A_35 step %scan3A_36  : i32 {
      %mul3A_49 = arith.constant 1 : i32
      %mul3A_50 = arith.muli %scan3A_48, %mul3A_49 : i32
      %add3A_51 = arith.constant 0 : i32
      %add3A_52 = arith.addi %add3A_51, %mul3A_50 : i32
      %mul3A_53 = arith.constant 16 : i32
      %mul3A_54 = arith.muli %add3A_52, %mul3A_53 : i32
      %get3A = arith.index_cast %mul3A_54 : i32 to index
      %get3A_55 = tpu.vector_load %arg5[%get3A] {strides = array<i32>} : memref<9728xi32, #tpu.memory_space<vmem>>, vector<16xi32>,
      %mul3A_56 = arith.constant 16 : i32
      %mul3A_57 = arith.muli %add3A_52, %mul3A_56 : i32
      %get3A_58 = arith.index_cast %mul3A_57 : i32 to index
      %get3A_59 = tpu.vector_load %arg6[%get3A_58] {strides = array<i32>} : memref<9728xi32, #tpu.memory_space<vmem>>, vector<16xi32>,
      %mul3A_60 = arith.constant 256 : i32
      %mul3A_61 = vector.broadcast %mul3A_60 : i32 to vector<16xi32>
      %mul3A_62 = arith.muli %get3A_55, %mul3A_61 : vector<16xi32>
      %add3A_63 = arith.addi %mul3A_62, %get3A_59 : vector<16xi32>
      %sub3A = vector.broadcast %mul3A_2 : i32 to vector<16xi32>
      %sub3A_64 = arith.subi %add3A_63, %sub3A : vector<16xi32>
      %ge3A = arith.constant 0 : i32
      %ge3A_65 = vector.broadcast %ge3A : i32 to vector<16xi32>
      %ge3A_66 = arith.cmpi sge, %sub3A_64, %ge3A_65 : vector<16xi32>
      %lt3A = arith.constant 2048 : i32
      %lt3A_67 = vector.broadcast %lt3A : i32 to vector<16xi32>
      %lt3A_68 = arith.cmpi slt, %sub3A_64, %lt3A_67 : vector<16xi32>
      %and3A = arith.andi %ge3A_66, %lt3A_68 : vector<16xi1>
      %jit3A = arith.constant 0 : i32
      %broadcast_in_dim3A_69 = vector.broadcast %jit3A : i32 to vector<16xi32>
      %select_n3A = arith.select %and3A, %sub3A_64, %broadcast_in_dim3A_69 : vector<16xi1>, vector<16xi32>
      tpu.vector_store_idx %arg7[%select_n3A], %broadcast_in_dim3A_3 masked %and3A {add = true} : memref<2048xf32, #tpu.memory_space<vmem>>[vector<16xi32>], vector<16xf32>, vector<16xi1>
    }
    %scan3A_37 = arith.constant 608 : i32
    "tpu.region"() ({
      %run_scoped3A = tpu.sem_alloc : memref<!tpu.dma_semaphore, #tpu.memory_space<semaphore_mem>>
      %dma_start3A = arith.constant 58368 : i32
      %dma_start3A_48 = tpu.memref_slice %arg2[%dma_start3A] : memref<77824xi32, #tpu.memory_space<hbm>> -> memref<9728xi32, #tpu.memory_space<hbm>>
      %dma_start3A_49 = arith.constant 58368 : i32
      %dma_start3A_50 = tpu.memref_slice %arg2[%dma_start3A_49] : memref<77824xi32, #tpu.memory_space<hbm>> -> memref<9728xi32, #tpu.memory_space<hbm>>
      tpu.enqueue_dma source(%dma_start3A_50 : memref<9728xi32, #tpu.memory_space<hbm>>) target(%arg5 : memref<9728xi32, #tpu.memory_space<vmem>>) target_semaphore(%run_scoped3A : memref<!tpu.dma_semaphore, #tpu.memory_space<semaphore_mem>>)
      %dma_wait3A = arith.constant 58368 : i32
      %dma_wait3A_51 = tpu.memref_slice %arg2[%dma_wait3A] : memref<77824xi32, #tpu.memory_space<hbm>> -> memref<9728xi32, #tpu.memory_space<hbm>>
      %dma_wait3A_52 = arith.constant 58368 : i32
      %dma_wait3A_53 = tpu.memref_slice %arg2[%dma_wait3A_52] : memref<77824xi32, #tpu.memory_space<hbm>> -> memref<9728xi32, #tpu.memory_space<hbm>>
      tpu.wait_dma2 semaphore(%run_scoped3A : memref<!tpu.dma_semaphore, #tpu.memory_space<semaphore_mem>>) src(%dma_wait3A_53 : memref<9728xi32, #tpu.memory_space<hbm>>) dst(%arg5 : memref<9728xi32, #tpu.memory_space<vmem>>)
      tpu.yield
    }) : () -> ()
    "tpu.region"() ({
      %run_scoped3A = tpu.sem_alloc : memref<!tpu.dma_semaphore, #tpu.memory_space<semaphore_mem>>
      %dma_start3A = arith.constant 58368 : i32
      %dma_start3A_48 = tpu.memref_slice %arg3[%dma_start3A] : memref<77824xi32, #tpu.memory_space<hbm>> -> memref<9728xi32, #tpu.memory_space<hbm>>
      %dma_start3A_49 = arith.constant 58368 : i32
      %dma_start3A_50 = tpu.memref_slice %arg3[%dma_start3A_49] : memref<77824xi32, #tpu.memory_space<hbm>> -> memref<9728xi32, #tpu.memory_space<hbm>>
      tpu.enqueue_dma source(%dma_start3A_50 : memref<9728xi32, #tpu.memory_space<hbm>>) target(%arg6 : memref<9728xi32, #tpu.memory_space<vmem>>) target_semaphore(%run_scoped3A : memref<!tpu.dma_semaphore, #tpu.memory_space<semaphore_mem>>)
      %dma_wait3A = arith.constant 58368 : i32
      %dma_wait3A_51 = tpu.memref_slice %arg3[%dma_wait3A] : memref<77824xi32, #tpu.memory_space<hbm>> -> memref<9728xi32, #tpu.memory_space<hbm>>
      %dma_wait3A_52 = arith.constant 58368 : i32
      %dma_wait3A_53 = tpu.memref_slice %arg3[%dma_wait3A_52] : memref<77824xi32, #tpu.memory_space<hbm>> -> memref<9728xi32, #tpu.memory_space<hbm>>
      tpu.wait_dma2 semaphore(%run_scoped3A : memref<!tpu.dma_semaphore, #tpu.memory_space<semaphore_mem>>) src(%dma_wait3A_53 : memref<9728xi32, #tpu.memory_space<hbm>>) dst(%arg6 : memref<9728xi32, #tpu.memory_space<vmem>>)
      tpu.yield
    }) : () -> ()
    %scan3A_38 = arith.constant 0 : i32
    %scan3A_39 = arith.constant 608 : i32
    %scan3A_40 = arith.addi %scan3A_38, %scan3A_39 : i32
    %scan3A_41 = arith.constant 1 : i32
    scf.for %scan3A_48 = %scan3A_38 to %scan3A_40 step %scan3A_41  : i32 {
      %mul3A_49 = arith.constant 1 : i32
      %mul3A_50 = arith.muli %scan3A_48, %mul3A_49 : i32
      %add3A_51 = arith.constant 0 : i32
      %add3A_52 = arith.addi %add3A_51, %mul3A_50 : i32
      %mul3A_53 = arith.constant 16 : i32
      %mul3A_54 = arith.muli %add3A_52, %mul3A_53 : i32
      %get3A = arith.index_cast %mul3A_54 : i32 to index
      %get3A_55 = tpu.vector_load %arg5[%get3A] {strides = array<i32>} : memref<9728xi32, #tpu.memory_space<vmem>>, vector<16xi32>,
      %mul3A_56 = arith.constant 16 : i32
      %mul3A_57 = arith.muli %add3A_52, %mul3A_56 : i32
      %get3A_58 = arith.index_cast %mul3A_57 : i32 to index
      %get3A_59 = tpu.vector_load %arg6[%get3A_58] {strides = array<i32>} : memref<9728xi32, #tpu.memory_space<vmem>>, vector<16xi32>,
      %mul3A_60 = arith.constant 256 : i32
      %mul3A_61 = vector.broadcast %mul3A_60 : i32 to vector<16xi32>
      %mul3A_62 = arith.muli %get3A_55, %mul3A_61 : vector<16xi32>
      %add3A_63 = arith.addi %mul3A_62, %get3A_59 : vector<16xi32>
      %sub3A = vector.broadcast %mul3A_2 : i32 to vector<16xi32>
      %sub3A_64 = arith.subi %add3A_63, %sub3A : vector<16xi32>
      %ge3A = arith.constant 0 : i32
      %ge3A_65 = vector.broadcast %ge3A : i32 to vector<16xi32>
      %ge3A_66 = arith.cmpi sge, %sub3A_64, %ge3A_65 : vector<16xi32>
      %lt3A = arith.constant 2048 : i32
      %lt3A_67 = vector.broadcast %lt3A : i32 to vector<16xi32>
      %lt3A_68 = arith.cmpi slt, %sub3A_64, %lt3A_67 : vector<16xi32>
      %and3A = arith.andi %ge3A_66, %lt3A_68 : vector<16xi1>
      %jit3A = arith.constant 0 : i32
      %broadcast_in_dim3A_69 = vector.broadcast %jit3A : i32 to vector<16xi32>
      %select_n3A = arith.select %and3A, %sub3A_64, %broadcast_in_dim3A_69 : vector<16xi1>, vector<16xi32>
      tpu.vector_store_idx %arg7[%select_n3A], %broadcast_in_dim3A_3 masked %and3A {add = true} : memref<2048xf32, #tpu.memory_space<vmem>>[vector<16xi32>], vector<16xf32>, vector<16xi1>
    }
    %scan3A_42 = arith.constant 608 : i32
    "tpu.region"() ({
      %run_scoped3A = tpu.sem_alloc : memref<!tpu.dma_semaphore, #tpu.memory_space<semaphore_mem>>
      %dma_start3A = arith.constant 68096 : i32
      %dma_start3A_48 = tpu.memref_slice %arg2[%dma_start3A] : memref<77824xi32, #tpu.memory_space<hbm>> -> memref<9728xi32, #tpu.memory_space<hbm>>
      %dma_start3A_49 = arith.constant 68096 : i32
      %dma_start3A_50 = tpu.memref_slice %arg2[%dma_start3A_49] : memref<77824xi32, #tpu.memory_space<hbm>> -> memref<9728xi32, #tpu.memory_space<hbm>>
      tpu.enqueue_dma source(%dma_start3A_50 : memref<9728xi32, #tpu.memory_space<hbm>>) target(%arg5 : memref<9728xi32, #tpu.memory_space<vmem>>) target_semaphore(%run_scoped3A : memref<!tpu.dma_semaphore, #tpu.memory_space<semaphore_mem>>)
      %dma_wait3A = arith.constant 68096 : i32
      %dma_wait3A_51 = tpu.memref_slice %arg2[%dma_wait3A] : memref<77824xi32, #tpu.memory_space<hbm>> -> memref<9728xi32, #tpu.memory_space<hbm>>
      %dma_wait3A_52 = arith.constant 68096 : i32
      %dma_wait3A_53 = tpu.memref_slice %arg2[%dma_wait3A_52] : memref<77824xi32, #tpu.memory_space<hbm>> -> memref<9728xi32, #tpu.memory_space<hbm>>
      tpu.wait_dma2 semaphore(%run_scoped3A : memref<!tpu.dma_semaphore, #tpu.memory_space<semaphore_mem>>) src(%dma_wait3A_53 : memref<9728xi32, #tpu.memory_space<hbm>>) dst(%arg5 : memref<9728xi32, #tpu.memory_space<vmem>>)
      tpu.yield
    }) : () -> ()
    "tpu.region"() ({
      %run_scoped3A = tpu.sem_alloc : memref<!tpu.dma_semaphore, #tpu.memory_space<semaphore_mem>>
      %dma_start3A = arith.constant 68096 : i32
      %dma_start3A_48 = tpu.memref_slice %arg3[%dma_start3A] : memref<77824xi32, #tpu.memory_space<hbm>> -> memref<9728xi32, #tpu.memory_space<hbm>>
      %dma_start3A_49 = arith.constant 68096 : i32
      %dma_start3A_50 = tpu.memref_slice %arg3[%dma_start3A_49] : memref<77824xi32, #tpu.memory_space<hbm>> -> memref<9728xi32, #tpu.memory_space<hbm>>
      tpu.enqueue_dma source(%dma_start3A_50 : memref<9728xi32, #tpu.memory_space<hbm>>) target(%arg6 : memref<9728xi32, #tpu.memory_space<vmem>>) target_semaphore(%run_scoped3A : memref<!tpu.dma_semaphore, #tpu.memory_space<semaphore_mem>>)
      %dma_wait3A = arith.constant 68096 : i32
      %dma_wait3A_51 = tpu.memref_slice %arg3[%dma_wait3A] : memref<77824xi32, #tpu.memory_space<hbm>> -> memref<9728xi32, #tpu.memory_space<hbm>>
      %dma_wait3A_52 = arith.constant 68096 : i32
      %dma_wait3A_53 = tpu.memref_slice %arg3[%dma_wait3A_52] : memref<77824xi32, #tpu.memory_space<hbm>> -> memref<9728xi32, #tpu.memory_space<hbm>>
      tpu.wait_dma2 semaphore(%run_scoped3A : memref<!tpu.dma_semaphore, #tpu.memory_space<semaphore_mem>>) src(%dma_wait3A_53 : memref<9728xi32, #tpu.memory_space<hbm>>) dst(%arg6 : memref<9728xi32, #tpu.memory_space<vmem>>)
      tpu.yield
    }) : () -> ()
    %scan3A_43 = arith.constant 0 : i32
    %scan3A_44 = arith.constant 608 : i32
    %scan3A_45 = arith.addi %scan3A_43, %scan3A_44 : i32
    %scan3A_46 = arith.constant 1 : i32
    scf.for %scan3A_48 = %scan3A_43 to %scan3A_45 step %scan3A_46  : i32 {
      %mul3A_49 = arith.constant 1 : i32
      %mul3A_50 = arith.muli %scan3A_48, %mul3A_49 : i32
      %add3A_51 = arith.constant 0 : i32
      %add3A_52 = arith.addi %add3A_51, %mul3A_50 : i32
      %mul3A_53 = arith.constant 16 : i32
      %mul3A_54 = arith.muli %add3A_52, %mul3A_53 : i32
      %get3A = arith.index_cast %mul3A_54 : i32 to index
      %get3A_55 = tpu.vector_load %arg5[%get3A] {strides = array<i32>} : memref<9728xi32, #tpu.memory_space<vmem>>, vector<16xi32>,
      %mul3A_56 = arith.constant 16 : i32
      %mul3A_57 = arith.muli %add3A_52, %mul3A_56 : i32
      %get3A_58 = arith.index_cast %mul3A_57 : i32 to index
      %get3A_59 = tpu.vector_load %arg6[%get3A_58] {strides = array<i32>} : memref<9728xi32, #tpu.memory_space<vmem>>, vector<16xi32>,
      %mul3A_60 = arith.constant 256 : i32
      %mul3A_61 = vector.broadcast %mul3A_60 : i32 to vector<16xi32>
      %mul3A_62 = arith.muli %get3A_55, %mul3A_61 : vector<16xi32>
      %add3A_63 = arith.addi %mul3A_62, %get3A_59 : vector<16xi32>
      %sub3A = vector.broadcast %mul3A_2 : i32 to vector<16xi32>
      %sub3A_64 = arith.subi %add3A_63, %sub3A : vector<16xi32>
      %ge3A = arith.constant 0 : i32
      %ge3A_65 = vector.broadcast %ge3A : i32 to vector<16xi32>
      %ge3A_66 = arith.cmpi sge, %sub3A_64, %ge3A_65 : vector<16xi32>
      %lt3A = arith.constant 2048 : i32
      %lt3A_67 = vector.broadcast %lt3A : i32 to vector<16xi32>
      %lt3A_68 = arith.cmpi slt, %sub3A_64, %lt3A_67 : vector<16xi32>
      %and3A = arith.andi %ge3A_66, %lt3A_68 : vector<16xi1>
      %jit3A = arith.constant 0 : i32
      %broadcast_in_dim3A_69 = vector.broadcast %jit3A : i32 to vector<16xi32>
      %select_n3A = arith.select %and3A, %sub3A_64, %broadcast_in_dim3A_69 : vector<16xi1>, vector<16xi32>
      tpu.vector_store_idx %arg7[%select_n3A], %broadcast_in_dim3A_3 masked %and3A {add = true} : memref<2048xf32, #tpu.memory_space<vmem>>[vector<16xi32>], vector<16xf32>, vector<16xi1>
    }
    %scan3A_47 = arith.constant 608 : i32
    "tpu.region"() ({
      %run_scoped3A = tpu.sem_alloc : memref<!tpu.dma_semaphore, #tpu.memory_space<semaphore_mem>>
      %dma_start3A = tpu.memref_slice %arg4[%mul3A_2] : memref<65536xf32, #tpu.memory_space<hbm>> -> memref<2048xf32, #tpu.memory_space<hbm>>
      %dma_start3A_48 = tpu.memref_slice %arg4[%mul3A_2] : memref<65536xf32, #tpu.memory_space<hbm>> -> memref<2048xf32, #tpu.memory_space<hbm>>
      tpu.enqueue_dma source(%arg7 : memref<2048xf32, #tpu.memory_space<vmem>>) target(%dma_start3A_48 : memref<2048xf32, #tpu.memory_space<hbm>>) target_semaphore(%run_scoped3A : memref<!tpu.dma_semaphore, #tpu.memory_space<semaphore_mem>>)
      %dma_wait3A = tpu.memref_slice %arg4[%mul3A_2] : memref<65536xf32, #tpu.memory_space<hbm>> -> memref<2048xf32, #tpu.memory_space<hbm>>
      %dma_wait3A_49 = tpu.memref_slice %arg4[%mul3A_2] : memref<65536xf32, #tpu.memory_space<hbm>> -> memref<2048xf32, #tpu.memory_space<hbm>>
      tpu.wait_dma2 semaphore(%run_scoped3A : memref<!tpu.dma_semaphore, #tpu.memory_space<semaphore_mem>>) src(%arg7 : memref<2048xf32, #tpu.memory_space<vmem>>) dst(%dma_wait3A_49 : memref<2048xf32, #tpu.memory_space<hbm>>)
      tpu.yield
    }) : () -> ()
    return
  }
}

#map = affine_map<(d0, d1) -> (0)>
#map1 = affine_map<(d0, d1) -> (0, 0)>
module attributes {stable_mosaic.version = 14 : i64} {
  func.func @k(%arg0: i32, %arg1: i32, %arg2: memref<4096xi32, #tpu.memory_space<hbm>>, %arg3: memref<4096x256xf32, #tpu.memory_space<hbm>>, %arg4: memref<8192xf32, #tpu.memory_space<hbm>>, %arg5: memref<8192x256xf32, #tpu.memory_space<hbm>>, %arg6: memref<4096xi32, #tpu.memory_space<vmem>>, %arg7: memref<4112xi32, #tpu.memory_space<vmem>>, %arg8: memref<4112xi32, #tpu.memory_space<vmem>>, %arg9: memref<64x256xf32, #tpu.memory_space<vmem>>, %arg10: memref<64x256xf32, #tpu.memory_space<vmem>>, %arg11: memref<256xf32, #tpu.memory_space<vmem>>, %arg12: memref<257x256xf32, #tpu.memory_space<vmem>>, %arg13: memref<!tpu.dma_semaphore, #tpu.memory_space<semaphore_mem>>, %arg14: memref<!tpu.dma_semaphore, #tpu.memory_space<semaphore_mem>>) attributes {dimension_semantics = [#tpu.dimension_semantics<core_parallel>, #tpu.dimension_semantics<subcore_parallel>], iteration_bounds = array<i64: 2, 16>, scalar_prefetch = 0 : i64, scratch_operands = 9 : i64, tpu.core_type = #tpu.core_type<sc_vector_subcore>, window_params = [{transform_indices = #map}, {transform_indices = #map1}, {transform_indices = #map}, {transform_indices = #map1}]} {
    %mul3A = arith.constant 16 : i32
    %mul3A_0 = arith.muli %arg0, %mul3A : i32
    %add3A = arith.addi %mul3A_0, %arg1 : i32
    %mul3A_1 = arith.constant 256 : i32
    %mul3A_2 = arith.muli %add3A, %mul3A_1 : i32
    %broadcast_in_dim3A = arith.constant 1.000000e+00 : f32
    %broadcast_in_dim3A_3 = vector.broadcast %broadcast_in_dim3A : f32 to vector<16xf32>
    %iota3A = tpu.iota {dimensions = array<i32: 0>} : vector<16xi32>
    "tpu.trace_start"() <{level = 10 : i32, message = "u_top_dma"}> : () -> ()
    "tpu.region"() ({
      %run_scoped3A = tpu.sem_alloc : memref<!tpu.dma_semaphore, #tpu.memory_space<semaphore_mem>>
      tpu.enqueue_dma source(%arg2 : memref<4096xi32, #tpu.memory_space<hbm>>) target(%arg6 : memref<4096xi32, #tpu.memory_space<vmem>>) target_semaphore(%run_scoped3A : memref<!tpu.dma_semaphore, #tpu.memory_space<semaphore_mem>>)
      tpu.wait_dma2 semaphore(%run_scoped3A : memref<!tpu.dma_semaphore, #tpu.memory_space<semaphore_mem>>) src(%arg2 : memref<4096xi32, #tpu.memory_space<hbm>>) dst(%arg6 : memref<4096xi32, #tpu.memory_space<vmem>>)
      tpu.yield
    }) : () -> ()
    "tpu.trace_stop"() : () -> ()
    %scan3A = arith.constant 0 : i32
    %scan3A_4 = arith.constant 16 : i32
    %scan3A_5 = arith.addi %scan3A, %scan3A_4 : i32
    %scan3A_6 = arith.constant 1 : i32
    scf.for %scan3A_51 = %scan3A to %scan3A_5 step %scan3A_6  : i32 {
      %mul3A_52 = arith.constant 1 : i32
      %mul3A_53 = arith.muli %scan3A_51, %mul3A_52 : i32
      %add3A_54 = arith.constant 0 : i32
      %add3A_55 = arith.addi %add3A_54, %mul3A_53 : i32
      %broadcast_in_dim3A_56 = arith.constant 0.000000e+00 : f32
      %broadcast_in_dim3A_57 = vector.broadcast %broadcast_in_dim3A_56 : f32 to vector<16xf32>
      %mul3A_58 = arith.constant 16 : i32
      %mul3A_59 = arith.muli %add3A_55, %mul3A_58 : i32
      %swap3A = arith.index_cast %mul3A_59 : i32 to index
      %swap3A_60 = tpu.vector_load %arg11[%swap3A] {strides = array<i32>} : memref<256xf32, #tpu.memory_space<vmem>>, vector<16xf32>,
      tpu.vector_store %arg11[%swap3A], %broadcast_in_dim3A_57 {strides = array<i32>} : memref<256xf32, #tpu.memory_space<vmem>>, vector<16xf32>,
    }
    %scan3A_7 = arith.constant 16 : i32
    "tpu.trace_start"() <{level = 10 : i32, message = "u_zero"}> : () -> ()
    %scan3A_8 = arith.constant 0 : i32
    %scan3A_9 = arith.constant 257 : i32
    %scan3A_10 = arith.addi %scan3A_8, %scan3A_9 : i32
    %scan3A_11 = arith.constant 1 : i32
    scf.for %scan3A_51 = %scan3A_8 to %scan3A_10 step %scan3A_11  : i32 {
      %mul3A_52 = arith.constant 1 : i32
      %mul3A_53 = arith.muli %scan3A_51, %mul3A_52 : i32
      %add3A_54 = arith.constant 0 : i32
      %add3A_55 = arith.addi %add3A_54, %mul3A_53 : i32
      %broadcast_in_dim3A_56 = arith.constant 0.000000e+00 : f32
      %broadcast_in_dim3A_57 = vector.broadcast %broadcast_in_dim3A_56 : f32 to vector<16xf32>
      %swap3A = arith.index_cast %add3A_55 : i32 to index
      %swap3A_58 = arith.constant 0 : index
      %swap3A_59 = tpu.vector_load %arg12[%swap3A, %swap3A_58] {strides = array<i32>} : memref<257x256xf32, #tpu.memory_space<vmem>>, vector<16xf32>,
      tpu.vector_store %arg12[%swap3A, %swap3A_58], %broadcast_in_dim3A_57 {strides = array<i32>} : memref<257x256xf32, #tpu.memory_space<vmem>>, vector<16xf32>,
      %broadcast_in_dim3A_60 = arith.constant 0.000000e+00 : f32
      %broadcast_in_dim3A_61 = vector.broadcast %broadcast_in_dim3A_60 : f32 to vector<16xf32>
      %swap3A_62 = arith.index_cast %add3A_55 : i32 to index
      %swap3A_63 = arith.constant 16 : index
      %swap3A_64 = tpu.vector_load %arg12[%swap3A_62, %swap3A_63] {strides = array<i32>} : memref<257x256xf32, #tpu.memory_space<vmem>>, vector<16xf32>,
      tpu.vector_store %arg12[%swap3A_62, %swap3A_63], %broadcast_in_dim3A_61 {strides = array<i32>} : memref<257x256xf32, #tpu.memory_space<vmem>>, vector<16xf32>,
      %broadcast_in_dim3A_65 = arith.constant 0.000000e+00 : f32
      %broadcast_in_dim3A_66 = vector.broadcast %broadcast_in_dim3A_65 : f32 to vector<16xf32>
      %swap3A_67 = arith.index_cast %add3A_55 : i32 to index
      %swap3A_68 = arith.constant 32 : index
      %swap3A_69 = tpu.vector_load %arg12[%swap3A_67, %swap3A_68] {strides = array<i32>} : memref<257x256xf32, #tpu.memory_space<vmem>>, vector<16xf32>,
      tpu.vector_store %arg12[%swap3A_67, %swap3A_68], %broadcast_in_dim3A_66 {strides = array<i32>} : memref<257x256xf32, #tpu.memory_space<vmem>>, vector<16xf32>,
      %broadcast_in_dim3A_70 = arith.constant 0.000000e+00 : f32
      %broadcast_in_dim3A_71 = vector.broadcast %broadcast_in_dim3A_70 : f32 to vector<16xf32>
      %swap3A_72 = arith.index_cast %add3A_55 : i32 to index
      %swap3A_73 = arith.constant 48 : index
      %swap3A_74 = tpu.vector_load %arg12[%swap3A_72, %swap3A_73] {strides = array<i32>} : memref<257x256xf32, #tpu.memory_space<vmem>>, vector<16xf32>,
      tpu.vector_store %arg12[%swap3A_72, %swap3A_73], %broadcast_in_dim3A_71 {strides = array<i32>} : memref<257x256xf32, #tpu.memory_space<vmem>>, vector<16xf32>,
      %broadcast_in_dim3A_75 = arith.constant 0.000000e+00 : f32
      %broadcast_in_dim3A_76 = vector.broadcast %broadcast_in_dim3A_75 : f32 to vector<16xf32>
      %swap3A_77 = arith.index_cast %add3A_55 : i32 to index
      %swap3A_78 = arith.constant 64 : index
      %swap3A_79 = tpu.vector_load %arg12[%swap3A_77, %swap3A_78] {strides = array<i32>} : memref<257x256xf32, #tpu.memory_space<vmem>>, vector<16xf32>,
      tpu.vector_store %arg12[%swap3A_77, %swap3A_78], %broadcast_in_dim3A_76 {strides = array<i32>} : memref<257x256xf32, #tpu.memory_space<vmem>>, vector<16xf32>,
      %broadcast_in_dim3A_80 = arith.constant 0.000000e+00 : f32
      %broadcast_in_dim3A_81 = vector.broadcast %broadcast_in_dim3A_80 : f32 to vector<16xf32>
      %swap3A_82 = arith.index_cast %add3A_55 : i32 to index
      %swap3A_83 = arith.constant 80 : index
      %swap3A_84 = tpu.vector_load %arg12[%swap3A_82, %swap3A_83] {strides = array<i32>} : memref<257x256xf32, #tpu.memory_space<vmem>>, vector<16xf32>,
      tpu.vector_store %arg12[%swap3A_82, %swap3A_83], %broadcast_in_dim3A_81 {strides = array<i32>} : memref<257x256xf32, #tpu.memory_space<vmem>>, vector<16xf32>,
      %broadcast_in_dim3A_85 = arith.constant 0.000000e+00 : f32
      %broadcast_in_dim3A_86 = vector.broadcast %broadcast_in_dim3A_85 : f32 to vector<16xf32>
      %swap3A_87 = arith.index_cast %add3A_55 : i32 to index
      %swap3A_88 = arith.constant 96 : index
      %swap3A_89 = tpu.vector_load %arg12[%swap3A_87, %swap3A_88] {strides = array<i32>} : memref<257x256xf32, #tpu.memory_space<vmem>>, vector<16xf32>,
      tpu.vector_store %arg12[%swap3A_87, %swap3A_88], %broadcast_in_dim3A_86 {strides = array<i32>} : memref<257x256xf32, #tpu.memory_space<vmem>>, vector<16xf32>,
      %broadcast_in_dim3A_90 = arith.constant 0.000000e+00 : f32
      %broadcast_in_dim3A_91 = vector.broadcast %broadcast_in_dim3A_90 : f32 to vector<16xf32>
      %swap3A_92 = arith.index_cast %add3A_55 : i32 to index
      %swap3A_93 = arith.constant 112 : index
      %swap3A_94 = tpu.vector_load %arg12[%swap3A_92, %swap3A_93] {strides = array<i32>} : memref<257x256xf32, #tpu.memory_space<vmem>>, vector<16xf32>,
      tpu.vector_store %arg12[%swap3A_92, %swap3A_93], %broadcast_in_dim3A_91 {strides = array<i32>} : memref<257x256xf32, #tpu.memory_space<vmem>>, vector<16xf32>,
      %broadcast_in_dim3A_95 = arith.constant 0.000000e+00 : f32
      %broadcast_in_dim3A_96 = vector.broadcast %broadcast_in_dim3A_95 : f32 to vector<16xf32>
      %swap3A_97 = arith.index_cast %add3A_55 : i32 to index
      %swap3A_98 = arith.constant 128 : index
      %swap3A_99 = tpu.vector_load %arg12[%swap3A_97, %swap3A_98] {strides = array<i32>} : memref<257x256xf32, #tpu.memory_space<vmem>>, vector<16xf32>,
      tpu.vector_store %arg12[%swap3A_97, %swap3A_98], %broadcast_in_dim3A_96 {strides = array<i32>} : memref<257x256xf32, #tpu.memory_space<vmem>>, vector<16xf32>,
      %broadcast_in_dim3A_100 = arith.constant 0.000000e+00 : f32
      %broadcast_in_dim3A_101 = vector.broadcast %broadcast_in_dim3A_100 : f32 to vector<16xf32>
      %swap3A_102 = arith.index_cast %add3A_55 : i32 to index
      %swap3A_103 = arith.constant 144 : index
      %swap3A_104 = tpu.vector_load %arg12[%swap3A_102, %swap3A_103] {strides = array<i32>} : memref<257x256xf32, #tpu.memory_space<vmem>>, vector<16xf32>,
      tpu.vector_store %arg12[%swap3A_102, %swap3A_103], %broadcast_in_dim3A_101 {strides = array<i32>} : memref<257x256xf32, #tpu.memory_space<vmem>>, vector<16xf32>,
      %broadcast_in_dim3A_105 = arith.constant 0.000000e+00 : f32
      %broadcast_in_dim3A_106 = vector.broadcast %broadcast_in_dim3A_105 : f32 to vector<16xf32>
      %swap3A_107 = arith.index_cast %add3A_55 : i32 to index
      %swap3A_108 = arith.constant 160 : index
      %swap3A_109 = tpu.vector_load %arg12[%swap3A_107, %swap3A_108] {strides = array<i32>} : memref<257x256xf32, #tpu.memory_space<vmem>>, vector<16xf32>,
      tpu.vector_store %arg12[%swap3A_107, %swap3A_108], %broadcast_in_dim3A_106 {strides = array<i32>} : memref<257x256xf32, #tpu.memory_space<vmem>>, vector<16xf32>,
      %broadcast_in_dim3A_110 = arith.constant 0.000000e+00 : f32
      %broadcast_in_dim3A_111 = vector.broadcast %broadcast_in_dim3A_110 : f32 to vector<16xf32>
      %swap3A_112 = arith.index_cast %add3A_55 : i32 to index
      %swap3A_113 = arith.constant 176 : index
      %swap3A_114 = tpu.vector_load %arg12[%swap3A_112, %swap3A_113] {strides = array<i32>} : memref<257x256xf32, #tpu.memory_space<vmem>>, vector<16xf32>,
      tpu.vector_store %arg12[%swap3A_112, %swap3A_113], %broadcast_in_dim3A_111 {strides = array<i32>} : memref<257x256xf32, #tpu.memory_space<vmem>>, vector<16xf32>,
      %broadcast_in_dim3A_115 = arith.constant 0.000000e+00 : f32
      %broadcast_in_dim3A_116 = vector.broadcast %broadcast_in_dim3A_115 : f32 to vector<16xf32>
      %swap3A_117 = arith.index_cast %add3A_55 : i32 to index
      %swap3A_118 = arith.constant 192 : index
      %swap3A_119 = tpu.vector_load %arg12[%swap3A_117, %swap3A_118] {strides = array<i32>} : memref<257x256xf32, #tpu.memory_space<vmem>>, vector<16xf32>,
      tpu.vector_store %arg12[%swap3A_117, %swap3A_118], %broadcast_in_dim3A_116 {strides = array<i32>} : memref<257x256xf32, #tpu.memory_space<vmem>>, vector<16xf32>,
      %broadcast_in_dim3A_120 = arith.constant 0.000000e+00 : f32
      %broadcast_in_dim3A_121 = vector.broadcast %broadcast_in_dim3A_120 : f32 to vector<16xf32>
      %swap3A_122 = arith.index_cast %add3A_55 : i32 to index
      %swap3A_123 = arith.constant 208 : index
      %swap3A_124 = tpu.vector_load %arg12[%swap3A_122, %swap3A_123] {strides = array<i32>} : memref<257x256xf32, #tpu.memory_space<vmem>>, vector<16xf32>,
      tpu.vector_store %arg12[%swap3A_122, %swap3A_123], %broadcast_in_dim3A_121 {strides = array<i32>} : memref<257x256xf32, #tpu.memory_space<vmem>>, vector<16xf32>,
      %broadcast_in_dim3A_125 = arith.constant 0.000000e+00 : f32
      %broadcast_in_dim3A_126 = vector.broadcast %broadcast_in_dim3A_125 : f32 to vector<16xf32>
      %swap3A_127 = arith.index_cast %add3A_55 : i32 to index
      %swap3A_128 = arith.constant 224 : index
      %swap3A_129 = tpu.vector_load %arg12[%swap3A_127, %swap3A_128] {strides = array<i32>} : memref<257x256xf32, #tpu.memory_space<vmem>>, vector<16xf32>,
      tpu.vector_store %arg12[%swap3A_127, %swap3A_128], %broadcast_in_dim3A_126 {strides = array<i32>} : memref<257x256xf32, #tpu.memory_space<vmem>>, vector<16xf32>,
      %broadcast_in_dim3A_130 = arith.constant 0.000000e+00 : f32
      %broadcast_in_dim3A_131 = vector.broadcast %broadcast_in_dim3A_130 : f32 to vector<16xf32>
      %swap3A_132 = arith.index_cast %add3A_55 : i32 to index
      %swap3A_133 = arith.constant 240 : index
      %swap3A_134 = tpu.vector_load %arg12[%swap3A_132, %swap3A_133] {strides = array<i32>} : memref<257x256xf32, #tpu.memory_space<vmem>>, vector<16xf32>,
      tpu.vector_store %arg12[%swap3A_132, %swap3A_133], %broadcast_in_dim3A_131 {strides = array<i32>} : memref<257x256xf32, #tpu.memory_space<vmem>>, vector<16xf32>,
    }
    %scan3A_12 = arith.constant 257 : i32
    "tpu.trace_stop"() : () -> ()
    %scan3A_13 = arith.constant 0 : i32
    %scan3A_14 = arith.constant 257 : i32
    %scan3A_15 = arith.addi %scan3A_13, %scan3A_14 : i32
    %scan3A_16 = arith.constant 1 : i32
    scf.for %scan3A_51 = %scan3A_13 to %scan3A_15 step %scan3A_16  : i32 {
      %mul3A_52 = arith.constant 1 : i32
      %mul3A_53 = arith.muli %scan3A_51, %mul3A_52 : i32
      %add3A_54 = arith.constant 0 : i32
      %add3A_55 = arith.addi %add3A_54, %mul3A_53 : i32
      %broadcast_in_dim3A_56 = arith.constant 0 : i32
      %broadcast_in_dim3A_57 = vector.broadcast %broadcast_in_dim3A_56 : i32 to vector<16xi32>
      %mul3A_58 = arith.constant 16 : i32
      %mul3A_59 = arith.muli %add3A_55, %mul3A_58 : i32
      %swap3A = arith.index_cast %mul3A_59 : i32 to index
      %swap3A_60 = tpu.vector_load %arg7[%swap3A] {strides = array<i32>} : memref<4112xi32, #tpu.memory_space<vmem>>, vector<16xi32>,
      tpu.vector_store %arg7[%swap3A], %broadcast_in_dim3A_57 {strides = array<i32>} : memref<4112xi32, #tpu.memory_space<vmem>>, vector<16xi32>,
      %broadcast_in_dim3A_61 = arith.constant 256 : i32
      %broadcast_in_dim3A_62 = vector.broadcast %broadcast_in_dim3A_61 : i32 to vector<16xi32>
      %mul3A_63 = arith.constant 16 : i32
      %mul3A_64 = arith.muli %add3A_55, %mul3A_63 : i32
      %swap3A_65 = arith.index_cast %mul3A_64 : i32 to index
      %swap3A_66 = tpu.vector_load %arg8[%swap3A_65] {strides = array<i32>} : memref<4112xi32, #tpu.memory_space<vmem>>, vector<16xi32>,
      tpu.vector_store %arg8[%swap3A_65], %broadcast_in_dim3A_62 {strides = array<i32>} : memref<4112xi32, #tpu.memory_space<vmem>>, vector<16xi32>,
    }
    %scan3A_17 = arith.constant 257 : i32
    "tpu.trace_start"() <{level = 10 : i32, message = "u_scan"}> : () -> ()
    %scan3A_18 = arith.constant 0 : i32
    %scan3A_19 = arith.constant 0 : i32
    %scan3A_20 = arith.constant 256 : i32
    %scan3A_21 = arith.addi %scan3A_19, %scan3A_20 : i32
    %scan3A_22 = arith.constant 1 : i32
    %scan3A_23 = scf.for %scan3A_51 = %scan3A_19 to %scan3A_21 step %scan3A_22 iter_args(%scan3A_52 = %scan3A_18) -> (i32)  : i32 {
      %mul3A_53 = arith.constant 1 : i32
      %mul3A_54 = arith.muli %scan3A_51, %mul3A_53 : i32
      %add3A_55 = arith.constant 0 : i32
      %add3A_56 = arith.addi %add3A_55, %mul3A_54 : i32
      %mul3A_57 = arith.constant 16 : i32
      %mul3A_58 = arith.muli %add3A_56, %mul3A_57 : i32
      %get3A = arith.index_cast %mul3A_58 : i32 to index
      %get3A_59 = tpu.vector_load %arg6[%get3A] {strides = array<i32>} : memref<4096xi32, #tpu.memory_space<vmem>>, vector<16xi32>,
      %sub3A_60 = vector.broadcast %mul3A_2 : i32 to vector<16xi32>
      %sub3A_61 = arith.subi %get3A_59, %sub3A_60 : vector<16xi32>
      %ge3A = arith.constant 0 : i32
      %ge3A_62 = vector.broadcast %ge3A : i32 to vector<16xi32>
      %ge3A_63 = arith.cmpi sge, %sub3A_61, %ge3A_62 : vector<16xi32>
      %lt3A = arith.constant 256 : i32
      %lt3A_64 = vector.broadcast %lt3A : i32 to vector<16xi32>
      %lt3A_65 = arith.cmpi slt, %sub3A_61, %lt3A_64 : vector<16xi32>
      %and3A = arith.andi %ge3A_63, %lt3A_65 : vector<16xi1>
      %jit3A = arith.constant 0 : i32
      %broadcast_in_dim3A_66 = vector.broadcast %jit3A : i32 to vector<16xi32>
      %select_n3A = arith.select %and3A, %sub3A_61, %broadcast_in_dim3A_66 : vector<16xi1>, vector<16xi32>
      tpu.vector_store_idx %arg11[%select_n3A], %broadcast_in_dim3A_3 masked %and3A {add = true} : memref<256xf32, #tpu.memory_space<vmem>>[vector<16xi32>], vector<16xf32>, vector<16xi1>
      %mul3A_67 = arith.constant 16 : i32
      %mul3A_68 = arith.muli %add3A_56, %mul3A_67 : i32
      %add3A_69 = vector.broadcast %mul3A_68 : i32 to vector<16xi32>
      %add3A_70 = arith.addi %iota3A, %add3A_69 : vector<16xi32>
      %swap3A = arith.index_cast %scan3A_52 : i32 to index
      %swap3A_71 = tpu.vector_load %arg7[%swap3A] masked %and3A {strides = array<i32>} : memref<4112xi32, #tpu.memory_space<vmem>>, vector<16xi32>, vector<16xi1>
      tpu.vector_store %arg7[%swap3A], %add3A_70 masked %and3A {strides = array<i32>} : memref<4112xi32, #tpu.memory_space<vmem>>, vector<16xi32>, vector<16xi1>
      %jit3A_72 = arith.constant 256 : i32
      %broadcast_in_dim3A_73 = vector.broadcast %jit3A_72 : i32 to vector<16xi32>
      %select_n3A_74 = arith.select %and3A, %sub3A_61, %broadcast_in_dim3A_73 : vector<16xi1>, vector<16xi32>
      %swap3A_75 = arith.index_cast %scan3A_52 : i32 to index
      %swap3A_76 = tpu.vector_load %arg8[%swap3A_75] masked %and3A {strides = array<i32>} : memref<4112xi32, #tpu.memory_space<vmem>>, vector<16xi32>, vector<16xi1>
      tpu.vector_store %arg8[%swap3A_75], %select_n3A_74 masked %and3A {strides = array<i32>} : memref<4112xi32, #tpu.memory_space<vmem>>, vector<16xi32>, vector<16xi1>
      %convert_element_type3A_77 = arith.extui %and3A : vector<16xi1> to vector<16xi32>
      %reduce_sum3A = arith.constant true
      %reduce_sum3A_78 = vector.broadcast %reduce_sum3A : i1 to vector<16xi1>
      %reduce_sum3A_79 = tpu.scan <sum>, %convert_element_type3A_77 masked %reduce_sum3A_78 : vector<16xi32>, vector<16xi1> -> vector<16xi32>
      %reduce_sum3A_80 = vector.extract %reduce_sum3A_79[15] : i32 from vector<16xi32>
      %add3A_81 = arith.addi %scan3A_52, %reduce_sum3A_80 : i32
      scf.yield %add3A_81 : i32
    }
    %scan3A_24 = arith.constant 256 : i32
    "tpu.trace_stop"() : () -> ()
    %add3A_25 = arith.constant 63 : i32
    %add3A_26 = arith.addi %scan3A_23, %add3A_25 : i32
    %div3A = arith.constant 64 : i32
    %div3A_27 = arith.divsi %add3A_26, %div3A : i32
    %gt3A = arith.constant 0 : i32
    "tpu.trace_start"() <{level = 10 : i32, message = "u_gather"}> : () -> ()
    %gt3A_28 = arith.cmpi sgt, %div3A_27, %gt3A : i32
    %convert_element_type3A = arith.extui %gt3A_28 : i1 to i32
    %cond3A = arith.constant 0 : i32
    %cond3A_29 = arith.cmpi ne, %convert_element_type3A, %cond3A : i32
    scf.if %cond3A_29 {
      %dma_start3A = arith.constant 0 : i32
      %dma_start3A_51 = tpu.memref_slice %arg7[%dma_start3A] : memref<4112xi32, #tpu.memory_space<vmem>> -> memref<64xi32, #tpu.memory_space<vmem>>
      %dma_start3A_52 = arith.constant 0 : i32
      %dma_start3A_53 = arith.constant 0 : i32
      %dma_start3A_54 = tpu.memref_slice %arg3[%dma_start3A_52, %dma_start3A_53] : memref<4096x256xf32, #tpu.memory_space<hbm>> -> memref<4096x256xf32, #tpu.memory_space<hbm>>
      tpu.enqueue_indirect_dma source(%dma_start3A_54 : memref<4096x256xf32, #tpu.memory_space<hbm>>) target(%arg9 : memref<64x256xf32, #tpu.memory_space<vmem>>) offsets(%dma_start3A_51 : memref<64xi32, #tpu.memory_space<vmem>>) semaphore(%arg13 : memref<!tpu.dma_semaphore, #tpu.memory_space<semaphore_mem>>)
    } else {
    }
    %add3A_30 = arith.constant 1 : i32
    %add3A_31 = arith.addi %div3A_27, %add3A_30 : i32
    %div3A_32 = arith.constant 2 : i32
    %div3A_33 = arith.divsi %add3A_31, %div3A_32 : i32
    %sub3A = arith.constant 0 : i32
    %sub3A_34 = arith.subi %div3A_33, %sub3A : i32
    %sub3A_35 = arith.constant 1 : i32
    %sub3A_36 = arith.constant 1 : i32
    %sub3A_37 = arith.subi %sub3A_35, %sub3A_36 : i32
    %add3A_38 = arith.addi %sub3A_34, %sub3A_37 : i32
    %div3A_39 = arith.constant 1 : i32
    %div3A_40 = arith.divsi %add3A_38, %div3A_39 : i32
    %while3A = arith.constant 1 : i32
    %while3A_41 = arith.constant 0 : i32
    %while3A_42 = arith.constant 0 : i32
    %while3A_43 = arith.subi %div3A_40, %while3A_42 : i32
    %while3A_44 = arith.addi %while3A_42, %while3A_43 : i32
    %while3A_45 = arith.constant 1 : i32
    %while3A_46 = arith.divsi %while3A_43, %while3A_45 : i32
    %while3A_47 = arith.muli %while3A_46, %while3A_45 : i32
    %while3A_48 = arith.addi %while3A_42, %while3A_47 : i32
    %while3A_49 = arith.constant 1 : i32
    scf.for %while3A_51 = %while3A_42 to %while3A_48 step %while3A_49  : i32 {
      %mul3A_52 = arith.muli %while3A_51, %while3A : i32
      %add3A_53 = arith.addi %while3A_41, %mul3A_52 : i32
      %mul3A_54 = arith.constant 2 : i32
      %mul3A_55 = arith.muli %mul3A_54, %add3A_53 : i32
      %dma_wait3A = arith.constant 0 : i32
      %dma_wait3A_56 = tpu.memref_slice %arg7[%dma_wait3A] : memref<4112xi32, #tpu.memory_space<vmem>> -> memref<64xi32, #tpu.memory_space<vmem>>
      %dma_wait3A_57 = arith.constant 0 : i32
      %dma_wait3A_58 = arith.constant 0 : i32
      %dma_wait3A_59 = tpu.memref_slice %arg3[%dma_wait3A_57, %dma_wait3A_58] : memref<4096x256xf32, #tpu.memory_space<hbm>> -> memref<4096x256xf32, #tpu.memory_space<hbm>>
      tpu.wait_indirect_dma semaphore(%arg13 : memref<!tpu.dma_semaphore, #tpu.memory_space<semaphore_mem>>) src(%dma_wait3A_59 : memref<4096x256xf32, #tpu.memory_space<hbm>>) dst(%arg9 : memref<64x256xf32, #tpu.memory_space<vmem>>)
      %add3A_60 = arith.constant 1 : i32
      %add3A_61 = arith.addi %mul3A_55, %add3A_60 : i32
      %lt3A = arith.cmpi slt, %add3A_61, %div3A_27 : i32
      %convert_element_type3A_62 = arith.extui %lt3A : i1 to i32
      %cond3A_63 = arith.constant 0 : i32
      %cond3A_64 = arith.cmpi ne, %convert_element_type3A_62, %cond3A_63 : i32
      scf.if %cond3A_64 {
        %add3A_82 = arith.constant 1 : i32
        %add3A_83 = arith.addi %mul3A_55, %add3A_82 : i32
        %mul3A_84 = arith.constant 64 : i32
        %mul3A_85 = arith.muli %add3A_83, %mul3A_84 : i32
        %dma_start3A = tpu.memref_slice %arg7[%mul3A_85] : memref<4112xi32, #tpu.memory_space<vmem>> -> memref<64xi32, #tpu.memory_space<vmem>>
        %dma_start3A_86 = arith.constant 0 : i32
        %dma_start3A_87 = arith.constant 0 : i32
        %dma_start3A_88 = tpu.memref_slice %arg3[%dma_start3A_86, %dma_start3A_87] : memref<4096x256xf32, #tpu.memory_space<hbm>> -> memref<4096x256xf32, #tpu.memory_space<hbm>>
        tpu.enqueue_indirect_dma source(%dma_start3A_88 : memref<4096x256xf32, #tpu.memory_space<hbm>>) target(%arg10 : memref<64x256xf32, #tpu.memory_space<vmem>>) offsets(%dma_start3A : memref<64xi32, #tpu.memory_space<vmem>>) semaphore(%arg14 : memref<!tpu.dma_semaphore, #tpu.memory_space<semaphore_mem>>)
      } else {
      }
      %scan3A_65 = arith.constant 0 : i32
      %scan3A_66 = arith.constant 4 : i32
      %scan3A_67 = arith.addi %scan3A_65, %scan3A_66 : i32
      %scan3A_68 = arith.constant 1 : i32
      scf.for %scan3A_82 = %scan3A_65 to %scan3A_67 step %scan3A_68  : i32 {
        %mul3A_83 = arith.constant 1 : i32
        %mul3A_84 = arith.muli %scan3A_82, %mul3A_83 : i32
        %add3A_85 = arith.constant 0 : i32
        %add3A_86 = arith.addi %add3A_85, %mul3A_84 : i32
        %mul3A_87 = arith.constant 64 : i32
        %mul3A_88 = arith.muli %mul3A_55, %mul3A_87 : i32
        %mul3A_89 = arith.constant 16 : i32
        %mul3A_90 = arith.muli %add3A_86, %mul3A_89 : i32
        %add3A_91 = arith.addi %mul3A_88, %mul3A_90 : i32
        %get3A = arith.index_cast %add3A_91 : i32 to index
        %get3A_92 = tpu.vector_load %arg8[%get3A] {strides = array<i32>} : memref<4112xi32, #tpu.memory_space<vmem>>, vector<16xi32>,
        %slice3A = vector.extract_strided_slice %get3A_92 {offsets = [0], sizes = [1], strides = [1]} : vector<16xi32> to vector<1xi32>
        %squeeze3A = vector.extract %slice3A[0] : i32 from vector<1xi32>
        %scan3A_93 = arith.constant 0 : i32
        %scan3A_94 = arith.constant 16 : i32
        %scan3A_95 = arith.addi %scan3A_93, %scan3A_94 : i32
        %scan3A_96 = arith.constant 1 : i32
        scf.for %scan3A_203 = %scan3A_93 to %scan3A_95 step %scan3A_96  : i32 {
          %mul3A_204 = arith.constant 1 : i32
          %mul3A_205 = arith.muli %scan3A_203, %mul3A_204 : i32
          %add3A_206 = arith.constant 0 : i32
          %add3A_207 = arith.addi %add3A_206, %mul3A_205 : i32
          %mul3A_208 = arith.constant 16 : i32
          %mul3A_209 = arith.muli %add3A_207, %mul3A_208 : i32
          %get3A_210 = arith.index_cast %squeeze3A : i32 to index
          %get3A_211 = arith.index_cast %mul3A_209 : i32 to index
          %get3A_212 = tpu.vector_load %arg12[%get3A_210, %get3A_211] {strides = array<i32>} : memref<257x256xf32, #tpu.memory_space<vmem>>, vector<16xf32>,
          %mul3A_213 = arith.constant 16 : i32
          %mul3A_214 = arith.muli %add3A_86, %mul3A_213 : i32
          %add3A_215 = arith.constant 0 : i32
          %add3A_216 = arith.addi %mul3A_214, %add3A_215 : i32
          %get3A_217 = arith.index_cast %add3A_216 : i32 to index
          %get3A_218 = arith.index_cast %mul3A_209 : i32 to index
          %get3A_219 = tpu.vector_load %arg9[%get3A_217, %get3A_218] {strides = array<i32>} : memref<64x256xf32, #tpu.memory_space<vmem>>, vector<16xf32>,
          %add3A_220 = arith.addf %get3A_212, %get3A_219 : vector<16xf32>
          %swap3A = arith.index_cast %squeeze3A : i32 to index
          %swap3A_221 = arith.index_cast %mul3A_209 : i32 to index
          %swap3A_222 = tpu.vector_load %arg12[%swap3A, %swap3A_221] {strides = array<i32>} : memref<257x256xf32, #tpu.memory_space<vmem>>, vector<16xf32>,
          tpu.vector_store %arg12[%swap3A, %swap3A_221], %add3A_220 {strides = array<i32>} : memref<257x256xf32, #tpu.memory_space<vmem>>, vector<16xf32>,
        }
        %scan3A_97 = arith.constant 16 : i32
        %slice3A_98 = vector.extract_strided_slice %get3A_92 {offsets = [1], sizes = [1], strides = [1]} : vector<16xi32> to vector<1xi32>
        %squeeze3A_99 = vector.extract %slice3A_98[0] : i32 from vector<1xi32>
        %scan3A_100 = arith.constant 0 : i32
        %scan3A_101 = arith.constant 16 : i32
        %scan3A_102 = arith.addi %scan3A_100, %scan3A_101 : i32
        %scan3A_103 = arith.constant 1 : i32
        scf.for %scan3A_203 = %scan3A_100 to %scan3A_102 step %scan3A_103  : i32 {
          %mul3A_204 = arith.constant 1 : i32
          %mul3A_205 = arith.muli %scan3A_203, %mul3A_204 : i32
          %add3A_206 = arith.constant 0 : i32
          %add3A_207 = arith.addi %add3A_206, %mul3A_205 : i32
          %mul3A_208 = arith.constant 16 : i32
          %mul3A_209 = arith.muli %add3A_207, %mul3A_208 : i32
          %get3A_210 = arith.index_cast %squeeze3A_99 : i32 to index
          %get3A_211 = arith.index_cast %mul3A_209 : i32 to index
          %get3A_212 = tpu.vector_load %arg12[%get3A_210, %get3A_211] {strides = array<i32>} : memref<257x256xf32, #tpu.memory_space<vmem>>, vector<16xf32>,
          %mul3A_213 = arith.constant 16 : i32
          %mul3A_214 = arith.muli %add3A_86, %mul3A_213 : i32
          %add3A_215 = arith.constant 1 : i32
          %add3A_216 = arith.addi %mul3A_214, %add3A_215 : i32
          %get3A_217 = arith.index_cast %add3A_216 : i32 to index
          %get3A_218 = arith.index_cast %mul3A_209 : i32 to index
          %get3A_219 = tpu.vector_load %arg9[%get3A_217, %get3A_218] {strides = array<i32>} : memref<64x256xf32, #tpu.memory_space<vmem>>, vector<16xf32>,
          %add3A_220 = arith.addf %get3A_212, %get3A_219 : vector<16xf32>
          %swap3A = arith.index_cast %squeeze3A_99 : i32 to index
          %swap3A_221 = arith.index_cast %mul3A_209 : i32 to index
          %swap3A_222 = tpu.vector_load %arg12[%swap3A, %swap3A_221] {strides = array<i32>} : memref<257x256xf32, #tpu.memory_space<vmem>>, vector<16xf32>,
          tpu.vector_store %arg12[%swap3A, %swap3A_221], %add3A_220 {strides = array<i32>} : memref<257x256xf32, #tpu.memory_space<vmem>>, vector<16xf32>,
        }
        %scan3A_104 = arith.constant 16 : i32
        %slice3A_105 = vector.extract_strided_slice %get3A_92 {offsets = [2], sizes = [1], strides = [1]} : vector<16xi32> to vector<1xi32>
        %squeeze3A_106 = vector.extract %slice3A_105[0] : i32 from vector<1xi32>
        %scan3A_107 = arith.constant 0 : i32
        %scan3A_108 = arith.constant 16 : i32
        %scan3A_109 = arith.addi %scan3A_107, %scan3A_108 : i32
        %scan3A_110 = arith.constant 1 : i32
        scf.for %scan3A_203 = %scan3A_107 to %scan3A_109 step %scan3A_110  : i32 {
          %mul3A_204 = arith.constant 1 : i32
          %mul3A_205 = arith.muli %scan3A_203, %mul3A_204 : i32
          %add3A_206 = arith.constant 0 : i32
          %add3A_207 = arith.addi %add3A_206, %mul3A_205 : i32
          %mul3A_208 = arith.constant 16 : i32
          %mul3A_209 = arith.muli %add3A_207, %mul3A_208 : i32
          %get3A_210 = arith.index_cast %squeeze3A_106 : i32 to index
          %get3A_211 = arith.index_cast %mul3A_209 : i32 to index
          %get3A_212 = tpu.vector_load %arg12[%get3A_210, %get3A_211] {strides = array<i32>} : memref<257x256xf32, #tpu.memory_space<vmem>>, vector<16xf32>,
          %mul3A_213 = arith.constant 16 : i32
          %mul3A_214 = arith.muli %add3A_86, %mul3A_213 : i32
          %add3A_215 = arith.constant 2 : i32
          %add3A_216 = arith.addi %mul3A_214, %add3A_215 : i32
          %get3A_217 = arith.index_cast %add3A_216 : i32 to index
          %get3A_218 = arith.index_cast %mul3A_209 : i32 to index
          %get3A_219 = tpu.vector_load %arg9[%get3A_217, %get3A_218] {strides = array<i32>} : memref<64x256xf32, #tpu.memory_space<vmem>>, vector<16xf32>,
          %add3A_220 = arith.addf %get3A_212, %get3A_219 : vector<16xf32>
          %swap3A = arith.index_cast %squeeze3A_106 : i32 to index
          %swap3A_221 = arith.index_cast %mul3A_209 : i32 to index
          %swap3A_222 = tpu.vector_load %arg12[%swap3A, %swap3A_221] {strides = array<i32>} : memref<257x256xf32, #tpu.memory_space<vmem>>, vector<16xf32>,
          tpu.vector_store %arg12[%swap3A, %swap3A_221], %add3A_220 {strides = array<i32>} : memref<257x256xf32, #tpu.memory_space<vmem>>, vector<16xf32>,
        }
        %scan3A_111 = arith.constant 16 : i32
        %slice3A_112 = vector.extract_strided_slice %get3A_92 {offsets = [3], sizes = [1], strides = [1]} : vector<16xi32> to vector<1xi32>
        %squeeze3A_113 = vector.extract %slice3A_112[0] : i32 from vector<1xi32>
        %scan3A_114 = arith.constant 0 : i32
        %scan3A_115 = arith.constant 16 : i32
        %scan3A_116 = arith.addi %scan3A_114, %scan3A_115 : i32
        %scan3A_117 = arith.constant 1 : i32
        scf.for %scan3A_203 = %scan3A_114 to %scan3A_116 step %scan3A_117  : i32 {
          %mul3A_204 = arith.constant 1 : i32
          %mul3A_205 = arith.muli %scan3A_203, %mul3A_204 : i32
          %add3A_206 = arith.constant 0 : i32
          %add3A_207 = arith.addi %add3A_206, %mul3A_205 : i32
          %mul3A_208 = arith.constant 16 : i32
          %mul3A_209 = arith.muli %add3A_207, %mul3A_208 : i32
          %get3A_210 = arith.index_cast %squeeze3A_113 : i32 to index
          %get3A_211 = arith.index_cast %mul3A_209 : i32 to index
          %get3A_212 = tpu.vector_load %arg12[%get3A_210, %get3A_211] {strides = array<i32>} : memref<257x256xf32, #tpu.memory_space<vmem>>, vector<16xf32>,
          %mul3A_213 = arith.constant 16 : i32
          %mul3A_214 = arith.muli %add3A_86, %mul3A_213 : i32
          %add3A_215 = arith.constant 3 : i32
          %add3A_216 = arith.addi %mul3A_214, %add3A_215 : i32
          %get3A_217 = arith.index_cast %add3A_216 : i32 to index
          %get3A_218 = arith.index_cast %mul3A_209 : i32 to index
          %get3A_219 = tpu.vector_load %arg9[%get3A_217, %get3A_218] {strides = array<i32>} : memref<64x256xf32, #tpu.memory_space<vmem>>, vector<16xf32>,
          %add3A_220 = arith.addf %get3A_212, %get3A_219 : vector<16xf32>
          %swap3A = arith.index_cast %squeeze3A_113 : i32 to index
          %swap3A_221 = arith.index_cast %mul3A_209 : i32 to index
          %swap3A_222 = tpu.vector_load %arg12[%swap3A, %swap3A_221] {strides = array<i32>} : memref<257x256xf32, #tpu.memory_space<vmem>>, vector<16xf32>,
          tpu.vector_store %arg12[%swap3A, %swap3A_221], %add3A_220 {strides = array<i32>} : memref<257x256xf32, #tpu.memory_space<vmem>>, vector<16xf32>,
        }
        %scan3A_118 = arith.constant 16 : i32
        %slice3A_119 = vector.extract_strided_slice %get3A_92 {offsets = [4], sizes = [1], strides = [1]} : vector<16xi32> to vector<1xi32>
        %squeeze3A_120 = vector.extract %slice3A_119[0] : i32 from vector<1xi32>
        %scan3A_121 = arith.constant 0 : i32
        %scan3A_122 = arith.constant 16 : i32
        %scan3A_123 = arith.addi %scan3A_121, %scan3A_122 : i32
        %scan3A_124 = arith.constant 1 : i32
        scf.for %scan3A_203 = %scan3A_121 to %scan3A_123 step %scan3A_124  : i32 {
          %mul3A_204 = arith.constant 1 : i32
          %mul3A_205 = arith.muli %scan3A_203, %mul3A_204 : i32
          %add3A_206 = arith.constant 0 : i32
          %add3A_207 = arith.addi %add3A_206, %mul3A_205 : i32
          %mul3A_208 = arith.constant 16 : i32
          %mul3A_209 = arith.muli %add3A_207, %mul3A_208 : i32
          %get3A_210 = arith.index_cast %squeeze3A_120 : i32 to index
          %get3A_211 = arith.index_cast %mul3A_209 : i32 to index
          %get3A_212 = tpu.vector_load %arg12[%get3A_210, %get3A_211] {strides = array<i32>} : memref<257x256xf32, #tpu.memory_space<vmem>>, vector<16xf32>,
          %mul3A_213 = arith.constant 16 : i32
          %mul3A_214 = arith.muli %add3A_86, %mul3A_213 : i32
          %add3A_215 = arith.constant 4 : i32
          %add3A_216 = arith.addi %mul3A_214, %add3A_215 : i32
          %get3A_217 = arith.index_cast %add3A_216 : i32 to index
          %get3A_218 = arith.index_cast %mul3A_209 : i32 to index
          %get3A_219 = tpu.vector_load %arg9[%get3A_217, %get3A_218] {strides = array<i32>} : memref<64x256xf32, #tpu.memory_space<vmem>>, vector<16xf32>,
          %add3A_220 = arith.addf %get3A_212, %get3A_219 : vector<16xf32>
          %swap3A = arith.index_cast %squeeze3A_120 : i32 to index
          %swap3A_221 = arith.index_cast %mul3A_209 : i32 to index
          %swap3A_222 = tpu.vector_load %arg12[%swap3A, %swap3A_221] {strides = array<i32>} : memref<257x256xf32, #tpu.memory_space<vmem>>, vector<16xf32>,
          tpu.vector_store %arg12[%swap3A, %swap3A_221], %add3A_220 {strides = array<i32>} : memref<257x256xf32, #tpu.memory_space<vmem>>, vector<16xf32>,
        }
        %scan3A_125 = arith.constant 16 : i32
        %slice3A_126 = vector.extract_strided_slice %get3A_92 {offsets = [5], sizes = [1], strides = [1]} : vector<16xi32> to vector<1xi32>
        %squeeze3A_127 = vector.extract %slice3A_126[0] : i32 from vector<1xi32>
        %scan3A_128 = arith.constant 0 : i32
        %scan3A_129 = arith.constant 16 : i32
        %scan3A_130 = arith.addi %scan3A_128, %scan3A_129 : i32
        %scan3A_131 = arith.constant 1 : i32
        scf.for %scan3A_203 = %scan3A_128 to %scan3A_130 step %scan3A_131  : i32 {
          %mul3A_204 = arith.constant 1 : i32
          %mul3A_205 = arith.muli %scan3A_203, %mul3A_204 : i32
          %add3A_206 = arith.constant 0 : i32
          %add3A_207 = arith.addi %add3A_206, %mul3A_205 : i32
          %mul3A_208 = arith.constant 16 : i32
          %mul3A_209 = arith.muli %add3A_207, %mul3A_208 : i32
          %get3A_210 = arith.index_cast %squeeze3A_127 : i32 to index
          %get3A_211 = arith.index_cast %mul3A_209 : i32 to index
          %get3A_212 = tpu.vector_load %arg12[%get3A_210, %get3A_211] {strides = array<i32>} : memref<257x256xf32, #tpu.memory_space<vmem>>, vector<16xf32>,
          %mul3A_213 = arith.constant 16 : i32
          %mul3A_214 = arith.muli %add3A_86, %mul3A_213 : i32
          %add3A_215 = arith.constant 5 : i32
          %add3A_216 = arith.addi %mul3A_214, %add3A_215 : i32
          %get3A_217 = arith.index_cast %add3A_216 : i32 to index
          %get3A_218 = arith.index_cast %mul3A_209 : i32 to index
          %get3A_219 = tpu.vector_load %arg9[%get3A_217, %get3A_218] {strides = array<i32>} : memref<64x256xf32, #tpu.memory_space<vmem>>, vector<16xf32>,
          %add3A_220 = arith.addf %get3A_212, %get3A_219 : vector<16xf32>
          %swap3A = arith.index_cast %squeeze3A_127 : i32 to index
          %swap3A_221 = arith.index_cast %mul3A_209 : i32 to index
          %swap3A_222 = tpu.vector_load %arg12[%swap3A, %swap3A_221] {strides = array<i32>} : memref<257x256xf32, #tpu.memory_space<vmem>>, vector<16xf32>,
          tpu.vector_store %arg12[%swap3A, %swap3A_221], %add3A_220 {strides = array<i32>} : memref<257x256xf32, #tpu.memory_space<vmem>>, vector<16xf32>,
        }
        %scan3A_132 = arith.constant 16 : i32
        %slice3A_133 = vector.extract_strided_slice %get3A_92 {offsets = [6], sizes = [1], strides = [1]} : vector<16xi32> to vector<1xi32>
        %squeeze3A_134 = vector.extract %slice3A_133[0] : i32 from vector<1xi32>
        %scan3A_135 = arith.constant 0 : i32
        %scan3A_136 = arith.constant 16 : i32
        %scan3A_137 = arith.addi %scan3A_135, %scan3A_136 : i32
        %scan3A_138 = arith.constant 1 : i32
        scf.for %scan3A_203 = %scan3A_135 to %scan3A_137 step %scan3A_138  : i32 {
          %mul3A_204 = arith.constant 1 : i32
          %mul3A_205 = arith.muli %scan3A_203, %mul3A_204 : i32
          %add3A_206 = arith.constant 0 : i32
          %add3A_207 = arith.addi %add3A_206, %mul3A_205 : i32
          %mul3A_208 = arith.constant 16 : i32
          %mul3A_209 = arith.muli %add3A_207, %mul3A_208 : i32
          %get3A_210 = arith.index_cast %squeeze3A_134 : i32 to index
          %get3A_211 = arith.index_cast %mul3A_209 : i32 to index
          %get3A_212 = tpu.vector_load %arg12[%get3A_210, %get3A_211] {strides = array<i32>} : memref<257x256xf32, #tpu.memory_space<vmem>>, vector<16xf32>,
          %mul3A_213 = arith.constant 16 : i32
          %mul3A_214 = arith.muli %add3A_86, %mul3A_213 : i32
          %add3A_215 = arith.constant 6 : i32
          %add3A_216 = arith.addi %mul3A_214, %add3A_215 : i32
          %get3A_217 = arith.index_cast %add3A_216 : i32 to index
          %get3A_218 = arith.index_cast %mul3A_209 : i32 to index
          %get3A_219 = tpu.vector_load %arg9[%get3A_217, %get3A_218] {strides = array<i32>} : memref<64x256xf32, #tpu.memory_space<vmem>>, vector<16xf32>,
          %add3A_220 = arith.addf %get3A_212, %get3A_219 : vector<16xf32>
          %swap3A = arith.index_cast %squeeze3A_134 : i32 to index
          %swap3A_221 = arith.index_cast %mul3A_209 : i32 to index
          %swap3A_222 = tpu.vector_load %arg12[%swap3A, %swap3A_221] {strides = array<i32>} : memref<257x256xf32, #tpu.memory_space<vmem>>, vector<16xf32>,
          tpu.vector_store %arg12[%swap3A, %swap3A_221], %add3A_220 {strides = array<i32>} : memref<257x256xf32, #tpu.memory_space<vmem>>, vector<16xf32>,
        }
        %scan3A_139 = arith.constant 16 : i32
        %slice3A_140 = vector.extract_strided_slice %get3A_92 {offsets = [7], sizes = [1], strides = [1]} : vector<16xi32> to vector<1xi32>
        %squeeze3A_141 = vector.extract %slice3A_140[0] : i32 from vector<1xi32>
        %scan3A_142 = arith.constant 0 : i32
        %scan3A_143 = arith.constant 16 : i32
        %scan3A_144 = arith.addi %scan3A_142, %scan3A_143 : i32
        %scan3A_145 = arith.constant 1 : i32
        scf.for %scan3A_203 = %scan3A_142 to %scan3A_144 step %scan3A_145  : i32 {
          %mul3A_204 = arith.constant 1 : i32
          %mul3A_205 = arith.muli %scan3A_203, %mul3A_204 : i32
          %add3A_206 = arith.constant 0 : i32
          %add3A_207 = arith.addi %add3A_206, %mul3A_205 : i32
          %mul3A_208 = arith.constant 16 : i32
          %mul3A_209 = arith.muli %add3A_207, %mul3A_208 : i32
          %get3A_210 = arith.index_cast %squeeze3A_141 : i32 to index
          %get3A_211 = arith.index_cast %mul3A_209 : i32 to index
          %get3A_212 = tpu.vector_load %arg12[%get3A_210, %get3A_211] {strides = array<i32>} : memref<257x256xf32, #tpu.memory_space<vmem>>, vector<16xf32>,
          %mul3A_213 = arith.constant 16 : i32
          %mul3A_214 = arith.muli %add3A_86, %mul3A_213 : i32
          %add3A_215 = arith.constant 7 : i32
          %add3A_216 = arith.addi %mul3A_214, %add3A_215 : i32
          %get3A_217 = arith.index_cast %add3A_216 : i32 to index
          %get3A_218 = arith.index_cast %mul3A_209 : i32 to index
          %get3A_219 = tpu.vector_load %arg9[%get3A_217, %get3A_218] {strides = array<i32>} : memref<64x256xf32, #tpu.memory_space<vmem>>, vector<16xf32>,
          %add3A_220 = arith.addf %get3A_212, %get3A_219 : vector<16xf32>
          %swap3A = arith.index_cast %squeeze3A_141 : i32 to index
          %swap3A_221 = arith.index_cast %mul3A_209 : i32 to index
          %swap3A_222 = tpu.vector_load %arg12[%swap3A, %swap3A_221] {strides = array<i32>} : memref<257x256xf32, #tpu.memory_space<vmem>>, vector<16xf32>,
          tpu.vector_store %arg12[%swap3A, %swap3A_221], %add3A_220 {strides = array<i32>} : memref<257x256xf32, #tpu.memory_space<vmem>>, vector<16xf32>,
        }
        %scan3A_146 = arith.constant 16 : i32
        %slice3A_147 = vector.extract_strided_slice %get3A_92 {offsets = [8], sizes = [1], strides = [1]} : vector<16xi32> to vector<1xi32>
        %squeeze3A_148 = vector.extract %slice3A_147[0] : i32 from vector<1xi32>
        %scan3A_149 = arith.constant 0 : i32
        %scan3A_150 = arith.constant 16 : i32
        %scan3A_151 = arith.addi %scan3A_149, %scan3A_150 : i32
        %scan3A_152 = arith.constant 1 : i32
        scf.for %scan3A_203 = %scan3A_149 to %scan3A_151 step %scan3A_152  : i32 {
          %mul3A_204 = arith.constant 1 : i32
          %mul3A_205 = arith.muli %scan3A_203, %mul3A_204 : i32
          %add3A_206 = arith.constant 0 : i32
          %add3A_207 = arith.addi %add3A_206, %mul3A_205 : i32
          %mul3A_208 = arith.constant 16 : i32
          %mul3A_209 = arith.muli %add3A_207, %mul3A_208 : i32
          %get3A_210 = arith.index_cast %squeeze3A_148 : i32 to index
          %get3A_211 = arith.index_cast %mul3A_209 : i32 to index
          %get3A_212 = tpu.vector_load %arg12[%get3A_210, %get3A_211] {strides = array<i32>} : memref<257x256xf32, #tpu.memory_space<vmem>>, vector<16xf32>,
          %mul3A_213 = arith.constant 16 : i32
          %mul3A_214 = arith.muli %add3A_86, %mul3A_213 : i32
          %add3A_215 = arith.constant 8 : i32
          %add3A_216 = arith.addi %mul3A_214, %add3A_215 : i32
          %get3A_217 = arith.index_cast %add3A_216 : i32 to index
          %get3A_218 = arith.index_cast %mul3A_209 : i32 to index
          %get3A_219 = tpu.vector_load %arg9[%get3A_217, %get3A_218] {strides = array<i32>} : memref<64x256xf32, #tpu.memory_space<vmem>>, vector<16xf32>,
          %add3A_220 = arith.addf %get3A_212, %get3A_219 : vector<16xf32>
          %swap3A = arith.index_cast %squeeze3A_148 : i32 to index
          %swap3A_221 = arith.index_cast %mul3A_209 : i32 to index
          %swap3A_222 = tpu.vector_load %arg12[%swap3A, %swap3A_221] {strides = array<i32>} : memref<257x256xf32, #tpu.memory_space<vmem>>, vector<16xf32>,
          tpu.vector_store %arg12[%swap3A, %swap3A_221], %add3A_220 {strides = array<i32>} : memref<257x256xf32, #tpu.memory_space<vmem>>, vector<16xf32>,
        }
        %scan3A_153 = arith.constant 16 : i32
        %slice3A_154 = vector.extract_strided_slice %get3A_92 {offsets = [9], sizes = [1], strides = [1]} : vector<16xi32> to vector<1xi32>
        %squeeze3A_155 = vector.extract %slice3A_154[0] : i32 from vector<1xi32>
        %scan3A_156 = arith.constant 0 : i32
        %scan3A_157 = arith.constant 16 : i32
        %scan3A_158 = arith.addi %scan3A_156, %scan3A_157 : i32
        %scan3A_159 = arith.constant 1 : i32
        scf.for %scan3A_203 = %scan3A_156 to %scan3A_158 step %scan3A_159  : i32 {
          %mul3A_204 = arith.constant 1 : i32
          %mul3A_205 = arith.muli %scan3A_203, %mul3A_204 : i32
          %add3A_206 = arith.constant 0 : i32
          %add3A_207 = arith.addi %add3A_206, %mul3A_205 : i32
          %mul3A_208 = arith.constant 16 : i32
          %mul3A_209 = arith.muli %add3A_207, %mul3A_208 : i32
          %get3A_210 = arith.index_cast %squeeze3A_155 : i32 to index
          %get3A_211 = arith.index_cast %mul3A_209 : i32 to index
          %get3A_212 = tpu.vector_load %arg12[%get3A_210, %get3A_211] {strides = array<i32>} : memref<257x256xf32, #tpu.memory_space<vmem>>, vector<16xf32>,
          %mul3A_213 = arith.constant 16 : i32
          %mul3A_214 = arith.muli %add3A_86, %mul3A_213 : i32
          %add3A_215 = arith.constant 9 : i32
          %add3A_216 = arith.addi %mul3A_214, %add3A_215 : i32
          %get3A_217 = arith.index_cast %add3A_216 : i32 to index
          %get3A_218 = arith.index_cast %mul3A_209 : i32 to index
          %get3A_219 = tpu.vector_load %arg9[%get3A_217, %get3A_218] {strides = array<i32>} : memref<64x256xf32, #tpu.memory_space<vmem>>, vector<16xf32>,
          %add3A_220 = arith.addf %get3A_212, %get3A_219 : vector<16xf32>
          %swap3A = arith.index_cast %squeeze3A_155 : i32 to index
          %swap3A_221 = arith.index_cast %mul3A_209 : i32 to index
          %swap3A_222 = tpu.vector_load %arg12[%swap3A, %swap3A_221] {strides = array<i32>} : memref<257x256xf32, #tpu.memory_space<vmem>>, vector<16xf32>,
          tpu.vector_store %arg12[%swap3A, %swap3A_221], %add3A_220 {strides = array<i32>} : memref<257x256xf32, #tpu.memory_space<vmem>>, vector<16xf32>,
        }
        %scan3A_160 = arith.constant 16 : i32
        %slice3A_161 = vector.extract_strided_slice %get3A_92 {offsets = [10], sizes = [1], strides = [1]} : vector<16xi32> to vector<1xi32>
        %squeeze3A_162 = vector.extract %slice3A_161[0] : i32 from vector<1xi32>
        %scan3A_163 = arith.constant 0 : i32
        %scan3A_164 = arith.constant 16 : i32
        %scan3A_165 = arith.addi %scan3A_163, %scan3A_164 : i32
        %scan3A_166 = arith.constant 1 : i32
        scf.for %scan3A_203 = %scan3A_163 to %scan3A_165 step %scan3A_166  : i32 {
          %mul3A_204 = arith.constant 1 : i32
          %mul3A_205 = arith.muli %scan3A_203, %mul3A_204 : i32
          %add3A_206 = arith.constant 0 : i32
          %add3A_207 = arith.addi %add3A_206, %mul3A_205 : i32
          %mul3A_208 = arith.constant 16 : i32
          %mul3A_209 = arith.muli %add3A_207, %mul3A_208 : i32
          %get3A_210 = arith.index_cast %squeeze3A_162 : i32 to index
          %get3A_211 = arith.index_cast %mul3A_209 : i32 to index
          %get3A_212 = tpu.vector_load %arg12[%get3A_210, %get3A_211] {strides = array<i32>} : memref<257x256xf32, #tpu.memory_space<vmem>>, vector<16xf32>,
          %mul3A_213 = arith.constant 16 : i32
          %mul3A_214 = arith.muli %add3A_86, %mul3A_213 : i32
          %add3A_215 = arith.constant 10 : i32
          %add3A_216 = arith.addi %mul3A_214, %add3A_215 : i32
          %get3A_217 = arith.index_cast %add3A_216 : i32 to index
          %get3A_218 = arith.index_cast %mul3A_209 : i32 to index
          %get3A_219 = tpu.vector_load %arg9[%get3A_217, %get3A_218] {strides = array<i32>} : memref<64x256xf32, #tpu.memory_space<vmem>>, vector<16xf32>,
          %add3A_220 = arith.addf %get3A_212, %get3A_219 : vector<16xf32>
          %swap3A = arith.index_cast %squeeze3A_162 : i32 to index
          %swap3A_221 = arith.index_cast %mul3A_209 : i32 to index
          %swap3A_222 = tpu.vector_load %arg12[%swap3A, %swap3A_221] {strides = array<i32>} : memref<257x256xf32, #tpu.memory_space<vmem>>, vector<16xf32>,
          tpu.vector_store %arg12[%swap3A, %swap3A_221], %add3A_220 {strides = array<i32>} : memref<257x256xf32, #tpu.memory_space<vmem>>, vector<16xf32>,
        }
        %scan3A_167 = arith.constant 16 : i32
        %slice3A_168 = vector.extract_strided_slice %get3A_92 {offsets = [11], sizes = [1], strides = [1]} : vector<16xi32> to vector<1xi32>
        %squeeze3A_169 = vector.extract %slice3A_168[0] : i32 from vector<1xi32>
        %scan3A_170 = arith.constant 0 : i32
        %scan3A_171 = arith.constant 16 : i32
        %scan3A_172 = arith.addi %scan3A_170, %scan3A_171 : i32
        %scan3A_173 = arith.constant 1 : i32
        scf.for %scan3A_203 = %scan3A_170 to %scan3A_172 step %scan3A_173  : i32 {
          %mul3A_204 = arith.constant 1 : i32
          %mul3A_205 = arith.muli %scan3A_203, %mul3A_204 : i32
          %add3A_206 = arith.constant 0 : i32
          %add3A_207 = arith.addi %add3A_206, %mul3A_205 : i32
          %mul3A_208 = arith.constant 16 : i32
          %mul3A_209 = arith.muli %add3A_207, %mul3A_208 : i32
          %get3A_210 = arith.index_cast %squeeze3A_169 : i32 to index
          %get3A_211 = arith.index_cast %mul3A_209 : i32 to index
          %get3A_212 = tpu.vector_load %arg12[%get3A_210, %get3A_211] {strides = array<i32>} : memref<257x256xf32, #tpu.memory_space<vmem>>, vector<16xf32>,
          %mul3A_213 = arith.constant 16 : i32
          %mul3A_214 = arith.muli %add3A_86, %mul3A_213 : i32
          %add3A_215 = arith.constant 11 : i32
          %add3A_216 = arith.addi %mul3A_214, %add3A_215 : i32
          %get3A_217 = arith.index_cast %add3A_216 : i32 to index
          %get3A_218 = arith.index_cast %mul3A_209 : i32 to index
          %get3A_219 = tpu.vector_load %arg9[%get3A_217, %get3A_218] {strides = array<i32>} : memref<64x256xf32, #tpu.memory_space<vmem>>, vector<16xf32>,
          %add3A_220 = arith.addf %get3A_212, %get3A_219 : vector<16xf32>
          %swap3A = arith.index_cast %squeeze3A_169 : i32 to index
          %swap3A_221 = arith.index_cast %mul3A_209 : i32 to index
          %swap3A_222 = tpu.vector_load %arg12[%swap3A, %swap3A_221] {strides = array<i32>} : memref<257x256xf32, #tpu.memory_space<vmem>>, vector<16xf32>,
          tpu.vector_store %arg12[%swap3A, %swap3A_221], %add3A_220 {strides = array<i32>} : memref<257x256xf32, #tpu.memory_space<vmem>>, vector<16xf32>,
        }
        %scan3A_174 = arith.constant 16 : i32
        %slice3A_175 = vector.extract_strided_slice %get3A_92 {offsets = [12], sizes = [1], strides = [1]} : vector<16xi32> to vector<1xi32>
        %squeeze3A_176 = vector.extract %slice3A_175[0] : i32 from vector<1xi32>
        %scan3A_177 = arith.constant 0 : i32
        %scan3A_178 = arith.constant 16 : i32
        %scan3A_179 = arith.addi %scan3A_177, %scan3A_178 : i32
        %scan3A_180 = arith.constant 1 : i32
        scf.for %scan3A_203 = %scan3A_177 to %scan3A_179 step %scan3A_180  : i32 {
          %mul3A_204 = arith.constant 1 : i32
          %mul3A_205 = arith.muli %scan3A_203, %mul3A_204 : i32
          %add3A_206 = arith.constant 0 : i32
          %add3A_207 = arith.addi %add3A_206, %mul3A_205 : i32
          %mul3A_208 = arith.constant 16 : i32
          %mul3A_209 = arith.muli %add3A_207, %mul3A_208 : i32
          %get3A_210 = arith.index_cast %squeeze3A_176 : i32 to index
          %get3A_211 = arith.index_cast %mul3A_209 : i32 to index
          %get3A_212 = tpu.vector_load %arg12[%get3A_210, %get3A_211] {strides = array<i32>} : memref<257x256xf32, #tpu.memory_space<vmem>>, vector<16xf32>,
          %mul3A_213 = arith.constant 16 : i32
          %mul3A_214 = arith.muli %add3A_86, %mul3A_213 : i32
          %add3A_215 = arith.constant 12 : i32
          %add3A_216 = arith.addi %mul3A_214, %add3A_215 : i32
          %get3A_217 = arith.index_cast %add3A_216 : i32 to index
          %get3A_218 = arith.index_cast %mul3A_209 : i32 to index
          %get3A_219 = tpu.vector_load %arg9[%get3A_217, %get3A_218] {strides = array<i32>} : memref<64x256xf32, #tpu.memory_space<vmem>>, vector<16xf32>,
          %add3A_220 = arith.addf %get3A_212, %get3A_219 : vector<16xf32>
          %swap3A = arith.index_cast %squeeze3A_176 : i32 to index
          %swap3A_221 = arith.index_cast %mul3A_209 : i32 to index
          %swap3A_222 = tpu.vector_load %arg12[%swap3A, %swap3A_221] {strides = array<i32>} : memref<257x256xf32, #tpu.memory_space<vmem>>, vector<16xf32>,
          tpu.vector_store %arg12[%swap3A, %swap3A_221], %add3A_220 {strides = array<i32>} : memref<257x256xf32, #tpu.memory_space<vmem>>, vector<16xf32>,
        }
        %scan3A_181 = arith.constant 16 : i32
        %slice3A_182 = vector.extract_strided_slice %get3A_92 {offsets = [13], sizes = [1], strides = [1]} : vector<16xi32> to vector<1xi32>
        %squeeze3A_183 = vector.extract %slice3A_182[0] : i32 from vector<1xi32>
        %scan3A_184 = arith.constant 0 : i32
        %scan3A_185 = arith.constant 16 : i32
        %scan3A_186 = arith.addi %scan3A_184, %scan3A_185 : i32
        %scan3A_187 = arith.constant 1 : i32
        scf.for %scan3A_203 = %scan3A_184 to %scan3A_186 step %scan3A_187  : i32 {
          %mul3A_204 = arith.constant 1 : i32
          %mul3A_205 = arith.muli %scan3A_203, %mul3A_204 : i32
          %add3A_206 = arith.constant 0 : i32
          %add3A_207 = arith.addi %add3A_206, %mul3A_205 : i32
          %mul3A_208 = arith.constant 16 : i32
          %mul3A_209 = arith.muli %add3A_207, %mul3A_208 : i32
          %get3A_210 = arith.index_cast %squeeze3A_183 : i32 to index
          %get3A_211 = arith.index_cast %mul3A_209 : i32 to index
          %get3A_212 = tpu.vector_load %arg12[%get3A_210, %get3A_211] {strides = array<i32>} : memref<257x256xf32, #tpu.memory_space<vmem>>, vector<16xf32>,
          %mul3A_213 = arith.constant 16 : i32
          %mul3A_214 = arith.muli %add3A_86, %mul3A_213 : i32
          %add3A_215 = arith.constant 13 : i32
          %add3A_216 = arith.addi %mul3A_214, %add3A_215 : i32
          %get3A_217 = arith.index_cast %add3A_216 : i32 to index
          %get3A_218 = arith.index_cast %mul3A_209 : i32 to index
          %get3A_219 = tpu.vector_load %arg9[%get3A_217, %get3A_218] {strides = array<i32>} : memref<64x256xf32, #tpu.memory_space<vmem>>, vector<16xf32>,
          %add3A_220 = arith.addf %get3A_212, %get3A_219 : vector<16xf32>
          %swap3A = arith.index_cast %squeeze3A_183 : i32 to index
          %swap3A_221 = arith.index_cast %mul3A_209 : i32 to index
          %swap3A_222 = tpu.vector_load %arg12[%swap3A, %swap3A_221] {strides = array<i32>} : memref<257x256xf32, #tpu.memory_space<vmem>>, vector<16xf32>,
          tpu.vector_store %arg12[%swap3A, %swap3A_221], %add3A_220 {strides = array<i32>} : memref<257x256xf32, #tpu.memory_space<vmem>>, vector<16xf32>,
        }
        %scan3A_188 = arith.constant 16 : i32
        %slice3A_189 = vector.extract_strided_slice %get3A_92 {offsets = [14], sizes = [1], strides = [1]} : vector<16xi32> to vector<1xi32>
        %squeeze3A_190 = vector.extract %slice3A_189[0] : i32 from vector<1xi32>
        %scan3A_191 = arith.constant 0 : i32
        %scan3A_192 = arith.constant 16 : i32
        %scan3A_193 = arith.addi %scan3A_191, %scan3A_192 : i32
        %scan3A_194 = arith.constant 1 : i32
        scf.for %scan3A_203 = %scan3A_191 to %scan3A_193 step %scan3A_194  : i32 {
          %mul3A_204 = arith.constant 1 : i32
          %mul3A_205 = arith.muli %scan3A_203, %mul3A_204 : i32
          %add3A_206 = arith.constant 0 : i32
          %add3A_207 = arith.addi %add3A_206, %mul3A_205 : i32
          %mul3A_208 = arith.constant 16 : i32
          %mul3A_209 = arith.muli %add3A_207, %mul3A_208 : i32
          %get3A_210 = arith.index_cast %squeeze3A_190 : i32 to index
          %get3A_211 = arith.index_cast %mul3A_209 : i32 to index
          %get3A_212 = tpu.vector_load %arg12[%get3A_210, %get3A_211] {strides = array<i32>} : memref<257x256xf32, #tpu.memory_space<vmem>>, vector<16xf32>,
          %mul3A_213 = arith.constant 16 : i32
          %mul3A_214 = arith.muli %add3A_86, %mul3A_213 : i32
          %add3A_215 = arith.constant 14 : i32
          %add3A_216 = arith.addi %mul3A_214, %add3A_215 : i32
          %get3A_217 = arith.index_cast %add3A_216 : i32 to index
          %get3A_218 = arith.index_cast %mul3A_209 : i32 to index
          %get3A_219 = tpu.vector_load %arg9[%get3A_217, %get3A_218] {strides = array<i32>} : memref<64x256xf32, #tpu.memory_space<vmem>>, vector<16xf32>,
          %add3A_220 = arith.addf %get3A_212, %get3A_219 : vector<16xf32>
          %swap3A = arith.index_cast %squeeze3A_190 : i32 to index
          %swap3A_221 = arith.index_cast %mul3A_209 : i32 to index
          %swap3A_222 = tpu.vector_load %arg12[%swap3A, %swap3A_221] {strides = array<i32>} : memref<257x256xf32, #tpu.memory_space<vmem>>, vector<16xf32>,
          tpu.vector_store %arg12[%swap3A, %swap3A_221], %add3A_220 {strides = array<i32>} : memref<257x256xf32, #tpu.memory_space<vmem>>, vector<16xf32>,
        }
        %scan3A_195 = arith.constant 16 : i32
        %slice3A_196 = vector.extract_strided_slice %get3A_92 {offsets = [15], sizes = [1], strides = [1]} : vector<16xi32> to vector<1xi32>
        %squeeze3A_197 = vector.extract %slice3A_196[0] : i32 from vector<1xi32>
        %scan3A_198 = arith.constant 0 : i32
        %scan3A_199 = arith.constant 16 : i32
        %scan3A_200 = arith.addi %scan3A_198, %scan3A_199 : i32
        %scan3A_201 = arith.constant 1 : i32
        scf.for %scan3A_203 = %scan3A_198 to %scan3A_200 step %scan3A_201  : i32 {
          %mul3A_204 = arith.constant 1 : i32
          %mul3A_205 = arith.muli %scan3A_203, %mul3A_204 : i32
          %add3A_206 = arith.constant 0 : i32
          %add3A_207 = arith.addi %add3A_206, %mul3A_205 : i32
          %mul3A_208 = arith.constant 16 : i32
          %mul3A_209 = arith.muli %add3A_207, %mul3A_208 : i32
          %get3A_210 = arith.index_cast %squeeze3A_197 : i32 to index
          %get3A_211 = arith.index_cast %mul3A_209 : i32 to index
          %get3A_212 = tpu.vector_load %arg12[%get3A_210, %get3A_211] {strides = array<i32>} : memref<257x256xf32, #tpu.memory_space<vmem>>, vector<16xf32>,
          %mul3A_213 = arith.constant 16 : i32
          %mul3A_214 = arith.muli %add3A_86, %mul3A_213 : i32
          %add3A_215 = arith.constant 15 : i32
          %add3A_216 = arith.addi %mul3A_214, %add3A_215 : i32
          %get3A_217 = arith.index_cast %add3A_216 : i32 to index
          %get3A_218 = arith.index_cast %mul3A_209 : i32 to index
          %get3A_219 = tpu.vector_load %arg9[%get3A_217, %get3A_218] {strides = array<i32>} : memref<64x256xf32, #tpu.memory_space<vmem>>, vector<16xf32>,
          %add3A_220 = arith.addf %get3A_212, %get3A_219 : vector<16xf32>
          %swap3A = arith.index_cast %squeeze3A_197 : i32 to index
          %swap3A_221 = arith.index_cast %mul3A_209 : i32 to index
          %swap3A_222 = tpu.vector_load %arg12[%swap3A, %swap3A_221] {strides = array<i32>} : memref<257x256xf32, #tpu.memory_space<vmem>>, vector<16xf32>,
          tpu.vector_store %arg12[%swap3A, %swap3A_221], %add3A_220 {strides = array<i32>} : memref<257x256xf32, #tpu.memory_space<vmem>>, vector<16xf32>,
        }
        %scan3A_202 = arith.constant 16 : i32
      }
      %scan3A_69 = arith.constant 4 : i32
      %add3A_70 = arith.constant 2 : i32
      %add3A_71 = arith.addi %mul3A_55, %add3A_70 : i32
      %lt3A_72 = arith.cmpi slt, %add3A_71, %div3A_27 : i32
      %convert_element_type3A_73 = arith.extui %lt3A_72 : i1 to i32
      %cond3A_74 = arith.constant 0 : i32
      %cond3A_75 = arith.cmpi ne, %convert_element_type3A_73, %cond3A_74 : i32
      scf.if %cond3A_75 {
        %add3A_82 = arith.constant 2 : i32
        %add3A_83 = arith.addi %mul3A_55, %add3A_82 : i32
        %mul3A_84 = arith.constant 64 : i32
        %mul3A_85 = arith.muli %add3A_83, %mul3A_84 : i32
        %dma_start3A = tpu.memref_slice %arg7[%mul3A_85] : memref<4112xi32, #tpu.memory_space<vmem>> -> memref<64xi32, #tpu.memory_space<vmem>>
        %dma_start3A_86 = arith.constant 0 : i32
        %dma_start3A_87 = arith.constant 0 : i32
        %dma_start3A_88 = tpu.memref_slice %arg3[%dma_start3A_86, %dma_start3A_87] : memref<4096x256xf32, #tpu.memory_space<hbm>> -> memref<4096x256xf32, #tpu.memory_space<hbm>>
        tpu.enqueue_indirect_dma source(%dma_start3A_88 : memref<4096x256xf32, #tpu.memory_space<hbm>>) target(%arg9 : memref<64x256xf32, #tpu.memory_space<vmem>>) offsets(%dma_start3A : memref<64xi32, #tpu.memory_space<vmem>>) semaphore(%arg13 : memref<!tpu.dma_semaphore, #tpu.memory_space<semaphore_mem>>)
      } else {
      }
      %add3A_76 = arith.constant 1 : i32
      %add3A_77 = arith.addi %mul3A_55, %add3A_76 : i32
      %lt3A_78 = arith.cmpi slt, %add3A_77, %div3A_27 : i32
      %convert_element_type3A_79 = arith.extui %lt3A_78 : i1 to i32
      %cond3A_80 = arith.constant 0 : i32
      %cond3A_81 = arith.cmpi ne, %convert_element_type3A_79, %cond3A_80 : i32
      scf.if %cond3A_81 {
        %dma_wait3A_82 = arith.constant 0 : i32
        %dma_wait3A_83 = tpu.memref_slice %arg7[%dma_wait3A_82] : memref<4112xi32, #tpu.memory_space<vmem>> -> memref<64xi32, #tpu.memory_space<vmem>>
        %dma_wait3A_84 = arith.constant 0 : i32
        %dma_wait3A_85 = arith.constant 0 : i32
        %dma_wait3A_86 = tpu.memref_slice %arg3[%dma_wait3A_84, %dma_wait3A_85] : memref<4096x256xf32, #tpu.memory_space<hbm>> -> memref<4096x256xf32, #tpu.memory_space<hbm>>
        tpu.wait_indirect_dma semaphore(%arg14 : memref<!tpu.dma_semaphore, #tpu.memory_space<semaphore_mem>>) src(%dma_wait3A_86 : memref<4096x256xf32, #tpu.memory_space<hbm>>) dst(%arg10 : memref<64x256xf32, #tpu.memory_space<vmem>>)
        %add3A_87 = arith.constant 1 : i32
        %add3A_88 = arith.addi %mul3A_55, %add3A_87 : i32
        %scan3A_89 = arith.constant 0 : i32
        %scan3A_90 = arith.constant 4 : i32
        %scan3A_91 = arith.addi %scan3A_89, %scan3A_90 : i32
        %scan3A_92 = arith.constant 1 : i32
        scf.for %scan3A_94 = %scan3A_89 to %scan3A_91 step %scan3A_92  : i32 {
          %mul3A_95 = arith.constant 1 : i32
          %mul3A_96 = arith.muli %scan3A_94, %mul3A_95 : i32
          %add3A_97 = arith.constant 0 : i32
          %add3A_98 = arith.addi %add3A_97, %mul3A_96 : i32
          %mul3A_99 = arith.constant 64 : i32
          %mul3A_100 = arith.muli %add3A_88, %mul3A_99 : i32
          %mul3A_101 = arith.constant 16 : i32
          %mul3A_102 = arith.muli %add3A_98, %mul3A_101 : i32
          %add3A_103 = arith.addi %mul3A_100, %mul3A_102 : i32
          %get3A = arith.index_cast %add3A_103 : i32 to index
          %get3A_104 = tpu.vector_load %arg8[%get3A] {strides = array<i32>} : memref<4112xi32, #tpu.memory_space<vmem>>, vector<16xi32>,
          %slice3A = vector.extract_strided_slice %get3A_104 {offsets = [0], sizes = [1], strides = [1]} : vector<16xi32> to vector<1xi32>
          %squeeze3A = vector.extract %slice3A[0] : i32 from vector<1xi32>
          %scan3A_105 = arith.constant 0 : i32
          %scan3A_106 = arith.constant 16 : i32
          %scan3A_107 = arith.addi %scan3A_105, %scan3A_106 : i32
          %scan3A_108 = arith.constant 1 : i32
          scf.for %scan3A_215 = %scan3A_105 to %scan3A_107 step %scan3A_108  : i32 {
            %mul3A_216 = arith.constant 1 : i32
            %mul3A_217 = arith.muli %scan3A_215, %mul3A_216 : i32
            %add3A_218 = arith.constant 0 : i32
            %add3A_219 = arith.addi %add3A_218, %mul3A_217 : i32
            %mul3A_220 = arith.constant 16 : i32
            %mul3A_221 = arith.muli %add3A_219, %mul3A_220 : i32
            %get3A_222 = arith.index_cast %squeeze3A : i32 to index
            %get3A_223 = arith.index_cast %mul3A_221 : i32 to index
            %get3A_224 = tpu.vector_load %arg12[%get3A_222, %get3A_223] {strides = array<i32>} : memref<257x256xf32, #tpu.memory_space<vmem>>, vector<16xf32>,
            %mul3A_225 = arith.constant 16 : i32
            %mul3A_226 = arith.muli %add3A_98, %mul3A_225 : i32
            %add3A_227 = arith.constant 0 : i32
            %add3A_228 = arith.addi %mul3A_226, %add3A_227 : i32
            %get3A_229 = arith.index_cast %add3A_228 : i32 to index
            %get3A_230 = arith.index_cast %mul3A_221 : i32 to index
            %get3A_231 = tpu.vector_load %arg10[%get3A_229, %get3A_230] {strides = array<i32>} : memref<64x256xf32, #tpu.memory_space<vmem>>, vector<16xf32>,
            %add3A_232 = arith.addf %get3A_224, %get3A_231 : vector<16xf32>
            %swap3A = arith.index_cast %squeeze3A : i32 to index
            %swap3A_233 = arith.index_cast %mul3A_221 : i32 to index
            %swap3A_234 = tpu.vector_load %arg12[%swap3A, %swap3A_233] {strides = array<i32>} : memref<257x256xf32, #tpu.memory_space<vmem>>, vector<16xf32>,
            tpu.vector_store %arg12[%swap3A, %swap3A_233], %add3A_232 {strides = array<i32>} : memref<257x256xf32, #tpu.memory_space<vmem>>, vector<16xf32>,
          }
          %scan3A_109 = arith.constant 16 : i32
          %slice3A_110 = vector.extract_strided_slice %get3A_104 {offsets = [1], sizes = [1], strides = [1]} : vector<16xi32> to vector<1xi32>
          %squeeze3A_111 = vector.extract %slice3A_110[0] : i32 from vector<1xi32>
          %scan3A_112 = arith.constant 0 : i32
          %scan3A_113 = arith.constant 16 : i32
          %scan3A_114 = arith.addi %scan3A_112, %scan3A_113 : i32
          %scan3A_115 = arith.constant 1 : i32
          scf.for %scan3A_215 = %scan3A_112 to %scan3A_114 step %scan3A_115  : i32 {
            %mul3A_216 = arith.constant 1 : i32
            %mul3A_217 = arith.muli %scan3A_215, %mul3A_216 : i32
            %add3A_218 = arith.constant 0 : i32
            %add3A_219 = arith.addi %add3A_218, %mul3A_217 : i32
            %mul3A_220 = arith.constant 16 : i32
            %mul3A_221 = arith.muli %add3A_219, %mul3A_220 : i32
            %get3A_222 = arith.index_cast %squeeze3A_111 : i32 to index
            %get3A_223 = arith.index_cast %mul3A_221 : i32 to index
            %get3A_224 = tpu.vector_load %arg12[%get3A_222, %get3A_223] {strides = array<i32>} : memref<257x256xf32, #tpu.memory_space<vmem>>, vector<16xf32>,
            %mul3A_225 = arith.constant 16 : i32
            %mul3A_226 = arith.muli %add3A_98, %mul3A_225 : i32
            %add3A_227 = arith.constant 1 : i32
            %add3A_228 = arith.addi %mul3A_226, %add3A_227 : i32
            %get3A_229 = arith.index_cast %add3A_228 : i32 to index
            %get3A_230 = arith.index_cast %mul3A_221 : i32 to index
            %get3A_231 = tpu.vector_load %arg10[%get3A_229, %get3A_230] {strides = array<i32>} : memref<64x256xf32, #tpu.memory_space<vmem>>, vector<16xf32>,
            %add3A_232 = arith.addf %get3A_224, %get3A_231 : vector<16xf32>
            %swap3A = arith.index_cast %squeeze3A_111 : i32 to index
            %swap3A_233 = arith.index_cast %mul3A_221 : i32 to index
            %swap3A_234 = tpu.vector_load %arg12[%swap3A, %swap3A_233] {strides = array<i32>} : memref<257x256xf32, #tpu.memory_space<vmem>>, vector<16xf32>,
            tpu.vector_store %arg12[%swap3A, %swap3A_233], %add3A_232 {strides = array<i32>} : memref<257x256xf32, #tpu.memory_space<vmem>>, vector<16xf32>,
          }
          %scan3A_116 = arith.constant 16 : i32
          %slice3A_117 = vector.extract_strided_slice %get3A_104 {offsets = [2], sizes = [1], strides = [1]} : vector<16xi32> to vector<1xi32>
          %squeeze3A_118 = vector.extract %slice3A_117[0] : i32 from vector<1xi32>
          %scan3A_119 = arith.constant 0 : i32
          %scan3A_120 = arith.constant 16 : i32
          %scan3A_121 = arith.addi %scan3A_119, %scan3A_120 : i32
          %scan3A_122 = arith.constant 1 : i32
          scf.for %scan3A_215 = %scan3A_119 to %scan3A_121 step %scan3A_122  : i32 {
            %mul3A_216 = arith.constant 1 : i32
            %mul3A_217 = arith.muli %scan3A_215, %mul3A_216 : i32
            %add3A_218 = arith.constant 0 : i32
            %add3A_219 = arith.addi %add3A_218, %mul3A_217 : i32
            %mul3A_220 = arith.constant 16 : i32
            %mul3A_221 = arith.muli %add3A_219, %mul3A_220 : i32
            %get3A_222 = arith.index_cast %squeeze3A_118 : i32 to index
            %get3A_223 = arith.index_cast %mul3A_221 : i32 to index
            %get3A_224 = tpu.vector_load %arg12[%get3A_222, %get3A_223] {strides = array<i32>} : memref<257x256xf32, #tpu.memory_space<vmem>>, vector<16xf32>,
            %mul3A_225 = arith.constant 16 : i32
            %mul3A_226 = arith.muli %add3A_98, %mul3A_225 : i32
            %add3A_227 = arith.constant 2 : i32
            %add3A_228 = arith.addi %mul3A_226, %add3A_227 : i32
            %get3A_229 = arith.index_cast %add3A_228 : i32 to index
            %get3A_230 = arith.index_cast %mul3A_221 : i32 to index
            %get3A_231 = tpu.vector_load %arg10[%get3A_229, %get3A_230] {strides = array<i32>} : memref<64x256xf32, #tpu.memory_space<vmem>>, vector<16xf32>,
            %add3A_232 = arith.addf %get3A_224, %get3A_231 : vector<16xf32>
            %swap3A = arith.index_cast %squeeze3A_118 : i32 to index
            %swap3A_233 = arith.index_cast %mul3A_221 : i32 to index
            %swap3A_234 = tpu.vector_load %arg12[%swap3A, %swap3A_233] {strides = array<i32>} : memref<257x256xf32, #tpu.memory_space<vmem>>, vector<16xf32>,
            tpu.vector_store %arg12[%swap3A, %swap3A_233], %add3A_232 {strides = array<i32>} : memref<257x256xf32, #tpu.memory_space<vmem>>, vector<16xf32>,
          }
          %scan3A_123 = arith.constant 16 : i32
          %slice3A_124 = vector.extract_strided_slice %get3A_104 {offsets = [3], sizes = [1], strides = [1]} : vector<16xi32> to vector<1xi32>
          %squeeze3A_125 = vector.extract %slice3A_124[0] : i32 from vector<1xi32>
          %scan3A_126 = arith.constant 0 : i32
          %scan3A_127 = arith.constant 16 : i32
          %scan3A_128 = arith.addi %scan3A_126, %scan3A_127 : i32
          %scan3A_129 = arith.constant 1 : i32
          scf.for %scan3A_215 = %scan3A_126 to %scan3A_128 step %scan3A_129  : i32 {
            %mul3A_216 = arith.constant 1 : i32
            %mul3A_217 = arith.muli %scan3A_215, %mul3A_216 : i32
            %add3A_218 = arith.constant 0 : i32
            %add3A_219 = arith.addi %add3A_218, %mul3A_217 : i32
            %mul3A_220 = arith.constant 16 : i32
            %mul3A_221 = arith.muli %add3A_219, %mul3A_220 : i32
            %get3A_222 = arith.index_cast %squeeze3A_125 : i32 to index
            %get3A_223 = arith.index_cast %mul3A_221 : i32 to index
            %get3A_224 = tpu.vector_load %arg12[%get3A_222, %get3A_223] {strides = array<i32>} : memref<257x256xf32, #tpu.memory_space<vmem>>, vector<16xf32>,
            %mul3A_225 = arith.constant 16 : i32
            %mul3A_226 = arith.muli %add3A_98, %mul3A_225 : i32
            %add3A_227 = arith.constant 3 : i32
            %add3A_228 = arith.addi %mul3A_226, %add3A_227 : i32
            %get3A_229 = arith.index_cast %add3A_228 : i32 to index
            %get3A_230 = arith.index_cast %mul3A_221 : i32 to index
            %get3A_231 = tpu.vector_load %arg10[%get3A_229, %get3A_230] {strides = array<i32>} : memref<64x256xf32, #tpu.memory_space<vmem>>, vector<16xf32>,
            %add3A_232 = arith.addf %get3A_224, %get3A_231 : vector<16xf32>
            %swap3A = arith.index_cast %squeeze3A_125 : i32 to index
            %swap3A_233 = arith.index_cast %mul3A_221 : i32 to index
            %swap3A_234 = tpu.vector_load %arg12[%swap3A, %swap3A_233] {strides = array<i32>} : memref<257x256xf32, #tpu.memory_space<vmem>>, vector<16xf32>,
            tpu.vector_store %arg12[%swap3A, %swap3A_233], %add3A_232 {strides = array<i32>} : memref<257x256xf32, #tpu.memory_space<vmem>>, vector<16xf32>,
          }
          %scan3A_130 = arith.constant 16 : i32
          %slice3A_131 = vector.extract_strided_slice %get3A_104 {offsets = [4], sizes = [1], strides = [1]} : vector<16xi32> to vector<1xi32>
          %squeeze3A_132 = vector.extract %slice3A_131[0] : i32 from vector<1xi32>
          %scan3A_133 = arith.constant 0 : i32
          %scan3A_134 = arith.constant 16 : i32
          %scan3A_135 = arith.addi %scan3A_133, %scan3A_134 : i32
          %scan3A_136 = arith.constant 1 : i32
          scf.for %scan3A_215 = %scan3A_133 to %scan3A_135 step %scan3A_136  : i32 {
            %mul3A_216 = arith.constant 1 : i32
            %mul3A_217 = arith.muli %scan3A_215, %mul3A_216 : i32
            %add3A_218 = arith.constant 0 : i32
            %add3A_219 = arith.addi %add3A_218, %mul3A_217 : i32
            %mul3A_220 = arith.constant 16 : i32
            %mul3A_221 = arith.muli %add3A_219, %mul3A_220 : i32
            %get3A_222 = arith.index_cast %squeeze3A_132 : i32 to index
            %get3A_223 = arith.index_cast %mul3A_221 : i32 to index
            %get3A_224 = tpu.vector_load %arg12[%get3A_222, %get3A_223] {strides = array<i32>} : memref<257x256xf32, #tpu.memory_space<vmem>>, vector<16xf32>,
            %mul3A_225 = arith.constant 16 : i32
            %mul3A_226 = arith.muli %add3A_98, %mul3A_225 : i32
            %add3A_227 = arith.constant 4 : i32
            %add3A_228 = arith.addi %mul3A_226, %add3A_227 : i32
            %get3A_229 = arith.index_cast %add3A_228 : i32 to index
            %get3A_230 = arith.index_cast %mul3A_221 : i32 to index
            %get3A_231 = tpu.vector_load %arg10[%get3A_229, %get3A_230] {strides = array<i32>} : memref<64x256xf32, #tpu.memory_space<vmem>>, vector<16xf32>,
            %add3A_232 = arith.addf %get3A_224, %get3A_231 : vector<16xf32>
            %swap3A = arith.index_cast %squeeze3A_132 : i32 to index
            %swap3A_233 = arith.index_cast %mul3A_221 : i32 to index
            %swap3A_234 = tpu.vector_load %arg12[%swap3A, %swap3A_233] {strides = array<i32>} : memref<257x256xf32, #tpu.memory_space<vmem>>, vector<16xf32>,
            tpu.vector_store %arg12[%swap3A, %swap3A_233], %add3A_232 {strides = array<i32>} : memref<257x256xf32, #tpu.memory_space<vmem>>, vector<16xf32>,
          }
          %scan3A_137 = arith.constant 16 : i32
          %slice3A_138 = vector.extract_strided_slice %get3A_104 {offsets = [5], sizes = [1], strides = [1]} : vector<16xi32> to vector<1xi32>
          %squeeze3A_139 = vector.extract %slice3A_138[0] : i32 from vector<1xi32>
          %scan3A_140 = arith.constant 0 : i32
          %scan3A_141 = arith.constant 16 : i32
          %scan3A_142 = arith.addi %scan3A_140, %scan3A_141 : i32
          %scan3A_143 = arith.constant 1 : i32
          scf.for %scan3A_215 = %scan3A_140 to %scan3A_142 step %scan3A_143  : i32 {
            %mul3A_216 = arith.constant 1 : i32
            %mul3A_217 = arith.muli %scan3A_215, %mul3A_216 : i32
            %add3A_218 = arith.constant 0 : i32
            %add3A_219 = arith.addi %add3A_218, %mul3A_217 : i32
            %mul3A_220 = arith.constant 16 : i32
            %mul3A_221 = arith.muli %add3A_219, %mul3A_220 : i32
            %get3A_222 = arith.index_cast %squeeze3A_139 : i32 to index
            %get3A_223 = arith.index_cast %mul3A_221 : i32 to index
            %get3A_224 = tpu.vector_load %arg12[%get3A_222, %get3A_223] {strides = array<i32>} : memref<257x256xf32, #tpu.memory_space<vmem>>, vector<16xf32>,
            %mul3A_225 = arith.constant 16 : i32
            %mul3A_226 = arith.muli %add3A_98, %mul3A_225 : i32
            %add3A_227 = arith.constant 5 : i32
            %add3A_228 = arith.addi %mul3A_226, %add3A_227 : i32
            %get3A_229 = arith.index_cast %add3A_228 : i32 to index
            %get3A_230 = arith.index_cast %mul3A_221 : i32 to index
            %get3A_231 = tpu.vector_load %arg10[%get3A_229, %get3A_230] {strides = array<i32>} : memref<64x256xf32, #tpu.memory_space<vmem>>, vector<16xf32>,
            %add3A_232 = arith.addf %get3A_224, %get3A_231 : vector<16xf32>
            %swap3A = arith.index_cast %squeeze3A_139 : i32 to index
            %swap3A_233 = arith.index_cast %mul3A_221 : i32 to index
            %swap3A_234 = tpu.vector_load %arg12[%swap3A, %swap3A_233] {strides = array<i32>} : memref<257x256xf32, #tpu.memory_space<vmem>>, vector<16xf32>,
            tpu.vector_store %arg12[%swap3A, %swap3A_233], %add3A_232 {strides = array<i32>} : memref<257x256xf32, #tpu.memory_space<vmem>>, vector<16xf32>,
          }
          %scan3A_144 = arith.constant 16 : i32
          %slice3A_145 = vector.extract_strided_slice %get3A_104 {offsets = [6], sizes = [1], strides = [1]} : vector<16xi32> to vector<1xi32>
          %squeeze3A_146 = vector.extract %slice3A_145[0] : i32 from vector<1xi32>
          %scan3A_147 = arith.constant 0 : i32
          %scan3A_148 = arith.constant 16 : i32
          %scan3A_149 = arith.addi %scan3A_147, %scan3A_148 : i32
          %scan3A_150 = arith.constant 1 : i32
          scf.for %scan3A_215 = %scan3A_147 to %scan3A_149 step %scan3A_150  : i32 {
            %mul3A_216 = arith.constant 1 : i32
            %mul3A_217 = arith.muli %scan3A_215, %mul3A_216 : i32
            %add3A_218 = arith.constant 0 : i32
            %add3A_219 = arith.addi %add3A_218, %mul3A_217 : i32
            %mul3A_220 = arith.constant 16 : i32
            %mul3A_221 = arith.muli %add3A_219, %mul3A_220 : i32
            %get3A_222 = arith.index_cast %squeeze3A_146 : i32 to index
            %get3A_223 = arith.index_cast %mul3A_221 : i32 to index
            %get3A_224 = tpu.vector_load %arg12[%get3A_222, %get3A_223] {strides = array<i32>} : memref<257x256xf32, #tpu.memory_space<vmem>>, vector<16xf32>,
            %mul3A_225 = arith.constant 16 : i32
            %mul3A_226 = arith.muli %add3A_98, %mul3A_225 : i32
            %add3A_227 = arith.constant 6 : i32
            %add3A_228 = arith.addi %mul3A_226, %add3A_227 : i32
            %get3A_229 = arith.index_cast %add3A_228 : i32 to index
            %get3A_230 = arith.index_cast %mul3A_221 : i32 to index
            %get3A_231 = tpu.vector_load %arg10[%get3A_229, %get3A_230] {strides = array<i32>} : memref<64x256xf32, #tpu.memory_space<vmem>>, vector<16xf32>,
            %add3A_232 = arith.addf %get3A_224, %get3A_231 : vector<16xf32>
            %swap3A = arith.index_cast %squeeze3A_146 : i32 to index
            %swap3A_233 = arith.index_cast %mul3A_221 : i32 to index
            %swap3A_234 = tpu.vector_load %arg12[%swap3A, %swap3A_233] {strides = array<i32>} : memref<257x256xf32, #tpu.memory_space<vmem>>, vector<16xf32>,
            tpu.vector_store %arg12[%swap3A, %swap3A_233], %add3A_232 {strides = array<i32>} : memref<257x256xf32, #tpu.memory_space<vmem>>, vector<16xf32>,
          }
          %scan3A_151 = arith.constant 16 : i32
          %slice3A_152 = vector.extract_strided_slice %get3A_104 {offsets = [7], sizes = [1], strides = [1]} : vector<16xi32> to vector<1xi32>
          %squeeze3A_153 = vector.extract %slice3A_152[0] : i32 from vector<1xi32>
          %scan3A_154 = arith.constant 0 : i32
          %scan3A_155 = arith.constant 16 : i32
          %scan3A_156 = arith.addi %scan3A_154, %scan3A_155 : i32
          %scan3A_157 = arith.constant 1 : i32
          scf.for %scan3A_215 = %scan3A_154 to %scan3A_156 step %scan3A_157  : i32 {
            %mul3A_216 = arith.constant 1 : i32
            %mul3A_217 = arith.muli %scan3A_215, %mul3A_216 : i32
            %add3A_218 = arith.constant 0 : i32
            %add3A_219 = arith.addi %add3A_218, %mul3A_217 : i32
            %mul3A_220 = arith.constant 16 : i32
            %mul3A_221 = arith.muli %add3A_219, %mul3A_220 : i32
            %get3A_222 = arith.index_cast %squeeze3A_153 : i32 to index
            %get3A_223 = arith.index_cast %mul3A_221 : i32 to index
            %get3A_224 = tpu.vector_load %arg12[%get3A_222, %get3A_223] {strides = array<i32>} : memref<257x256xf32, #tpu.memory_space<vmem>>, vector<16xf32>,
            %mul3A_225 = arith.constant 16 : i32
            %mul3A_226 = arith.muli %add3A_98, %mul3A_225 : i32
            %add3A_227 = arith.constant 7 : i32
            %add3A_228 = arith.addi %mul3A_226, %add3A_227 : i32
            %get3A_229 = arith.index_cast %add3A_228 : i32 to index
            %get3A_230 = arith.index_cast %mul3A_221 : i32 to index
            %get3A_231 = tpu.vector_load %arg10[%get3A_229, %get3A_230] {strides = array<i32>} : memref<64x256xf32, #tpu.memory_space<vmem>>, vector<16xf32>,
            %add3A_232 = arith.addf %get3A_224, %get3A_231 : vector<16xf32>
            %swap3A = arith.index_cast %squeeze3A_153 : i32 to index
            %swap3A_233 = arith.index_cast %mul3A_221 : i32 to index
            %swap3A_234 = tpu.vector_load %arg12[%swap3A, %swap3A_233] {strides = array<i32>} : memref<257x256xf32, #tpu.memory_space<vmem>>, vector<16xf32>,
            tpu.vector_store %arg12[%swap3A, %swap3A_233], %add3A_232 {strides = array<i32>} : memref<257x256xf32, #tpu.memory_space<vmem>>, vector<16xf32>,
          }
          %scan3A_158 = arith.constant 16 : i32
          %slice3A_159 = vector.extract_strided_slice %get3A_104 {offsets = [8], sizes = [1], strides = [1]} : vector<16xi32> to vector<1xi32>
          %squeeze3A_160 = vector.extract %slice3A_159[0] : i32 from vector<1xi32>
          %scan3A_161 = arith.constant 0 : i32
          %scan3A_162 = arith.constant 16 : i32
          %scan3A_163 = arith.addi %scan3A_161, %scan3A_162 : i32
          %scan3A_164 = arith.constant 1 : i32
          scf.for %scan3A_215 = %scan3A_161 to %scan3A_163 step %scan3A_164  : i32 {
            %mul3A_216 = arith.constant 1 : i32
            %mul3A_217 = arith.muli %scan3A_215, %mul3A_216 : i32
            %add3A_218 = arith.constant 0 : i32
            %add3A_219 = arith.addi %add3A_218, %mul3A_217 : i32
            %mul3A_220 = arith.constant 16 : i32
            %mul3A_221 = arith.muli %add3A_219, %mul3A_220 : i32
            %get3A_222 = arith.index_cast %squeeze3A_160 : i32 to index
            %get3A_223 = arith.index_cast %mul3A_221 : i32 to index
            %get3A_224 = tpu.vector_load %arg12[%get3A_222, %get3A_223] {strides = array<i32>} : memref<257x256xf32, #tpu.memory_space<vmem>>, vector<16xf32>,
            %mul3A_225 = arith.constant 16 : i32
            %mul3A_226 = arith.muli %add3A_98, %mul3A_225 : i32
            %add3A_227 = arith.constant 8 : i32
            %add3A_228 = arith.addi %mul3A_226, %add3A_227 : i32
            %get3A_229 = arith.index_cast %add3A_228 : i32 to index
            %get3A_230 = arith.index_cast %mul3A_221 : i32 to index
            %get3A_231 = tpu.vector_load %arg10[%get3A_229, %get3A_230] {strides = array<i32>} : memref<64x256xf32, #tpu.memory_space<vmem>>, vector<16xf32>,
            %add3A_232 = arith.addf %get3A_224, %get3A_231 : vector<16xf32>
            %swap3A = arith.index_cast %squeeze3A_160 : i32 to index
            %swap3A_233 = arith.index_cast %mul3A_221 : i32 to index
            %swap3A_234 = tpu.vector_load %arg12[%swap3A, %swap3A_233] {strides = array<i32>} : memref<257x256xf32, #tpu.memory_space<vmem>>, vector<16xf32>,
            tpu.vector_store %arg12[%swap3A, %swap3A_233], %add3A_232 {strides = array<i32>} : memref<257x256xf32, #tpu.memory_space<vmem>>, vector<16xf32>,
          }
          %scan3A_165 = arith.constant 16 : i32
          %slice3A_166 = vector.extract_strided_slice %get3A_104 {offsets = [9], sizes = [1], strides = [1]} : vector<16xi32> to vector<1xi32>
          %squeeze3A_167 = vector.extract %slice3A_166[0] : i32 from vector<1xi32>
          %scan3A_168 = arith.constant 0 : i32
          %scan3A_169 = arith.constant 16 : i32
          %scan3A_170 = arith.addi %scan3A_168, %scan3A_169 : i32
          %scan3A_171 = arith.constant 1 : i32
          scf.for %scan3A_215 = %scan3A_168 to %scan3A_170 step %scan3A_171  : i32 {
            %mul3A_216 = arith.constant 1 : i32
            %mul3A_217 = arith.muli %scan3A_215, %mul3A_216 : i32
            %add3A_218 = arith.constant 0 : i32
            %add3A_219 = arith.addi %add3A_218, %mul3A_217 : i32
            %mul3A_220 = arith.constant 16 : i32
            %mul3A_221 = arith.muli %add3A_219, %mul3A_220 : i32
            %get3A_222 = arith.index_cast %squeeze3A_167 : i32 to index
            %get3A_223 = arith.index_cast %mul3A_221 : i32 to index
            %get3A_224 = tpu.vector_load %arg12[%get3A_222, %get3A_223] {strides = array<i32>} : memref<257x256xf32, #tpu.memory_space<vmem>>, vector<16xf32>,
            %mul3A_225 = arith.constant 16 : i32
            %mul3A_226 = arith.muli %add3A_98, %mul3A_225 : i32
            %add3A_227 = arith.constant 9 : i32
            %add3A_228 = arith.addi %mul3A_226, %add3A_227 : i32
            %get3A_229 = arith.index_cast %add3A_228 : i32 to index
            %get3A_230 = arith.index_cast %mul3A_221 : i32 to index
            %get3A_231 = tpu.vector_load %arg10[%get3A_229, %get3A_230] {strides = array<i32>} : memref<64x256xf32, #tpu.memory_space<vmem>>, vector<16xf32>,
            %add3A_232 = arith.addf %get3A_224, %get3A_231 : vector<16xf32>
            %swap3A = arith.index_cast %squeeze3A_167 : i32 to index
            %swap3A_233 = arith.index_cast %mul3A_221 : i32 to index
            %swap3A_234 = tpu.vector_load %arg12[%swap3A, %swap3A_233] {strides = array<i32>} : memref<257x256xf32, #tpu.memory_space<vmem>>, vector<16xf32>,
            tpu.vector_store %arg12[%swap3A, %swap3A_233], %add3A_232 {strides = array<i32>} : memref<257x256xf32, #tpu.memory_space<vmem>>, vector<16xf32>,
          }
          %scan3A_172 = arith.constant 16 : i32
          %slice3A_173 = vector.extract_strided_slice %get3A_104 {offsets = [10], sizes = [1], strides = [1]} : vector<16xi32> to vector<1xi32>
          %squeeze3A_174 = vector.extract %slice3A_173[0] : i32 from vector<1xi32>
          %scan3A_175 = arith.constant 0 : i32
          %scan3A_176 = arith.constant 16 : i32
          %scan3A_177 = arith.addi %scan3A_175, %scan3A_176 : i32
          %scan3A_178 = arith.constant 1 : i32
          scf.for %scan3A_215 = %scan3A_175 to %scan3A_177 step %scan3A_178  : i32 {
            %mul3A_216 = arith.constant 1 : i32
            %mul3A_217 = arith.muli %scan3A_215, %mul3A_216 : i32
            %add3A_218 = arith.constant 0 : i32
            %add3A_219 = arith.addi %add3A_218, %mul3A_217 : i32
            %mul3A_220 = arith.constant 16 : i32
            %mul3A_221 = arith.muli %add3A_219, %mul3A_220 : i32
            %get3A_222 = arith.index_cast %squeeze3A_174 : i32 to index
            %get3A_223 = arith.index_cast %mul3A_221 : i32 to index
            %get3A_224 = tpu.vector_load %arg12[%get3A_222, %get3A_223] {strides = array<i32>} : memref<257x256xf32, #tpu.memory_space<vmem>>, vector<16xf32>,
            %mul3A_225 = arith.constant 16 : i32
            %mul3A_226 = arith.muli %add3A_98, %mul3A_225 : i32
            %add3A_227 = arith.constant 10 : i32
            %add3A_228 = arith.addi %mul3A_226, %add3A_227 : i32
            %get3A_229 = arith.index_cast %add3A_228 : i32 to index
            %get3A_230 = arith.index_cast %mul3A_221 : i32 to index
            %get3A_231 = tpu.vector_load %arg10[%get3A_229, %get3A_230] {strides = array<i32>} : memref<64x256xf32, #tpu.memory_space<vmem>>, vector<16xf32>,
            %add3A_232 = arith.addf %get3A_224, %get3A_231 : vector<16xf32>
            %swap3A = arith.index_cast %squeeze3A_174 : i32 to index
            %swap3A_233 = arith.index_cast %mul3A_221 : i32 to index
            %swap3A_234 = tpu.vector_load %arg12[%swap3A, %swap3A_233] {strides = array<i32>} : memref<257x256xf32, #tpu.memory_space<vmem>>, vector<16xf32>,
            tpu.vector_store %arg12[%swap3A, %swap3A_233], %add3A_232 {strides = array<i32>} : memref<257x256xf32, #tpu.memory_space<vmem>>, vector<16xf32>,
          }
          %scan3A_179 = arith.constant 16 : i32
          %slice3A_180 = vector.extract_strided_slice %get3A_104 {offsets = [11], sizes = [1], strides = [1]} : vector<16xi32> to vector<1xi32>
          %squeeze3A_181 = vector.extract %slice3A_180[0] : i32 from vector<1xi32>
          %scan3A_182 = arith.constant 0 : i32
          %scan3A_183 = arith.constant 16 : i32
          %scan3A_184 = arith.addi %scan3A_182, %scan3A_183 : i32
          %scan3A_185 = arith.constant 1 : i32
          scf.for %scan3A_215 = %scan3A_182 to %scan3A_184 step %scan3A_185  : i32 {
            %mul3A_216 = arith.constant 1 : i32
            %mul3A_217 = arith.muli %scan3A_215, %mul3A_216 : i32
            %add3A_218 = arith.constant 0 : i32
            %add3A_219 = arith.addi %add3A_218, %mul3A_217 : i32
            %mul3A_220 = arith.constant 16 : i32
            %mul3A_221 = arith.muli %add3A_219, %mul3A_220 : i32
            %get3A_222 = arith.index_cast %squeeze3A_181 : i32 to index
            %get3A_223 = arith.index_cast %mul3A_221 : i32 to index
            %get3A_224 = tpu.vector_load %arg12[%get3A_222, %get3A_223] {strides = array<i32>} : memref<257x256xf32, #tpu.memory_space<vmem>>, vector<16xf32>,
            %mul3A_225 = arith.constant 16 : i32
            %mul3A_226 = arith.muli %add3A_98, %mul3A_225 : i32
            %add3A_227 = arith.constant 11 : i32
            %add3A_228 = arith.addi %mul3A_226, %add3A_227 : i32
            %get3A_229 = arith.index_cast %add3A_228 : i32 to index
            %get3A_230 = arith.index_cast %mul3A_221 : i32 to index
            %get3A_231 = tpu.vector_load %arg10[%get3A_229, %get3A_230] {strides = array<i32>} : memref<64x256xf32, #tpu.memory_space<vmem>>, vector<16xf32>,
            %add3A_232 = arith.addf %get3A_224, %get3A_231 : vector<16xf32>
            %swap3A = arith.index_cast %squeeze3A_181 : i32 to index
            %swap3A_233 = arith.index_cast %mul3A_221 : i32 to index
            %swap3A_234 = tpu.vector_load %arg12[%swap3A, %swap3A_233] {strides = array<i32>} : memref<257x256xf32, #tpu.memory_space<vmem>>, vector<16xf32>,
            tpu.vector_store %arg12[%swap3A, %swap3A_233], %add3A_232 {strides = array<i32>} : memref<257x256xf32, #tpu.memory_space<vmem>>, vector<16xf32>,
          }
          %scan3A_186 = arith.constant 16 : i32
          %slice3A_187 = vector.extract_strided_slice %get3A_104 {offsets = [12], sizes = [1], strides = [1]} : vector<16xi32> to vector<1xi32>
          %squeeze3A_188 = vector.extract %slice3A_187[0] : i32 from vector<1xi32>
          %scan3A_189 = arith.constant 0 : i32
          %scan3A_190 = arith.constant 16 : i32
          %scan3A_191 = arith.addi %scan3A_189, %scan3A_190 : i32
          %scan3A_192 = arith.constant 1 : i32
          scf.for %scan3A_215 = %scan3A_189 to %scan3A_191 step %scan3A_192  : i32 {
            %mul3A_216 = arith.constant 1 : i32
            %mul3A_217 = arith.muli %scan3A_215, %mul3A_216 : i32
            %add3A_218 = arith.constant 0 : i32
            %add3A_219 = arith.addi %add3A_218, %mul3A_217 : i32
            %mul3A_220 = arith.constant 16 : i32
            %mul3A_221 = arith.muli %add3A_219, %mul3A_220 : i32
            %get3A_222 = arith.index_cast %squeeze3A_188 : i32 to index
            %get3A_223 = arith.index_cast %mul3A_221 : i32 to index
            %get3A_224 = tpu.vector_load %arg12[%get3A_222, %get3A_223] {strides = array<i32>} : memref<257x256xf32, #tpu.memory_space<vmem>>, vector<16xf32>,
            %mul3A_225 = arith.constant 16 : i32
            %mul3A_226 = arith.muli %add3A_98, %mul3A_225 : i32
            %add3A_227 = arith.constant 12 : i32
            %add3A_228 = arith.addi %mul3A_226, %add3A_227 : i32
            %get3A_229 = arith.index_cast %add3A_228 : i32 to index
            %get3A_230 = arith.index_cast %mul3A_221 : i32 to index
            %get3A_231 = tpu.vector_load %arg10[%get3A_229, %get3A_230] {strides = array<i32>} : memref<64x256xf32, #tpu.memory_space<vmem>>, vector<16xf32>,
            %add3A_232 = arith.addf %get3A_224, %get3A_231 : vector<16xf32>
            %swap3A = arith.index_cast %squeeze3A_188 : i32 to index
            %swap3A_233 = arith.index_cast %mul3A_221 : i32 to index
            %swap3A_234 = tpu.vector_load %arg12[%swap3A, %swap3A_233] {strides = array<i32>} : memref<257x256xf32, #tpu.memory_space<vmem>>, vector<16xf32>,
            tpu.vector_store %arg12[%swap3A, %swap3A_233], %add3A_232 {strides = array<i32>} : memref<257x256xf32, #tpu.memory_space<vmem>>, vector<16xf32>,
          }
          %scan3A_193 = arith.constant 16 : i32
          %slice3A_194 = vector.extract_strided_slice %get3A_104 {offsets = [13], sizes = [1], strides = [1]} : vector<16xi32> to vector<1xi32>
          %squeeze3A_195 = vector.extract %slice3A_194[0] : i32 from vector<1xi32>
          %scan3A_196 = arith.constant 0 : i32
          %scan3A_197 = arith.constant 16 : i32
          %scan3A_198 = arith.addi %scan3A_196, %scan3A_197 : i32
          %scan3A_199 = arith.constant 1 : i32
          scf.for %scan3A_215 = %scan3A_196 to %scan3A_198 step %scan3A_199  : i32 {
            %mul3A_216 = arith.constant 1 : i32
            %mul3A_217 = arith.muli %scan3A_215, %mul3A_216 : i32
            %add3A_218 = arith.constant 0 : i32
            %add3A_219 = arith.addi %add3A_218, %mul3A_217 : i32
            %mul3A_220 = arith.constant 16 : i32
            %mul3A_221 = arith.muli %add3A_219, %mul3A_220 : i32
            %get3A_222 = arith.index_cast %squeeze3A_195 : i32 to index
            %get3A_223 = arith.index_cast %mul3A_221 : i32 to index
            %get3A_224 = tpu.vector_load %arg12[%get3A_222, %get3A_223] {strides = array<i32>} : memref<257x256xf32, #tpu.memory_space<vmem>>, vector<16xf32>,
            %mul3A_225 = arith.constant 16 : i32
            %mul3A_226 = arith.muli %add3A_98, %mul3A_225 : i32
            %add3A_227 = arith.constant 13 : i32
            %add3A_228 = arith.addi %mul3A_226, %add3A_227 : i32
            %get3A_229 = arith.index_cast %add3A_228 : i32 to index
            %get3A_230 = arith.index_cast %mul3A_221 : i32 to index
            %get3A_231 = tpu.vector_load %arg10[%get3A_229, %get3A_230] {strides = array<i32>} : memref<64x256xf32, #tpu.memory_space<vmem>>, vector<16xf32>,
            %add3A_232 = arith.addf %get3A_224, %get3A_231 : vector<16xf32>
            %swap3A = arith.index_cast %squeeze3A_195 : i32 to index
            %swap3A_233 = arith.index_cast %mul3A_221 : i32 to index
            %swap3A_234 = tpu.vector_load %arg12[%swap3A, %swap3A_233] {strides = array<i32>} : memref<257x256xf32, #tpu.memory_space<vmem>>, vector<16xf32>,
            tpu.vector_store %arg12[%swap3A, %swap3A_233], %add3A_232 {strides = array<i32>} : memref<257x256xf32, #tpu.memory_space<vmem>>, vector<16xf32>,
          }
          %scan3A_200 = arith.constant 16 : i32
          %slice3A_201 = vector.extract_strided_slice %get3A_104 {offsets = [14], sizes = [1], strides = [1]} : vector<16xi32> to vector<1xi32>
          %squeeze3A_202 = vector.extract %slice3A_201[0] : i32 from vector<1xi32>
          %scan3A_203 = arith.constant 0 : i32
          %scan3A_204 = arith.constant 16 : i32
          %scan3A_205 = arith.addi %scan3A_203, %scan3A_204 : i32
          %scan3A_206 = arith.constant 1 : i32
          scf.for %scan3A_215 = %scan3A_203 to %scan3A_205 step %scan3A_206  : i32 {
            %mul3A_216 = arith.constant 1 : i32
            %mul3A_217 = arith.muli %scan3A_215, %mul3A_216 : i32
            %add3A_218 = arith.constant 0 : i32
            %add3A_219 = arith.addi %add3A_218, %mul3A_217 : i32
            %mul3A_220 = arith.constant 16 : i32
            %mul3A_221 = arith.muli %add3A_219, %mul3A_220 : i32
            %get3A_222 = arith.index_cast %squeeze3A_202 : i32 to index
            %get3A_223 = arith.index_cast %mul3A_221 : i32 to index
            %get3A_224 = tpu.vector_load %arg12[%get3A_222, %get3A_223] {strides = array<i32>} : memref<257x256xf32, #tpu.memory_space<vmem>>, vector<16xf32>,
            %mul3A_225 = arith.constant 16 : i32
            %mul3A_226 = arith.muli %add3A_98, %mul3A_225 : i32
            %add3A_227 = arith.constant 14 : i32
            %add3A_228 = arith.addi %mul3A_226, %add3A_227 : i32
            %get3A_229 = arith.index_cast %add3A_228 : i32 to index
            %get3A_230 = arith.index_cast %mul3A_221 : i32 to index
            %get3A_231 = tpu.vector_load %arg10[%get3A_229, %get3A_230] {strides = array<i32>} : memref<64x256xf32, #tpu.memory_space<vmem>>, vector<16xf32>,
            %add3A_232 = arith.addf %get3A_224, %get3A_231 : vector<16xf32>
            %swap3A = arith.index_cast %squeeze3A_202 : i32 to index
            %swap3A_233 = arith.index_cast %mul3A_221 : i32 to index
            %swap3A_234 = tpu.vector_load %arg12[%swap3A, %swap3A_233] {strides = array<i32>} : memref<257x256xf32, #tpu.memory_space<vmem>>, vector<16xf32>,
            tpu.vector_store %arg12[%swap3A, %swap3A_233], %add3A_232 {strides = array<i32>} : memref<257x256xf32, #tpu.memory_space<vmem>>, vector<16xf32>,
          }
          %scan3A_207 = arith.constant 16 : i32
          %slice3A_208 = vector.extract_strided_slice %get3A_104 {offsets = [15], sizes = [1], strides = [1]} : vector<16xi32> to vector<1xi32>
          %squeeze3A_209 = vector.extract %slice3A_208[0] : i32 from vector<1xi32>
          %scan3A_210 = arith.constant 0 : i32
          %scan3A_211 = arith.constant 16 : i32
          %scan3A_212 = arith.addi %scan3A_210, %scan3A_211 : i32
          %scan3A_213 = arith.constant 1 : i32
          scf.for %scan3A_215 = %scan3A_210 to %scan3A_212 step %scan3A_213  : i32 {
            %mul3A_216 = arith.constant 1 : i32
            %mul3A_217 = arith.muli %scan3A_215, %mul3A_216 : i32
            %add3A_218 = arith.constant 0 : i32
            %add3A_219 = arith.addi %add3A_218, %mul3A_217 : i32
            %mul3A_220 = arith.constant 16 : i32
            %mul3A_221 = arith.muli %add3A_219, %mul3A_220 : i32
            %get3A_222 = arith.index_cast %squeeze3A_209 : i32 to index
            %get3A_223 = arith.index_cast %mul3A_221 : i32 to index
            %get3A_224 = tpu.vector_load %arg12[%get3A_222, %get3A_223] {strides = array<i32>} : memref<257x256xf32, #tpu.memory_space<vmem>>, vector<16xf32>,
            %mul3A_225 = arith.constant 16 : i32
            %mul3A_226 = arith.muli %add3A_98, %mul3A_225 : i32
            %add3A_227 = arith.constant 15 : i32
            %add3A_228 = arith.addi %mul3A_226, %add3A_227 : i32
            %get3A_229 = arith.index_cast %add3A_228 : i32 to index
            %get3A_230 = arith.index_cast %mul3A_221 : i32 to index
            %get3A_231 = tpu.vector_load %arg10[%get3A_229, %get3A_230] {strides = array<i32>} : memref<64x256xf32, #tpu.memory_space<vmem>>, vector<16xf32>,
            %add3A_232 = arith.addf %get3A_224, %get3A_231 : vector<16xf32>
            %swap3A = arith.index_cast %squeeze3A_209 : i32 to index
            %swap3A_233 = arith.index_cast %mul3A_221 : i32 to index
            %swap3A_234 = tpu.vector_load %arg12[%swap3A, %swap3A_233] {strides = array<i32>} : memref<257x256xf32, #tpu.memory_space<vmem>>, vector<16xf32>,
            tpu.vector_store %arg12[%swap3A, %swap3A_233], %add3A_232 {strides = array<i32>} : memref<257x256xf32, #tpu.memory_space<vmem>>, vector<16xf32>,
          }
          %scan3A_214 = arith.constant 16 : i32
        }
        %scan3A_93 = arith.constant 4 : i32
      } else {
      }
    }
    %while3A_50 = arith.constant 1 : i32
    scf.for %while3A_51 = %while3A_48 to %while3A_44 step %while3A_50  : i32 {
      %mul3A_52 = arith.muli %while3A_51, %while3A : i32
      %add3A_53 = arith.addi %while3A_41, %mul3A_52 : i32
      %mul3A_54 = arith.constant 2 : i32
      %mul3A_55 = arith.muli %mul3A_54, %add3A_53 : i32
      %dma_wait3A = arith.constant 0 : i32
      %dma_wait3A_56 = tpu.memref_slice %arg7[%dma_wait3A] : memref<4112xi32, #tpu.memory_space<vmem>> -> memref<64xi32, #tpu.memory_space<vmem>>
      %dma_wait3A_57 = arith.constant 0 : i32
      %dma_wait3A_58 = arith.constant 0 : i32
      %dma_wait3A_59 = tpu.memref_slice %arg3[%dma_wait3A_57, %dma_wait3A_58] : memref<4096x256xf32, #tpu.memory_space<hbm>> -> memref<4096x256xf32, #tpu.memory_space<hbm>>
      tpu.wait_indirect_dma semaphore(%arg13 : memref<!tpu.dma_semaphore, #tpu.memory_space<semaphore_mem>>) src(%dma_wait3A_59 : memref<4096x256xf32, #tpu.memory_space<hbm>>) dst(%arg9 : memref<64x256xf32, #tpu.memory_space<vmem>>)
      %add3A_60 = arith.constant 1 : i32
      %add3A_61 = arith.addi %mul3A_55, %add3A_60 : i32
      %lt3A = arith.cmpi slt, %add3A_61, %div3A_27 : i32
      %convert_element_type3A_62 = arith.extui %lt3A : i1 to i32
      %cond3A_63 = arith.constant 0 : i32
      %cond3A_64 = arith.cmpi ne, %convert_element_type3A_62, %cond3A_63 : i32
      scf.if %cond3A_64 {
        %add3A_82 = arith.constant 1 : i32
        %add3A_83 = arith.addi %mul3A_55, %add3A_82 : i32
        %mul3A_84 = arith.constant 64 : i32
        %mul3A_85 = arith.muli %add3A_83, %mul3A_84 : i32
        %dma_start3A = tpu.memref_slice %arg7[%mul3A_85] : memref<4112xi32, #tpu.memory_space<vmem>> -> memref<64xi32, #tpu.memory_space<vmem>>
        %dma_start3A_86 = arith.constant 0 : i32
        %dma_start3A_87 = arith.constant 0 : i32
        %dma_start3A_88 = tpu.memref_slice %arg3[%dma_start3A_86, %dma_start3A_87] : memref<4096x256xf32, #tpu.memory_space<hbm>> -> memref<4096x256xf32, #tpu.memory_space<hbm>>
        tpu.enqueue_indirect_dma source(%dma_start3A_88 : memref<4096x256xf32, #tpu.memory_space<hbm>>) target(%arg10 : memref<64x256xf32, #tpu.memory_space<vmem>>) offsets(%dma_start3A : memref<64xi32, #tpu.memory_space<vmem>>) semaphore(%arg14 : memref<!tpu.dma_semaphore, #tpu.memory_space<semaphore_mem>>)
      } else {
      }
      %scan3A_65 = arith.constant 0 : i32
      %scan3A_66 = arith.constant 4 : i32
      %scan3A_67 = arith.addi %scan3A_65, %scan3A_66 : i32
      %scan3A_68 = arith.constant 1 : i32
      scf.for %scan3A_82 = %scan3A_65 to %scan3A_67 step %scan3A_68  : i32 {
        %mul3A_83 = arith.constant 1 : i32
        %mul3A_84 = arith.muli %scan3A_82, %mul3A_83 : i32
        %add3A_85 = arith.constant 0 : i32
        %add3A_86 = arith.addi %add3A_85, %mul3A_84 : i32
        %mul3A_87 = arith.constant 64 : i32
        %mul3A_88 = arith.muli %mul3A_55, %mul3A_87 : i32
        %mul3A_89 = arith.constant 16 : i32
        %mul3A_90 = arith.muli %add3A_86, %mul3A_89 : i32
        %add3A_91 = arith.addi %mul3A_88, %mul3A_90 : i32
        %get3A = arith.index_cast %add3A_91 : i32 to index
        %get3A_92 = tpu.vector_load %arg8[%get3A] {strides = array<i32>} : memref<4112xi32, #tpu.memory_space<vmem>>, vector<16xi32>,
        %slice3A = vector.extract_strided_slice %get3A_92 {offsets = [0], sizes = [1], strides = [1]} : vector<16xi32> to vector<1xi32>
        %squeeze3A = vector.extract %slice3A[0] : i32 from vector<1xi32>
        %scan3A_93 = arith.constant 0 : i32
        %scan3A_94 = arith.constant 16 : i32
        %scan3A_95 = arith.addi %scan3A_93, %scan3A_94 : i32
        %scan3A_96 = arith.constant 1 : i32
        scf.for %scan3A_203 = %scan3A_93 to %scan3A_95 step %scan3A_96  : i32 {
          %mul3A_204 = arith.constant 1 : i32
          %mul3A_205 = arith.muli %scan3A_203, %mul3A_204 : i32
          %add3A_206 = arith.constant 0 : i32
          %add3A_207 = arith.addi %add3A_206, %mul3A_205 : i32
          %mul3A_208 = arith.constant 16 : i32
          %mul3A_209 = arith.muli %add3A_207, %mul3A_208 : i32
          %get3A_210 = arith.index_cast %squeeze3A : i32 to index
          %get3A_211 = arith.index_cast %mul3A_209 : i32 to index
          %get3A_212 = tpu.vector_load %arg12[%get3A_210, %get3A_211] {strides = array<i32>} : memref<257x256xf32, #tpu.memory_space<vmem>>, vector<16xf32>,
          %mul3A_213 = arith.constant 16 : i32
          %mul3A_214 = arith.muli %add3A_86, %mul3A_213 : i32
          %add3A_215 = arith.constant 0 : i32
          %add3A_216 = arith.addi %mul3A_214, %add3A_215 : i32
          %get3A_217 = arith.index_cast %add3A_216 : i32 to index
          %get3A_218 = arith.index_cast %mul3A_209 : i32 to index
          %get3A_219 = tpu.vector_load %arg9[%get3A_217, %get3A_218] {strides = array<i32>} : memref<64x256xf32, #tpu.memory_space<vmem>>, vector<16xf32>,
          %add3A_220 = arith.addf %get3A_212, %get3A_219 : vector<16xf32>
          %swap3A = arith.index_cast %squeeze3A : i32 to index
          %swap3A_221 = arith.index_cast %mul3A_209 : i32 to index
          %swap3A_222 = tpu.vector_load %arg12[%swap3A, %swap3A_221] {strides = array<i32>} : memref<257x256xf32, #tpu.memory_space<vmem>>, vector<16xf32>,
          tpu.vector_store %arg12[%swap3A, %swap3A_221], %add3A_220 {strides = array<i32>} : memref<257x256xf32, #tpu.memory_space<vmem>>, vector<16xf32>,
        }
        %scan3A_97 = arith.constant 16 : i32
        %slice3A_98 = vector.extract_strided_slice %get3A_92 {offsets = [1], sizes = [1], strides = [1]} : vector<16xi32> to vector<1xi32>
        %squeeze3A_99 = vector.extract %slice3A_98[0] : i32 from vector<1xi32>
        %scan3A_100 = arith.constant 0 : i32
        %scan3A_101 = arith.constant 16 : i32
        %scan3A_102 = arith.addi %scan3A_100, %scan3A_101 : i32
        %scan3A_103 = arith.constant 1 : i32
        scf.for %scan3A_203 = %scan3A_100 to %scan3A_102 step %scan3A_103  : i32 {
          %mul3A_204 = arith.constant 1 : i32
          %mul3A_205 = arith.muli %scan3A_203, %mul3A_204 : i32
          %add3A_206 = arith.constant 0 : i32
          %add3A_207 = arith.addi %add3A_206, %mul3A_205 : i32
          %mul3A_208 = arith.constant 16 : i32
          %mul3A_209 = arith.muli %add3A_207, %mul3A_208 : i32
          %get3A_210 = arith.index_cast %squeeze3A_99 : i32 to index
          %get3A_211 = arith.index_cast %mul3A_209 : i32 to index
          %get3A_212 = tpu.vector_load %arg12[%get3A_210, %get3A_211] {strides = array<i32>} : memref<257x256xf32, #tpu.memory_space<vmem>>, vector<16xf32>,
          %mul3A_213 = arith.constant 16 : i32
          %mul3A_214 = arith.muli %add3A_86, %mul3A_213 : i32
          %add3A_215 = arith.constant 1 : i32
          %add3A_216 = arith.addi %mul3A_214, %add3A_215 : i32
          %get3A_217 = arith.index_cast %add3A_216 : i32 to index
          %get3A_218 = arith.index_cast %mul3A_209 : i32 to index
          %get3A_219 = tpu.vector_load %arg9[%get3A_217, %get3A_218] {strides = array<i32>} : memref<64x256xf32, #tpu.memory_space<vmem>>, vector<16xf32>,
          %add3A_220 = arith.addf %get3A_212, %get3A_219 : vector<16xf32>
          %swap3A = arith.index_cast %squeeze3A_99 : i32 to index
          %swap3A_221 = arith.index_cast %mul3A_209 : i32 to index
          %swap3A_222 = tpu.vector_load %arg12[%swap3A, %swap3A_221] {strides = array<i32>} : memref<257x256xf32, #tpu.memory_space<vmem>>, vector<16xf32>,
          tpu.vector_store %arg12[%swap3A, %swap3A_221], %add3A_220 {strides = array<i32>} : memref<257x256xf32, #tpu.memory_space<vmem>>, vector<16xf32>,
        }
        %scan3A_104 = arith.constant 16 : i32
        %slice3A_105 = vector.extract_strided_slice %get3A_92 {offsets = [2], sizes = [1], strides = [1]} : vector<16xi32> to vector<1xi32>
        %squeeze3A_106 = vector.extract %slice3A_105[0] : i32 from vector<1xi32>
        %scan3A_107 = arith.constant 0 : i32
        %scan3A_108 = arith.constant 16 : i32
        %scan3A_109 = arith.addi %scan3A_107, %scan3A_108 : i32
        %scan3A_110 = arith.constant 1 : i32
        scf.for %scan3A_203 = %scan3A_107 to %scan3A_109 step %scan3A_110  : i32 {
          %mul3A_204 = arith.constant 1 : i32
          %mul3A_205 = arith.muli %scan3A_203, %mul3A_204 : i32
          %add3A_206 = arith.constant 0 : i32
          %add3A_207 = arith.addi %add3A_206, %mul3A_205 : i32
          %mul3A_208 = arith.constant 16 : i32
          %mul3A_209 = arith.muli %add3A_207, %mul3A_208 : i32
          %get3A_210 = arith.index_cast %squeeze3A_106 : i32 to index
          %get3A_211 = arith.index_cast %mul3A_209 : i32 to index
          %get3A_212 = tpu.vector_load %arg12[%get3A_210, %get3A_211] {strides = array<i32>} : memref<257x256xf32, #tpu.memory_space<vmem>>, vector<16xf32>,
          %mul3A_213 = arith.constant 16 : i32
          %mul3A_214 = arith.muli %add3A_86, %mul3A_213 : i32
          %add3A_215 = arith.constant 2 : i32
          %add3A_216 = arith.addi %mul3A_214, %add3A_215 : i32
          %get3A_217 = arith.index_cast %add3A_216 : i32 to index
          %get3A_218 = arith.index_cast %mul3A_209 : i32 to index
          %get3A_219 = tpu.vector_load %arg9[%get3A_217, %get3A_218] {strides = array<i32>} : memref<64x256xf32, #tpu.memory_space<vmem>>, vector<16xf32>,
          %add3A_220 = arith.addf %get3A_212, %get3A_219 : vector<16xf32>
          %swap3A = arith.index_cast %squeeze3A_106 : i32 to index
          %swap3A_221 = arith.index_cast %mul3A_209 : i32 to index
          %swap3A_222 = tpu.vector_load %arg12[%swap3A, %swap3A_221] {strides = array<i32>} : memref<257x256xf32, #tpu.memory_space<vmem>>, vector<16xf32>,
          tpu.vector_store %arg12[%swap3A, %swap3A_221], %add3A_220 {strides = array<i32>} : memref<257x256xf32, #tpu.memory_space<vmem>>, vector<16xf32>,
        }
        %scan3A_111 = arith.constant 16 : i32
        %slice3A_112 = vector.extract_strided_slice %get3A_92 {offsets = [3], sizes = [1], strides = [1]} : vector<16xi32> to vector<1xi32>
        %squeeze3A_113 = vector.extract %slice3A_112[0] : i32 from vector<1xi32>
        %scan3A_114 = arith.constant 0 : i32
        %scan3A_115 = arith.constant 16 : i32
        %scan3A_116 = arith.addi %scan3A_114, %scan3A_115 : i32
        %scan3A_117 = arith.constant 1 : i32
        scf.for %scan3A_203 = %scan3A_114 to %scan3A_116 step %scan3A_117  : i32 {
          %mul3A_204 = arith.constant 1 : i32
          %mul3A_205 = arith.muli %scan3A_203, %mul3A_204 : i32
          %add3A_206 = arith.constant 0 : i32
          %add3A_207 = arith.addi %add3A_206, %mul3A_205 : i32
          %mul3A_208 = arith.constant 16 : i32
          %mul3A_209 = arith.muli %add3A_207, %mul3A_208 : i32
          %get3A_210 = arith.index_cast %squeeze3A_113 : i32 to index
          %get3A_211 = arith.index_cast %mul3A_209 : i32 to index
          %get3A_212 = tpu.vector_load %arg12[%get3A_210, %get3A_211] {strides = array<i32>} : memref<257x256xf32, #tpu.memory_space<vmem>>, vector<16xf32>,
          %mul3A_213 = arith.constant 16 : i32
          %mul3A_214 = arith.muli %add3A_86, %mul3A_213 : i32
          %add3A_215 = arith.constant 3 : i32
          %add3A_216 = arith.addi %mul3A_214, %add3A_215 : i32
          %get3A_217 = arith.index_cast %add3A_216 : i32 to index
          %get3A_218 = arith.index_cast %mul3A_209 : i32 to index
          %get3A_219 = tpu.vector_load %arg9[%get3A_217, %get3A_218] {strides = array<i32>} : memref<64x256xf32, #tpu.memory_space<vmem>>, vector<16xf32>,
          %add3A_220 = arith.addf %get3A_212, %get3A_219 : vector<16xf32>
          %swap3A = arith.index_cast %squeeze3A_113 : i32 to index
          %swap3A_221 = arith.index_cast %mul3A_209 : i32 to index
          %swap3A_222 = tpu.vector_load %arg12[%swap3A, %swap3A_221] {strides = array<i32>} : memref<257x256xf32, #tpu.memory_space<vmem>>, vector<16xf32>,
          tpu.vector_store %arg12[%swap3A, %swap3A_221], %add3A_220 {strides = array<i32>} : memref<257x256xf32, #tpu.memory_space<vmem>>, vector<16xf32>,
        }
        %scan3A_118 = arith.constant 16 : i32
        %slice3A_119 = vector.extract_strided_slice %get3A_92 {offsets = [4], sizes = [1], strides = [1]} : vector<16xi32> to vector<1xi32>
        %squeeze3A_120 = vector.extract %slice3A_119[0] : i32 from vector<1xi32>
        %scan3A_121 = arith.constant 0 : i32
        %scan3A_122 = arith.constant 16 : i32
        %scan3A_123 = arith.addi %scan3A_121, %scan3A_122 : i32
        %scan3A_124 = arith.constant 1 : i32
        scf.for %scan3A_203 = %scan3A_121 to %scan3A_123 step %scan3A_124  : i32 {
          %mul3A_204 = arith.constant 1 : i32
          %mul3A_205 = arith.muli %scan3A_203, %mul3A_204 : i32
          %add3A_206 = arith.constant 0 : i32
          %add3A_207 = arith.addi %add3A_206, %mul3A_205 : i32
          %mul3A_208 = arith.constant 16 : i32
          %mul3A_209 = arith.muli %add3A_207, %mul3A_208 : i32
          %get3A_210 = arith.index_cast %squeeze3A_120 : i32 to index
          %get3A_211 = arith.index_cast %mul3A_209 : i32 to index
          %get3A_212 = tpu.vector_load %arg12[%get3A_210, %get3A_211] {strides = array<i32>} : memref<257x256xf32, #tpu.memory_space<vmem>>, vector<16xf32>,
          %mul3A_213 = arith.constant 16 : i32
          %mul3A_214 = arith.muli %add3A_86, %mul3A_213 : i32
          %add3A_215 = arith.constant 4 : i32
          %add3A_216 = arith.addi %mul3A_214, %add3A_215 : i32
          %get3A_217 = arith.index_cast %add3A_216 : i32 to index
          %get3A_218 = arith.index_cast %mul3A_209 : i32 to index
          %get3A_219 = tpu.vector_load %arg9[%get3A_217, %get3A_218] {strides = array<i32>} : memref<64x256xf32, #tpu.memory_space<vmem>>, vector<16xf32>,
          %add3A_220 = arith.addf %get3A_212, %get3A_219 : vector<16xf32>
          %swap3A = arith.index_cast %squeeze3A_120 : i32 to index
          %swap3A_221 = arith.index_cast %mul3A_209 : i32 to index
          %swap3A_222 = tpu.vector_load %arg12[%swap3A, %swap3A_221] {strides = array<i32>} : memref<257x256xf32, #tpu.memory_space<vmem>>, vector<16xf32>,
          tpu.vector_store %arg12[%swap3A, %swap3A_221], %add3A_220 {strides = array<i32>} : memref<257x256xf32, #tpu.memory_space<vmem>>, vector<16xf32>,
        }
        %scan3A_125 = arith.constant 16 : i32
        %slice3A_126 = vector.extract_strided_slice %get3A_92 {offsets = [5], sizes = [1], strides = [1]} : vector<16xi32> to vector<1xi32>
        %squeeze3A_127 = vector.extract %slice3A_126[0] : i32 from vector<1xi32>
        %scan3A_128 = arith.constant 0 : i32
        %scan3A_129 = arith.constant 16 : i32
        %scan3A_130 = arith.addi %scan3A_128, %scan3A_129 : i32
        %scan3A_131 = arith.constant 1 : i32
        scf.for %scan3A_203 = %scan3A_128 to %scan3A_130 step %scan3A_131  : i32 {
          %mul3A_204 = arith.constant 1 : i32
          %mul3A_205 = arith.muli %scan3A_203, %mul3A_204 : i32
          %add3A_206 = arith.constant 0 : i32
          %add3A_207 = arith.addi %add3A_206, %mul3A_205 : i32
          %mul3A_208 = arith.constant 16 : i32
          %mul3A_209 = arith.muli %add3A_207, %mul3A_208 : i32
          %get3A_210 = arith.index_cast %squeeze3A_127 : i32 to index
          %get3A_211 = arith.index_cast %mul3A_209 : i32 to index
          %get3A_212 = tpu.vector_load %arg12[%get3A_210, %get3A_211] {strides = array<i32>} : memref<257x256xf32, #tpu.memory_space<vmem>>, vector<16xf32>,
          %mul3A_213 = arith.constant 16 : i32
          %mul3A_214 = arith.muli %add3A_86, %mul3A_213 : i32
          %add3A_215 = arith.constant 5 : i32
          %add3A_216 = arith.addi %mul3A_214, %add3A_215 : i32
          %get3A_217 = arith.index_cast %add3A_216 : i32 to index
          %get3A_218 = arith.index_cast %mul3A_209 : i32 to index
          %get3A_219 = tpu.vector_load %arg9[%get3A_217, %get3A_218] {strides = array<i32>} : memref<64x256xf32, #tpu.memory_space<vmem>>, vector<16xf32>,
          %add3A_220 = arith.addf %get3A_212, %get3A_219 : vector<16xf32>
          %swap3A = arith.index_cast %squeeze3A_127 : i32 to index
          %swap3A_221 = arith.index_cast %mul3A_209 : i32 to index
          %swap3A_222 = tpu.vector_load %arg12[%swap3A, %swap3A_221] {strides = array<i32>} : memref<257x256xf32, #tpu.memory_space<vmem>>, vector<16xf32>,
          tpu.vector_store %arg12[%swap3A, %swap3A_221], %add3A_220 {strides = array<i32>} : memref<257x256xf32, #tpu.memory_space<vmem>>, vector<16xf32>,
        }
        %scan3A_132 = arith.constant 16 : i32
        %slice3A_133 = vector.extract_strided_slice %get3A_92 {offsets = [6], sizes = [1], strides = [1]} : vector<16xi32> to vector<1xi32>
        %squeeze3A_134 = vector.extract %slice3A_133[0] : i32 from vector<1xi32>
        %scan3A_135 = arith.constant 0 : i32
        %scan3A_136 = arith.constant 16 : i32
        %scan3A_137 = arith.addi %scan3A_135, %scan3A_136 : i32
        %scan3A_138 = arith.constant 1 : i32
        scf.for %scan3A_203 = %scan3A_135 to %scan3A_137 step %scan3A_138  : i32 {
          %mul3A_204 = arith.constant 1 : i32
          %mul3A_205 = arith.muli %scan3A_203, %mul3A_204 : i32
          %add3A_206 = arith.constant 0 : i32
          %add3A_207 = arith.addi %add3A_206, %mul3A_205 : i32
          %mul3A_208 = arith.constant 16 : i32
          %mul3A_209 = arith.muli %add3A_207, %mul3A_208 : i32
          %get3A_210 = arith.index_cast %squeeze3A_134 : i32 to index
          %get3A_211 = arith.index_cast %mul3A_209 : i32 to index
          %get3A_212 = tpu.vector_load %arg12[%get3A_210, %get3A_211] {strides = array<i32>} : memref<257x256xf32, #tpu.memory_space<vmem>>, vector<16xf32>,
          %mul3A_213 = arith.constant 16 : i32
          %mul3A_214 = arith.muli %add3A_86, %mul3A_213 : i32
          %add3A_215 = arith.constant 6 : i32
          %add3A_216 = arith.addi %mul3A_214, %add3A_215 : i32
          %get3A_217 = arith.index_cast %add3A_216 : i32 to index
          %get3A_218 = arith.index_cast %mul3A_209 : i32 to index
          %get3A_219 = tpu.vector_load %arg9[%get3A_217, %get3A_218] {strides = array<i32>} : memref<64x256xf32, #tpu.memory_space<vmem>>, vector<16xf32>,
          %add3A_220 = arith.addf %get3A_212, %get3A_219 : vector<16xf32>
          %swap3A = arith.index_cast %squeeze3A_134 : i32 to index
          %swap3A_221 = arith.index_cast %mul3A_209 : i32 to index
          %swap3A_222 = tpu.vector_load %arg12[%swap3A, %swap3A_221] {strides = array<i32>} : memref<257x256xf32, #tpu.memory_space<vmem>>, vector<16xf32>,
          tpu.vector_store %arg12[%swap3A, %swap3A_221], %add3A_220 {strides = array<i32>} : memref<257x256xf32, #tpu.memory_space<vmem>>, vector<16xf32>,
        }
        %scan3A_139 = arith.constant 16 : i32
        %slice3A_140 = vector.extract_strided_slice %get3A_92 {offsets = [7], sizes = [1], strides = [1]} : vector<16xi32> to vector<1xi32>
        %squeeze3A_141 = vector.extract %slice3A_140[0] : i32 from vector<1xi32>
        %scan3A_142 = arith.constant 0 : i32
        %scan3A_143 = arith.constant 16 : i32
        %scan3A_144 = arith.addi %scan3A_142, %scan3A_143 : i32
        %scan3A_145 = arith.constant 1 : i32
        scf.for %scan3A_203 = %scan3A_142 to %scan3A_144 step %scan3A_145  : i32 {
          %mul3A_204 = arith.constant 1 : i32
          %mul3A_205 = arith.muli %scan3A_203, %mul3A_204 : i32
          %add3A_206 = arith.constant 0 : i32
          %add3A_207 = arith.addi %add3A_206, %mul3A_205 : i32
          %mul3A_208 = arith.constant 16 : i32
          %mul3A_209 = arith.muli %add3A_207, %mul3A_208 : i32
          %get3A_210 = arith.index_cast %squeeze3A_141 : i32 to index
          %get3A_211 = arith.index_cast %mul3A_209 : i32 to index
          %get3A_212 = tpu.vector_load %arg12[%get3A_210, %get3A_211] {strides = array<i32>} : memref<257x256xf32, #tpu.memory_space<vmem>>, vector<16xf32>,
          %mul3A_213 = arith.constant 16 : i32
          %mul3A_214 = arith.muli %add3A_86, %mul3A_213 : i32
          %add3A_215 = arith.constant 7 : i32
          %add3A_216 = arith.addi %mul3A_214, %add3A_215 : i32
          %get3A_217 = arith.index_cast %add3A_216 : i32 to index
          %get3A_218 = arith.index_cast %mul3A_209 : i32 to index
          %get3A_219 = tpu.vector_load %arg9[%get3A_217, %get3A_218] {strides = array<i32>} : memref<64x256xf32, #tpu.memory_space<vmem>>, vector<16xf32>,
          %add3A_220 = arith.addf %get3A_212, %get3A_219 : vector<16xf32>
          %swap3A = arith.index_cast %squeeze3A_141 : i32 to index
          %swap3A_221 = arith.index_cast %mul3A_209 : i32 to index
          %swap3A_222 = tpu.vector_load %arg12[%swap3A, %swap3A_221] {strides = array<i32>} : memref<257x256xf32, #tpu.memory_space<vmem>>, vector<16xf32>,
          tpu.vector_store %arg12[%swap3A, %swap3A_221], %add3A_220 {strides = array<i32>} : memref<257x256xf32, #tpu.memory_space<vmem>>, vector<16xf32>,
        }
        %scan3A_146 = arith.constant 16 : i32
        %slice3A_147 = vector.extract_strided_slice %get3A_92 {offsets = [8], sizes = [1], strides = [1]} : vector<16xi32> to vector<1xi32>
        %squeeze3A_148 = vector.extract %slice3A_147[0] : i32 from vector<1xi32>
        %scan3A_149 = arith.constant 0 : i32
        %scan3A_150 = arith.constant 16 : i32
        %scan3A_151 = arith.addi %scan3A_149, %scan3A_150 : i32
        %scan3A_152 = arith.constant 1 : i32
        scf.for %scan3A_203 = %scan3A_149 to %scan3A_151 step %scan3A_152  : i32 {
          %mul3A_204 = arith.constant 1 : i32
          %mul3A_205 = arith.muli %scan3A_203, %mul3A_204 : i32
          %add3A_206 = arith.constant 0 : i32
          %add3A_207 = arith.addi %add3A_206, %mul3A_205 : i32
          %mul3A_208 = arith.constant 16 : i32
          %mul3A_209 = arith.muli %add3A_207, %mul3A_208 : i32
          %get3A_210 = arith.index_cast %squeeze3A_148 : i32 to index
          %get3A_211 = arith.index_cast %mul3A_209 : i32 to index
          %get3A_212 = tpu.vector_load %arg12[%get3A_210, %get3A_211] {strides = array<i32>} : memref<257x256xf32, #tpu.memory_space<vmem>>, vector<16xf32>,
          %mul3A_213 = arith.constant 16 : i32
          %mul3A_214 = arith.muli %add3A_86, %mul3A_213 : i32
          %add3A_215 = arith.constant 8 : i32
          %add3A_216 = arith.addi %mul3A_214, %add3A_215 : i32
          %get3A_217 = arith.index_cast %add3A_216 : i32 to index
          %get3A_218 = arith.index_cast %mul3A_209 : i32 to index
          %get3A_219 = tpu.vector_load %arg9[%get3A_217, %get3A_218] {strides = array<i32>} : memref<64x256xf32, #tpu.memory_space<vmem>>, vector<16xf32>,
          %add3A_220 = arith.addf %get3A_212, %get3A_219 : vector<16xf32>
          %swap3A = arith.index_cast %squeeze3A_148 : i32 to index
          %swap3A_221 = arith.index_cast %mul3A_209 : i32 to index
          %swap3A_222 = tpu.vector_load %arg12[%swap3A, %swap3A_221] {strides = array<i32>} : memref<257x256xf32, #tpu.memory_space<vmem>>, vector<16xf32>,
          tpu.vector_store %arg12[%swap3A, %swap3A_221], %add3A_220 {strides = array<i32>} : memref<257x256xf32, #tpu.memory_space<vmem>>, vector<16xf32>,
        }
        %scan3A_153 = arith.constant 16 : i32
        %slice3A_154 = vector.extract_strided_slice %get3A_92 {offsets = [9], sizes = [1], strides = [1]} : vector<16xi32> to vector<1xi32>
        %squeeze3A_155 = vector.extract %slice3A_154[0] : i32 from vector<1xi32>
        %scan3A_156 = arith.constant 0 : i32
        %scan3A_157 = arith.constant 16 : i32
        %scan3A_158 = arith.addi %scan3A_156, %scan3A_157 : i32
        %scan3A_159 = arith.constant 1 : i32
        scf.for %scan3A_203 = %scan3A_156 to %scan3A_158 step %scan3A_159  : i32 {
          %mul3A_204 = arith.constant 1 : i32
          %mul3A_205 = arith.muli %scan3A_203, %mul3A_204 : i32
          %add3A_206 = arith.constant 0 : i32
          %add3A_207 = arith.addi %add3A_206, %mul3A_205 : i32
          %mul3A_208 = arith.constant 16 : i32
          %mul3A_209 = arith.muli %add3A_207, %mul3A_208 : i32
          %get3A_210 = arith.index_cast %squeeze3A_155 : i32 to index
          %get3A_211 = arith.index_cast %mul3A_209 : i32 to index
          %get3A_212 = tpu.vector_load %arg12[%get3A_210, %get3A_211] {strides = array<i32>} : memref<257x256xf32, #tpu.memory_space<vmem>>, vector<16xf32>,
          %mul3A_213 = arith.constant 16 : i32
          %mul3A_214 = arith.muli %add3A_86, %mul3A_213 : i32
          %add3A_215 = arith.constant 9 : i32
          %add3A_216 = arith.addi %mul3A_214, %add3A_215 : i32
          %get3A_217 = arith.index_cast %add3A_216 : i32 to index
          %get3A_218 = arith.index_cast %mul3A_209 : i32 to index
          %get3A_219 = tpu.vector_load %arg9[%get3A_217, %get3A_218] {strides = array<i32>} : memref<64x256xf32, #tpu.memory_space<vmem>>, vector<16xf32>,
          %add3A_220 = arith.addf %get3A_212, %get3A_219 : vector<16xf32>
          %swap3A = arith.index_cast %squeeze3A_155 : i32 to index
          %swap3A_221 = arith.index_cast %mul3A_209 : i32 to index
          %swap3A_222 = tpu.vector_load %arg12[%swap3A, %swap3A_221] {strides = array<i32>} : memref<257x256xf32, #tpu.memory_space<vmem>>, vector<16xf32>,
          tpu.vector_store %arg12[%swap3A, %swap3A_221], %add3A_220 {strides = array<i32>} : memref<257x256xf32, #tpu.memory_space<vmem>>, vector<16xf32>,
        }
        %scan3A_160 = arith.constant 16 : i32
        %slice3A_161 = vector.extract_strided_slice %get3A_92 {offsets = [10], sizes = [1], strides = [1]} : vector<16xi32> to vector<1xi32>
        %squeeze3A_162 = vector.extract %slice3A_161[0] : i32 from vector<1xi32>
        %scan3A_163 = arith.constant 0 : i32
        %scan3A_164 = arith.constant 16 : i32
        %scan3A_165 = arith.addi %scan3A_163, %scan3A_164 : i32
        %scan3A_166 = arith.constant 1 : i32
        scf.for %scan3A_203 = %scan3A_163 to %scan3A_165 step %scan3A_166  : i32 {
          %mul3A_204 = arith.constant 1 : i32
          %mul3A_205 = arith.muli %scan3A_203, %mul3A_204 : i32
          %add3A_206 = arith.constant 0 : i32
          %add3A_207 = arith.addi %add3A_206, %mul3A_205 : i32
          %mul3A_208 = arith.constant 16 : i32
          %mul3A_209 = arith.muli %add3A_207, %mul3A_208 : i32
          %get3A_210 = arith.index_cast %squeeze3A_162 : i32 to index
          %get3A_211 = arith.index_cast %mul3A_209 : i32 to index
          %get3A_212 = tpu.vector_load %arg12[%get3A_210, %get3A_211] {strides = array<i32>} : memref<257x256xf32, #tpu.memory_space<vmem>>, vector<16xf32>,
          %mul3A_213 = arith.constant 16 : i32
          %mul3A_214 = arith.muli %add3A_86, %mul3A_213 : i32
          %add3A_215 = arith.constant 10 : i32
          %add3A_216 = arith.addi %mul3A_214, %add3A_215 : i32
          %get3A_217 = arith.index_cast %add3A_216 : i32 to index
          %get3A_218 = arith.index_cast %mul3A_209 : i32 to index
          %get3A_219 = tpu.vector_load %arg9[%get3A_217, %get3A_218] {strides = array<i32>} : memref<64x256xf32, #tpu.memory_space<vmem>>, vector<16xf32>,
          %add3A_220 = arith.addf %get3A_212, %get3A_219 : vector<16xf32>
          %swap3A = arith.index_cast %squeeze3A_162 : i32 to index
          %swap3A_221 = arith.index_cast %mul3A_209 : i32 to index
          %swap3A_222 = tpu.vector_load %arg12[%swap3A, %swap3A_221] {strides = array<i32>} : memref<257x256xf32, #tpu.memory_space<vmem>>, vector<16xf32>,
          tpu.vector_store %arg12[%swap3A, %swap3A_221], %add3A_220 {strides = array<i32>} : memref<257x256xf32, #tpu.memory_space<vmem>>, vector<16xf32>,
        }
        %scan3A_167 = arith.constant 16 : i32
        %slice3A_168 = vector.extract_strided_slice %get3A_92 {offsets = [11], sizes = [1], strides = [1]} : vector<16xi32> to vector<1xi32>
        %squeeze3A_169 = vector.extract %slice3A_168[0] : i32 from vector<1xi32>
        %scan3A_170 = arith.constant 0 : i32
        %scan3A_171 = arith.constant 16 : i32
        %scan3A_172 = arith.addi %scan3A_170, %scan3A_171 : i32
        %scan3A_173 = arith.constant 1 : i32
        scf.for %scan3A_203 = %scan3A_170 to %scan3A_172 step %scan3A_173  : i32 {
          %mul3A_204 = arith.constant 1 : i32
          %mul3A_205 = arith.muli %scan3A_203, %mul3A_204 : i32
          %add3A_206 = arith.constant 0 : i32
          %add3A_207 = arith.addi %add3A_206, %mul3A_205 : i32
          %mul3A_208 = arith.constant 16 : i32
          %mul3A_209 = arith.muli %add3A_207, %mul3A_208 : i32
          %get3A_210 = arith.index_cast %squeeze3A_169 : i32 to index
          %get3A_211 = arith.index_cast %mul3A_209 : i32 to index
          %get3A_212 = tpu.vector_load %arg12[%get3A_210, %get3A_211] {strides = array<i32>} : memref<257x256xf32, #tpu.memory_space<vmem>>, vector<16xf32>,
          %mul3A_213 = arith.constant 16 : i32
          %mul3A_214 = arith.muli %add3A_86, %mul3A_213 : i32
          %add3A_215 = arith.constant 11 : i32
          %add3A_216 = arith.addi %mul3A_214, %add3A_215 : i32
          %get3A_217 = arith.index_cast %add3A_216 : i32 to index
          %get3A_218 = arith.index_cast %mul3A_209 : i32 to index
          %get3A_219 = tpu.vector_load %arg9[%get3A_217, %get3A_218] {strides = array<i32>} : memref<64x256xf32, #tpu.memory_space<vmem>>, vector<16xf32>,
          %add3A_220 = arith.addf %get3A_212, %get3A_219 : vector<16xf32>
          %swap3A = arith.index_cast %squeeze3A_169 : i32 to index
          %swap3A_221 = arith.index_cast %mul3A_209 : i32 to index
          %swap3A_222 = tpu.vector_load %arg12[%swap3A, %swap3A_221] {strides = array<i32>} : memref<257x256xf32, #tpu.memory_space<vmem>>, vector<16xf32>,
          tpu.vector_store %arg12[%swap3A, %swap3A_221], %add3A_220 {strides = array<i32>} : memref<257x256xf32, #tpu.memory_space<vmem>>, vector<16xf32>,
        }
        %scan3A_174 = arith.constant 16 : i32
        %slice3A_175 = vector.extract_strided_slice %get3A_92 {offsets = [12], sizes = [1], strides = [1]} : vector<16xi32> to vector<1xi32>
        %squeeze3A_176 = vector.extract %slice3A_175[0] : i32 from vector<1xi32>
        %scan3A_177 = arith.constant 0 : i32
        %scan3A_178 = arith.constant 16 : i32
        %scan3A_179 = arith.addi %scan3A_177, %scan3A_178 : i32
        %scan3A_180 = arith.constant 1 : i32
        scf.for %scan3A_203 = %scan3A_177 to %scan3A_179 step %scan3A_180  : i32 {
          %mul3A_204 = arith.constant 1 : i32
          %mul3A_205 = arith.muli %scan3A_203, %mul3A_204 : i32
          %add3A_206 = arith.constant 0 : i32
          %add3A_207 = arith.addi %add3A_206, %mul3A_205 : i32
          %mul3A_208 = arith.constant 16 : i32
          %mul3A_209 = arith.muli %add3A_207, %mul3A_208 : i32
          %get3A_210 = arith.index_cast %squeeze3A_176 : i32 to index
          %get3A_211 = arith.index_cast %mul3A_209 : i32 to index
          %get3A_212 = tpu.vector_load %arg12[%get3A_210, %get3A_211] {strides = array<i32>} : memref<257x256xf32, #tpu.memory_space<vmem>>, vector<16xf32>,
          %mul3A_213 = arith.constant 16 : i32
          %mul3A_214 = arith.muli %add3A_86, %mul3A_213 : i32
          %add3A_215 = arith.constant 12 : i32
          %add3A_216 = arith.addi %mul3A_214, %add3A_215 : i32
          %get3A_217 = arith.index_cast %add3A_216 : i32 to index
          %get3A_218 = arith.index_cast %mul3A_209 : i32 to index
          %get3A_219 = tpu.vector_load %arg9[%get3A_217, %get3A_218] {strides = array<i32>} : memref<64x256xf32, #tpu.memory_space<vmem>>, vector<16xf32>,
          %add3A_220 = arith.addf %get3A_212, %get3A_219 : vector<16xf32>
          %swap3A = arith.index_cast %squeeze3A_176 : i32 to index
          %swap3A_221 = arith.index_cast %mul3A_209 : i32 to index
          %swap3A_222 = tpu.vector_load %arg12[%swap3A, %swap3A_221] {strides = array<i32>} : memref<257x256xf32, #tpu.memory_space<vmem>>, vector<16xf32>,
          tpu.vector_store %arg12[%swap3A, %swap3A_221], %add3A_220 {strides = array<i32>} : memref<257x256xf32, #tpu.memory_space<vmem>>, vector<16xf32>,
        }
        %scan3A_181 = arith.constant 16 : i32
        %slice3A_182 = vector.extract_strided_slice %get3A_92 {offsets = [13], sizes = [1], strides = [1]} : vector<16xi32> to vector<1xi32>
        %squeeze3A_183 = vector.extract %slice3A_182[0] : i32 from vector<1xi32>
        %scan3A_184 = arith.constant 0 : i32
        %scan3A_185 = arith.constant 16 : i32
        %scan3A_186 = arith.addi %scan3A_184, %scan3A_185 : i32
        %scan3A_187 = arith.constant 1 : i32
        scf.for %scan3A_203 = %scan3A_184 to %scan3A_186 step %scan3A_187  : i32 {
          %mul3A_204 = arith.constant 1 : i32
          %mul3A_205 = arith.muli %scan3A_203, %mul3A_204 : i32
          %add3A_206 = arith.constant 0 : i32
          %add3A_207 = arith.addi %add3A_206, %mul3A_205 : i32
          %mul3A_208 = arith.constant 16 : i32
          %mul3A_209 = arith.muli %add3A_207, %mul3A_208 : i32
          %get3A_210 = arith.index_cast %squeeze3A_183 : i32 to index
          %get3A_211 = arith.index_cast %mul3A_209 : i32 to index
          %get3A_212 = tpu.vector_load %arg12[%get3A_210, %get3A_211] {strides = array<i32>} : memref<257x256xf32, #tpu.memory_space<vmem>>, vector<16xf32>,
          %mul3A_213 = arith.constant 16 : i32
          %mul3A_214 = arith.muli %add3A_86, %mul3A_213 : i32
          %add3A_215 = arith.constant 13 : i32
          %add3A_216 = arith.addi %mul3A_214, %add3A_215 : i32
          %get3A_217 = arith.index_cast %add3A_216 : i32 to index
          %get3A_218 = arith.index_cast %mul3A_209 : i32 to index
          %get3A_219 = tpu.vector_load %arg9[%get3A_217, %get3A_218] {strides = array<i32>} : memref<64x256xf32, #tpu.memory_space<vmem>>, vector<16xf32>,
          %add3A_220 = arith.addf %get3A_212, %get3A_219 : vector<16xf32>
          %swap3A = arith.index_cast %squeeze3A_183 : i32 to index
          %swap3A_221 = arith.index_cast %mul3A_209 : i32 to index
          %swap3A_222 = tpu.vector_load %arg12[%swap3A, %swap3A_221] {strides = array<i32>} : memref<257x256xf32, #tpu.memory_space<vmem>>, vector<16xf32>,
          tpu.vector_store %arg12[%swap3A, %swap3A_221], %add3A_220 {strides = array<i32>} : memref<257x256xf32, #tpu.memory_space<vmem>>, vector<16xf32>,
        }
        %scan3A_188 = arith.constant 16 : i32
        %slice3A_189 = vector.extract_strided_slice %get3A_92 {offsets = [14], sizes = [1], strides = [1]} : vector<16xi32> to vector<1xi32>
        %squeeze3A_190 = vector.extract %slice3A_189[0] : i32 from vector<1xi32>
        %scan3A_191 = arith.constant 0 : i32
        %scan3A_192 = arith.constant 16 : i32
        %scan3A_193 = arith.addi %scan3A_191, %scan3A_192 : i32
        %scan3A_194 = arith.constant 1 : i32
        scf.for %scan3A_203 = %scan3A_191 to %scan3A_193 step %scan3A_194  : i32 {
          %mul3A_204 = arith.constant 1 : i32
          %mul3A_205 = arith.muli %scan3A_203, %mul3A_204 : i32
          %add3A_206 = arith.constant 0 : i32
          %add3A_207 = arith.addi %add3A_206, %mul3A_205 : i32
          %mul3A_208 = arith.constant 16 : i32
          %mul3A_209 = arith.muli %add3A_207, %mul3A_208 : i32
          %get3A_210 = arith.index_cast %squeeze3A_190 : i32 to index
          %get3A_211 = arith.index_cast %mul3A_209 : i32 to index
          %get3A_212 = tpu.vector_load %arg12[%get3A_210, %get3A_211] {strides = array<i32>} : memref<257x256xf32, #tpu.memory_space<vmem>>, vector<16xf32>,
          %mul3A_213 = arith.constant 16 : i32
          %mul3A_214 = arith.muli %add3A_86, %mul3A_213 : i32
          %add3A_215 = arith.constant 14 : i32
          %add3A_216 = arith.addi %mul3A_214, %add3A_215 : i32
          %get3A_217 = arith.index_cast %add3A_216 : i32 to index
          %get3A_218 = arith.index_cast %mul3A_209 : i32 to index
          %get3A_219 = tpu.vector_load %arg9[%get3A_217, %get3A_218] {strides = array<i32>} : memref<64x256xf32, #tpu.memory_space<vmem>>, vector<16xf32>,
          %add3A_220 = arith.addf %get3A_212, %get3A_219 : vector<16xf32>
          %swap3A = arith.index_cast %squeeze3A_190 : i32 to index
          %swap3A_221 = arith.index_cast %mul3A_209 : i32 to index
          %swap3A_222 = tpu.vector_load %arg12[%swap3A, %swap3A_221] {strides = array<i32>} : memref<257x256xf32, #tpu.memory_space<vmem>>, vector<16xf32>,
          tpu.vector_store %arg12[%swap3A, %swap3A_221], %add3A_220 {strides = array<i32>} : memref<257x256xf32, #tpu.memory_space<vmem>>, vector<16xf32>,
        }
        %scan3A_195 = arith.constant 16 : i32
        %slice3A_196 = vector.extract_strided_slice %get3A_92 {offsets = [15], sizes = [1], strides = [1]} : vector<16xi32> to vector<1xi32>
        %squeeze3A_197 = vector.extract %slice3A_196[0] : i32 from vector<1xi32>
        %scan3A_198 = arith.constant 0 : i32
        %scan3A_199 = arith.constant 16 : i32
        %scan3A_200 = arith.addi %scan3A_198, %scan3A_199 : i32
        %scan3A_201 = arith.constant 1 : i32
        scf.for %scan3A_203 = %scan3A_198 to %scan3A_200 step %scan3A_201  : i32 {
          %mul3A_204 = arith.constant 1 : i32
          %mul3A_205 = arith.muli %scan3A_203, %mul3A_204 : i32
          %add3A_206 = arith.constant 0 : i32
          %add3A_207 = arith.addi %add3A_206, %mul3A_205 : i32
          %mul3A_208 = arith.constant 16 : i32
          %mul3A_209 = arith.muli %add3A_207, %mul3A_208 : i32
          %get3A_210 = arith.index_cast %squeeze3A_197 : i32 to index
          %get3A_211 = arith.index_cast %mul3A_209 : i32 to index
          %get3A_212 = tpu.vector_load %arg12[%get3A_210, %get3A_211] {strides = array<i32>} : memref<257x256xf32, #tpu.memory_space<vmem>>, vector<16xf32>,
          %mul3A_213 = arith.constant 16 : i32
          %mul3A_214 = arith.muli %add3A_86, %mul3A_213 : i32
          %add3A_215 = arith.constant 15 : i32
          %add3A_216 = arith.addi %mul3A_214, %add3A_215 : i32
          %get3A_217 = arith.index_cast %add3A_216 : i32 to index
          %get3A_218 = arith.index_cast %mul3A_209 : i32 to index
          %get3A_219 = tpu.vector_load %arg9[%get3A_217, %get3A_218] {strides = array<i32>} : memref<64x256xf32, #tpu.memory_space<vmem>>, vector<16xf32>,
          %add3A_220 = arith.addf %get3A_212, %get3A_219 : vector<16xf32>
          %swap3A = arith.index_cast %squeeze3A_197 : i32 to index
          %swap3A_221 = arith.index_cast %mul3A_209 : i32 to index
          %swap3A_222 = tpu.vector_load %arg12[%swap3A, %swap3A_221] {strides = array<i32>} : memref<257x256xf32, #tpu.memory_space<vmem>>, vector<16xf32>,
          tpu.vector_store %arg12[%swap3A, %swap3A_221], %add3A_220 {strides = array<i32>} : memref<257x256xf32, #tpu.memory_space<vmem>>, vector<16xf32>,
        }
        %scan3A_202 = arith.constant 16 : i32
      }
      %scan3A_69 = arith.constant 4 : i32
      %add3A_70 = arith.constant 2 : i32
      %add3A_71 = arith.addi %mul3A_55, %add3A_70 : i32
      %lt3A_72 = arith.cmpi slt, %add3A_71, %div3A_27 : i32
      %convert_element_type3A_73 = arith.extui %lt3A_72 : i1 to i32
      %cond3A_74 = arith.constant 0 : i32
      %cond3A_75 = arith.cmpi ne, %convert_element_type3A_73, %cond3A_74 : i32
      scf.if %cond3A_75 {
        %add3A_82 = arith.constant 2 : i32
        %add3A_83 = arith.addi %mul3A_55, %add3A_82 : i32
        %mul3A_84 = arith.constant 64 : i32
        %mul3A_85 = arith.muli %add3A_83, %mul3A_84 : i32
        %dma_start3A = tpu.memref_slice %arg7[%mul3A_85] : memref<4112xi32, #tpu.memory_space<vmem>> -> memref<64xi32, #tpu.memory_space<vmem>>
        %dma_start3A_86 = arith.constant 0 : i32
        %dma_start3A_87 = arith.constant 0 : i32
        %dma_start3A_88 = tpu.memref_slice %arg3[%dma_start3A_86, %dma_start3A_87] : memref<4096x256xf32, #tpu.memory_space<hbm>> -> memref<4096x256xf32, #tpu.memory_space<hbm>>
        tpu.enqueue_indirect_dma source(%dma_start3A_88 : memref<4096x256xf32, #tpu.memory_space<hbm>>) target(%arg9 : memref<64x256xf32, #tpu.memory_space<vmem>>) offsets(%dma_start3A : memref<64xi32, #tpu.memory_space<vmem>>) semaphore(%arg13 : memref<!tpu.dma_semaphore, #tpu.memory_space<semaphore_mem>>)
      } else {
      }
      %add3A_76 = arith.constant 1 : i32
      %add3A_77 = arith.addi %mul3A_55, %add3A_76 : i32
      %lt3A_78 = arith.cmpi slt, %add3A_77, %div3A_27 : i32
      %convert_element_type3A_79 = arith.extui %lt3A_78 : i1 to i32
      %cond3A_80 = arith.constant 0 : i32
      %cond3A_81 = arith.cmpi ne, %convert_element_type3A_79, %cond3A_80 : i32
      scf.if %cond3A_81 {
        %dma_wait3A_82 = arith.constant 0 : i32
        %dma_wait3A_83 = tpu.memref_slice %arg7[%dma_wait3A_82] : memref<4112xi32, #tpu.memory_space<vmem>> -> memref<64xi32, #tpu.memory_space<vmem>>
        %dma_wait3A_84 = arith.constant 0 : i32
        %dma_wait3A_85 = arith.constant 0 : i32
        %dma_wait3A_86 = tpu.memref_slice %arg3[%dma_wait3A_84, %dma_wait3A_85] : memref<4096x256xf32, #tpu.memory_space<hbm>> -> memref<4096x256xf32, #tpu.memory_space<hbm>>
        tpu.wait_indirect_dma semaphore(%arg14 : memref<!tpu.dma_semaphore, #tpu.memory_space<semaphore_mem>>) src(%dma_wait3A_86 : memref<4096x256xf32, #tpu.memory_space<hbm>>) dst(%arg10 : memref<64x256xf32, #tpu.memory_space<vmem>>)
        %add3A_87 = arith.constant 1 : i32
        %add3A_88 = arith.addi %mul3A_55, %add3A_87 : i32
        %scan3A_89 = arith.constant 0 : i32
        %scan3A_90 = arith.constant 4 : i32
        %scan3A_91 = arith.addi %scan3A_89, %scan3A_90 : i32
        %scan3A_92 = arith.constant 1 : i32
        scf.for %scan3A_94 = %scan3A_89 to %scan3A_91 step %scan3A_92  : i32 {
          %mul3A_95 = arith.constant 1 : i32
          %mul3A_96 = arith.muli %scan3A_94, %mul3A_95 : i32
          %add3A_97 = arith.constant 0 : i32
          %add3A_98 = arith.addi %add3A_97, %mul3A_96 : i32
          %mul3A_99 = arith.constant 64 : i32
          %mul3A_100 = arith.muli %add3A_88, %mul3A_99 : i32
          %mul3A_101 = arith.constant 16 : i32
          %mul3A_102 = arith.muli %add3A_98, %mul3A_101 : i32
          %add3A_103 = arith.addi %mul3A_100, %mul3A_102 : i32
          %get3A = arith.index_cast %add3A_103 : i32 to index
          %get3A_104 = tpu.vector_load %arg8[%get3A] {strides = array<i32>} : memref<4112xi32, #tpu.memory_space<vmem>>, vector<16xi32>,
          %slice3A = vector.extract_strided_slice %get3A_104 {offsets = [0], sizes = [1], strides = [1]} : vector<16xi32> to vector<1xi32>
          %squeeze3A = vector.extract %slice3A[0] : i32 from vector<1xi32>
          %scan3A_105 = arith.constant 0 : i32
          %scan3A_106 = arith.constant 16 : i32
          %scan3A_107 = arith.addi %scan3A_105, %scan3A_106 : i32
          %scan3A_108 = arith.constant 1 : i32
          scf.for %scan3A_215 = %scan3A_105 to %scan3A_107 step %scan3A_108  : i32 {
            %mul3A_216 = arith.constant 1 : i32
            %mul3A_217 = arith.muli %scan3A_215, %mul3A_216 : i32
            %add3A_218 = arith.constant 0 : i32
            %add3A_219 = arith.addi %add3A_218, %mul3A_217 : i32
            %mul3A_220 = arith.constant 16 : i32
            %mul3A_221 = arith.muli %add3A_219, %mul3A_220 : i32
            %get3A_222 = arith.index_cast %squeeze3A : i32 to index
            %get3A_223 = arith.index_cast %mul3A_221 : i32 to index
            %get3A_224 = tpu.vector_load %arg12[%get3A_222, %get3A_223] {strides = array<i32>} : memref<257x256xf32, #tpu.memory_space<vmem>>, vector<16xf32>,
            %mul3A_225 = arith.constant 16 : i32
            %mul3A_226 = arith.muli %add3A_98, %mul3A_225 : i32
            %add3A_227 = arith.constant 0 : i32
            %add3A_228 = arith.addi %mul3A_226, %add3A_227 : i32
            %get3A_229 = arith.index_cast %add3A_228 : i32 to index
            %get3A_230 = arith.index_cast %mul3A_221 : i32 to index
            %get3A_231 = tpu.vector_load %arg10[%get3A_229, %get3A_230] {strides = array<i32>} : memref<64x256xf32, #tpu.memory_space<vmem>>, vector<16xf32>,
            %add3A_232 = arith.addf %get3A_224, %get3A_231 : vector<16xf32>
            %swap3A = arith.index_cast %squeeze3A : i32 to index
            %swap3A_233 = arith.index_cast %mul3A_221 : i32 to index
            %swap3A_234 = tpu.vector_load %arg12[%swap3A, %swap3A_233] {strides = array<i32>} : memref<257x256xf32, #tpu.memory_space<vmem>>, vector<16xf32>,
            tpu.vector_store %arg12[%swap3A, %swap3A_233], %add3A_232 {strides = array<i32>} : memref<257x256xf32, #tpu.memory_space<vmem>>, vector<16xf32>,
          }
          %scan3A_109 = arith.constant 16 : i32
          %slice3A_110 = vector.extract_strided_slice %get3A_104 {offsets = [1], sizes = [1], strides = [1]} : vector<16xi32> to vector<1xi32>
          %squeeze3A_111 = vector.extract %slice3A_110[0] : i32 from vector<1xi32>
          %scan3A_112 = arith.constant 0 : i32
          %scan3A_113 = arith.constant 16 : i32
          %scan3A_114 = arith.addi %scan3A_112, %scan3A_113 : i32
          %scan3A_115 = arith.constant 1 : i32
          scf.for %scan3A_215 = %scan3A_112 to %scan3A_114 step %scan3A_115  : i32 {
            %mul3A_216 = arith.constant 1 : i32
            %mul3A_217 = arith.muli %scan3A_215, %mul3A_216 : i32
            %add3A_218 = arith.constant 0 : i32
            %add3A_219 = arith.addi %add3A_218, %mul3A_217 : i32
            %mul3A_220 = arith.constant 16 : i32
            %mul3A_221 = arith.muli %add3A_219, %mul3A_220 : i32
            %get3A_222 = arith.index_cast %squeeze3A_111 : i32 to index
            %get3A_223 = arith.index_cast %mul3A_221 : i32 to index
            %get3A_224 = tpu.vector_load %arg12[%get3A_222, %get3A_223] {strides = array<i32>} : memref<257x256xf32, #tpu.memory_space<vmem>>, vector<16xf32>,
            %mul3A_225 = arith.constant 16 : i32
            %mul3A_226 = arith.muli %add3A_98, %mul3A_225 : i32
            %add3A_227 = arith.constant 1 : i32
            %add3A_228 = arith.addi %mul3A_226, %add3A_227 : i32
            %get3A_229 = arith.index_cast %add3A_228 : i32 to index
            %get3A_230 = arith.index_cast %mul3A_221 : i32 to index
            %get3A_231 = tpu.vector_load %arg10[%get3A_229, %get3A_230] {strides = array<i32>} : memref<64x256xf32, #tpu.memory_space<vmem>>, vector<16xf32>,
            %add3A_232 = arith.addf %get3A_224, %get3A_231 : vector<16xf32>
            %swap3A = arith.index_cast %squeeze3A_111 : i32 to index
            %swap3A_233 = arith.index_cast %mul3A_221 : i32 to index
            %swap3A_234 = tpu.vector_load %arg12[%swap3A, %swap3A_233] {strides = array<i32>} : memref<257x256xf32, #tpu.memory_space<vmem>>, vector<16xf32>,
            tpu.vector_store %arg12[%swap3A, %swap3A_233], %add3A_232 {strides = array<i32>} : memref<257x256xf32, #tpu.memory_space<vmem>>, vector<16xf32>,
          }
          %scan3A_116 = arith.constant 16 : i32
          %slice3A_117 = vector.extract_strided_slice %get3A_104 {offsets = [2], sizes = [1], strides = [1]} : vector<16xi32> to vector<1xi32>
          %squeeze3A_118 = vector.extract %slice3A_117[0] : i32 from vector<1xi32>
          %scan3A_119 = arith.constant 0 : i32
          %scan3A_120 = arith.constant 16 : i32
          %scan3A_121 = arith.addi %scan3A_119, %scan3A_120 : i32
          %scan3A_122 = arith.constant 1 : i32
          scf.for %scan3A_215 = %scan3A_119 to %scan3A_121 step %scan3A_122  : i32 {
            %mul3A_216 = arith.constant 1 : i32
            %mul3A_217 = arith.muli %scan3A_215, %mul3A_216 : i32
            %add3A_218 = arith.constant 0 : i32
            %add3A_219 = arith.addi %add3A_218, %mul3A_217 : i32
            %mul3A_220 = arith.constant 16 : i32
            %mul3A_221 = arith.muli %add3A_219, %mul3A_220 : i32
            %get3A_222 = arith.index_cast %squeeze3A_118 : i32 to index
            %get3A_223 = arith.index_cast %mul3A_221 : i32 to index
            %get3A_224 = tpu.vector_load %arg12[%get3A_222, %get3A_223] {strides = array<i32>} : memref<257x256xf32, #tpu.memory_space<vmem>>, vector<16xf32>,
            %mul3A_225 = arith.constant 16 : i32
            %mul3A_226 = arith.muli %add3A_98, %mul3A_225 : i32
            %add3A_227 = arith.constant 2 : i32
            %add3A_228 = arith.addi %mul3A_226, %add3A_227 : i32
            %get3A_229 = arith.index_cast %add3A_228 : i32 to index
            %get3A_230 = arith.index_cast %mul3A_221 : i32 to index
            %get3A_231 = tpu.vector_load %arg10[%get3A_229, %get3A_230] {strides = array<i32>} : memref<64x256xf32, #tpu.memory_space<vmem>>, vector<16xf32>,
            %add3A_232 = arith.addf %get3A_224, %get3A_231 : vector<16xf32>
            %swap3A = arith.index_cast %squeeze3A_118 : i32 to index
            %swap3A_233 = arith.index_cast %mul3A_221 : i32 to index
            %swap3A_234 = tpu.vector_load %arg12[%swap3A, %swap3A_233] {strides = array<i32>} : memref<257x256xf32, #tpu.memory_space<vmem>>, vector<16xf32>,
            tpu.vector_store %arg12[%swap3A, %swap3A_233], %add3A_232 {strides = array<i32>} : memref<257x256xf32, #tpu.memory_space<vmem>>, vector<16xf32>,
          }
          %scan3A_123 = arith.constant 16 : i32
          %slice3A_124 = vector.extract_strided_slice %get3A_104 {offsets = [3], sizes = [1], strides = [1]} : vector<16xi32> to vector<1xi32>
          %squeeze3A_125 = vector.extract %slice3A_124[0] : i32 from vector<1xi32>
          %scan3A_126 = arith.constant 0 : i32
          %scan3A_127 = arith.constant 16 : i32
          %scan3A_128 = arith.addi %scan3A_126, %scan3A_127 : i32
          %scan3A_129 = arith.constant 1 : i32
          scf.for %scan3A_215 = %scan3A_126 to %scan3A_128 step %scan3A_129  : i32 {
            %mul3A_216 = arith.constant 1 : i32
            %mul3A_217 = arith.muli %scan3A_215, %mul3A_216 : i32
            %add3A_218 = arith.constant 0 : i32
            %add3A_219 = arith.addi %add3A_218, %mul3A_217 : i32
            %mul3A_220 = arith.constant 16 : i32
            %mul3A_221 = arith.muli %add3A_219, %mul3A_220 : i32
            %get3A_222 = arith.index_cast %squeeze3A_125 : i32 to index
            %get3A_223 = arith.index_cast %mul3A_221 : i32 to index
            %get3A_224 = tpu.vector_load %arg12[%get3A_222, %get3A_223] {strides = array<i32>} : memref<257x256xf32, #tpu.memory_space<vmem>>, vector<16xf32>,
            %mul3A_225 = arith.constant 16 : i32
            %mul3A_226 = arith.muli %add3A_98, %mul3A_225 : i32
            %add3A_227 = arith.constant 3 : i32
            %add3A_228 = arith.addi %mul3A_226, %add3A_227 : i32
            %get3A_229 = arith.index_cast %add3A_228 : i32 to index
            %get3A_230 = arith.index_cast %mul3A_221 : i32 to index
            %get3A_231 = tpu.vector_load %arg10[%get3A_229, %get3A_230] {strides = array<i32>} : memref<64x256xf32, #tpu.memory_space<vmem>>, vector<16xf32>,
            %add3A_232 = arith.addf %get3A_224, %get3A_231 : vector<16xf32>
            %swap3A = arith.index_cast %squeeze3A_125 : i32 to index
            %swap3A_233 = arith.index_cast %mul3A_221 : i32 to index
            %swap3A_234 = tpu.vector_load %arg12[%swap3A, %swap3A_233] {strides = array<i32>} : memref<257x256xf32, #tpu.memory_space<vmem>>, vector<16xf32>,
            tpu.vector_store %arg12[%swap3A, %swap3A_233], %add3A_232 {strides = array<i32>} : memref<257x256xf32, #tpu.memory_space<vmem>>, vector<16xf32>,
          }
          %scan3A_130 = arith.constant 16 : i32
          %slice3A_131 = vector.extract_strided_slice %get3A_104 {offsets = [4], sizes = [1], strides = [1]} : vector<16xi32> to vector<1xi32>
          %squeeze3A_132 = vector.extract %slice3A_131[0] : i32 from vector<1xi32>
          %scan3A_133 = arith.constant 0 : i32
          %scan3A_134 = arith.constant 16 : i32
          %scan3A_135 = arith.addi %scan3A_133, %scan3A_134 : i32
          %scan3A_136 = arith.constant 1 : i32
          scf.for %scan3A_215 = %scan3A_133 to %scan3A_135 step %scan3A_136  : i32 {
            %mul3A_216 = arith.constant 1 : i32
            %mul3A_217 = arith.muli %scan3A_215, %mul3A_216 : i32
            %add3A_218 = arith.constant 0 : i32
            %add3A_219 = arith.addi %add3A_218, %mul3A_217 : i32
            %mul3A_220 = arith.constant 16 : i32
            %mul3A_221 = arith.muli %add3A_219, %mul3A_220 : i32
            %get3A_222 = arith.index_cast %squeeze3A_132 : i32 to index
            %get3A_223 = arith.index_cast %mul3A_221 : i32 to index
            %get3A_224 = tpu.vector_load %arg12[%get3A_222, %get3A_223] {strides = array<i32>} : memref<257x256xf32, #tpu.memory_space<vmem>>, vector<16xf32>,
            %mul3A_225 = arith.constant 16 : i32
            %mul3A_226 = arith.muli %add3A_98, %mul3A_225 : i32
            %add3A_227 = arith.constant 4 : i32
            %add3A_228 = arith.addi %mul3A_226, %add3A_227 : i32
            %get3A_229 = arith.index_cast %add3A_228 : i32 to index
            %get3A_230 = arith.index_cast %mul3A_221 : i32 to index
            %get3A_231 = tpu.vector_load %arg10[%get3A_229, %get3A_230] {strides = array<i32>} : memref<64x256xf32, #tpu.memory_space<vmem>>, vector<16xf32>,
            %add3A_232 = arith.addf %get3A_224, %get3A_231 : vector<16xf32>
            %swap3A = arith.index_cast %squeeze3A_132 : i32 to index
            %swap3A_233 = arith.index_cast %mul3A_221 : i32 to index
            %swap3A_234 = tpu.vector_load %arg12[%swap3A, %swap3A_233] {strides = array<i32>} : memref<257x256xf32, #tpu.memory_space<vmem>>, vector<16xf32>,
            tpu.vector_store %arg12[%swap3A, %swap3A_233], %add3A_232 {strides = array<i32>} : memref<257x256xf32, #tpu.memory_space<vmem>>, vector<16xf32>,
          }
          %scan3A_137 = arith.constant 16 : i32
          %slice3A_138 = vector.extract_strided_slice %get3A_104 {offsets = [5], sizes = [1], strides = [1]} : vector<16xi32> to vector<1xi32>
          %squeeze3A_139 = vector.extract %slice3A_138[0] : i32 from vector<1xi32>
          %scan3A_140 = arith.constant 0 : i32
          %scan3A_141 = arith.constant 16 : i32
          %scan3A_142 = arith.addi %scan3A_140, %scan3A_141 : i32
          %scan3A_143 = arith.constant 1 : i32
          scf.for %scan3A_215 = %scan3A_140 to %scan3A_142 step %scan3A_143  : i32 {
            %mul3A_216 = arith.constant 1 : i32
            %mul3A_217 = arith.muli %scan3A_215, %mul3A_216 : i32
            %add3A_218 = arith.constant 0 : i32
            %add3A_219 = arith.addi %add3A_218, %mul3A_217 : i32
            %mul3A_220 = arith.constant 16 : i32
            %mul3A_221 = arith.muli %add3A_219, %mul3A_220 : i32
            %get3A_222 = arith.index_cast %squeeze3A_139 : i32 to index
            %get3A_223 = arith.index_cast %mul3A_221 : i32 to index
            %get3A_224 = tpu.vector_load %arg12[%get3A_222, %get3A_223] {strides = array<i32>} : memref<257x256xf32, #tpu.memory_space<vmem>>, vector<16xf32>,
            %mul3A_225 = arith.constant 16 : i32
            %mul3A_226 = arith.muli %add3A_98, %mul3A_225 : i32
            %add3A_227 = arith.constant 5 : i32
            %add3A_228 = arith.addi %mul3A_226, %add3A_227 : i32
            %get3A_229 = arith.index_cast %add3A_228 : i32 to index
            %get3A_230 = arith.index_cast %mul3A_221 : i32 to index
            %get3A_231 = tpu.vector_load %arg10[%get3A_229, %get3A_230] {strides = array<i32>} : memref<64x256xf32, #tpu.memory_space<vmem>>, vector<16xf32>,
            %add3A_232 = arith.addf %get3A_224, %get3A_231 : vector<16xf32>
            %swap3A = arith.index_cast %squeeze3A_139 : i32 to index
            %swap3A_233 = arith.index_cast %mul3A_221 : i32 to index
            %swap3A_234 = tpu.vector_load %arg12[%swap3A, %swap3A_233] {strides = array<i32>} : memref<257x256xf32, #tpu.memory_space<vmem>>, vector<16xf32>,
            tpu.vector_store %arg12[%swap3A, %swap3A_233], %add3A_232 {strides = array<i32>} : memref<257x256xf32, #tpu.memory_space<vmem>>, vector<16xf32>,
          }
          %scan3A_144 = arith.constant 16 : i32
          %slice3A_145 = vector.extract_strided_slice %get3A_104 {offsets = [6], sizes = [1], strides = [1]} : vector<16xi32> to vector<1xi32>
          %squeeze3A_146 = vector.extract %slice3A_145[0] : i32 from vector<1xi32>
          %scan3A_147 = arith.constant 0 : i32
          %scan3A_148 = arith.constant 16 : i32
          %scan3A_149 = arith.addi %scan3A_147, %scan3A_148 : i32
          %scan3A_150 = arith.constant 1 : i32
          scf.for %scan3A_215 = %scan3A_147 to %scan3A_149 step %scan3A_150  : i32 {
            %mul3A_216 = arith.constant 1 : i32
            %mul3A_217 = arith.muli %scan3A_215, %mul3A_216 : i32
            %add3A_218 = arith.constant 0 : i32
            %add3A_219 = arith.addi %add3A_218, %mul3A_217 : i32
            %mul3A_220 = arith.constant 16 : i32
            %mul3A_221 = arith.muli %add3A_219, %mul3A_220 : i32
            %get3A_222 = arith.index_cast %squeeze3A_146 : i32 to index
            %get3A_223 = arith.index_cast %mul3A_221 : i32 to index
            %get3A_224 = tpu.vector_load %arg12[%get3A_222, %get3A_223] {strides = array<i32>} : memref<257x256xf32, #tpu.memory_space<vmem>>, vector<16xf32>,
            %mul3A_225 = arith.constant 16 : i32
            %mul3A_226 = arith.muli %add3A_98, %mul3A_225 : i32
            %add3A_227 = arith.constant 6 : i32
            %add3A_228 = arith.addi %mul3A_226, %add3A_227 : i32
            %get3A_229 = arith.index_cast %add3A_228 : i32 to index
            %get3A_230 = arith.index_cast %mul3A_221 : i32 to index
            %get3A_231 = tpu.vector_load %arg10[%get3A_229, %get3A_230] {strides = array<i32>} : memref<64x256xf32, #tpu.memory_space<vmem>>, vector<16xf32>,
            %add3A_232 = arith.addf %get3A_224, %get3A_231 : vector<16xf32>
            %swap3A = arith.index_cast %squeeze3A_146 : i32 to index
            %swap3A_233 = arith.index_cast %mul3A_221 : i32 to index
            %swap3A_234 = tpu.vector_load %arg12[%swap3A, %swap3A_233] {strides = array<i32>} : memref<257x256xf32, #tpu.memory_space<vmem>>, vector<16xf32>,
            tpu.vector_store %arg12[%swap3A, %swap3A_233], %add3A_232 {strides = array<i32>} : memref<257x256xf32, #tpu.memory_space<vmem>>, vector<16xf32>,
          }
          %scan3A_151 = arith.constant 16 : i32
          %slice3A_152 = vector.extract_strided_slice %get3A_104 {offsets = [7], sizes = [1], strides = [1]} : vector<16xi32> to vector<1xi32>
          %squeeze3A_153 = vector.extract %slice3A_152[0] : i32 from vector<1xi32>
          %scan3A_154 = arith.constant 0 : i32
          %scan3A_155 = arith.constant 16 : i32
          %scan3A_156 = arith.addi %scan3A_154, %scan3A_155 : i32
          %scan3A_157 = arith.constant 1 : i32
          scf.for %scan3A_215 = %scan3A_154 to %scan3A_156 step %scan3A_157  : i32 {
            %mul3A_216 = arith.constant 1 : i32
            %mul3A_217 = arith.muli %scan3A_215, %mul3A_216 : i32
            %add3A_218 = arith.constant 0 : i32
            %add3A_219 = arith.addi %add3A_218, %mul3A_217 : i32
            %mul3A_220 = arith.constant 16 : i32
            %mul3A_221 = arith.muli %add3A_219, %mul3A_220 : i32
            %get3A_222 = arith.index_cast %squeeze3A_153 : i32 to index
            %get3A_223 = arith.index_cast %mul3A_221 : i32 to index
            %get3A_224 = tpu.vector_load %arg12[%get3A_222, %get3A_223] {strides = array<i32>} : memref<257x256xf32, #tpu.memory_space<vmem>>, vector<16xf32>,
            %mul3A_225 = arith.constant 16 : i32
            %mul3A_226 = arith.muli %add3A_98, %mul3A_225 : i32
            %add3A_227 = arith.constant 7 : i32
            %add3A_228 = arith.addi %mul3A_226, %add3A_227 : i32
            %get3A_229 = arith.index_cast %add3A_228 : i32 to index
            %get3A_230 = arith.index_cast %mul3A_221 : i32 to index
            %get3A_231 = tpu.vector_load %arg10[%get3A_229, %get3A_230] {strides = array<i32>} : memref<64x256xf32, #tpu.memory_space<vmem>>, vector<16xf32>,
            %add3A_232 = arith.addf %get3A_224, %get3A_231 : vector<16xf32>
            %swap3A = arith.index_cast %squeeze3A_153 : i32 to index
            %swap3A_233 = arith.index_cast %mul3A_221 : i32 to index
            %swap3A_234 = tpu.vector_load %arg12[%swap3A, %swap3A_233] {strides = array<i32>} : memref<257x256xf32, #tpu.memory_space<vmem>>, vector<16xf32>,
            tpu.vector_store %arg12[%swap3A, %swap3A_233], %add3A_232 {strides = array<i32>} : memref<257x256xf32, #tpu.memory_space<vmem>>, vector<16xf32>,
          }
          %scan3A_158 = arith.constant 16 : i32
          %slice3A_159 = vector.extract_strided_slice %get3A_104 {offsets = [8], sizes = [1], strides = [1]} : vector<16xi32> to vector<1xi32>
          %squeeze3A_160 = vector.extract %slice3A_159[0] : i32 from vector<1xi32>
          %scan3A_161 = arith.constant 0 : i32
          %scan3A_162 = arith.constant 16 : i32
          %scan3A_163 = arith.addi %scan3A_161, %scan3A_162 : i32
          %scan3A_164 = arith.constant 1 : i32
          scf.for %scan3A_215 = %scan3A_161 to %scan3A_163 step %scan3A_164  : i32 {
            %mul3A_216 = arith.constant 1 : i32
            %mul3A_217 = arith.muli %scan3A_215, %mul3A_216 : i32
            %add3A_218 = arith.constant 0 : i32
            %add3A_219 = arith.addi %add3A_218, %mul3A_217 : i32
            %mul3A_220 = arith.constant 16 : i32
            %mul3A_221 = arith.muli %add3A_219, %mul3A_220 : i32
            %get3A_222 = arith.index_cast %squeeze3A_160 : i32 to index
            %get3A_223 = arith.index_cast %mul3A_221 : i32 to index
            %get3A_224 = tpu.vector_load %arg12[%get3A_222, %get3A_223] {strides = array<i32>} : memref<257x256xf32, #tpu.memory_space<vmem>>, vector<16xf32>,
            %mul3A_225 = arith.constant 16 : i32
            %mul3A_226 = arith.muli %add3A_98, %mul3A_225 : i32
            %add3A_227 = arith.constant 8 : i32
            %add3A_228 = arith.addi %mul3A_226, %add3A_227 : i32
            %get3A_229 = arith.index_cast %add3A_228 : i32 to index
            %get3A_230 = arith.index_cast %mul3A_221 : i32 to index
            %get3A_231 = tpu.vector_load %arg10[%get3A_229, %get3A_230] {strides = array<i32>} : memref<64x256xf32, #tpu.memory_space<vmem>>, vector<16xf32>,
            %add3A_232 = arith.addf %get3A_224, %get3A_231 : vector<16xf32>
            %swap3A = arith.index_cast %squeeze3A_160 : i32 to index
            %swap3A_233 = arith.index_cast %mul3A_221 : i32 to index
            %swap3A_234 = tpu.vector_load %arg12[%swap3A, %swap3A_233] {strides = array<i32>} : memref<257x256xf32, #tpu.memory_space<vmem>>, vector<16xf32>,
            tpu.vector_store %arg12[%swap3A, %swap3A_233], %add3A_232 {strides = array<i32>} : memref<257x256xf32, #tpu.memory_space<vmem>>, vector<16xf32>,
          }
          %scan3A_165 = arith.constant 16 : i32
          %slice3A_166 = vector.extract_strided_slice %get3A_104 {offsets = [9], sizes = [1], strides = [1]} : vector<16xi32> to vector<1xi32>
          %squeeze3A_167 = vector.extract %slice3A_166[0] : i32 from vector<1xi32>
          %scan3A_168 = arith.constant 0 : i32
          %scan3A_169 = arith.constant 16 : i32
          %scan3A_170 = arith.addi %scan3A_168, %scan3A_169 : i32
          %scan3A_171 = arith.constant 1 : i32
          scf.for %scan3A_215 = %scan3A_168 to %scan3A_170 step %scan3A_171  : i32 {
            %mul3A_216 = arith.constant 1 : i32
            %mul3A_217 = arith.muli %scan3A_215, %mul3A_216 : i32
            %add3A_218 = arith.constant 0 : i32
            %add3A_219 = arith.addi %add3A_218, %mul3A_217 : i32
            %mul3A_220 = arith.constant 16 : i32
            %mul3A_221 = arith.muli %add3A_219, %mul3A_220 : i32
            %get3A_222 = arith.index_cast %squeeze3A_167 : i32 to index
            %get3A_223 = arith.index_cast %mul3A_221 : i32 to index
            %get3A_224 = tpu.vector_load %arg12[%get3A_222, %get3A_223] {strides = array<i32>} : memref<257x256xf32, #tpu.memory_space<vmem>>, vector<16xf32>,
            %mul3A_225 = arith.constant 16 : i32
            %mul3A_226 = arith.muli %add3A_98, %mul3A_225 : i32
            %add3A_227 = arith.constant 9 : i32
            %add3A_228 = arith.addi %mul3A_226, %add3A_227 : i32
            %get3A_229 = arith.index_cast %add3A_228 : i32 to index
            %get3A_230 = arith.index_cast %mul3A_221 : i32 to index
            %get3A_231 = tpu.vector_load %arg10[%get3A_229, %get3A_230] {strides = array<i32>} : memref<64x256xf32, #tpu.memory_space<vmem>>, vector<16xf32>,
            %add3A_232 = arith.addf %get3A_224, %get3A_231 : vector<16xf32>
            %swap3A = arith.index_cast %squeeze3A_167 : i32 to index
            %swap3A_233 = arith.index_cast %mul3A_221 : i32 to index
            %swap3A_234 = tpu.vector_load %arg12[%swap3A, %swap3A_233] {strides = array<i32>} : memref<257x256xf32, #tpu.memory_space<vmem>>, vector<16xf32>,
            tpu.vector_store %arg12[%swap3A, %swap3A_233], %add3A_232 {strides = array<i32>} : memref<257x256xf32, #tpu.memory_space<vmem>>, vector<16xf32>,
          }
          %scan3A_172 = arith.constant 16 : i32
          %slice3A_173 = vector.extract_strided_slice %get3A_104 {offsets = [10], sizes = [1], strides = [1]} : vector<16xi32> to vector<1xi32>
          %squeeze3A_174 = vector.extract %slice3A_173[0] : i32 from vector<1xi32>
          %scan3A_175 = arith.constant 0 : i32
          %scan3A_176 = arith.constant 16 : i32
          %scan3A_177 = arith.addi %scan3A_175, %scan3A_176 : i32
          %scan3A_178 = arith.constant 1 : i32
          scf.for %scan3A_215 = %scan3A_175 to %scan3A_177 step %scan3A_178  : i32 {
            %mul3A_216 = arith.constant 1 : i32
            %mul3A_217 = arith.muli %scan3A_215, %mul3A_216 : i32
            %add3A_218 = arith.constant 0 : i32
            %add3A_219 = arith.addi %add3A_218, %mul3A_217 : i32
            %mul3A_220 = arith.constant 16 : i32
            %mul3A_221 = arith.muli %add3A_219, %mul3A_220 : i32
            %get3A_222 = arith.index_cast %squeeze3A_174 : i32 to index
            %get3A_223 = arith.index_cast %mul3A_221 : i32 to index
            %get3A_224 = tpu.vector_load %arg12[%get3A_222, %get3A_223] {strides = array<i32>} : memref<257x256xf32, #tpu.memory_space<vmem>>, vector<16xf32>,
            %mul3A_225 = arith.constant 16 : i32
            %mul3A_226 = arith.muli %add3A_98, %mul3A_225 : i32
            %add3A_227 = arith.constant 10 : i32
            %add3A_228 = arith.addi %mul3A_226, %add3A_227 : i32
            %get3A_229 = arith.index_cast %add3A_228 : i32 to index
            %get3A_230 = arith.index_cast %mul3A_221 : i32 to index
            %get3A_231 = tpu.vector_load %arg10[%get3A_229, %get3A_230] {strides = array<i32>} : memref<64x256xf32, #tpu.memory_space<vmem>>, vector<16xf32>,
            %add3A_232 = arith.addf %get3A_224, %get3A_231 : vector<16xf32>
            %swap3A = arith.index_cast %squeeze3A_174 : i32 to index
            %swap3A_233 = arith.index_cast %mul3A_221 : i32 to index
            %swap3A_234 = tpu.vector_load %arg12[%swap3A, %swap3A_233] {strides = array<i32>} : memref<257x256xf32, #tpu.memory_space<vmem>>, vector<16xf32>,
            tpu.vector_store %arg12[%swap3A, %swap3A_233], %add3A_232 {strides = array<i32>} : memref<257x256xf32, #tpu.memory_space<vmem>>, vector<16xf32>,
          }
          %scan3A_179 = arith.constant 16 : i32
          %slice3A_180 = vector.extract_strided_slice %get3A_104 {offsets = [11], sizes = [1], strides = [1]} : vector<16xi32> to vector<1xi32>
          %squeeze3A_181 = vector.extract %slice3A_180[0] : i32 from vector<1xi32>
          %scan3A_182 = arith.constant 0 : i32
          %scan3A_183 = arith.constant 16 : i32
          %scan3A_184 = arith.addi %scan3A_182, %scan3A_183 : i32
          %scan3A_185 = arith.constant 1 : i32
          scf.for %scan3A_215 = %scan3A_182 to %scan3A_184 step %scan3A_185  : i32 {
            %mul3A_216 = arith.constant 1 : i32
            %mul3A_217 = arith.muli %scan3A_215, %mul3A_216 : i32
            %add3A_218 = arith.constant 0 : i32
            %add3A_219 = arith.addi %add3A_218, %mul3A_217 : i32
            %mul3A_220 = arith.constant 16 : i32
            %mul3A_221 = arith.muli %add3A_219, %mul3A_220 : i32
            %get3A_222 = arith.index_cast %squeeze3A_181 : i32 to index
            %get3A_223 = arith.index_cast %mul3A_221 : i32 to index
            %get3A_224 = tpu.vector_load %arg12[%get3A_222, %get3A_223] {strides = array<i32>} : memref<257x256xf32, #tpu.memory_space<vmem>>, vector<16xf32>,
            %mul3A_225 = arith.constant 16 : i32
            %mul3A_226 = arith.muli %add3A_98, %mul3A_225 : i32
            %add3A_227 = arith.constant 11 : i32
            %add3A_228 = arith.addi %mul3A_226, %add3A_227 : i32
            %get3A_229 = arith.index_cast %add3A_228 : i32 to index
            %get3A_230 = arith.index_cast %mul3A_221 : i32 to index
            %get3A_231 = tpu.vector_load %arg10[%get3A_229, %get3A_230] {strides = array<i32>} : memref<64x256xf32, #tpu.memory_space<vmem>>, vector<16xf32>,
            %add3A_232 = arith.addf %get3A_224, %get3A_231 : vector<16xf32>
            %swap3A = arith.index_cast %squeeze3A_181 : i32 to index
            %swap3A_233 = arith.index_cast %mul3A_221 : i32 to index
            %swap3A_234 = tpu.vector_load %arg12[%swap3A, %swap3A_233] {strides = array<i32>} : memref<257x256xf32, #tpu.memory_space<vmem>>, vector<16xf32>,
            tpu.vector_store %arg12[%swap3A, %swap3A_233], %add3A_232 {strides = array<i32>} : memref<257x256xf32, #tpu.memory_space<vmem>>, vector<16xf32>,
          }
          %scan3A_186 = arith.constant 16 : i32
          %slice3A_187 = vector.extract_strided_slice %get3A_104 {offsets = [12], sizes = [1], strides = [1]} : vector<16xi32> to vector<1xi32>
          %squeeze3A_188 = vector.extract %slice3A_187[0] : i32 from vector<1xi32>
          %scan3A_189 = arith.constant 0 : i32
          %scan3A_190 = arith.constant 16 : i32
          %scan3A_191 = arith.addi %scan3A_189, %scan3A_190 : i32
          %scan3A_192 = arith.constant 1 : i32
          scf.for %scan3A_215 = %scan3A_189 to %scan3A_191 step %scan3A_192  : i32 {
            %mul3A_216 = arith.constant 1 : i32
            %mul3A_217 = arith.muli %scan3A_215, %mul3A_216 : i32
            %add3A_218 = arith.constant 0 : i32
            %add3A_219 = arith.addi %add3A_218, %mul3A_217 : i32
            %mul3A_220 = arith.constant 16 : i32
            %mul3A_221 = arith.muli %add3A_219, %mul3A_220 : i32
            %get3A_222 = arith.index_cast %squeeze3A_188 : i32 to index
            %get3A_223 = arith.index_cast %mul3A_221 : i32 to index
            %get3A_224 = tpu.vector_load %arg12[%get3A_222, %get3A_223] {strides = array<i32>} : memref<257x256xf32, #tpu.memory_space<vmem>>, vector<16xf32>,
            %mul3A_225 = arith.constant 16 : i32
            %mul3A_226 = arith.muli %add3A_98, %mul3A_225 : i32
            %add3A_227 = arith.constant 12 : i32
            %add3A_228 = arith.addi %mul3A_226, %add3A_227 : i32
            %get3A_229 = arith.index_cast %add3A_228 : i32 to index
            %get3A_230 = arith.index_cast %mul3A_221 : i32 to index
            %get3A_231 = tpu.vector_load %arg10[%get3A_229, %get3A_230] {strides = array<i32>} : memref<64x256xf32, #tpu.memory_space<vmem>>, vector<16xf32>,
            %add3A_232 = arith.addf %get3A_224, %get3A_231 : vector<16xf32>
            %swap3A = arith.index_cast %squeeze3A_188 : i32 to index
            %swap3A_233 = arith.index_cast %mul3A_221 : i32 to index
            %swap3A_234 = tpu.vector_load %arg12[%swap3A, %swap3A_233] {strides = array<i32>} : memref<257x256xf32, #tpu.memory_space<vmem>>, vector<16xf32>,
            tpu.vector_store %arg12[%swap3A, %swap3A_233], %add3A_232 {strides = array<i32>} : memref<257x256xf32, #tpu.memory_space<vmem>>, vector<16xf32>,
          }
          %scan3A_193 = arith.constant 16 : i32
          %slice3A_194 = vector.extract_strided_slice %get3A_104 {offsets = [13], sizes = [1], strides = [1]} : vector<16xi32> to vector<1xi32>
          %squeeze3A_195 = vector.extract %slice3A_194[0] : i32 from vector<1xi32>
          %scan3A_196 = arith.constant 0 : i32
          %scan3A_197 = arith.constant 16 : i32
          %scan3A_198 = arith.addi %scan3A_196, %scan3A_197 : i32
          %scan3A_199 = arith.constant 1 : i32
          scf.for %scan3A_215 = %scan3A_196 to %scan3A_198 step %scan3A_199  : i32 {
            %mul3A_216 = arith.constant 1 : i32
            %mul3A_217 = arith.muli %scan3A_215, %mul3A_216 : i32
            %add3A_218 = arith.constant 0 : i32
            %add3A_219 = arith.addi %add3A_218, %mul3A_217 : i32
            %mul3A_220 = arith.constant 16 : i32
            %mul3A_221 = arith.muli %add3A_219, %mul3A_220 : i32
            %get3A_222 = arith.index_cast %squeeze3A_195 : i32 to index
            %get3A_223 = arith.index_cast %mul3A_221 : i32 to index
            %get3A_224 = tpu.vector_load %arg12[%get3A_222, %get3A_223] {strides = array<i32>} : memref<257x256xf32, #tpu.memory_space<vmem>>, vector<16xf32>,
            %mul3A_225 = arith.constant 16 : i32
            %mul3A_226 = arith.muli %add3A_98, %mul3A_225 : i32
            %add3A_227 = arith.constant 13 : i32
            %add3A_228 = arith.addi %mul3A_226, %add3A_227 : i32
            %get3A_229 = arith.index_cast %add3A_228 : i32 to index
            %get3A_230 = arith.index_cast %mul3A_221 : i32 to index
            %get3A_231 = tpu.vector_load %arg10[%get3A_229, %get3A_230] {strides = array<i32>} : memref<64x256xf32, #tpu.memory_space<vmem>>, vector<16xf32>,
            %add3A_232 = arith.addf %get3A_224, %get3A_231 : vector<16xf32>
            %swap3A = arith.index_cast %squeeze3A_195 : i32 to index
            %swap3A_233 = arith.index_cast %mul3A_221 : i32 to index
            %swap3A_234 = tpu.vector_load %arg12[%swap3A, %swap3A_233] {strides = array<i32>} : memref<257x256xf32, #tpu.memory_space<vmem>>, vector<16xf32>,
            tpu.vector_store %arg12[%swap3A, %swap3A_233], %add3A_232 {strides = array<i32>} : memref<257x256xf32, #tpu.memory_space<vmem>>, vector<16xf32>,
          }
          %scan3A_200 = arith.constant 16 : i32
          %slice3A_201 = vector.extract_strided_slice %get3A_104 {offsets = [14], sizes = [1], strides = [1]} : vector<16xi32> to vector<1xi32>
          %squeeze3A_202 = vector.extract %slice3A_201[0] : i32 from vector<1xi32>
          %scan3A_203 = arith.constant 0 : i32
          %scan3A_204 = arith.constant 16 : i32
          %scan3A_205 = arith.addi %scan3A_203, %scan3A_204 : i32
          %scan3A_206 = arith.constant 1 : i32
          scf.for %scan3A_215 = %scan3A_203 to %scan3A_205 step %scan3A_206  : i32 {
            %mul3A_216 = arith.constant 1 : i32
            %mul3A_217 = arith.muli %scan3A_215, %mul3A_216 : i32
            %add3A_218 = arith.constant 0 : i32
            %add3A_219 = arith.addi %add3A_218, %mul3A_217 : i32
            %mul3A_220 = arith.constant 16 : i32
            %mul3A_221 = arith.muli %add3A_219, %mul3A_220 : i32
            %get3A_222 = arith.index_cast %squeeze3A_202 : i32 to index
            %get3A_223 = arith.index_cast %mul3A_221 : i32 to index
            %get3A_224 = tpu.vector_load %arg12[%get3A_222, %get3A_223] {strides = array<i32>} : memref<257x256xf32, #tpu.memory_space<vmem>>, vector<16xf32>,
            %mul3A_225 = arith.constant 16 : i32
            %mul3A_226 = arith.muli %add3A_98, %mul3A_225 : i32
            %add3A_227 = arith.constant 14 : i32
            %add3A_228 = arith.addi %mul3A_226, %add3A_227 : i32
            %get3A_229 = arith.index_cast %add3A_228 : i32 to index
            %get3A_230 = arith.index_cast %mul3A_221 : i32 to index
            %get3A_231 = tpu.vector_load %arg10[%get3A_229, %get3A_230] {strides = array<i32>} : memref<64x256xf32, #tpu.memory_space<vmem>>, vector<16xf32>,
            %add3A_232 = arith.addf %get3A_224, %get3A_231 : vector<16xf32>
            %swap3A = arith.index_cast %squeeze3A_202 : i32 to index
            %swap3A_233 = arith.index_cast %mul3A_221 : i32 to index
            %swap3A_234 = tpu.vector_load %arg12[%swap3A, %swap3A_233] {strides = array<i32>} : memref<257x256xf32, #tpu.memory_space<vmem>>, vector<16xf32>,
            tpu.vector_store %arg12[%swap3A, %swap3A_233], %add3A_232 {strides = array<i32>} : memref<257x256xf32, #tpu.memory_space<vmem>>, vector<16xf32>,
          }
          %scan3A_207 = arith.constant 16 : i32
          %slice3A_208 = vector.extract_strided_slice %get3A_104 {offsets = [15], sizes = [1], strides = [1]} : vector<16xi32> to vector<1xi32>
          %squeeze3A_209 = vector.extract %slice3A_208[0] : i32 from vector<1xi32>
          %scan3A_210 = arith.constant 0 : i32
          %scan3A_211 = arith.constant 16 : i32
          %scan3A_212 = arith.addi %scan3A_210, %scan3A_211 : i32
          %scan3A_213 = arith.constant 1 : i32
          scf.for %scan3A_215 = %scan3A_210 to %scan3A_212 step %scan3A_213  : i32 {
            %mul3A_216 = arith.constant 1 : i32
            %mul3A_217 = arith.muli %scan3A_215, %mul3A_216 : i32
            %add3A_218 = arith.constant 0 : i32
            %add3A_219 = arith.addi %add3A_218, %mul3A_217 : i32
            %mul3A_220 = arith.constant 16 : i32
            %mul3A_221 = arith.muli %add3A_219, %mul3A_220 : i32
            %get3A_222 = arith.index_cast %squeeze3A_209 : i32 to index
            %get3A_223 = arith.index_cast %mul3A_221 : i32 to index
            %get3A_224 = tpu.vector_load %arg12[%get3A_222, %get3A_223] {strides = array<i32>} : memref<257x256xf32, #tpu.memory_space<vmem>>, vector<16xf32>,
            %mul3A_225 = arith.constant 16 : i32
            %mul3A_226 = arith.muli %add3A_98, %mul3A_225 : i32
            %add3A_227 = arith.constant 15 : i32
            %add3A_228 = arith.addi %mul3A_226, %add3A_227 : i32
            %get3A_229 = arith.index_cast %add3A_228 : i32 to index
            %get3A_230 = arith.index_cast %mul3A_221 : i32 to index
            %get3A_231 = tpu.vector_load %arg10[%get3A_229, %get3A_230] {strides = array<i32>} : memref<64x256xf32, #tpu.memory_space<vmem>>, vector<16xf32>,
            %add3A_232 = arith.addf %get3A_224, %get3A_231 : vector<16xf32>
            %swap3A = arith.index_cast %squeeze3A_209 : i32 to index
            %swap3A_233 = arith.index_cast %mul3A_221 : i32 to index
            %swap3A_234 = tpu.vector_load %arg12[%swap3A, %swap3A_233] {strides = array<i32>} : memref<257x256xf32, #tpu.memory_space<vmem>>, vector<16xf32>,
            tpu.vector_store %arg12[%swap3A, %swap3A_233], %add3A_232 {strides = array<i32>} : memref<257x256xf32, #tpu.memory_space<vmem>>, vector<16xf32>,
          }
          %scan3A_214 = arith.constant 16 : i32
        }
        %scan3A_93 = arith.constant 4 : i32
      } else {
      }
    }
    "tpu.trace_stop"() : () -> ()
    "tpu.trace_start"() <{level = 10 : i32, message = "u_out"}> : () -> ()
    "tpu.region"() ({
      %run_scoped3A = tpu.sem_alloc : memref<!tpu.dma_semaphore, #tpu.memory_space<semaphore_mem>>
      %dma_start3A = tpu.memref_slice %arg4[%mul3A_2] : memref<8192xf32, #tpu.memory_space<hbm>> -> memref<256xf32, #tpu.memory_space<hbm>>
      %dma_start3A_51 = tpu.memref_slice %arg4[%mul3A_2] : memref<8192xf32, #tpu.memory_space<hbm>> -> memref<256xf32, #tpu.memory_space<hbm>>
      tpu.enqueue_dma source(%arg11 : memref<256xf32, #tpu.memory_space<vmem>>) target(%dma_start3A_51 : memref<256xf32, #tpu.memory_space<hbm>>) target_semaphore(%run_scoped3A : memref<!tpu.dma_semaphore, #tpu.memory_space<semaphore_mem>>)
      %dma_wait3A = tpu.memref_slice %arg4[%mul3A_2] : memref<8192xf32, #tpu.memory_space<hbm>> -> memref<256xf32, #tpu.memory_space<hbm>>
      %dma_wait3A_52 = tpu.memref_slice %arg4[%mul3A_2] : memref<8192xf32, #tpu.memory_space<hbm>> -> memref<256xf32, #tpu.memory_space<hbm>>
      tpu.wait_dma2 semaphore(%run_scoped3A : memref<!tpu.dma_semaphore, #tpu.memory_space<semaphore_mem>>) src(%arg11 : memref<256xf32, #tpu.memory_space<vmem>>) dst(%dma_wait3A_52 : memref<256xf32, #tpu.memory_space<hbm>>)
      tpu.yield
    }) : () -> ()
    "tpu.region"() ({
      %run_scoped3A = tpu.sem_alloc : memref<!tpu.dma_semaphore, #tpu.memory_space<semaphore_mem>>
      %dma_start3A = arith.constant 0 : i32
      %dma_start3A_51 = arith.constant 0 : i32
      %dma_start3A_52 = tpu.memref_slice %arg12[%dma_start3A, %dma_start3A_51] : memref<257x256xf32, #tpu.memory_space<vmem>> -> memref<256x256xf32, #tpu.memory_space<vmem>>
      %dma_start3A_53 = arith.constant 0 : i32
      %dma_start3A_54 = tpu.memref_slice %arg5[%mul3A_2, %dma_start3A_53] : memref<8192x256xf32, #tpu.memory_space<hbm>> -> memref<256x256xf32, #tpu.memory_space<hbm>>
      %dma_start3A_55 = arith.constant 0 : i32
      %dma_start3A_56 = tpu.memref_slice %arg5[%mul3A_2, %dma_start3A_55] : memref<8192x256xf32, #tpu.memory_space<hbm>> -> memref<256x256xf32, #tpu.memory_space<hbm>>
      %dma_start3A_57 = arith.constant 0 : i32
      %dma_start3A_58 = arith.constant 0 : i32
      %dma_start3A_59 = tpu.memref_slice %arg12[%dma_start3A_57, %dma_start3A_58] : memref<257x256xf32, #tpu.memory_space<vmem>> -> memref<256x256xf32, #tpu.memory_space<vmem>>
      tpu.enqueue_dma source(%dma_start3A_59 : memref<256x256xf32, #tpu.memory_space<vmem>>) target(%dma_start3A_56 : memref<256x256xf32, #tpu.memory_space<hbm>>) target_semaphore(%run_scoped3A : memref<!tpu.dma_semaphore, #tpu.memory_space<semaphore_mem>>)
      %dma_wait3A = arith.constant 0 : i32
      %dma_wait3A_60 = arith.constant 0 : i32
      %dma_wait3A_61 = tpu.memref_slice %arg12[%dma_wait3A, %dma_wait3A_60] : memref<257x256xf32, #tpu.memory_space<vmem>> -> memref<256x256xf32, #tpu.memory_space<vmem>>
      %dma_wait3A_62 = arith.constant 0 : i32
      %dma_wait3A_63 = tpu.memref_slice %arg5[%mul3A_2, %dma_wait3A_62] : memref<8192x256xf32, #tpu.memory_space<hbm>> -> memref<256x256xf32, #tpu.memory_space<hbm>>
      %dma_wait3A_64 = arith.constant 0 : i32
      %dma_wait3A_65 = tpu.memref_slice %arg5[%mul3A_2, %dma_wait3A_64] : memref<8192x256xf32, #tpu.memory_space<hbm>> -> memref<256x256xf32, #tpu.memory_space<hbm>>
      %dma_wait3A_66 = arith.constant 0 : i32
      %dma_wait3A_67 = arith.constant 0 : i32
      %dma_wait3A_68 = tpu.memref_slice %arg12[%dma_wait3A_66, %dma_wait3A_67] : memref<257x256xf32, #tpu.memory_space<vmem>> -> memref<256x256xf32, #tpu.memory_space<vmem>>
      tpu.wait_dma2 semaphore(%run_scoped3A : memref<!tpu.dma_semaphore, #tpu.memory_space<semaphore_mem>>) src(%dma_wait3A_68 : memref<256x256xf32, #tpu.memory_space<vmem>>) dst(%dma_wait3A_65 : memref<256x256xf32, #tpu.memory_space<hbm>>)
      tpu.yield
    }) : () -> ()
    "tpu.trace_stop"() : () -> ()
    return
  }
}

module attributes {stable_mosaic.version = 14 : i64} {
  func.func @_sim_body(%arg0: i32, %arg1: i32, %arg2: memref<1024x256xf32, #tpu.memory_space<vmem>>, %arg3: memref<256x1024xf32, #tpu.memory_space<vmem>>, %arg4: memref<1024x1024xf32, #tpu.memory_space<vmem>>, %arg5: memref<1024xi32, #tpu.memory_space<vmem>>, %arg6: memref<1024x256xf32, #tpu.memory_space<vmem>>, %arg7: memref<256x8192xf32, #tpu.memory_space<vmem>>, %arg8: memref<1024x128xf32, #tpu.memory_space<vmem>>, %arg9: memref<1024x128xi32, #tpu.memory_space<vmem>>) attributes {dimension_semantics = [#tpu.dimension_semantics<arbitrary>, #tpu.dimension_semantics<arbitrary>], iteration_bounds = array<i64: 4, 8>, scalar_prefetch = 0 : i64, scratch_operands = 4 : i64, tpu.core_type = #tpu.core_type<tc>, window_params = [{transform_indices = @transform_0, window_bounds = array<i64: 1024, 256>}, {transform_indices = @transform_1, window_bounds = array<i64: 256, 1024>}, {transform_indices = @transform_2, window_bounds = array<i64: 1024, 1024>}, {transform_indices = @transform_3, window_bounds = array<i64: 1024>}]} {
    %eq3A = arith.constant 0 : i32
    %eq3A_0 = arith.cmpi eq, %arg1, %eq3A : i32
    %convert_element_type3A = arith.extui %eq3A_0 : i1 to i32
    %cond3A = arith.constant 0 : i32
    %cond3A_1 = arith.cmpi ne, %convert_element_type3A, %cond3A : i32
    scf.if %cond3A_1 {
      %get3A_100 = arith.constant 0 : index
      %get3A_101 = arith.constant 0 : index
      %get3A_102 = vector.load %arg2[%get3A_100, %get3A_101] : memref<1024x256xf32, #tpu.memory_space<vmem>>, vector<1024x256xf32>
      %mul3A_103 = arith.mulf %get3A_102, %get3A_102 : vector<1024x256xf32>
      %reduce_sum3A = arith.constant dense<0.000000e+00> : vector<1024xf32>
      %reduce_sum3A_104 = vector.multi_reduction <add>, %mul3A_103, %reduce_sum3A [1] : vector<1024x256xf32> to vector<1024xf32>
      %broadcast_in_dim3A_105 = vector.shape_cast %reduce_sum3A_104 : vector<1024xf32> to vector<1024x1xf32>
      %sqrt3A = math.sqrt %broadcast_in_dim3A_105 : vector<1024x1xf32>
      %max3A = arith.constant 9.99999993E-9 : f32
      %max3A_106 = vector.broadcast %max3A : f32 to vector<1024x1xf32>
      %max3A_107 = arith.maximumf %sqrt3A, %max3A_106 : vector<1024x1xf32>
      %div3A = vector.broadcast %max3A_107 : vector<1024x1xf32> to vector<1024x256xf32>
      %div3A_108 = arith.divf %get3A_102, %div3A : vector<1024x256xf32>
      %swap3A_109 = arith.constant 0 : index
      %swap3A_110 = arith.constant 0 : index
      %swap3A_111 = vector.load %arg6[%swap3A_109, %swap3A_110] : memref<1024x256xf32, #tpu.memory_space<vmem>>, vector<1024x256xf32>
      tpu.vector_store %arg6[%swap3A_109, %swap3A_110], %div3A_108 {strides = array<i32>} : memref<1024x256xf32, #tpu.memory_space<vmem>>, vector<1024x256xf32>,
      %broadcast_in_dim3A_112 = arith.constant 0xFF800000 : f32
      %broadcast_in_dim3A_113 = vector.broadcast %broadcast_in_dim3A_112 : f32 to vector<1024x128xf32>
      %swap3A_114 = arith.constant 0 : index
      %swap3A_115 = arith.constant 0 : index
      %swap3A_116 = vector.load %arg8[%swap3A_114, %swap3A_115] : memref<1024x128xf32, #tpu.memory_space<vmem>>, vector<1024x128xf32>
      tpu.vector_store %arg8[%swap3A_114, %swap3A_115], %broadcast_in_dim3A_113 {strides = array<i32>} : memref<1024x128xf32, #tpu.memory_space<vmem>>, vector<1024x128xf32>,
      %broadcast_in_dim3A_117 = arith.constant 0 : i32
      %broadcast_in_dim3A_118 = vector.broadcast %broadcast_in_dim3A_117 : i32 to vector<1024x128xi32>
      %swap3A_119 = arith.constant 0 : index
      %swap3A_120 = arith.constant 0 : index
      %swap3A_121 = vector.load %arg9[%swap3A_119, %swap3A_120] : memref<1024x128xi32, #tpu.memory_space<vmem>>, vector<1024x128xi32>
      tpu.vector_store %arg9[%swap3A_119, %swap3A_120], %broadcast_in_dim3A_118 {strides = array<i32>} : memref<1024x128xi32, #tpu.memory_space<vmem>>, vector<1024x128xi32>,
    } else {
    }
    %eq3A_2 = arith.constant 0 : i32
    %eq3A_3 = arith.cmpi eq, %arg0, %eq3A_2 : i32
    %convert_element_type3A_4 = arith.extui %eq3A_3 : i1 to i32
    %cond3A_5 = arith.constant 0 : i32
    %cond3A_6 = arith.cmpi ne, %convert_element_type3A_4, %cond3A_5 : i32
    scf.if %cond3A_6 {
      %get3A_100 = arith.constant 0 : index
      %get3A_101 = arith.constant 0 : index
      %get3A_102 = vector.load %arg3[%get3A_100, %get3A_101] : memref<256x1024xf32, #tpu.memory_space<vmem>>, vector<256x1024xf32>
      %mul3A_103 = arith.mulf %get3A_102, %get3A_102 : vector<256x1024xf32>
      %reduce_sum3A = arith.constant dense<0.000000e+00> : vector<1024xf32>
      %reduce_sum3A_104 = vector.multi_reduction <add>, %mul3A_103, %reduce_sum3A [0] : vector<256x1024xf32> to vector<1024xf32>
      %broadcast_in_dim3A_105 = vector.shape_cast %reduce_sum3A_104 : vector<1024xf32> to vector<1x1024xf32>
      %sqrt3A = math.sqrt %broadcast_in_dim3A_105 : vector<1x1024xf32>
      %max3A = arith.constant 9.99999993E-9 : f32
      %max3A_106 = vector.broadcast %max3A : f32 to vector<1x1024xf32>
      %max3A_107 = arith.maximumf %sqrt3A, %max3A_106 : vector<1x1024xf32>
      %div3A = vector.broadcast %max3A_107 : vector<1x1024xf32> to vector<256x1024xf32>
      %div3A_108 = arith.divf %get3A_102, %div3A : vector<256x1024xf32>
      %mul3A_109 = arith.constant 1024 : i32
      %mul3A_110 = arith.muli %arg1, %mul3A_109 : i32
      %swap3A_111 = arith.constant 0 : index
      %swap3A_112 = arith.index_cast %mul3A_110 : i32 to index
      %swap3A_113 = vector.load %arg7[%swap3A_111, %swap3A_112] : memref<256x8192xf32, #tpu.memory_space<vmem>>, vector<256x1024xf32>
      tpu.vector_store %arg7[%swap3A_111, %swap3A_112], %div3A_108 {strides = array<i32>} : memref<256x8192xf32, #tpu.memory_space<vmem>>, vector<256x1024xf32>,
    } else {
    }
    %get3A = arith.constant 0 : index
    %get3A_7 = arith.constant 0 : index
    %get3A_8 = vector.load %arg6[%get3A, %get3A_7] : memref<1024x256xf32, #tpu.memory_space<vmem>>, vector<1024x256xf32>
    %mul3A = arith.constant 1024 : i32
    %mul3A_9 = arith.muli %arg1, %mul3A : i32
    %get3A_10 = arith.constant 0 : index
    %get3A_11 = arith.index_cast %mul3A_9 : i32 to index
    %get3A_12 = vector.load %arg7[%get3A_10, %get3A_11] : memref<256x8192xf32, #tpu.memory_space<vmem>>, vector<256x1024xf32>
    %dot_general3A = arith.constant dense<0.000000e+00> : vector<1024x1024xf32>
    %dot_general3A_13 = tpu.matmul %get3A_8, %get3A_12, %dot_general3A {dimension_numbers = #tpu.dot_dimension_numbers<[1], [0], [0], [1], [0, 0, 1, 1], [], []>, transpose_lhs_hint = false} : vector<1024x256xf32>, vector<256x1024xf32>, vector<1024x1024xf32> -> vector<1024x1024xf32>
    %swap3A = arith.constant 0 : index
    %swap3A_14 = arith.constant 0 : index
    %swap3A_15 = vector.load %arg4[%swap3A, %swap3A_14] : memref<1024x1024xf32, #tpu.memory_space<vmem>>, vector<1024x1024xf32>
    tpu.vector_store %arg4[%swap3A, %swap3A_14], %dot_general3A_13 {strides = array<i32>} : memref<1024x1024xf32, #tpu.memory_space<vmem>>, vector<1024x1024xf32>,
    %get3A_16 = arith.constant 0 : index
    %get3A_17 = arith.constant 0 : index
    %get3A_18 = vector.load %arg8[%get3A_16, %get3A_17] : memref<1024x128xf32, #tpu.memory_space<vmem>>, vector<1024x128xf32>
    %get3A_19 = arith.constant 0 : index
    %get3A_20 = arith.constant 0 : index
    %get3A_21 = vector.load %arg9[%get3A_19, %get3A_20] : memref<1024x128xi32, #tpu.memory_space<vmem>>, vector<1024x128xi32>
    %slice3A = vector.extract_strided_slice %dot_general3A_13 {offsets = [0, 0], sizes = [1024, 128], strides = [1, 1]} : vector<1024x1024xf32> to vector<1024x128xf32>
    %gt3A = arith.cmpf ogt, %slice3A, %get3A_18 : vector<1024x128xf32>
    %select_n3A = arith.select %gt3A, %slice3A, %get3A_18 : vector<1024x128xi1>, vector<1024x128xf32>
    %mul3A_22 = arith.constant 8 : i32
    %mul3A_23 = arith.muli %arg1, %mul3A_22 : i32
    %add3A = arith.constant 0 : i32
    %add3A_24 = arith.addi %mul3A_23, %add3A : i32
    %broadcast_in_dim3A = vector.broadcast %add3A_24 : i32 to vector<1024x128xi32>
    %select_n3A_25 = arith.select %gt3A, %broadcast_in_dim3A, %get3A_21 : vector<1024x128xi1>, vector<1024x128xi32>
    %slice3A_26 = vector.extract_strided_slice %dot_general3A_13 {offsets = [0, 128], sizes = [1024, 128], strides = [1, 1]} : vector<1024x1024xf32> to vector<1024x128xf32>
    %gt3A_27 = arith.cmpf ogt, %slice3A_26, %select_n3A : vector<1024x128xf32>
    %select_n3A_28 = arith.select %gt3A_27, %slice3A_26, %select_n3A : vector<1024x128xi1>, vector<1024x128xf32>
    %mul3A_29 = arith.constant 8 : i32
    %mul3A_30 = arith.muli %arg1, %mul3A_29 : i32
    %add3A_31 = arith.constant 1 : i32
    %add3A_32 = arith.addi %mul3A_30, %add3A_31 : i32
    %broadcast_in_dim3A_33 = vector.broadcast %add3A_32 : i32 to vector<1024x128xi32>
    %select_n3A_34 = arith.select %gt3A_27, %broadcast_in_dim3A_33, %select_n3A_25 : vector<1024x128xi1>, vector<1024x128xi32>
    %slice3A_35 = vector.extract_strided_slice %dot_general3A_13 {offsets = [0, 256], sizes = [1024, 128], strides = [1, 1]} : vector<1024x1024xf32> to vector<1024x128xf32>
    %gt3A_36 = arith.cmpf ogt, %slice3A_35, %select_n3A_28 : vector<1024x128xf32>
    %select_n3A_37 = arith.select %gt3A_36, %slice3A_35, %select_n3A_28 : vector<1024x128xi1>, vector<1024x128xf32>
    %mul3A_38 = arith.constant 8 : i32
    %mul3A_39 = arith.muli %arg1, %mul3A_38 : i32
    %add3A_40 = arith.constant 2 : i32
    %add3A_41 = arith.addi %mul3A_39, %add3A_40 : i32
    %broadcast_in_dim3A_42 = vector.broadcast %add3A_41 : i32 to vector<1024x128xi32>
    %select_n3A_43 = arith.select %gt3A_36, %broadcast_in_dim3A_42, %select_n3A_34 : vector<1024x128xi1>, vector<1024x128xi32>
    %slice3A_44 = vector.extract_strided_slice %dot_general3A_13 {offsets = [0, 384], sizes = [1024, 128], strides = [1, 1]} : vector<1024x1024xf32> to vector<1024x128xf32>
    %gt3A_45 = arith.cmpf ogt, %slice3A_44, %select_n3A_37 : vector<1024x128xf32>
    %select_n3A_46 = arith.select %gt3A_45, %slice3A_44, %select_n3A_37 : vector<1024x128xi1>, vector<1024x128xf32>
    %mul3A_47 = arith.constant 8 : i32
    %mul3A_48 = arith.muli %arg1, %mul3A_47 : i32
    %add3A_49 = arith.constant 3 : i32
    %add3A_50 = arith.addi %mul3A_48, %add3A_49 : i32
    %broadcast_in_dim3A_51 = vector.broadcast %add3A_50 : i32 to vector<1024x128xi32>
    %select_n3A_52 = arith.select %gt3A_45, %broadcast_in_dim3A_51, %select_n3A_43 : vector<1024x128xi1>, vector<1024x128xi32>
    %slice3A_53 = vector.extract_strided_slice %dot_general3A_13 {offsets = [0, 512], sizes = [1024, 128], strides = [1, 1]} : vector<1024x1024xf32> to vector<1024x128xf32>
    %gt3A_54 = arith.cmpf ogt, %slice3A_53, %select_n3A_46 : vector<1024x128xf32>
    %select_n3A_55 = arith.select %gt3A_54, %slice3A_53, %select_n3A_46 : vector<1024x128xi1>, vector<1024x128xf32>
    %mul3A_56 = arith.constant 8 : i32
    %mul3A_57 = arith.muli %arg1, %mul3A_56 : i32
    %add3A_58 = arith.constant 4 : i32
    %add3A_59 = arith.addi %mul3A_57, %add3A_58 : i32
    %broadcast_in_dim3A_60 = vector.broadcast %add3A_59 : i32 to vector<1024x128xi32>
    %select_n3A_61 = arith.select %gt3A_54, %broadcast_in_dim3A_60, %select_n3A_52 : vector<1024x128xi1>, vector<1024x128xi32>
    %slice3A_62 = vector.extract_strided_slice %dot_general3A_13 {offsets = [0, 640], sizes = [1024, 128], strides = [1, 1]} : vector<1024x1024xf32> to vector<1024x128xf32>
    %gt3A_63 = arith.cmpf ogt, %slice3A_62, %select_n3A_55 : vector<1024x128xf32>
    %select_n3A_64 = arith.select %gt3A_63, %slice3A_62, %select_n3A_55 : vector<1024x128xi1>, vector<1024x128xf32>
    %mul3A_65 = arith.constant 8 : i32
    %mul3A_66 = arith.muli %arg1, %mul3A_65 : i32
    %add3A_67 = arith.constant 5 : i32
    %add3A_68 = arith.addi %mul3A_66, %add3A_67 : i32
    %broadcast_in_dim3A_69 = vector.broadcast %add3A_68 : i32 to vector<1024x128xi32>
    %select_n3A_70 = arith.select %gt3A_63, %broadcast_in_dim3A_69, %select_n3A_61 : vector<1024x128xi1>, vector<1024x128xi32>
    %slice3A_71 = vector.extract_strided_slice %dot_general3A_13 {offsets = [0, 768], sizes = [1024, 128], strides = [1, 1]} : vector<1024x1024xf32> to vector<1024x128xf32>
    %gt3A_72 = arith.cmpf ogt, %slice3A_71, %select_n3A_64 : vector<1024x128xf32>
    %select_n3A_73 = arith.select %gt3A_72, %slice3A_71, %select_n3A_64 : vector<1024x128xi1>, vector<1024x128xf32>
    %mul3A_74 = arith.constant 8 : i32
    %mul3A_75 = arith.muli %arg1, %mul3A_74 : i32
    %add3A_76 = arith.constant 6 : i32
    %add3A_77 = arith.addi %mul3A_75, %add3A_76 : i32
    %broadcast_in_dim3A_78 = vector.broadcast %add3A_77 : i32 to vector<1024x128xi32>
    %select_n3A_79 = arith.select %gt3A_72, %broadcast_in_dim3A_78, %select_n3A_70 : vector<1024x128xi1>, vector<1024x128xi32>
    %slice3A_80 = vector.extract_strided_slice %dot_general3A_13 {offsets = [0, 896], sizes = [1024, 128], strides = [1, 1]} : vector<1024x1024xf32> to vector<1024x128xf32>
    %gt3A_81 = arith.cmpf ogt, %slice3A_80, %select_n3A_73 : vector<1024x128xf32>
    %select_n3A_82 = arith.select %gt3A_81, %slice3A_80, %select_n3A_73 : vector<1024x128xi1>, vector<1024x128xf32>
    %mul3A_83 = arith.constant 8 : i32
    %mul3A_84 = arith.muli %arg1, %mul3A_83 : i32
    %add3A_85 = arith.constant 7 : i32
    %add3A_86 = arith.addi %mul3A_84, %add3A_85 : i32
    %broadcast_in_dim3A_87 = vector.broadcast %add3A_86 : i32 to vector<1024x128xi32>
    %select_n3A_88 = arith.select %gt3A_81, %broadcast_in_dim3A_87, %select_n3A_79 : vector<1024x128xi1>, vector<1024x128xi32>
    %swap3A_89 = arith.constant 0 : index
    %swap3A_90 = arith.constant 0 : index
    %swap3A_91 = vector.load %arg8[%swap3A_89, %swap3A_90] : memref<1024x128xf32, #tpu.memory_space<vmem>>, vector<1024x128xf32>
    tpu.vector_store %arg8[%swap3A_89, %swap3A_90], %select_n3A_82 {strides = array<i32>} : memref<1024x128xf32, #tpu.memory_space<vmem>>, vector<1024x128xf32>,
    %swap3A_92 = arith.constant 0 : index
    %swap3A_93 = arith.constant 0 : index
    %swap3A_94 = vector.load %arg9[%swap3A_92, %swap3A_93] : memref<1024x128xi32, #tpu.memory_space<vmem>>, vector<1024x128xi32>
    tpu.vector_store %arg9[%swap3A_92, %swap3A_93], %select_n3A_88 {strides = array<i32>} : memref<1024x128xi32, #tpu.memory_space<vmem>>, vector<1024x128xi32>,
    %eq3A_95 = arith.constant 7 : i32
    %eq3A_96 = arith.cmpi eq, %arg1, %eq3A_95 : i32
    %convert_element_type3A_97 = arith.extui %eq3A_96 : i1 to i32
    %cond3A_98 = arith.constant 0 : i32
    %cond3A_99 = arith.cmpi ne, %convert_element_type3A_97, %cond3A_98 : i32
    scf.if %cond3A_99 {
      %mul3A_100 = arith.constant 128 : i32
      %mul3A_101 = vector.broadcast %mul3A_100 : i32 to vector<1024x128xi32>
      %mul3A_102 = arith.muli %select_n3A_88, %mul3A_101 : vector<1024x128xi32>
      %iota3A = tpu.iota {dimensions = array<i32: 1>} : vector<1024x128xi32>
      %add3A_103 = arith.addi %mul3A_102, %iota3A : vector<1024x128xi32>
      %reduce_max3A = arith.constant dense<0xFF800000> : vector<1024xf32>
      %reduce_max3A_104 = vector.multi_reduction <maximumf>, %select_n3A_82, %reduce_max3A [1] : vector<1024x128xf32> to vector<1024xf32>
      %broadcast_in_dim3A_105 = vector.shape_cast %reduce_max3A_104 : vector<1024xf32> to vector<1024x1xf32>
      %eq3A_106 = vector.broadcast %broadcast_in_dim3A_105 : vector<1024x1xf32> to vector<1024x128xf32>
      %eq3A_107 = arith.cmpf oeq, %select_n3A_82, %eq3A_106 : vector<1024x128xf32>
      %jit3A = arith.constant 1048576 : i32
      %broadcast_in_dim3A_108 = vector.broadcast %jit3A : i32 to vector<1024x128xi32>
      %select_n3A_109 = arith.select %eq3A_107, %add3A_103, %broadcast_in_dim3A_108 : vector<1024x128xi1>, vector<1024x128xi32>
      %reduce_min3A = arith.constant dense<2147483647> : vector<1024xi32>
      %reduce_min3A_110 = vector.multi_reduction <minsi>, %select_n3A_109, %reduce_min3A [1] : vector<1024x128xi32> to vector<1024xi32>
      %swap3A_111 = arith.constant 0 : index
      %swap3A_112 = vector.load %arg5[%swap3A_111] : memref<1024xi32, #tpu.memory_space<vmem>>, vector<1024xi32>
      tpu.vector_store %arg5[%swap3A_111], %reduce_min3A_110 {strides = array<i32>} : memref<1024xi32, #tpu.memory_space<vmem>>, vector<1024xi32>,
    } else {
    }
    return
  }
  func.func @transform_0(%arg0: i32, %arg1: i32) -> (i32, i32) {
    %c0_i32 = arith.constant 0 : i32
    %c0_i32_0 = arith.constant 0 : i32
    return %arg0, %c0_i32 : i32, i32
  }
  func.func @transform_1(%arg0: i32, %arg1: i32) -> (i32, i32) {
    %c0_i32 = arith.constant 0 : i32
    %c0_i32_0 = arith.constant 0 : i32
    return %c0_i32, %arg1 : i32, i32
  }
  func.func @transform_2(%arg0: i32, %arg1: i32) -> (i32, i32) {
    %c0_i32 = arith.constant 0 : i32
    return %arg0, %arg1 : i32, i32
  }
  func.func @transform_3(%arg0: i32, %arg1: i32) -> i32 {
    %c0_i32 = arith.constant 0 : i32
    return %arg0 : i32
  }
}

</mosaic_0001>

<sc_bundles>
// kernel: kernel.5.cloned.1.call-start
scs
__scs_entry_jumppad:
0x0: {  	(pc) =	sbr.rel $0x88, $3  }
0x1: {  	(tag) =	ssettag $0x0;
	lr =	simm.s32 $0x1  }
0x2: {  	[smem:$0x3F9E] =	sst lr;
	_ =	strace $0xD0000000  }
0x3: {  	_ = 	snop  }
0x4: {  	_ = 	snop  }
0x5: {  	_ = 	snop  }
0x6: {  	_ = 	snop  }
0x7: {  	_ = 	snop  }
__scs_overlays_trampoline_lowered:
0x8: {  	[smem:$0x3FAD] =	sst s0  }
0x9: {  	[smem:$0x3FAE] =	sst s1  }
0xa: {  	[smem:$0x3FAF] =	sst s2  }
0xb: {  	[smem:$0x3FB0] =	sst s3  }
0xc: {  	[smem:$0x3FB1] =	sst s4  }
0xd: {  	[smem:$0x3FB2] =	sst s5  }
0xe: {  	[smem:$0x3FB3] =	sst s6  }
0xf: {  	[smem:$0x3FB4] =	sst s7  }
0x10: {  	[smem:$0x3FB5] =	sst s8  }
0x11: {  	[smem:$0x3FB6] =	sst s9;
	s0 =	simm.s32 @!p0 $0x0  }
0x12: {  	s1 =	sld [smem:$0x3F9C];
	s0 =	simm.s32 @p0 $0x1  }
0x13: {  	[smem:$0x3FB7] =	sst s0;
	s0 =	simm.s32 @!p1 $0x0  }
0x14: {  	s2 =	sld [smem:$0x3F9B];
	s0 =	simm.s32 @p1 $0x1  }
0x15: {  	[smem:$0x3FB8] =	sst s0;
	s0 =	simm.s32 @!p2 $0x0  }
0x16: {  	s3 =	sld [smem:$0x3FDB];
	s0 =	simm.s32 @p2 $0x1  }
0x17: {  	s4 =	simm.s32 $0x1BF5;
	[smem:$0x3FBA] =	sst s0  }
0x18: {  	s0 =	sld [smem:$0x3F9D];
	_ =	swait.ge [sflag:s4], $0x0  }
0x19: {  	s7 =	sld [smem:$0x3F9E]  }
0x1a: {  	s8 =	sadd.s32 $0xFFFFE003, lr  }
0x1b: {  	s9 =	sadd.s32 $0xFFFFFEF7, lr;
	s5 =	simm.s32 $0xFFFFFFFF;
	p2 =	slt.u32 s8, $0xFFFFF086  }
0x1c: {  	p1 =	slt.u32 s9, $0xF7A;
	s5 =	simm.s32 @!p2 $0x0  }
0x1d: {  	s5 =	simm.s32 @p1 $0x1;
	p0 =	seq.s32 s7, s2  }
0x1e: {  	s7 =	smul.u32 @!p0 $0xF7A, s2;
	p2 =	seq.s32 @!p0 s5, $0x0  }
0x1f: {  	s9 =	smul.u32 $0xF7A, s1;
	s8 =	simm.s32 @!p0 $0x1BF5;
	p2 =	por !p2, p0  }
0x20: {  	[sflag:s8] =	ssyncset.s32 @!p0 $0xFFFFF086;
	s6 =	sadd.s32 @!p0 s3, s7;
	s7 =	simm.s32 @!p0 $0x108  }
0x21: {  	s3 =	sadd.s32 s3, s9;
	s6 =	sadd.s32 @!p0 $0x88, s6;
	s7 =	simm.s32 @p2 $0x1082  }
0x22: {  	[simem:s7], [sflag:s8] =	dma.local @!p0 [hbm:s6], $0xF7A  }
0x23: {  	s9 =	sor.u32 $0xD0000000, s2;
	s6 =	simm.s32 $0x108;
	_ =	swait.ge @!p0 [sflag:s8], $0x0  }
0x24: {  	s3 =	sadd.s32 $0x88, s3;
	s6 =	simm.s32 @!p1 $0x1082;
	[sflag:s4] =	ssyncset.s32 $0xFFFFF086  }
0x25: {  	[simem:s6], [sflag:s4] =	dma.local [hbm:s3], $0xF7A  }
0x26: {  	[smem:$0x3F9E] =	sst s1;
	(tag) =	ssettag s2;
	_ =	strace s9  }
0x27: {  	s1 =	sld [smem:$0x3FAE]  }
0x28: {  	s2 =	sld [smem:$0x3FAF]  }
0x29: {  	s4 =	sld [smem:$0x3FB1]  }
0x2a: {  	p0 =	seq.s32 s5, $0x0;
	s5 =	sld [smem:$0x3FB2]  }
0x2b: {  	s6 =	sld [smem:$0x3FB3]  }
0x2c: {  	s7 =	sld [smem:$0x3FB4]  }
0x2d: {  	s3 =	simm.s32 $0x108;
	s8 =	sld [smem:$0x3FB5]  }
0x2e: {  	s3 =	simm.s32 @!p0 $0x1082;
	s9 =	sld [smem:$0x3FB6]  }
0x2f: {  	lr =	sadd.s32 s0, s3;
	s0 =	sld [smem:$0x3FAD]  }
0x30: {  	s3 =	sld [smem:$0x3FB0]  }
0x31: {  	[smem:$0x3FB9] =	sst s10  }
0x32: {  	s10 =	sld [smem:$0x3FB7];
	_ =	sdelay $0x3  }
0x33: {  	p0 =	seq.s32 s10, $0x1;
	s10 =	sld [smem:$0x3FB9];
	_ =	sdelay $0x3  }
0x34: {  	[smem:$0x3FB9] =	sst s10  }
0x35: {  	s10 =	sld [smem:$0x3FB8];
	_ =	sdelay $0x3  }
0x36: {  	p1 =	seq.s32 s10, $0x1;
	s10 =	sld [smem:$0x3FB9];
	_ =	sdelay $0x3  }
0x37: {  	[smem:$0x3FB9] =	sst s10  }
0x38: {  	s10 =	sld [smem:$0x3FBA]  }
0x39: {  	_ = 	snop;
	(pc) =	sbr.ind lr, $3  }
0x3a: {  	_ = 	snop  }
0x3b: {  	_ = 	snop  }
0x3c: {  	p2 =	seq.s32 s10, $0x1;
	s10 =	sld [smem:$0x3FB9]  }
0x3d: {  	_ =	shalt  }
0x3e: {  	_ =	shalt  }
0x3f: {  	_ =	shalt  }
0x40: {  	_ =	shalt  }
0x41: {  	_ =	shalt  }
0x42: {  	_ =	shalt  }
0x43: {  	_ =	shalt  }
0x44: {  	_ =	shalt  }
0x45: {  	_ =	shalt  }
0x46: {  	_ =	shalt  }
0x47: {  	_ =	shalt  }
0x48: {  	_ =	shalt  }
0x49: {  	_ =	shalt  }
0x4a: {  	_ =	shalt  }
0x4b: {  	_ =	shalt  }
0x4c: {  	_ =	shalt  }
0x4d: {  	_ =	shalt  }
0x4e: {  	_ =	shalt  }
0x4f: {  	_ =	shalt  }
0x50: {  	_ =	shalt  }
0x51: {  	_ =	shalt  }
0x52: {  	_ =	shalt  }
0x53: {  	_ =	shalt  }
0x54: {  	_ =	shalt  }
0x55: {  	_ =	shalt  }
0x56: {  	_ =	shalt  }
0x57: {  	_ =	shalt  }
0x58: {  	_ =	shalt  }
0x59: {  	_ =	shalt  }
0x5a: {  	_ =	shalt  }
0x5b: {  	_ =	shalt  }
0x5c: {  	_ =	shalt  }
0x5d: {  	_ =	shalt  }
0x5e: {  	_ =	shalt  }
0x5f: {  	_ =	shalt  }
0x60: {  	_ =	shalt  }
0x61: {  	_ =	shalt  }
0x62: {  	_ =	shalt  }
0x63: {  	_ =	shalt  }
0x64: {  	_ =	shalt  }
0x65: {  	_ =	shalt  }
0x66: {  	_ =	shalt  }
0x67: {  	_ =	shalt  }
0x68: {  	_ =	shalt  }
0x69: {  	_ =	shalt  }
0x6a: {  	_ =	shalt  }
0x6b: {  	_ =	shalt  }
0x6c: {  	_ =	shalt  }
0x6d: {  	_ =	shalt  }
0x6e: {  	_ =	shalt  }
0x6f: {  	_ =	shalt  }
0x70: {  	_ =	shalt  }
0x71: {  	_ =	shalt  }
0x72: {  	_ =	shalt  }
0x73: {  	_ =	shalt  }
0x74: {  	_ =	shalt  }
0x75: {  	_ =	shalt  }
0x76: {  	_ =	shalt  }
0x77: {  	_ =	shalt  }
0x78: {  	_ =	shalt  }
0x79: {  	_ =	shalt  }
0x7a: {  	_ =	shalt  }
0x7b: {  	_ =	shalt  }
0x7c: {  	_ =	shalt  }
0x7d: {  	_ =	shalt  }
0x7e: {  	_ =	shalt  }
0x7f: {  	_ =	shalt  }
0x80: {  	_ =	shalt  }
0x81: {  	_ =	shalt  }
0x82: {  	_ =	shalt  }
0x83: {  	_ =	shalt  }
0x84: {  	_ =	shalt  }
0x85: {  	_ =	shalt  }
0x86: {  	_ =	shalt  }
0x87: {  	_ =	shalt  }
.Lfunc_end0:
.L_simem_size_0:
called_computation_lowered:
.L_overlay_start_0:
0x88: {  	s2 =	sld [smem:$0x3FD9]  }
0x89: {  	s3 =	sld [smem:$0x3FFE];
	_ =	sdelay $0x1  }
0x8a: {  	s1 =	srdreg.scid  }
0x8b: {  	s0 =	sand.u32 $0x1, s1  }
0x8c: {  	s16 =	sshll.u32 s0, $0xA;
	s2 =	sadd.s32 s3, s2  }
0x8d: {  	s2 =	sadd.s32 s2, s16  }
0x8e: {  	[smem:$0x3FC5] =	sst s2  }
0x8f: {  	_ = 	snop  }
0x90: {  	(tm) =	ssettm $0x1  }
0x91: {  	s17 =	sld [smem:$0x3FFB];
	_ =	sdelay $0x3  }
0x92: {  	_ =	strace s17  }
0x93: {  	s2 =	sld [smem:$0x3FFC];
	_ =	sdelay $0x3  }
0x94: {  	_ =	strace s2  }
0x95: {  	s2 =	sld [smem:$0x3FFD];
	_ =	sdelay $0x3  }
0x96: {  	_ =	strace s2  }
0x97: {  	_ =	strace $0x8FFFFFFF  }
0x98: {  	s18 =	sld [smem:$0x3FDB];
	_ =	sdelay $0x1  }
0x99: {  	s19 =	simm.s32 $_scs_section_size  }
0x9a: {  	s4 =	simm.s32 $_size__tile_overlayer_lowered;
	s5 =	simm.s32 $_tile_overlayer_lowered  }
0x9b: {  	s22 =	simm.s32 $0x1BFF;
	s21 =	sshll.u32 s5, $0x1;
	s2 =	sadd.s32 s19, s18  }
0x9c: {  	s6 =	simm.s32 $0x0;
	s20 =	sshll.u32 s4, $0x1;
	s4 =	sadd.s32 s21, s2  }
0x9d: {  	[timem:s6], [sflag:s22] =	dma.local [hbm:s4], s20  }
0x9e: {  	_ =	swait.ge [sflag:s22], s20  }
0x9f: {  	s3 =	ssub.s32 $0x0, s20;
	[sflag:s22] =	ssyncset.done $0x0  }
0xa0: {  	[sflag:s22] =	ssyncadd.s32 s3;
	_ =	sdelay $0x1  }
0xa1: {  	s23 =	simm.s32 $0x1B8B  }
0xa2: {  	_ =	swait.ge [sflag:s23], $0x1  }
0xa3: {  	[sflag:s23] =	ssyncset.done $0x0  }
0xa4: {  	s25 =	simm.s32 $0x1B8E;
	s24 =	sld [smem:$0x3FFE];
	[sflag:s23] =	ssyncadd.s32 $0xFFFFFFFF  }
0xa5: {  	s26 =	simm.s32 $execute0_lowered;
	[smem:$0x3FD2] =	sst s25  }
0xa6: {  	s4 =	sshll.u32 s26, $0x1;
	_ =	strace $0x80000046;
	[dreg:$0x1] =	wrdreg $0xFFFFFFFF  }
0xa7: {  	s28 =	simm.s32 $_size_execute0_lowered;
	s2 =	sadd.s32 s2, s4;
	[dreg:$0x0] =	wrdreg $0x0  }
0xa8: {  	s4 =	sshll.u32 s28, $0x1;
	[dreg:$0x2] =	wrdreg s2  }
0xa9: {  	[dreg:$0x3] =	wrdreg s4  }
0xaa: {  	[dreg:$0x4] =	wrdreg $0xC0  }
0xab: {  	_ =	task [dreg:s6], $0x5FFFF  }
0xac: {  	[dreg:$0x1] =	wrdreg $0xFFFFFFFF  }
0xad: {  	[dreg:$0x0] =	wrdreg $0x60  }
0xae: {  	[dreg:$0x2] =	wrdreg s24  }
0xaf: {  	[dreg:$0x3] =	wrdreg $0x9  }
0xb0: {  	_ =	task.clear_ibuf [dreg:s6], $0x4FFFF;
	_ =	strace $0x90000046  }
0xb1: {  	s29 =	simm.s32 $0x9;
	_ =	strace $0x80000048  }
0xb2: {  	_ =	swait.ge [sflag:s29], $0x1  }
0xb3: {  	[sflag:s29] =	ssyncadd.s32 $0xFFFFFFFF  }
0xb4: {  	_ =	strace $0x90000048  }
0xb5: {  	_ =	sfence  }
0xb6: {  	s30 =	sld [smem:$0x0];
	_ =	sdelay $0x2  }
0xb7: {  	s31 =	sshll.u32 s1, $0xD;
	s1 =	sshrl.u32 s1, $0x2  }
0xb8: {  	s3 =	sand.u32 $0x4000, s31;
	s1 =	sadd.s32 s1, s30  }
0xb9: {  	s0 =	sor.u32 s3, s0;
	s1 =	sshll.u32 s1, $0x11  }
0xba: {  	s0 =	sor.u32 s1, s0  }
0xbb: {  	s0 =	sadd.s32 $0x8F2B, s0  }
0xbc: {  	[sflag:s0] =	ssyncadd.remote.s32 $0x1  }
0xbd: {  	_ =	sfence.sel $0xFFFF  }
0xbe: {  	[dreg:$0x0] =	wrdreg $0xFFFFFFFF;
	(pc) =	sbr.abs _section_cstart, $3  }
0xbf: {  	[dreg:$0x1] =	wrdreg $0xFFFFFFFF  }
0xc0: {  	_ =	task.clear_ibuf [dreg:s6], $0x2FFFF;
	_ =	strace $0x9FFFFFFF  }
0xc1: {  	(tm) =	ssettm $0x7FFFFFFF  }
tec
execute0_lowered:
.L_overlay_start_1:
0x0: {  	(tag) =	ssettag $0x1  }
0x1: {  	s18 =	rddreg [dreg:$0x0]  }
0x2: {  	s0 =	rddreg [dreg:$0x1]  }
0x3: {  	s3 =	srdreg.scid;
	s2 =	simm.s32 $0x0;
	s1 =	stileid.u32  }
0x4: {  	s21 =	simm.s32 $0x1;
	s22 =	simm.s32 $0x2600;
	s23 =	simm.s32 $0x4C00  }
0x5: {  	s24 =	simm.s32 $0x0;
	s4 =	sand.u32 $0x1, s3;
	[smem:$0x7FF] =	sst s2  }
0x6: {  	s5 =	sshll.u32 s1, $0xB;
	s7 =	sadd.s32 $0x4580, s18;
	s8 =	sadd.s32 $0x1F80, s18  }
0x7: {  	s9 =	sadd.s32 $0x4A40, s18;
	s10 =	sadd.s32 $0x2440, s18;
	s11 =	sadd.s32 $0x4F00, s18  }
0x8: {  	s12 =	sadd.s32 $0x2900, s18;
	s13 =	sadd.s32 $0x53C0, s18;
	s14 =	sadd.s32 $0x2DC0, s18  }
0x9: {  	s15 =	sadd.s32 $0x5880, s18;
	s17 =	sadd.s32 $0x5D40, s18;
	s3 =	sshll.u32 s4, $0xF  }
0xa: {  	_ =	strace $0x80000047;
	s6 =	ssub.s32 $0x2, s4;
	s4 =	sadd.s32 $0x1600, s18  }
0xb: {  	s16 =	sor.u32 s5, s3;
	s3 =	sadd.s32 $0x3C00, s18;
	s31 =	sshrl.u32 s6, $0x1  }
0xc: {  	s5 =	sshrl.u32 s16, $0x3;
	s20 =	ssub.s32 s6, s31;
	s6 =	sadd.s32 $0x1AC0, s18;
	v0 =	vmov s16  }
0xd: {  	s16 =	sadd.s32 $0x3280, s18;
	s19 =	sadd.s32 s5, s18;
	s5 =	sadd.s32 $0x40C0, s18;
	v0 =	vsub.s32 $0x0, v0  }
0xe: {  	v1 =	vimm.f32 $0.0e+00;
	v2 =	vimm.f32 $1.000000000e+00;
	s18 =	sadd.s32 $0x3740, s18;
	s20 =	smax.u32 s20, $0x1;
	s19 =	sadd.s32 $0x6200, s19;
	v0 =	vbroadcast v0, $0x0  }
.LBB2_1:
0xf: {  	s25 =	simm.s32 $0x40;
	s26 =	simm.s32 $0x0  }
.LBB2_2:
0x10: {  	p0 =	sne.s32 s25, $0x1FC0;
	[tilespmem:s26+$0x4C00] =	vst v1;
	s26 =	smov.u32 s25;
	s25 =	sadd.s32 $0x40, s25  }
.Ltmp0:
0x11: {  	(pc) =	sbr.rel @p0 .LBB2_2-.Ltmp0, $2  }
0x12: {  	_ =	sdelay $0x2  }
0x13: {  	s26 =	sshra.s32 s26, $0x2  }
0x14: {  	[tilespmem:s26+$0x4C00] =	vst v1;
	s25 =	simm.s32 $0x0  }
0x15: {  	[tilespmem:s25], [sflag:$0x1] =	stream.linear.gather [hbm4b:s3+s25], $0x2600, $0x38;
	[tilespmem:$0x5400] =	vst v63  }
0x16: {  	_ =	swait.ge [sflag:s21], $0x2600  }
0x17: {  	[sflag:s21] =	ssyncset.done $0x0  }
0x18: {  	[sflag:s21] =	ssyncadd.s32 $0xFFFFDA00  }
0x19: {  	[tilespmem:s22], [sflag:$0x1] =	stream.linear.gather [hbm4b:s4+s25], $0x2600, $0x38;
	[tilespmem:$0x5400] =	vst v63  }
0x1a: {  	_ =	swait.ge [sflag:s21], $0x2600  }
0x1b: {  	[sflag:s21] =	ssyncset.done $0x0  }
0x1c: {  	s26 =	simm.s32 $0x0;
	[sflag:s21] =	ssyncadd.s32 $0xFFFFDA00  }
0x1d: {  	s25 =	simm.s32 $0x40;
	v3 =	vld [tilespmem:s26+$0x0]  }
.LBB2_4:
0x1e: {  	p0 =	sne.s32 s25, $0x97C0;
	v4 =	vld [tilespmem:s26+$0x2600];
	_ =	sdelay $0x4  }
0x1f: {  	v3 =	vshll.u32 v3, $0x8;
	v4 =	vadd.s32 v0, v4  }
0x20: {  	v3 =	vadd.s32 v3, v4  }
0x21: {  	vm0 =	vlt.u32 v3, $0x800  }
0x22: {  	v3 =	vnsel vm0, $0x0, v3;
	_ =	sdelay $0x1  }
.Ltmp1:
0x23: {  	(pc) =	sbr.rel @p0 .LBB2_4-.Ltmp1, $3  }
0x24: {  	_ =	sdelay $0x1  }
0x25: {  	s26 =	sshra.s32 s25, $0x2;
	[tilespmem:v3+s23+$0x0] =	vst.idx.add.f32.msk vm0, v2  }
0x26: {  	s25 =	sadd.s32 $0x40, s25;
	v3 =	vld [tilespmem:s26+$0x0]  }
0x27: {  	v4 =	vld [tilespmem:s26+$0x2600];
	_ =	sdelay $0x4  }
0x28: {  	v3 =	vshll.u32 v3, $0x8;
	v4 =	vadd.s32 v0, v4  }
0x29: {  	v3 =	vadd.s32 v3, v4  }
0x2a: {  	vm0 =	vlt.u32 v3, $0x800  }
0x2b: {  	v3 =	vnsel vm0, $0x0, v3;
	_ =	sdelay $0x4  }
0x2c: {  	s25 =	simm.s32 $0x0;
	[tilespmem:v3+s23+$0x0] =	vst.idx.add.f32.msk vm0, v2  }
0x2d: {  	[tilespmem:s25], [sflag:$0x1] =	stream.linear.gather [hbm4b:s5+s25], $0x2600, $0x38;
	[tilespmem:$0x5400] =	vst v63  }
0x2e: {  	_ =	swait.ge [sflag:s21], $0x2600  }
0x2f: {  	[sflag:s21] =	ssyncset.done $0x0  }
0x30: {  	[sflag:s21] =	ssyncadd.s32 $0xFFFFDA00  }
0x31: {  	[tilespmem:s22], [sflag:$0x1] =	stream.linear.gather [hbm4b:s6+s25], $0x2600, $0x38;
	[tilespmem:$0x5400] =	vst v63  }
0x32: {  	_ =	swait.ge [sflag:s21], $0x2600  }
0x33: {  	[sflag:s21] =	ssyncset.done $0x0  }
0x34: {  	s26 =	simm.s32 $0x0;
	[sflag:s21] =	ssyncadd.s32 $0xFFFFDA00  }
0x35: {  	s25 =	simm.s32 $0x40;
	v3 =	vld [tilespmem:s26+$0x0]  }
.LBB2_6:
0x36: {  	p0 =	sne.s32 s25, $0x97C0;
	v4 =	vld [tilespmem:s26+$0x2600];
	_ =	sdelay $0x4  }
0x37: {  	v3 =	vshll.u32 v3, $0x8;
	v4 =	vadd.s32 v0, v4  }
0x38: {  	v3 =	vadd.s32 v3, v4  }
0x39: {  	vm0 =	vlt.u32 v3, $0x800  }
0x3a: {  	v3 =	vnsel vm0, $0x0, v3;
	_ =	sdelay $0x1  }
.Ltmp2:
0x3b: {  	(pc) =	sbr.rel @p0 .LBB2_6-.Ltmp2, $3  }
0x3c: {  	_ =	sdelay $0x1  }
0x3d: {  	s26 =	sshra.s32 s25, $0x2;
	[tilespmem:v3+s23+$0x0] =	vst.idx.add.f32.msk vm0, v2  }
0x3e: {  	s25 =	sadd.s32 $0x40, s25;
	v3 =	vld [tilespmem:s26+$0x0]  }
0x3f: {  	v4 =	vld [tilespmem:s26+$0x2600];
	_ =	sdelay $0x4  }
0x40: {  	v3 =	vshll.u32 v3, $0x8;
	v4 =	vadd.s32 v0, v4  }
0x41: {  	v3 =	vadd.s32 v3, v4  }
0x42: {  	vm0 =	vlt.u32 v3, $0x800  }
0x43: {  	v3 =	vnsel vm0, $0x0, v3;
	_ =	sdelay $0x4  }
0x44: {  	s25 =	simm.s32 $0x0;
	[tilespmem:v3+s23+$0x0] =	vst.idx.add.f32.msk vm0, v2  }
0x45: {  	[tilespmem:s25], [sflag:$0x1] =	stream.linear.gather [hbm4b:s7+s25], $0x2600, $0x38;
	[tilespmem:$0x5400] =	vst v63  }
0x46: {  	_ =	swait.ge [sflag:s21], $0x2600  }
0x47: {  	[sflag:s21] =	ssyncset.done $0x0  }
0x48: {  	[sflag:s21] =	ssyncadd.s32 $0xFFFFDA00  }
0x49: {  	[tilespmem:s22], [sflag:$0x1] =	stream.linear.gather [hbm4b:s8+s25], $0x2600, $0x38;
	[tilespmem:$0x5400] =	vst v63  }
0x4a: {  	_ =	swait.ge [sflag:s21], $0x2600  }
0x4b: {  	[sflag:s21] =	ssyncset.done $0x0  }
0x4c: {  	s26 =	simm.s32 $0x0;
	[sflag:s21] =	ssyncadd.s32 $0xFFFFDA00  }
0x4d: {  	s25 =	simm.s32 $0x40;
	v3 =	vld [tilespmem:s26+$0x0]  }
.LBB2_8:
0x4e: {  	p0 =	sne.s32 s25, $0x97C0;
	v4 =	vld [tilespmem:s26+$0x2600];
	_ =	sdelay $0x4  }
0x4f: {  	v3 =	vshll.u32 v3, $0x8;
	v4 =	vadd.s32 v0, v4  }
0x50: {  	v3 =	vadd.s32 v3, v4  }
0x51: {  	vm0 =	vlt.u32 v3, $0x800  }
0x52: {  	v3 =	vnsel vm0, $0x0, v3;
	_ =	sdelay $0x1  }
.Ltmp3:
0x53: {  	(pc) =	sbr.rel @p0 .LBB2_8-.Ltmp3, $3  }
0x54: {  	_ =	sdelay $0x1  }
0x55: {  	s26 =	sshra.s32 s25, $0x2;
	[tilespmem:v3+s23+$0x0] =	vst.idx.add.f32.msk vm0, v2  }
0x56: {  	s25 =	sadd.s32 $0x40, s25;
	v3 =	vld [tilespmem:s26+$0x0]  }
0x57: {  	v4 =	vld [tilespmem:s26+$0x2600];
	_ =	sdelay $0x4  }
0x58: {  	v3 =	vshll.u32 v3, $0x8;
	v4 =	vadd.s32 v0, v4  }
0x59: {  	v3 =	vadd.s32 v3, v4  }
0x5a: {  	vm0 =	vlt.u32 v3, $0x800  }
0x5b: {  	v3 =	vnsel vm0, $0x0, v3;
	_ =	sdelay $0x4  }
0x5c: {  	s25 =	simm.s32 $0x0;
	[tilespmem:v3+s23+$0x0] =	vst.idx.add.f32.msk vm0, v2  }
0x5d: {  	[tilespmem:s25], [sflag:$0x1] =	stream.linear.gather [hbm4b:s9+s25], $0x2600, $0x38;
	[tilespmem:$0x5400] =	vst v63  }
0x5e: {  	_ =	swait.ge [sflag:s21], $0x2600  }
0x5f: {  	[sflag:s21] =	ssyncset.done $0x0  }
0x60: {  	[sflag:s21] =	ssyncadd.s32 $0xFFFFDA00  }
0x61: {  	[tilespmem:s22], [sflag:$0x1] =	stream.linear.gather [hbm4b:s10+s25], $0x2600, $0x38;
	[tilespmem:$0x5400] =	vst v63  }
0x62: {  	_ =	swait.ge [sflag:s21], $0x2600  }
0x63: {  	[sflag:s21] =	ssyncset.done $0x0  }
0x64: {  	s26 =	simm.s32 $0x0;
	[sflag:s21] =	ssyncadd.s32 $0xFFFFDA00  }
0x65: {  	s25 =	simm.s32 $0x40;
	v3 =	vld [tilespmem:s26+$0x0]  }
.LBB2_10:
0x66: {  	p0 =	sne.s32 s25, $0x97C0;
	v4 =	vld [tilespmem:s26+$0x2600];
	_ =	sdelay $0x4  }
0x67: {  	v3 =	vshll.u32 v3, $0x8;
	v4 =	vadd.s32 v0, v4  }
0x68: {  	v3 =	vadd.s32 v3, v4  }
0x69: {  	vm0 =	vlt.u32 v3, $0x800  }
0x6a: {  	v3 =	vnsel vm0, $0x0, v3;
	_ =	sdelay $0x1  }
.Ltmp4:
0x6b: {  	(pc) =	sbr.rel @p0 .LBB2_10-.Ltmp4, $3  }
0x6c: {  	_ =	sdelay $0x1  }
0x6d: {  	s26 =	sshra.s32 s25, $0x2;
	[tilespmem:v3+s23+$0x0] =	vst.idx.add.f32.msk vm0, v2  }
0x6e: {  	s25 =	sadd.s32 $0x40, s25;
	v3 =	vld [tilespmem:s26+$0x0]  }
0x6f: {  	v4 =	vld [tilespmem:s26+$0x2600];
	_ =	sdelay $0x4  }
0x70: {  	v3 =	vshll.u32 v3, $0x8;
	v4 =	vadd.s32 v0, v4  }
0x71: {  	v3 =	vadd.s32 v3, v4  }
0x72: {  	vm0 =	vlt.u32 v3, $0x800  }
0x73: {  	v3 =	vnsel vm0, $0x0, v3;
	_ =	sdelay $0x4  }
0x74: {  	s25 =	simm.s32 $0x0;
	[tilespmem:v3+s23+$0x0] =	vst.idx.add.f32.msk vm0, v2  }
0x75: {  	[tilespmem:s25], [sflag:$0x1] =	stream.linear.gather [hbm4b:s11+s25], $0x2600, $0x38;
	[tilespmem:$0x5400] =	vst v63  }
0x76: {  	_ =	swait.ge [sflag:s21], $0x2600  }
0x77: {  	[sflag:s21] =	ssyncset.done $0x0  }
0x78: {  	[sflag:s21] =	ssyncadd.s32 $0xFFFFDA00  }
0x79: {  	[tilespmem:s22], [sflag:$0x1] =	stream.linear.gather [hbm4b:s12+s25], $0x2600, $0x38;
	[tilespmem:$0x5400] =	vst v63  }
0x7a: {  	_ =	swait.ge [sflag:s21], $0x2600  }
0x7b: {  	[sflag:s21] =	ssyncset.done $0x0  }
0x7c: {  	s26 =	simm.s32 $0x0;
	[sflag:s21] =	ssyncadd.s32 $0xFFFFDA00  }
0x7d: {  	s25 =	simm.s32 $0x40;
	v3 =	vld [tilespmem:s26+$0x0]  }
.LBB2_12:
0x7e: {  	p0 =	sne.s32 s25, $0x97C0;
	v4 =	vld [tilespmem:s26+$0x2600];
	_ =	sdelay $0x4  }
0x7f: {  	v3 =	vshll.u32 v3, $0x8;
	v4 =	vadd.s32 v0, v4  }
0x80: {  	v3 =	vadd.s32 v3, v4  }
0x81: {  	vm0 =	vlt.u32 v3, $0x800  }
0x82: {  	v3 =	vnsel vm0, $0x0, v3;
	_ =	sdelay $0x1  }
.Ltmp5:
0x83: {  	(pc) =	sbr.rel @p0 .LBB2_12-.Ltmp5, $3  }
0x84: {  	_ =	sdelay $0x1  }
0x85: {  	s26 =	sshra.s32 s25, $0x2;
	[tilespmem:v3+s23+$0x0] =	vst.idx.add.f32.msk vm0, v2  }
0x86: {  	s25 =	sadd.s32 $0x40, s25;
	v3 =	vld [tilespmem:s26+$0x0]  }
0x87: {  	v4 =	vld [tilespmem:s26+$0x2600];
	_ =	sdelay $0x4  }
0x88: {  	v3 =	vshll.u32 v3, $0x8;
	v4 =	vadd.s32 v0, v4  }
0x89: {  	v3 =	vadd.s32 v3, v4  }
0x8a: {  	vm0 =	vlt.u32 v3, $0x800  }
0x8b: {  	v3 =	vnsel vm0, $0x0, v3;
	_ =	sdelay $0x4  }
0x8c: {  	s25 =	simm.s32 $0x0;
	[tilespmem:v3+s23+$0x0] =	vst.idx.add.f32.msk vm0, v2  }
0x8d: {  	[tilespmem:s25], [sflag:$0x1] =	stream.linear.gather [hbm4b:s13+s25], $0x2600, $0x38;
	[tilespmem:$0x5400] =	vst v63  }
0x8e: {  	_ =	swait.ge [sflag:s21], $0x2600  }
0x8f: {  	[sflag:s21] =	ssyncset.done $0x0  }
0x90: {  	[sflag:s21] =	ssyncadd.s32 $0xFFFFDA00  }
0x91: {  	[tilespmem:s22], [sflag:$0x1] =	stream.linear.gather [hbm4b:s14+s25], $0x2600, $0x38;
	[tilespmem:$0x5400] =	vst v63  }
0x92: {  	_ =	swait.ge [sflag:s21], $0x2600  }
0x93: {  	[sflag:s21] =	ssyncset.done $0x0  }
0x94: {  	s26 =	simm.s32 $0x0;
	[sflag:s21] =	ssyncadd.s32 $0xFFFFDA00  }
0x95: {  	s25 =	simm.s32 $0x40;
	v3 =	vld [tilespmem:s26+$0x0]  }
.LBB2_14:
0x96: {  	p0 =	sne.s32 s25, $0x97C0;
	v4 =	vld [tilespmem:s26+$0x2600];
	_ =	sdelay $0x4  }
0x97: {  	v3 =	vshll.u32 v3, $0x8;
	v4 =	vadd.s32 v0, v4  }
0x98: {  	v3 =	vadd.s32 v3, v4  }
0x99: {  	vm0 =	vlt.u32 v3, $0x800  }
0x9a: {  	v3 =	vnsel vm0, $0x0, v3;
	_ =	sdelay $0x1  }
.Ltmp6:
0x9b: {  	(pc) =	sbr.rel @p0 .LBB2_14-.Ltmp6, $3  }
0x9c: {  	_ =	sdelay $0x1  }
0x9d: {  	s26 =	sshra.s32 s25, $0x2;
	[tilespmem:v3+s23+$0x0] =	vst.idx.add.f32.msk vm0, v2  }
0x9e: {  	s25 =	sadd.s32 $0x40, s25;
	v3 =	vld [tilespmem:s26+$0x0]  }
0x9f: {  	v4 =	vld [tilespmem:s26+$0x2600];
	_ =	sdelay $0x4  }
0xa0: {  	v3 =	vshll.u32 v3, $0x8;
	v4 =	vadd.s32 v0, v4  }
0xa1: {  	v3 =	vadd.s32 v3, v4  }
0xa2: {  	vm0 =	vlt.u32 v3, $0x800  }
0xa3: {  	v3 =	vnsel vm0, $0x0, v3;
	_ =	sdelay $0x4  }
0xa4: {  	s25 =	simm.s32 $0x0;
	[tilespmem:v3+s23+$0x0] =	vst.idx.add.f32.msk vm0, v2  }
0xa5: {  	[tilespmem:s25], [sflag:$0x1] =	stream.linear.gather [hbm4b:s15+s25], $0x2600, $0x38;
	[tilespmem:$0x5400] =	vst v63  }
0xa6: {  	_ =	swait.ge [sflag:s21], $0x2600  }
0xa7: {  	[sflag:s21] =	ssyncset.done $0x0  }
0xa8: {  	[sflag:s21] =	ssyncadd.s32 $0xFFFFDA00  }
0xa9: {  	[tilespmem:s22], [sflag:$0x1] =	stream.linear.gather [hbm4b:s16+s25], $0x2600, $0x38;
	[tilespmem:$0x5400] =	vst v63  }
0xaa: {  	_ =	swait.ge [sflag:s21], $0x2600  }
0xab: {  	[sflag:s21] =	ssyncset.done $0x0  }
0xac: {  	s26 =	simm.s32 $0x0;
	[sflag:s21] =	ssyncadd.s32 $0xFFFFDA00  }
0xad: {  	s25 =	simm.s32 $0x40;
	v3 =	vld [tilespmem:s26+$0x0]  }
.LBB2_16:
0xae: {  	p0 =	sne.s32 s25, $0x97C0;
	v4 =	vld [tilespmem:s26+$0x2600];
	_ =	sdelay $0x4  }
0xaf: {  	v3 =	vshll.u32 v3, $0x8;
	v4 =	vadd.s32 v0, v4  }
0xb0: {  	v3 =	vadd.s32 v3, v4  }
0xb1: {  	vm0 =	vlt.u32 v3, $0x800  }
0xb2: {  	v3 =	vnsel vm0, $0x0, v3;
	_ =	sdelay $0x1  }
.Ltmp7:
0xb3: {  	(pc) =	sbr.rel @p0 .LBB2_16-.Ltmp7, $3  }
0xb4: {  	_ =	sdelay $0x1  }
0xb5: {  	s26 =	sshra.s32 s25, $0x2;
	[tilespmem:v3+s23+$0x0] =	vst.idx.add.f32.msk vm0, v2  }
0xb6: {  	s25 =	sadd.s32 $0x40, s25;
	v3 =	vld [tilespmem:s26+$0x0]  }
0xb7: {  	v4 =	vld [tilespmem:s26+$0x2600];
	_ =	sdelay $0x4  }
0xb8: {  	v3 =	vshll.u32 v3, $0x8;
	v4 =	vadd.s32 v0, v4  }
0xb9: {  	v3 =	vadd.s32 v3, v4  }
0xba: {  	vm0 =	vlt.u32 v3, $0x800  }
0xbb: {  	v3 =	vnsel vm0, $0x0, v3;
	_ =	sdelay $0x4  }
0xbc: {  	s25 =	simm.s32 $0x0;
	[tilespmem:v3+s23+$0x0] =	vst.idx.add.f32.msk vm0, v2  }
0xbd: {  	[tilespmem:s25], [sflag:$0x1] =	stream.linear.gather [hbm4b:s17+s25], $0x2600, $0x38;
	[tilespmem:$0x5400] =	vst v63  }
0xbe: {  	_ =	swait.ge [sflag:s21], $0x2600  }
0xbf: {  	[sflag:s21] =	ssyncset.done $0x0  }
0xc0: {  	[sflag:s21] =	ssyncadd.s32 $0xFFFFDA00  }
0xc1: {  	[tilespmem:s22], [sflag:$0x1] =	stream.linear.gather [hbm4b:s18+s25], $0x2600, $0x38;
	[tilespmem:$0x5400] =	vst v63  }
0xc2: {  	_ =	swait.ge [sflag:s21], $0x2600  }
0xc3: {  	[sflag:s21] =	ssyncset.done $0x0  }
0xc4: {  	s26 =	simm.s32 $0x0;
	[sflag:s21] =	ssyncadd.s32 $0xFFFFDA00  }
0xc5: {  	s25 =	simm.s32 $0x40;
	v3 =	vld [tilespmem:s26+$0x0]  }
.LBB2_18:
0xc6: {  	p0 =	sne.s32 s25, $0x97C0;
	v4 =	vld [tilespmem:s26+$0x2600];
	_ =	sdelay $0x4  }
0xc7: {  	v3 =	vshll.u32 v3, $0x8;
	v4 =	vadd.s32 v0, v4  }
0xc8: {  	v3 =	vadd.s32 v3, v4  }
0xc9: {  	vm0 =	vlt.u32 v3, $0x800  }
0xca: {  	v3 =	vnsel vm0, $0x0, v3;
	_ =	sdelay $0x1  }
.Ltmp8:
0xcb: {  	(pc) =	sbr.rel @p0 .LBB2_18-.Ltmp8, $3  }
0xcc: {  	_ =	sdelay $0x1  }
0xcd: {  	s26 =	sshra.s32 s25, $0x2;
	[tilespmem:v3+s23+$0x0] =	vst.idx.add.f32.msk vm0, v2  }
0xce: {  	s25 =	sadd.s32 $0x40, s25;
	v3 =	vld [tilespmem:s26+$0x0]  }
0xcf: {  	v4 =	vld [tilespmem:s26+$0x2600];
	_ =	sdelay $0x4  }
0xd0: {  	v3 =	vshll.u32 v3, $0x8;
	v4 =	vadd.s32 v0, v4  }
0xd1: {  	v3 =	vadd.s32 v3, v4  }
0xd2: {  	vm0 =	vlt.u32 v3, $0x800  }
0xd3: {  	v3 =	vnsel vm0, $0x0, v3;
	_ =	sdelay $0x2  }
0xd4: {  	s24 =	sadd.s32 $0x1, s24  }
0xd5: {  	p0 =	sne.s32 s24, s20  }
.Ltmp9:
0xd6: {  	[tilespmem:v3+s23+$0x0] =	vst.idx.add.f32.msk vm0, v2;
	(pc) =	sbr.rel @p0 .LBB2_1-.Ltmp9, $4  }
0xd7: {  	[hbm4b:s19+s2] =	stream.linear.scatter [tilespmem:s23], [sflag:$0x1], $0x800, $0x38;
	[tilespmem:$0x5400] =	vst v63  }
0xd8: {  	_ =	swait.ge [sflag:s21], $0x800  }
0xd9: {  	[sflag:s21] =	ssyncset.done $0x0  }
0xda: {  	[sflag:s21] =	ssyncadd.s32 $0xFFFFF800  }
0xdb: {  	_ =	sfence.sel $0x180000  }
0xdc: {  	[bflag:$0x0] =	sbarrier.arrive $0xFFFF  }
0xdd: {  	p0 =	sne.s32 s1, $0x0;
	_ =	strace $0x90000047  }
0xde: {  	s0 =	sadd.s32 @!p0 $0x100000, s0;
	[bflag:$0x2] =	sbarrier.arrive $0xFFFF  }
0xdf: {  	[sflag:s0] =	ssyncadd.tile.s32 @!p0 $0x1;
	_ =	shalt  }
.Lfunc_end2:
_tile_overlayer_lowered:
.L_overlay_start_2:
0xe0: {  	(tag) =	ssettag $0x2  }
0xe1: {  	s0 =	rddreg [dreg:$0x0];
	s2 =	stileid.u32  }
0xe2: {  	s1 =	rddreg [dreg:$0x1];
	p0 =	sne.s32 s2, $0x0  }
0xe3: {  	s3 =	rddreg [dreg:$0x2];
	[bflag:$0x3] =	sbarrier.arrive $0xFFFF;
	s2 =	simm.s32 @!p0 $0x1C01  }
0xe4: {  	[timem:s3], [sflag:s2] =	dma.local @!p0 [hbm:s0], s1  }
0xe5: {  	s0 =	simm.s32 @!p0 $0x1  }
0xe6: {  	_ =	swait.ge @!p0 [sflag:s0], s1  }
0xe7: {  	s1 =	ssub.s32 @!p0 $0x0, s1;
	[sflag:s0] =	ssyncset.done @!p0 $0x0  }
0xe8: {  	[sflag:s0] =	ssyncadd.s32 @!p0 s1  }
0xe9: {  	[bflag:$0x3] =	sbarrier.arrive $0xFFFF  }
0xea: {  	_ =	shalt  }

// kernel: kernel.8.cloned.1.call-start
scs
__scs_entry_jumppad:
0x0: {  	(pc) =	sbr.rel $0x88, $3  }
0x1: {  	(tag) =	ssettag $0x0;
	lr =	simm.s32 $0x1  }
0x2: {  	[smem:$0x3F9E] =	sst lr;
	_ =	strace $0xD0000000  }
0x3: {  	_ = 	snop  }
0x4: {  	_ = 	snop  }
0x5: {  	_ = 	snop  }
0x6: {  	_ = 	snop  }
0x7: {  	_ = 	snop  }
__scs_overlays_trampoline_lowered:
0x8: {  	[smem:$0x3FAD] =	sst s0  }
0x9: {  	[smem:$0x3FAE] =	sst s1  }
0xa: {  	[smem:$0x3FAF] =	sst s2  }
0xb: {  	[smem:$0x3FB0] =	sst s3  }
0xc: {  	[smem:$0x3FB1] =	sst s4  }
0xd: {  	[smem:$0x3FB2] =	sst s5  }
0xe: {  	[smem:$0x3FB3] =	sst s6  }
0xf: {  	[smem:$0x3FB4] =	sst s7  }
0x10: {  	[smem:$0x3FB5] =	sst s8  }
0x11: {  	[smem:$0x3FB6] =	sst s9;
	s0 =	simm.s32 @!p0 $0x0  }
0x12: {  	s1 =	sld [smem:$0x3F9C];
	s0 =	simm.s32 @p0 $0x1  }
0x13: {  	[smem:$0x3FB7] =	sst s0;
	s0 =	simm.s32 @!p1 $0x0  }
0x14: {  	s2 =	sld [smem:$0x3F9B];
	s0 =	simm.s32 @p1 $0x1  }
0x15: {  	[smem:$0x3FB8] =	sst s0;
	s0 =	simm.s32 @!p2 $0x0  }
0x16: {  	s3 =	sld [smem:$0x3FDB];
	s0 =	simm.s32 @p2 $0x1  }
0x17: {  	s4 =	simm.s32 $0x1BF5;
	[smem:$0x3FBA] =	sst s0  }
0x18: {  	s0 =	sld [smem:$0x3F9D];
	_ =	swait.ge [sflag:s4], $0x0  }
0x19: {  	s7 =	sld [smem:$0x3F9E]  }
0x1a: {  	s8 =	sadd.s32 $0xFFFFE003, lr  }
0x1b: {  	s9 =	sadd.s32 $0xFFFFFEF7, lr;
	s5 =	simm.s32 $0xFFFFFFFF;
	p2 =	slt.u32 s8, $0xFFFFF086  }
0x1c: {  	p1 =	slt.u32 s9, $0xF7A;
	s5 =	simm.s32 @!p2 $0x0  }
0x1d: {  	s5 =	simm.s32 @p1 $0x1;
	p0 =	seq.s32 s7, s2  }
0x1e: {  	s7 =	smul.u32 @!p0 $0xF7A, s2;
	p2 =	seq.s32 @!p0 s5, $0x0  }
0x1f: {  	s9 =	smul.u32 $0xF7A, s1;
	s8 =	simm.s32 @!p0 $0x1BF5;
	p2 =	por !p2, p0  }
0x20: {  	[sflag:s8] =	ssyncset.s32 @!p0 $0xFFFFF086;
	s6 =	sadd.s32 @!p0 s3, s7;
	s7 =	simm.s32 @!p0 $0x108  }
0x21: {  	s3 =	sadd.s32 s3, s9;
	s6 =	sadd.s32 @!p0 $0x88, s6;
	s7 =	simm.s32 @p2 $0x1082  }
0x22: {  	[simem:s7], [sflag:s8] =	dma.local @!p0 [hbm:s6], $0xF7A  }
0x23: {  	s9 =	sor.u32 $0xD0000000, s2;
	s6 =	simm.s32 $0x108;
	_ =	swait.ge @!p0 [sflag:s8], $0x0  }
0x24: {  	s3 =	sadd.s32 $0x88, s3;
	s6 =	simm.s32 @!p1 $0x1082;
	[sflag:s4] =	ssyncset.s32 $0xFFFFF086  }
0x25: {  	[simem:s6], [sflag:s4] =	dma.local [hbm:s3], $0xF7A  }
0x26: {  	[smem:$0x3F9E] =	sst s1;
	(tag) =	ssettag s2;
	_ =	strace s9  }
0x27: {  	s1 =	sld [smem:$0x3FAE]  }
0x28: {  	s2 =	sld [smem:$0x3FAF]  }
0x29: {  	s4 =	sld [smem:$0x3FB1]  }
0x2a: {  	p0 =	seq.s32 s5, $0x0;
	s5 =	sld [smem:$0x3FB2]  }
0x2b: {  	s6 =	sld [smem:$0x3FB3]  }
0x2c: {  	s7 =	sld [smem:$0x3FB4]  }
0x2d: {  	s3 =	simm.s32 $0x108;
	s8 =	sld [smem:$0x3FB5]  }
0x2e: {  	s3 =	simm.s32 @!p0 $0x1082;
	s9 =	sld [smem:$0x3FB6]  }
0x2f: {  	lr =	sadd.s32 s0, s3;
	s0 =	sld [smem:$0x3FAD]  }
0x30: {  	s3 =	sld [smem:$0x3FB0]  }
0x31: {  	[smem:$0x3FB9] =	sst s10  }
0x32: {  	s10 =	sld [smem:$0x3FB7];
	_ =	sdelay $0x3  }
0x33: {  	p0 =	seq.s32 s10, $0x1;
	s10 =	sld [smem:$0x3FB9];
	_ =	sdelay $0x3  }
0x34: {  	[smem:$0x3FB9] =	sst s10  }
0x35: {  	s10 =	sld [smem:$0x3FB8];
	_ =	sdelay $0x3  }
0x36: {  	p1 =	seq.s32 s10, $0x1;
	s10 =	sld [smem:$0x3FB9];
	_ =	sdelay $0x3  }
0x37: {  	[smem:$0x3FB9] =	sst s10  }
0x38: {  	s10 =	sld [smem:$0x3FBA]  }
0x39: {  	_ = 	snop;
	(pc) =	sbr.ind lr, $3  }
0x3a: {  	_ = 	snop  }
0x3b: {  	_ = 	snop  }
0x3c: {  	p2 =	seq.s32 s10, $0x1;
	s10 =	sld [smem:$0x3FB9]  }
0x3d: {  	_ =	shalt  }
0x3e: {  	_ =	shalt  }
0x3f: {  	_ =	shalt  }
0x40: {  	_ =	shalt  }
0x41: {  	_ =	shalt  }
0x42: {  	_ =	shalt  }
0x43: {  	_ =	shalt  }
0x44: {  	_ =	shalt  }
0x45: {  	_ =	shalt  }
0x46: {  	_ =	shalt  }
0x47: {  	_ =	shalt  }
0x48: {  	_ =	shalt  }
0x49: {  	_ =	shalt  }
0x4a: {  	_ =	shalt  }
0x4b: {  	_ =	shalt  }
0x4c: {  	_ =	shalt  }
0x4d: {  	_ =	shalt  }
0x4e: {  	_ =	shalt  }
0x4f: {  	_ =	shalt  }
0x50: {  	_ =	shalt  }
0x51: {  	_ =	shalt  }
0x52: {  	_ =	shalt  }
0x53: {  	_ =	shalt  }
0x54: {  	_ =	shalt  }
0x55: {  	_ =	shalt  }
0x56: {  	_ =	shalt  }
0x57: {  	_ =	shalt  }
0x58: {  	_ =	shalt  }
0x59: {  	_ =	shalt  }
0x5a: {  	_ =	shalt  }
0x5b: {  	_ =	shalt  }
0x5c: {  	_ =	shalt  }
0x5d: {  	_ =	shalt  }
0x5e: {  	_ =	shalt  }
0x5f: {  	_ =	shalt  }
0x60: {  	_ =	shalt  }
0x61: {  	_ =	shalt  }
0x62: {  	_ =	shalt  }
0x63: {  	_ =	shalt  }
0x64: {  	_ =	shalt  }
0x65: {  	_ =	shalt  }
0x66: {  	_ =	shalt  }
0x67: {  	_ =	shalt  }
0x68: {  	_ =	shalt  }
0x69: {  	_ =	shalt  }
0x6a: {  	_ =	shalt  }
0x6b: {  	_ =	shalt  }
0x6c: {  	_ =	shalt  }
0x6d: {  	_ =	shalt  }
0x6e: {  	_ =	shalt  }
0x6f: {  	_ =	shalt  }
0x70: {  	_ =	shalt  }
0x71: {  	_ =	shalt  }
0x72: {  	_ =	shalt  }
0x73: {  	_ =	shalt  }
0x74: {  	_ =	shalt  }
0x75: {  	_ =	shalt  }
0x76: {  	_ =	shalt  }
0x77: {  	_ =	shalt  }
0x78: {  	_ =	shalt  }
0x79: {  	_ =	shalt  }
0x7a: {  	_ =	shalt  }
0x7b: {  	_ =	shalt  }
0x7c: {  	_ =	shalt  }
0x7d: {  	_ =	shalt  }
0x7e: {  	_ =	shalt  }
0x7f: {  	_ =	shalt  }
0x80: {  	_ =	shalt  }
0x81: {  	_ =	shalt  }
0x82: {  	_ =	shalt  }
0x83: {  	_ =	shalt  }
0x84: {  	_ =	shalt  }
0x85: {  	_ =	shalt  }
0x86: {  	_ =	shalt  }
0x87: {  	_ =	shalt  }
.Lfunc_end0:
.L_simem_size_0:
called_computation.1_lowered:
.L_overlay_start_0:
0x88: {  	s2 =	sld [smem:$0x3FD9]  }
0x89: {  	s3 =	sld [smem:$0x3FFE];
	_ =	sdelay $0x1  }
0x8a: {  	s1 =	srdreg.scid  }
0x8b: {  	s0 =	sand.u32 $0x1, s1  }
0x8c: {  	s15 =	sshll.u32 s0, $0xA;
	s2 =	sadd.s32 s3, s2  }
0x8d: {  	s2 =	sadd.s32 s2, s15  }
0x8e: {  	[smem:$0x3FC5] =	sst s2  }
0x8f: {  	_ = 	snop  }
0x90: {  	s16 =	sld [smem:$0x3FD0];
	_ =	sdelay $0x2  }
0x91: {  	s5 =	simm.s32 $0xB;
	s4 =	simm.s32 $0x10;
	s2 =	sld [smem:$0x3FC8]  }
0x92: {  	[smem:s4], [sflag:s5] =	dma.local [hbm:s16], $0x1  }
0x93: {  	_ =	swait.eq [sflag:s5], $0x1  }
0x94: {  	[sflag:s5] =	ssyncset.done $0x0  }
0x95: {  	s17 =	sld [smem:$0x12];
	[sflag:s5] =	ssyncadd.s32 $0xFFFFFFFF  }
0x96: {  	s18 =	sld [smem:$0x13];
	(tm) =	ssettm $0x1  }
0x97: {  	s19 =	sld [smem:$0x3FFB];
	_ =	sdelay $0x3  }
0x98: {  	_ =	strace s19  }
0x99: {  	s3 =	sld [smem:$0x3FFC];
	_ =	sdelay $0x3  }
0x9a: {  	_ =	strace s3  }
0x9b: {  	s3 =	sld [smem:$0x3FFD];
	_ =	sdelay $0x3  }
0x9c: {  	_ =	strace s3  }
0x9d: {  	_ =	strace $0x8FFFFFFF  }
0x9e: {  	s20 =	sld [smem:$0x3FDB];
	_ =	sdelay $0x1  }
0x9f: {  	s6 =	simm.s32 $_scs_section_size  }
0xa0: {  	s7 =	simm.s32 $_size__tile_overlayer_lowered;
	s8 =	simm.s32 $_tile_overlayer_lowered  }
0xa1: {  	s9 =	simm.s32 $0x1BFF;
	s21 =	sshll.u32 s8, $0x1;
	s6 =	sadd.s32 s6, s20  }
0xa2: {  	s22 =	simm.s32 $0x0;
	s7 =	sshll.u32 s7, $0x1;
	s8 =	sadd.s32 s21, s6  }
0xa3: {  	[timem:s22], [sflag:s9] =	dma.local [hbm:s8], s7  }
0xa4: {  	_ =	swait.ge [sflag:s9], s7  }
0xa5: {  	s7 =	ssub.s32 $0x0, s7;
	[sflag:s9] =	ssyncset.done $0x0  }
0xa6: {  	[sflag:s9] =	ssyncadd.s32 s7;
	_ =	sdelay $0x1  }
0xa7: {  	s23 =	simm.s32 $0x1B8B  }
0xa8: {  	_ =	swait.ge [sflag:s23], $0x1  }
0xa9: {  	[sflag:s23] =	ssyncset.done $0x0  }
0xaa: {  	[sflag:s23] =	ssyncadd.s32 $0xFFFFFFFF  }
0xab: {  	s7 =	sld [smem:$0x0]  }
0xac: {  	s8 =	sand.u32 $0xFFFFFFFE, s1  }
0xad: {  	p0 =	sne.s32 s1, s8  }
0xae: {  	s8 =	sshll.u32 @p0 s8, $0xE  }
0xaf: {  	s8 =	sadd.s32 @p0 $0x11B8D, s8;
	s9 =	sshll.u32 @p0 s7, $0x11  }
0xb0: {  	s8 =	sor.u32 @p0 s9, s8  }
0xb1: {  	[sflag:s8] =	ssyncadd.remote.s32 @p0 $0x1;
	_ =	sdelay $0x1  }
0xb2: {  	s8 =	simm.s32 @p0 $0x1B8D  }
0xb3: {  	_ =	swait.eq @p0 [sflag:s8], $0x1  }
0xb4: {  	[sflag:s8] =	ssyncadd.s32 @p0 $0xFFFFFFFF  }
0xb5: {  	s9 =	sshll.u32 @!p0 s1, $0xE  }
0xb6: {  	s9 =	sor.u32 @!p0 $0x4000, s9;
	s8 =	simm.s32 @!p0 $0x1B8D  }
0xb7: {  	s7 =	sshll.u32 @!p0 s7, $0x11;
	s9 =	sadd.s32 @!p0 $0x11B8D, s9;
	_ =	swait.eq @!p0 [sflag:s8], $0x1  }
0xb8: {  	s7 =	sor.u32 @!p0 s7, s9;
	[sflag:s8] =	ssyncadd.s32 @!p0 $0xFFFFFFFF  }
0xb9: {  	s25 =	simm.s32 $0x1B8E;
	s24 =	sld [smem:$0x3FFE];
	[sflag:s7] =	ssyncadd.remote.s32 @!p0 $0x1  }
0xba: {  	s26 =	simm.s32 $execute0_lowered;
	[smem:$0x3FD2] =	sst s25  }
0xbb: {  	s8 =	sshll.u32 s26, $0x1;
	_ =	strace $0x80000049;
	[dreg:$0x1] =	wrdreg $0xFFFFFFFF  }
0xbc: {  	s28 =	simm.s32 $_size_execute0_lowered;
	s6 =	sadd.s32 s6, s8;
	[dreg:$0x0] =	wrdreg $0x0  }
0xbd: {  	s8 =	sshll.u32 s28, $0x1;
	[dreg:$0x2] =	wrdreg s6  }
0xbe: {  	[dreg:$0x3] =	wrdreg s8  }
0xbf: {  	[dreg:$0x4] =	wrdreg $0xC0  }
0xc0: {  	_ =	task [dreg:s22], $0x5FFFF  }
0xc1: {  	[dreg:$0x1] =	wrdreg $0xFFFFFFFF  }
0xc2: {  	[dreg:$0x0] =	wrdreg $0x60  }
0xc3: {  	[dreg:$0x2] =	wrdreg s24  }
0xc4: {  	[dreg:$0x3] =	wrdreg s2  }
0xc5: {  	[dreg:$0x4] =	wrdreg s17  }
0xc6: {  	[dreg:$0x5] =	wrdreg s18  }
0xc7: {  	[dreg:$0x6] =	wrdreg $0xA  }
0xc8: {  	_ =	task.clear_ibuf [dreg:s22], $0x7FFFF;
	_ =	strace $0x90000049  }
0xc9: {  	s29 =	simm.s32 $0xA;
	_ =	strace $0x80000050  }
0xca: {  	_ =	swait.ge [sflag:s29], $0x1  }
0xcb: {  	[sflag:s29] =	ssyncadd.s32 $0xFFFFFFFF  }
0xcc: {  	_ =	strace $0x90000050  }
0xcd: {  	_ =	sfence  }
0xce: {  	s30 =	sld [smem:$0x0];
	_ =	sdelay $0x2  }
0xcf: {  	s31 =	sshll.u32 s1, $0xD;
	s1 =	sshrl.u32 s1, $0x2  }
0xd0: {  	s4 =	sand.u32 $0x4000, s31;
	s1 =	sadd.s32 s1, s30  }
0xd1: {  	s0 =	sor.u32 s4, s0;
	s1 =	sshll.u32 s1, $0x11  }
0xd2: {  	s0 =	sor.u32 s1, s0  }
0xd3: {  	s0 =	sadd.s32 $0x8F2B, s0  }
0xd4: {  	[sflag:s0] =	ssyncadd.remote.s32 $0x1  }
0xd5: {  	_ =	sfence.sel $0xFFFF  }
0xd6: {  	[dreg:$0x0] =	wrdreg $0xFFFFFFFF;
	(pc) =	sbr.abs _section_cstart, $3  }
0xd7: {  	[dreg:$0x1] =	wrdreg $0xFFFFFFFF  }
0xd8: {  	_ =	task.clear_ibuf [dreg:s22], $0x2FFFF;
	_ =	strace $0x9FFFFFFF  }
0xd9: {  	(tm) =	ssettm $0x7FFFFFFF  }
tec
execute0_lowered:
.L_overlay_start_1:
0x0: {  	(tag) =	ssettag $0x1  }
0x1: {  	s0 =	rddreg [dreg:$0x0]  }
0x2: {  	s1 =	rddreg [dreg:$0x1]  }
0x3: {  	s2 =	rddreg [dreg:$0x2]  }
0x4: {  	s6 =	rddreg [dreg:$0x3];
	s3 =	simm.s32 $0x0;
	s4 =	srdreg.scid  }
0x5: {  	s8 =	stileid.u32;
	s9 =	simm.s32 $0xB100;
	s14 =	simm.s32 $0x5100  }
0x6: {  	s15 =	simm.s32 $0x5900;
	s16 =	simm.s32 $0x6100;
	s17 =	simm.s32 $0x6900  }
0x7: {  	s18 =	simm.s32 $0x1;
	s19 =	simm.s32 $0x2;
	s20 =	simm.s32 $0xB200  }
0x8: {  	s21 =	simm.s32 $0x0;
	[smem:$0x7FF] =	sst s3;
	s5 =	sand.u32 $0x1, s4  }
.Ltmp0:
0x9: {  	s8 =	sshll.u32 s8, $0x8;
	s7 =	sshll.u32 s5, $0xC;
	(pc) =	sbr.rel .LBB2_1-.Ltmp0, $4  }
0xa: {  	v1 =	vimm.f32 $0.0e+00;
	v2 =	vimm.s32 $0x0;
	s4 =	sadd.s32 $0x8200, s0;
	s31 =	ssub.s32 $0x2, s5;
	s10 =	sor.u32 s8, s7  }
0xb: {  	v3 =	vimm.s32 $0x100;
	v4 =	vlaneseq.u32;
	v5 =	vimm.f32 $1.000000000e+00;
	_ =	strace $0x8000004A;
	s5 =	sshrl.u32 s31, $0x1;
	s7 =	sshrl.u32 s10, $0x3  }
0xc: {  	vm0 =	vmmov $0xffff;
	v6 =	vand.u32 $0x7, v4;
	v7 =	vshrl.u32 v4, $0x3;
	s8 =	sshll.u32 s10, $0x5;
	s0 =	ssub.s32 s31, s5;
	s5 =	sadd.s32 s2, s7  }
0xd: {  	v8 =	vor.u32 $0x8, v4;
	v7 =	vmul.u32 $0x8, v7;
	v0 =	vmov s10;
	s6 =	sadd.s32 s6, s8;
	s7 =	smax.u32 s0, $0x1;
	s8 =	simm.s32 $0x3  }
.LBB2_79:
0xe: {  	_ =	strace $0x9000004E  }
0xf: {  	_ =	strace $0x8000004F  }
0x10: {  	[hbm4b:s5+s3] =	stream.linear.scatter [tilespmem:s9], [sflag:$0x3], $0x100, $0x200038;
	[tilespmem:$0x1BA00] =	vst v63  }
0x11: {  	_ =	swait.ge [sflag:s8], $0x100  }
0x12: {  	s21 =	sadd.s32 $0x1, s21;
	[sflag:s8] =	ssyncset.done $0x0  }
0x13: {  	p0 =	sne.s32 s21, s7;
	[sflag:s8] =	ssyncadd.s32 $0xFFFFFF00  }
0x14: {  	[hbm4b:s6+s3] =	stream.linear.scatter [tilespmem:s20], [sflag:$0x3], $0x10000, $0x200038;
	[tilespmem:$0x1BA00] =	vst v63  }
.Ltmp1:
0x15: {  	_ = 	snop;
	(pc) =	sbr.rel @!p0 .LBB2_80-.Ltmp1, $4  }
0x16: {  	_ =	swait.ge [sflag:s8], $0x10000  }
0x17: {  	[sflag:s8] =	ssyncset.done $0x0  }
0x18: {  	[sflag:s8] =	ssyncadd.s32 $0xFFFF0000  }
0x19: {  	_ =	strace $0x9000004F  }
.LBB2_1:
0x1a: {  	_ =	strace $0x8000004B  }
0x1b: {  	[tilespmem:s3], [sflag:$0x3] =	stream.linear.gather [hbm4b:s4+s3], $0x1000, $0x200038;
	[tilespmem:$0x1BA00] =	vst v63  }
0x1c: {  	_ =	swait.ge [sflag:s8], $0x1000  }
0x1d: {  	[sflag:s8] =	ssyncset.done $0x0  }
0x1e: {  	[sflag:s8] =	ssyncadd.s32 $0xFFFFF000  }
0x1f: {  	_ =	strace $0x9000004B;
	[tilespmem:$0xB100] =	vst v1  }
0x20: {  	[tilespmem:$0xB110] =	vst v1  }
0x21: {  	[tilespmem:$0xB120] =	vst v1  }
0x22: {  	[tilespmem:$0xB130] =	vst v1  }
0x23: {  	[tilespmem:$0xB140] =	vst v1  }
0x24: {  	[tilespmem:$0xB150] =	vst v1  }
0x25: {  	[tilespmem:$0xB160] =	vst v1  }
0x26: {  	[tilespmem:$0xB170] =	vst v1  }
0x27: {  	[tilespmem:$0xB180] =	vst v1  }
0x28: {  	[tilespmem:$0xB190] =	vst v1  }
0x29: {  	[tilespmem:$0xB1A0] =	vst v1  }
0x2a: {  	[tilespmem:$0xB1B0] =	vst v1  }
0x2b: {  	[tilespmem:$0xB1C0] =	vst v1  }
0x2c: {  	[tilespmem:$0xB1D0] =	vst v1  }
0x2d: {  	s0 =	sand.u32 $0x1F800, s3;
	s2 =	sand.u32 $0x380, s3;
	[tilespmem:$0xB1E0] =	vst v1  }
0x2e: {  	s22 =	sor.u32 s2, s0;
	[tilespmem:$0xB1F0] =	vst v1  }
0x2f: {  	_ =	strace $0x8000004C;
	[tilespmem:s22+$0xB670] =	vst v1  }
0x30: {  	[tilespmem:s22+$0xB200] =	vst v1  }
0x31: {  	[tilespmem:s22+$0xB210] =	vst v1  }
0x32: {  	[tilespmem:s22+$0xB220] =	vst v1  }
0x33: {  	[tilespmem:s22+$0xB230] =	vst v1  }
0x34: {  	[tilespmem:s22+$0xB240] =	vst v1  }
0x35: {  	[tilespmem:s22+$0xB250] =	vst v1  }
0x36: {  	[tilespmem:s22+$0xB260] =	vst v1  }
0x37: {  	[tilespmem:s22+$0xB270] =	vst v1  }
0x38: {  	[tilespmem:s22+$0xB600] =	vst v1  }
0x39: {  	[tilespmem:s22+$0xB610] =	vst v1  }
0x3a: {  	[tilespmem:s22+$0xB620] =	vst v1  }
0x3b: {  	[tilespmem:s22+$0xB630] =	vst v1  }
0x3c: {  	s31 =	simm.s32 $0x100;
	s23 =	simm.s32 $0x80;
	[tilespmem:s22+$0xB640] =	vst v1  }
0x3d: {  	s24 =	simm.s32 $0x200;
	s0 =	sand.u32 $0x1F800, s31;
	s2 =	sand.u32 $0x380, s23;
	[tilespmem:s22+$0xB650] =	vst v1  }
.LBB2_2:
0x3e: {  	p0 =	sne.s32 s24, $0x10000;
	[tilespmem:s22+$0xB660] =	vst v1;
	s22 =	sor.u32 s2, s0  }
0x3f: {  	[tilespmem:s22+$0xB670] =	vst v1  }
0x40: {  	[tilespmem:s22+$0xB200] =	vst v1  }
0x41: {  	[tilespmem:s22+$0xB210] =	vst v1  }
0x42: {  	[tilespmem:s22+$0xB220] =	vst v1  }
0x43: {  	[tilespmem:s22+$0xB230] =	vst v1  }
0x44: {  	[tilespmem:s22+$0xB240] =	vst v1  }
0x45: {  	[tilespmem:s22+$0xB250] =	vst v1  }
0x46: {  	[tilespmem:s22+$0xB260] =	vst v1  }
0x47: {  	[tilespmem:s22+$0xB270] =	vst v1  }
0x48: {  	[tilespmem:s22+$0xB600] =	vst v1  }
.Ltmp2:
0x49: {  	[tilespmem:s22+$0xB610] =	vst v1;
	(pc) =	sbr.rel @p0 .LBB2_2-.Ltmp2, $4  }
0x4a: {  	[tilespmem:s22+$0xB620] =	vst v1  }
0x4b: {  	[tilespmem:s22+$0xB630] =	vst v1  }
0x4c: {  	s23 =	sadd.s32 $0x80, s23;
	[tilespmem:s22+$0xB640] =	vst v1  }
0x4d: {  	s0 =	sand.u32 $0x1F800, s24;
	s24 =	sadd.s32 $0x100, s24;
	s2 =	sand.u32 $0x380, s23;
	[tilespmem:s22+$0xB650] =	vst v1  }
0x4e: {  	s0 =	sor.u32 s2, s0;
	[tilespmem:s22+$0xB660] =	vst v1  }
0x4f: {  	[tilespmem:s0+$0xB670] =	vst v1  }
0x50: {  	[tilespmem:s0+$0xB200] =	vst v1  }
0x51: {  	[tilespmem:s0+$0xB210] =	vst v1  }
0x52: {  	[tilespmem:s0+$0xB220] =	vst v1  }
0x53: {  	[tilespmem:s0+$0xB230] =	vst v1  }
0x54: {  	[tilespmem:s0+$0xB240] =	vst v1  }
0x55: {  	[tilespmem:s0+$0xB250] =	vst v1  }
0x56: {  	[tilespmem:s0+$0xB260] =	vst v1  }
0x57: {  	[tilespmem:s0+$0xB270] =	vst v1  }
0x58: {  	[tilespmem:s0+$0xB600] =	vst v1  }
0x59: {  	[tilespmem:s0+$0xB610] =	vst v1  }
0x5a: {  	[tilespmem:s0+$0xB620] =	vst v1  }
0x5b: {  	[tilespmem:s0+$0xB630] =	vst v1  }
0x5c: {  	[tilespmem:s0+$0xB640] =	vst v1  }
0x5d: {  	[tilespmem:s0+$0xB650] =	vst v1  }
0x5e: {  	[tilespmem:s0+$0xB660] =	vst v1  }
0x5f: {  	s2 =	simm.s32 $0x0;
	s0 =	simm.s32 $0x40;
	_ =	strace $0x9000004C  }
.LBB2_4:
0x60: {  	p0 =	sne.s32 s0, $0x4000;
	[tilespmem:s2+$0x1000] =	vst v2;
	s10 =	smov.u32 s0;
	s0 =	sadd.s32 $0x40, s0  }
.Ltmp3:
0x61: {  	[tilespmem:s2+$0x2080] =	vst v3;
	(pc) =	sbr.rel @p0 .LBB2_4-.Ltmp3, $2  }
0x62: {  	_ =	sdelay $0x2  }
0x63: {  	s2 =	sshra.s32 s10, $0x2  }
0x64: {  	[tilespmem:s2+$0x1000] =	vst v2  }
0x65: {  	[tilespmem:s2+$0x2080] =	vst v3  }
0x66: {  	s22 =	simm.s32 $0x0;
	_ =	strace $0x8000004D  }
0x67: {  	v9 =	vld [tilespmem:s22+$0x0];
	_ =	sdelay $0x4  }
0x68: {  	v9 =	vsub.s32 v9, v0  }
0x69: {  	vm1 =	vlt.u32 v9, $0x100  }
0x6a: {  	v10 =	vnsel vm1, $0x0, v9  }
0x6b: {  	v11 =	vsel vm1, $0x1, v2  }
0x6c: {  	(xrf0) =	vadd.scan.msk.s32 $0xffff, v11;
	_ =	sdelay $0x2  }
0x6d: {  	[tilespmem:v10+s9+$0x0] =	vst.idx.add.f32.msk vm1, v5;
	v10 =	vor.u32 s22, v4;
	_ =	sdelay $0x2  }
0x6e: {  	[tilespmem:s22+$0x1000] =	vst.msk vm1, v10;
	v10, _, _ =	vpop (xrf0)  }
0x6f: {  	v9 =	vmin.u32 v9, $0x100;
	(v2sf) =	vpush v10, $0xF  }
0x70: {  	s23 =	simm.s32 $0x10;
	[tilespmem:s22+$0x2080] =	vst.msk vm1, v9  }
0x71: {  	s24 =	simm.s32 $0x20;
	s25 =	simm.s32 $0x10;
	v9 =	vld [tilespmem:s23+$0x0]  }
.LBB2_6:
0x72: {  	p0 =	sne.s32 s24, $0xFF0;
	_ =	sdelay $0x3  }
0x73: {  	v9 =	vsub.s32 v9, v0  }
0x74: {  	vm1 =	vlt.u32 v9, $0x100;
	v10 =	vmin.u32 v9, $0x100  }
0x75: {  	v9 =	vnsel vm1, $0x0, v9;
	v11 =	vsel vm1, $0x1, v2  }
0x76: {  	(xrf0) =	vadd.scan.msk.s32 $0xffff, v11;
	_ =	sdelay $0x3  }
0x77: {  	[tilespmem:v9+s9+$0x0] =	vst.idx.add.f32.msk vm1, v5  }
.Ltmp4:
0x78: {  	s0 =	spop (v2sf);
	(pc) =	sbr.rel @p0 .LBB2_6-.Ltmp4, $4  }
0x79: {  	v9 =	vor.u32 s23, v4;
	s23 =	smov.u32 s24;
	v11, _, _ =	vpop (xrf0);
	s22 =	sadd.s32 s22, s0  }
0x7a: {  	[tilespmem:s22+$0x1000] =	vst.msk vm1, v9;
	(v2sf) =	vpush v11, $0xF  }
0x7b: {  	s25 =	sadd.s32 $0x10, s25;
	[tilespmem:s22+$0x2080] =	vst.msk vm1, v10  }
0x7c: {  	s24 =	sadd.s32 $0x10, s24;
	v9 =	vld [tilespmem:s25+$0x0]  }
0x7d: {  	_ =	sdelay $0x3  }
0x7e: {  	v9 =	vsub.s32 v9, v0  }
0x7f: {  	vm1 =	vlt.u32 v9, $0x100  }
0x80: {  	v10 =	vsel vm1, $0x1, v2  }
0x81: {  	(xrf0) =	vadd.scan.msk.s32 $0xffff, v10;
	_ =	sdelay $0x5  }
0x82: {  	v10, _, _ =	vpop (xrf0)  }
0x83: {  	(v2sf) =	vpush v10, $0xF;
	_ =	sdelay $0xb  }
0x84: {  	v10 =	vnsel vm1, $0x0, v9;
	_ =	sdelay $0x1  }
0x85: {  	s0 =	spop (v2sf)  }
0x86: {  	s0 =	sadd.s32 s22, s0;
	s2 =	spop (v2sf)  }
0x87: {  	s2 =	sadd.s32 s0, s2  }
0x88: {  	[tilespmem:v10+s9+$0x0] =	vst.idx.add.f32.msk vm1, v5;
	v10 =	vor.u32 s23, v4;
	s23 =	sadd.s32 $0x3F, s2  }
0x89: {  	p0 =	slt.s32 s23, $0x40  }
.Ltmp5:
0x8a: {  	_ = 	snop;
	(pc) =	sbr.rel @p0 .LBB2_79-.Ltmp5, $4  }
0x8b: {  	v9 =	vmin.u32 v9, $0x100;
	[tilespmem:s0+$0x1000] =	vst.msk vm1, v10  }
0x8c: {  	[tilespmem:s0+$0x2080] =	vst.msk vm1, v9  }
0x8d: {  	_ =	strace $0x9000004D  }
0x8e: {  	_ =	strace $0x8000004E  }
0x8f: {  	v9 =	vld [tilespmem:$0x1000];
	_ =	sdelay $0x4  }
0x90: {  	v10 =	vshll.u32 v9, $0x1  }
0x91: {  	v9 =	vand.u32 $0x7, v9;
	v10 =	vand.u32 $0xFFFFFFF0, v10  }
0x92: {  	v9 =	vor.u32 v9, v10  }
0x93: {  	v10 =	vperm.xlane v9, v6;
	_ =	sdelay $0x1  }
0x94: {  	v9 =	vperm.xlane v9, v8;
	v10 =	vadd.s32 v7, v10;
	_ =	sdelay $0x1  }
0x95: {  	v9 =	vadd.s32 v7, v9;
	_ =	sdelay $0x1  }
0x96: {  	s22 =	simm.s32 $0x0;
	s0 =	simm.s32 $0x3100  }
0x97: {  	[tilespmem:s0], [sflag:$0x1] =	stream.indirect_vreg.gather [hbm4b:s1+s22], $0x80, v10, vm0, $0x2000b8;
	[tilespmem:$0x1BA00] =	vst v63  }
0x98: {  	s28 =	simm.s32 $0x3900  }
0x99: {  	[tilespmem:s28], [sflag:$0x1] =	stream.indirect_vreg.gather [hbm4b:s1+s22], $0x80, v9, vm0, $0x2000b8;
	[tilespmem:$0x1BA00] =	vst v63  }
0x9a: {  	v9 =	vld [tilespmem:$0x1010];
	_ =	sdelay $0x4  }
0x9b: {  	v10 =	vshll.u32 v9, $0x1  }
0x9c: {  	v9 =	vand.u32 $0x7, v9;
	v10 =	vand.u32 $0xFFFFFFF0, v10  }
0x9d: {  	v9 =	vor.u32 v9, v10  }
0x9e: {  	v10 =	vperm.xlane v9, v6;
	_ =	sdelay $0x1  }
0x9f: {  	v9 =	vperm.xlane v9, v8;
	v10 =	vadd.s32 v7, v10;
	_ =	sdelay $0x1  }
0xa0: {  	v9 =	vadd.s32 v7, v9;
	_ =	sdelay $0x1  }
0xa1: {  	s29 =	simm.s32 $0x4100  }
0xa2: {  	[tilespmem:s29], [sflag:$0x1] =	stream.indirect_vreg.gather [hbm4b:s1+s22], $0x80, v10, vm0, $0x2000b8;
	[tilespmem:$0x1BA00] =	vst v63  }
0xa3: {  	s30 =	simm.s32 $0x4900  }
0xa4: {  	[tilespmem:s30], [sflag:$0x1] =	stream.indirect_vreg.gather [hbm4b:s1+s22], $0x80, v9, vm0, $0x2000b8;
	[tilespmem:$0x1BA00] =	vst v63  }
0xa5: {  	v9 =	vld [tilespmem:$0x1020];
	_ =	sdelay $0x4  }
0xa6: {  	v10 =	vshll.u32 v9, $0x1  }
0xa7: {  	v9 =	vand.u32 $0x7, v9;
	v10 =	vand.u32 $0xFFFFFFF0, v10  }
0xa8: {  	v9 =	vor.u32 v9, v10  }
0xa9: {  	v10 =	vperm.xlane v9, v6;
	_ =	sdelay $0x1  }
0xaa: {  	v9 =	vperm.xlane v9, v8;
	v10 =	vadd.s32 v7, v10;
	_ =	sdelay $0x1  }
0xab: {  	v9 =	vadd.s32 v7, v9;
	_ =	sdelay $0x2  }
0xac: {  	[tilespmem:s14], [sflag:$0x1] =	stream.indirect_vreg.gather [hbm4b:s1+s22], $0x80, v10, vm0, $0x2000b8;
	[tilespmem:$0x1BA00] =	vst v63  }
0xad: {  	_ = 	snop  }
0xae: {  	[tilespmem:s15], [sflag:$0x1] =	stream.indirect_vreg.gather [hbm4b:s1+s22], $0x80, v9, vm0, $0x2000b8;
	[tilespmem:$0x1BA00] =	vst v63  }
0xaf: {  	v9 =	vld [tilespmem:$0x1030];
	_ =	sdelay $0x4  }
0xb0: {  	v10 =	vshll.u32 v9, $0x1  }
0xb1: {  	v9 =	vand.u32 $0x7, v9;
	v10 =	vand.u32 $0xFFFFFFF0, v10  }
0xb2: {  	v9 =	vor.u32 v9, v10  }
0xb3: {  	v10 =	vperm.xlane v9, v6  }
0xb4: {  	s31 =	sshra.s32 s23, $0x1F  }
0xb5: {  	s0 =	sshrl.u32 s31, $0x1A;
	v9 =	vperm.xlane v9, v8;
	v10 =	vadd.s32 v7, v10  }
0xb6: {  	s0 =	sadd.s32 s0, s23  }
0xb7: {  	s23 =	sshra.s32 s0, $0x6;
	v9 =	vadd.s32 v7, v9  }
.Ltmp6:
0xb8: {  	s0 =	sadd.s32 $0x1, s23;
	(pc) =	sbr.rel .LBB2_9-.Ltmp6, $4  }
0xb9: {  	s0 =	sshrl.u32 s0, $0x1  }
0xba: {  	[tilespmem:s16], [sflag:$0x1] =	stream.indirect_vreg.gather [hbm4b:s1+s22], $0x80, v10, vm0, $0x2000b8;
	[tilespmem:$0x1BA00] =	vst v63  }
0xbb: {  	s24 =	smax.u32 s0, $0x1  }
0xbc: {  	[tilespmem:s17], [sflag:$0x1] =	stream.indirect_vreg.gather [hbm4b:s1+s22], $0x80, v9, vm0, $0x2000b8;
	[tilespmem:$0x1BA00] =	vst v63  }
.LBB2_78:
0xbd: {  	s22 =	sadd.s32 $0x1, s22  }
0xbe: {  	p0 =	sne.s32 s22, s24  }
.Ltmp7:
0xbf: {  	_ = 	snop;
	(pc) =	sbr.rel @!p0 .LBB2_79-.Ltmp7, $1  }
0xc0: {  	_ =	sdelay $0x3  }
.LBB2_9:
0xc1: {  	s25 =	sshllo.u32 s22, $0x1  }
0xc2: {  	_ =	swait.ge [sflag:s18], $0x4000;
	p0 =	sge.s32 s25, s23  }
0xc3: {  	[sflag:s18] =	ssyncset.done $0x0;
	s0 =	sshll.u32 @!p0 s25, $0x8  }
0xc4: {  	[sflag:s18] =	ssyncadd.s32 $0xFFFFC000;
	s0 =	sshra.s32 @!p0 s0, $0x2  }
0xc5: {  	v9 =	vld @!p0 [tilespmem:s0+$0x1000];
	_ =	sdelay $0x4  }
0xc6: {  	v10 =	vshll.u32 @!p0 v9, $0x1  }
0xc7: {  	v11 =	vlaneseq.u32 @!p0;
	v9 =	vand.u32 @!p0 $0x7, v9;
	v10 =	vand.u32 @!p0 $0xFFFFFFF0, v10  }
0xc8: {  	v12 =	vshrl.u32 @!p0 v11, $0x3;
	v9 =	vor.u32 @!p0 v9, v10;
	v10 =	vand.u32 @!p0 $0x7, v11  }
0xc9: {  	v12 =	vmul.u32 @!p0 $0x8, v12;
	v13 =	vperm.xlane @!p0 v9, v10  }
0xca: {  	v11 =	vor.u32 @!p0 $0x8, v11  }
0xcb: {  	v9 =	vperm.xlane @!p0 v9, v11;
	v13 =	vadd.s32 @!p0 v12, v13;
	_ =	sdelay $0x1  }
0xcc: {  	v9 =	vadd.s32 @!p0 v12, v9;
	_ =	sdelay $0x1  }
0xcd: {  	vm1 =	vmmov @!p0 $0xffff;
	s2 =	simm.s32 @!p0 $0x0;
	s10 =	simm.s32 @!p0 $0x7100  }
0xce: {  	[tilespmem:s10], [sflag:$0x2] =	stream.indirect_vreg.gather @!p0 [hbm4b:s1+s2], $0x80, v13, vm1, $0x2000b8;
	[tilespmem:$0x1BA00] =	vst v63  }
0xcf: {  	s10 =	simm.s32 @!p0 $0x7900  }
0xd0: {  	[tilespmem:s10], [sflag:$0x2] =	stream.indirect_vreg.gather @!p0 [hbm4b:s1+s2], $0x80, v9, vm1, $0x2000b8;
	[tilespmem:$0x1BA00] =	vst v63  }
0xd1: {  	v9 =	vld @!p0 [tilespmem:s0+$0x1010];
	_ =	sdelay $0x4  }
0xd2: {  	v13 =	vshll.u32 @!p0 v9, $0x1  }
0xd3: {  	v9 =	vand.u32 @!p0 $0x7, v9;
	v13 =	vand.u32 @!p0 $0xFFFFFFF0, v13  }
0xd4: {  	v9 =	vor.u32 @!p0 v9, v13  }
0xd5: {  	v13 =	vperm.xlane @!p0 v9, v10;
	_ =	sdelay $0x1  }
0xd6: {  	v9 =	vperm.xlane @!p0 v9, v11;
	v13 =	vadd.s32 @!p0 v12, v13;
	_ =	sdelay $0x1  }
0xd7: {  	v9 =	vadd.s32 @!p0 v12, v9;
	_ =	sdelay $0x1  }
0xd8: {  	s10 =	simm.s32 @!p0 $0x8100  }
0xd9: {  	[tilespmem:s10], [sflag:$0x2] =	stream.indirect_vreg.gather @!p0 [hbm4b:s1+s2], $0x80, v13, vm1, $0x2000b8;
	[tilespmem:$0x1BA00] =	vst v63  }
0xda: {  	s10 =	simm.s32 @!p0 $0x8900  }
0xdb: {  	[tilespmem:s10], [sflag:$0x2] =	stream.indirect_vreg.gather @!p0 [hbm4b:s1+s2], $0x80, v9, vm1, $0x2000b8;
	[tilespmem:$0x1BA00] =	vst v63  }
0xdc: {  	v9 =	vld @!p0 [tilespmem:s0+$0x1020];
	_ =	sdelay $0x4  }
0xdd: {  	v13 =	vshll.u32 @!p0 v9, $0x1  }
0xde: {  	v9 =	vand.u32 @!p0 $0x7, v9;
	v13 =	vand.u32 @!p0 $0xFFFFFFF0, v13  }
0xdf: {  	v9 =	vor.u32 @!p0 v9, v13  }
0xe0: {  	v13 =	vperm.xlane @!p0 v9, v10;
	_ =	sdelay $0x1  }
0xe1: {  	v9 =	vperm.xlane @!p0 v9, v11;
	v13 =	vadd.s32 @!p0 v12, v13;
	_ =	sdelay $0x1  }
0xe2: {  	v9 =	vadd.s32 @!p0 v12, v9;
	_ =	sdelay $0x1  }
0xe3: {  	s10 =	simm.s32 @!p0 $0x9100  }
0xe4: {  	[tilespmem:s10], [sflag:$0x2] =	stream.indirect_vreg.gather @!p0 [hbm4b:s1+s2], $0x80, v13, vm1, $0x2000b8;
	[tilespmem:$0x1BA00] =	vst v63  }
0xe5: {  	s10 =	simm.s32 @!p0 $0x9900  }
0xe6: {  	[tilespmem:s10], [sflag:$0x2] =	stream.indirect_vreg.gather @!p0 [hbm4b:s1+s2], $0x80, v9, vm1, $0x2000b8;
	[tilespmem:$0x1BA00] =	vst v63  }
0xe7: {  	v9 =	vld @!p0 [tilespmem:s0+$0x1030];
	_ =	sdelay $0x4  }
0xe8: {  	v13 =	vshll.u32 @!p0 v9, $0x1  }
0xe9: {  	v9 =	vand.u32 @!p0 $0x7, v9;
	v13 =	vand.u32 @!p0 $0xFFFFFFF0, v13  }
0xea: {  	v9 =	vor.u32 @!p0 v9, v13  }
0xeb: {  	v10 =	vperm.xlane @!p0 v9, v10;
	_ =	sdelay $0x1  }
0xec: {  	v9 =	vperm.xlane @!p0 v9, v11;
	v10 =	vadd.s32 @!p0 v12, v10;
	_ =	sdelay $0x1  }
0xed: {  	v9 =	vadd.s32 @!p0 v12, v9;
	_ =	sdelay $0x1  }
0xee: {  	s0 =	simm.s32 @!p0 $0xA100  }
0xef: {  	[tilespmem:s0], [sflag:$0x2] =	stream.indirect_vreg.gather @!p0 [hbm4b:s1+s2], $0x80, v10, vm1, $0x2000b8;
	[tilespmem:$0x1BA00] =	vst v63  }
0xf0: {  	s31 =	sshll.u32 s22, $0x9;
	s0 =	simm.s32 @!p0 $0xA900  }
0xf1: {  	[tilespmem:s0], [sflag:$0x2] =	stream.indirect_vreg.gather @!p0 [hbm4b:s1+s2], $0x80, v9, vm1, $0x2000b8;
	[tilespmem:$0x1BA00] =	vst v63  }
0xf2: {  	s0 =	sshra.s32 s31, $0x2  }
0xf3: {  	s0 =	sadd.s32 $0x2080, s0  }
0xf4: {  	s26 =	sshll.u32 s22, $0x1;
	s28 =	simm.s32 $0x0;
	v9 =	vmov s0  }
.LBB2_10:
0xf5: {  	_ =	sdelay $0x1  }
0xf6: {  	s0 =	sshll.u32 s28, $0x4  }
0xf7: {  	s0 =	sand.u32 $0x3FFFFFF0, s0  }
0xf8: {  	v10 =	vld.idx.msk [tilespmem:v9+s0+$0x0 ss:$0x1], $0xffff;
	_ =	sdelay $0x4  }
0xf9: {  	(v2sf) =	vpush v10, $0x0;
	_ =	sdelay $0xe  }
0xfa: {  	s10 =	sshll.u32 s28, $0xC;
	s11 =	spop (v2sf)  }
0xfb: {  	s12 =	simm.s32 $0x0;
	s2 =	sshll.u32 s11, $0x8;
	s0 =	sshll.u32 s11, $0x7  }
0xfc: {  	s30 =	sand.u32 $0x3FFFF000, s10;
	s2 =	sand.u32 $0xFFFFF800, s2;
	s0 =	sand.u32 $0x380, s0  }
0xfd: {  	s13 =	sand.u32 $0x400, s12;
	s29 =	sadd.s32 $0x3100, s30;
	s0 =	sor.u32 s0, s2  }
0xfe: {  	s11 =	sand.u32 $0x70, s12;
	s12 =	sadd.s32 s13, s29;
	s31 =	sadd.s32 $0xB200, s0  }
0xff: {  	s10 =	sadd.s32 s11, s12;
	s2 =	sadd.s32 s13, s31  }
0x100: {  	v11 =	vld [tilespmem:s10+$0x0];
	s0 =	sadd.s32 s11, s2  }
0x101: {  	v12 =	vld [tilespmem:s0+$0x0];
	_ =	sdelay $0x3  }
0x102: {  	s2 =	simm.s32 $0x80  }
0x103: {  	s13 =	simm.s32 $0x10;
	s12 =	sand.u32 $0x400, s2;
	v11 =	vadd.f32 v11, v12  }
0x104: {  	s10 =	simm.s32 $0x20;
	s11 =	sand.u32 $0x70, s13;
	s13 =	sadd.s32 s12, s29  }
.LBB2_11:
0x105: {  	p1 =	sne.s32 s10, $0xF0;
	s12 =	sadd.s32 s12, s31;
	s13 =	sadd.s32 s11, s13;
	[tilespmem:s0+$0x0] =	vst v11  }
0x106: {  	s0 =	sadd.s32 s11, s12;
	v11 =	vld [tilespmem:s13+$0x0]  }
0x107: {  	v12 =	vld [tilespmem:s0+$0x0];
	_ =	sdelay $0x1  }
.Ltmp8:
0x108: {  	(pc) =	sbr.rel @p1 .LBB2_11-.Ltmp8, $4  }
0x109: {  	_ = 	snop  }
0x10a: {  	s2 =	sadd.s32 $0x80, s2  }
0x10b: {  	s12 =	sand.u32 $0x400, s2;
	v11 =	vadd.f32 v11, v12  }
0x10c: {  	s11 =	sand.u32 $0x70, s10;
	s10 =	sadd.s32 $0x10, s10;
	s13 =	sadd.s32 s12, s29  }
0x10d: {  	(v2sf) =	vpush v10, $0x1;
	_ =	sdelay $0xa  }
0x10e: {  	s2 =	sadd.s32 s12, s31;
	s10 =	sadd.s32 s11, s13;
	[tilespmem:s0+$0x0] =	vst v11  }
0x10f: {  	s0 =	sadd.s32 s11, s2;
	v11 =	vld [tilespmem:s10+$0x0]  }
0x110: {  	v12 =	vld [tilespmem:s0+$0x0];
	_ =	sdelay $0x1  }
0x111: {  	s11 =	spop (v2sf)  }
0x112: {  	s12 =	sshll.u32 s11, $0x8;
	s2 =	sshll.u32 s11, $0x7  }
0x113: {  	s13 =	simm.s32 $0x0;
	s10 =	sand.u32 $0xFFFFF800, s12;
	s2 =	sand.u32 $0x380, s2  }
0x114: {  	v11 =	vadd.f32 v11, v12;
	s12 =	sand.u32 $0x400, s13;
	s2 =	sor.u32 s2, s10  }
0x115: {  	s31 =	sadd.s32 $0xB200, s2;
	s2 =	sand.u32 $0x70, s13;
	s13 =	sadd.s32 s12, s29  }
0x116: {  	[tilespmem:s0+$0x0] =	vst v11;
	s10 =	sadd.s32 s12, s31;
	s12 =	sadd.s32 s2, s13  }
0x117: {  	s0 =	sadd.s32 s2, s10;
	v11 =	vld [tilespmem:s12+$0x80]  }
0x118: {  	v63 =	vld [tilespmem:s0+$0x0];
	_ =	sdelay $0x3  }
0x119: {  	s2 =	simm.s32 $0x80  }
0x11a: {  	s13 =	simm.s32 $0x10;
	s12 =	sand.u32 $0x400, s2;
	v11 =	vadd.f32 v11, v63  }
0x11b: {  	s11 =	sand.u32 $0x70, s13;
	s10 =	simm.s32 $0x20;
	s13 =	sadd.s32 s12, s29  }
.LBB2_13:
0x11c: {  	p1 =	sne.s32 s10, $0xF0;
	s12 =	sadd.s32 s12, s31;
	s13 =	sadd.s32 s11, s13;
	[tilespmem:s0+$0x0] =	vst v11  }
0x11d: {  	s0 =	sadd.s32 s11, s12;
	v11 =	vld [tilespmem:s13+$0x80]  }
0x11e: {  	v12 =	vld [tilespmem:s0+$0x0];
	_ =	sdelay $0x1  }
.Ltmp9:
0x11f: {  	(pc) =	sbr.rel @p1 .LBB2_13-.Ltmp9, $4  }
0x120: {  	_ = 	snop  }
0x121: {  	s2 =	sadd.s32 $0x80, s2  }
0x122: {  	s12 =	sand.u32 $0x400, s2;
	v11 =	vadd.f32 v11, v12  }
0x123: {  	s11 =	sand.u32 $0x70, s10;
	s10 =	sadd.s32 $0x10, s10;
	s13 =	sadd.s32 s12, s29  }
0x124: {  	(v2sf) =	vpush v10, $0x2;
	_ =	sdelay $0xa  }
0x125: {  	s2 =	sadd.s32 s12, s31;
	s10 =	sadd.s32 s11, s13;
	[tilespmem:s0+$0x0] =	vst v11  }
0x126: {  	s0 =	sadd.s32 s11, s2;
	v11 =	vld [tilespmem:s10+$0x80]  }
0x127: {  	v12 =	vld [tilespmem:s0+$0x0];
	_ =	sdelay $0x1  }
0x128: {  	s11 =	spop (v2sf)  }
0x129: {  	s12 =	sshll.u32 s11, $0x8;
	s2 =	sshll.u32 s11, $0x7  }
0x12a: {  	s13 =	simm.s32 $0x0;
	s10 =	sand.u32 $0xFFFFF800, s12;
	s2 =	sand.u32 $0x380, s2  }
0x12b: {  	v11 =	vadd.f32 v11, v12;
	s12 =	sand.u32 $0x400, s13;
	s2 =	sor.u32 s2, s10  }
0x12c: {  	s31 =	sadd.s32 $0xB200, s2;
	s2 =	sand.u32 $0x70, s13;
	s13 =	sadd.s32 s12, s29  }
0x12d: {  	[tilespmem:s0+$0x0] =	vst v11;
	s10 =	sadd.s32 s12, s31;
	s12 =	sadd.s32 s2, s13  }
0x12e: {  	s0 =	sadd.s32 s2, s10;
	v11 =	vld [tilespmem:s12+$0x100]  }
0x12f: {  	v63 =	vld [tilespmem:s0+$0x0];
	_ =	sdelay $0x3  }
0x130: {  	s2 =	simm.s32 $0x80  }
0x131: {  	s13 =	simm.s32 $0x10;
	s12 =	sand.u32 $0x400, s2;
	v11 =	vadd.f32 v11, v63  }
0x132: {  	s11 =	sand.u32 $0x70, s13;
	s10 =	simm.s32 $0x20;
	s13 =	sadd.s32 s12, s29  }
.LBB2_15:
0x133: {  	p1 =	sne.s32 s10, $0xF0;
	s12 =	sadd.s32 s12, s31;
	s13 =	sadd.s32 s11, s13;
	[tilespmem:s0+$0x0] =	vst v11  }
0x134: {  	s0 =	sadd.s32 s11, s12;
	v11 =	vld [tilespmem:s13+$0x100]  }
0x135: {  	v12 =	vld [tilespmem:s0+$0x0];
	_ =	sdelay $0x1  }
.Ltmp10:
0x136: {  	(pc) =	sbr.rel @p1 .LBB2_15-.Ltmp10, $4  }
0x137: {  	_ = 	snop  }
0x138: {  	s2 =	sadd.s32 $0x80, s2  }
0x139: {  	s12 =	sand.u32 $0x400, s2;
	v11 =	vadd.f32 v11, v12  }
0x13a: {  	s11 =	sand.u32 $0x70, s10;
	s10 =	sadd.s32 $0x10, s10;
	s13 =	sadd.s32 s12, s29  }
0x13b: {  	(v2sf) =	vpush v10, $0x3;
	_ =	sdelay $0xa  }
0x13c: {  	s2 =	sadd.s32 s12, s31;
	s10 =	sadd.s32 s11, s13;
	[tilespmem:s0+$0x0] =	vst v11  }
0x13d: {  	s0 =	sadd.s32 s11, s2;
	v11 =	vld [tilespmem:s10+$0x100]  }
0x13e: {  	v12 =	vld [tilespmem:s0+$0x0];
	_ =	sdelay $0x1  }
0x13f: {  	s11 =	spop (v2sf)  }
0x140: {  	s12 =	sshll.u32 s11, $0x8;
	s2 =	sshll.u32 s11, $0x7  }
0x141: {  	s13 =	simm.s32 $0x0;
	s10 =	sand.u32 $0xFFFFF800, s12;
	s2 =	sand.u32 $0x380, s2  }
0x142: {  	v11 =	vadd.f32 v11, v12;
	s12 =	sand.u32 $0x400, s13;
	s2 =	sor.u32 s2, s10  }
0x143: {  	s31 =	sadd.s32 $0xB200, s2;
	s2 =	sand.u32 $0x70, s13;
	s13 =	sadd.s32 s12, s29  }
0x144: {  	[tilespmem:s0+$0x0] =	vst v11;
	s10 =	sadd.s32 s12, s31;
	s12 =	sadd.s32 s2, s13  }
0x145: {  	s0 =	sadd.s32 s2, s10;
	v11 =	vld [tilespmem:s12+$0x180]  }
0x146: {  	v63 =	vld [tilespmem:s0+$0x0];
	_ =	sdelay $0x3  }
0x147: {  	s2 =	simm.s32 $0x80  }
0x148: {  	s13 =	simm.s32 $0x10;
	s12 =	sand.u32 $0x400, s2;
	v11 =	vadd.f32 v11, v63  }
0x149: {  	s11 =	sand.u32 $0x70, s13;
	s10 =	simm.s32 $0x20;
	s13 =	sadd.s32 s12, s29  }
.LBB2_17:
0x14a: {  	p1 =	sne.s32 s10, $0xF0;
	s12 =	sadd.s32 s12, s31;
	s13 =	sadd.s32 s11, s13;
	[tilespmem:s0+$0x0] =	vst v11  }
0x14b: {  	s0 =	sadd.s32 s11, s12;
	v11 =	vld [tilespmem:s13+$0x180]  }
0x14c: {  	v12 =	vld [tilespmem:s0+$0x0];
	_ =	sdelay $0x1  }
.Ltmp11:
0x14d: {  	(pc) =	sbr.rel @p1 .LBB2_17-.Ltmp11, $4  }
0x14e: {  	_ = 	snop  }
0x14f: {  	s2 =	sadd.s32 $0x80, s2  }
0x150: {  	s12 =	sand.u32 $0x400, s2;
	v11 =	vadd.f32 v11, v12  }
0x151: {  	s11 =	sand.u32 $0x70, s10;
	s10 =	sadd.s32 $0x10, s10;
	s13 =	sadd.s32 s12, s29  }
0x152: {  	(v2sf) =	vpush v10, $0x4;
	_ =	sdelay $0xa  }
0x153: {  	s2 =	sadd.s32 s12, s31;
	s10 =	sadd.s32 s11, s13;
	[tilespmem:s0+$0x0] =	vst v11  }
0x154: {  	s0 =	sadd.s32 s11, s2;
	v11 =	vld [tilespmem:s10+$0x180]  }
0x155: {  	v12 =	vld [tilespmem:s0+$0x0];
	_ =	sdelay $0x1  }
0x156: {  	s11 =	spop (v2sf)  }
0x157: {  	s12 =	sshll.u32 s11, $0x8;
	s2 =	sshll.u32 s11, $0x7  }
0x158: {  	s13 =	simm.s32 $0x0;
	s10 =	sand.u32 $0xFFFFF800, s12;
	s2 =	sand.u32 $0x380, s2  }
0x159: {  	v11 =	vadd.f32 v11, v12;
	s12 =	sand.u32 $0x400, s13;
	s2 =	sor.u32 s2, s10  }
0x15a: {  	s31 =	sadd.s32 $0xB200, s2;
	s2 =	sand.u32 $0x70, s13;
	s13 =	sadd.s32 s12, s29  }
0x15b: {  	[tilespmem:s0+$0x0] =	vst v11;
	s10 =	sadd.s32 s12, s31;
	s12 =	sadd.s32 s2, s13  }
0x15c: {  	s0 =	sadd.s32 s2, s10;
	v11 =	vld [tilespmem:s12+$0x200]  }
0x15d: {  	v63 =	vld [tilespmem:s0+$0x0];
	_ =	sdelay $0x3  }
0x15e: {  	s2 =	simm.s32 $0x80  }
0x15f: {  	s13 =	simm.s32 $0x10;
	s12 =	sand.u32 $0x400, s2;
	v11 =	vadd.f32 v11, v63  }
0x160: {  	s11 =	sand.u32 $0x70, s13;
	s10 =	simm.s32 $0x20;
	s13 =	sadd.s32 s12, s29  }
.LBB2_19:
0x161: {  	p1 =	sne.s32 s10, $0xF0;
	s12 =	sadd.s32 s12, s31;
	s13 =	sadd.s32 s11, s13;
	[tilespmem:s0+$0x0] =	vst v11  }
0x162: {  	s0 =	sadd.s32 s11, s12;
	v11 =	vld [tilespmem:s13+$0x200]  }
0x163: {  	v12 =	vld [tilespmem:s0+$0x0];
	_ =	sdelay $0x1  }
.Ltmp12:
0x164: {  	(pc) =	sbr.rel @p1 .LBB2_19-.Ltmp12, $4  }
0x165: {  	_ = 	snop  }
0x166: {  	s2 =	sadd.s32 $0x80, s2  }
0x167: {  	s12 =	sand.u32 $0x400, s2;
	v11 =	vadd.f32 v11, v12  }
0x168: {  	s11 =	sand.u32 $0x70, s10;
	s10 =	sadd.s32 $0x10, s10;
	s13 =	sadd.s32 s12, s29  }
0x169: {  	(v2sf) =	vpush v10, $0x5;
	_ =	sdelay $0xa  }
0x16a: {  	s2 =	sadd.s32 s12, s31;
	s10 =	sadd.s32 s11, s13;
	[tilespmem:s0+$0x0] =	vst v11  }
0x16b: {  	s0 =	sadd.s32 s11, s2;
	v11 =	vld [tilespmem:s10+$0x200]  }
0x16c: {  	v12 =	vld [tilespmem:s0+$0x0];
	_ =	sdelay $0x1  }
0x16d: {  	s11 =	spop (v2sf)  }
0x16e: {  	s12 =	sshll.u32 s11, $0x8;
	s2 =	sshll.u32 s11, $0x7  }
0x16f: {  	s13 =	simm.s32 $0x0;
	s10 =	sand.u32 $0xFFFFF800, s12;
	s2 =	sand.u32 $0x380, s2  }
0x170: {  	v11 =	vadd.f32 v11, v12;
	s12 =	sand.u32 $0x400, s13;
	s2 =	sor.u32 s2, s10  }
0x171: {  	s31 =	sadd.s32 $0xB200, s2;
	s2 =	sand.u32 $0x70, s13;
	s13 =	sadd.s32 s12, s29  }
0x172: {  	[tilespmem:s0+$0x0] =	vst v11;
	s10 =	sadd.s32 s12, s31;
	s12 =	sadd.s32 s2, s13  }
0x173: {  	s0 =	sadd.s32 s2, s10;
	v11 =	vld [tilespmem:s12+$0x280]  }
0x174: {  	v63 =	vld [tilespmem:s0+$0x0];
	_ =	sdelay $0x3  }
0x175: {  	s2 =	simm.s32 $0x80  }
0x176: {  	s13 =	simm.s32 $0x10;
	s12 =	sand.u32 $0x400, s2;
	v11 =	vadd.f32 v11, v63  }
0x177: {  	s11 =	sand.u32 $0x70, s13;
	s10 =	simm.s32 $0x20;
	s13 =	sadd.s32 s12, s29  }
.LBB2_21:
0x178: {  	p1 =	sne.s32 s10, $0xF0;
	s12 =	sadd.s32 s12, s31;
	s13 =	sadd.s32 s11, s13;
	[tilespmem:s0+$0x0] =	vst v11  }
0x179: {  	s0 =	sadd.s32 s11, s12;
	v11 =	vld [tilespmem:s13+$0x280]  }
0x17a: {  	v12 =	vld [tilespmem:s0+$0x0];
	_ =	sdelay $0x1  }
.Ltmp13:
0x17b: {  	(pc) =	sbr.rel @p1 .LBB2_21-.Ltmp13, $4  }
0x17c: {  	_ = 	snop  }
0x17d: {  	s2 =	sadd.s32 $0x80, s2  }
0x17e: {  	s12 =	sand.u32 $0x400, s2;
	v11 =	vadd.f32 v11, v12  }
0x17f: {  	s11 =	sand.u32 $0x70, s10;
	s10 =	sadd.s32 $0x10, s10;
	s13 =	sadd.s32 s12, s29  }
0x180: {  	(v2sf) =	vpush v10, $0x6;
	_ =	sdelay $0xa  }
0x181: {  	s2 =	sadd.s32 s12, s31;
	s10 =	sadd.s32 s11, s13;
	[tilespmem:s0+$0x0] =	vst v11  }
0x182: {  	s0 =	sadd.s32 s11, s2;
	v11 =	vld [tilespmem:s10+$0x280]  }
0x183: {  	v12 =	vld [tilespmem:s0+$0x0];
	_ =	sdelay $0x1  }
0x184: {  	s11 =	spop (v2sf)  }
0x185: {  	s12 =	sshll.u32 s11, $0x8;
	s2 =	sshll.u32 s11, $0x7  }
0x186: {  	s13 =	simm.s32 $0x0;
	s10 =	sand.u32 $0xFFFFF800, s12;
	s2 =	sand.u32 $0x380, s2  }
0x187: {  	v11 =	vadd.f32 v11, v12;
	s12 =	sand.u32 $0x400, s13;
	s2 =	sor.u32 s2, s10  }
0x188: {  	s31 =	sadd.s32 $0xB200, s2;
	s2 =	sand.u32 $0x70, s13;
	s13 =	sadd.s32 s12, s29  }
0x189: {  	[tilespmem:s0+$0x0] =	vst v11;
	s10 =	sadd.s32 s12, s31;
	s12 =	sadd.s32 s2, s13  }
0x18a: {  	s0 =	sadd.s32 s2, s10;
	v11 =	vld [tilespmem:s12+$0x300]  }
0x18b: {  	v63 =	vld [tilespmem:s0+$0x0];
	_ =	sdelay $0x3  }
0x18c: {  	s2 =	simm.s32 $0x80  }
0x18d: {  	s13 =	simm.s32 $0x10;
	s12 =	sand.u32 $0x400, s2;
	v11 =	vadd.f32 v11, v63  }
0x18e: {  	s11 =	sand.u32 $0x70, s13;
	s10 =	simm.s32 $0x20;
	s13 =	sadd.s32 s12, s29  }
.LBB2_23:
0x18f: {  	p1 =	sne.s32 s10, $0xF0;
	s12 =	sadd.s32 s12, s31;
	s13 =	sadd.s32 s11, s13;
	[tilespmem:s0+$0x0] =	vst v11  }
0x190: {  	s0 =	sadd.s32 s11, s12;
	v11 =	vld [tilespmem:s13+$0x300]  }
0x191: {  	v12 =	vld [tilespmem:s0+$0x0];
	_ =	sdelay $0x1  }
.Ltmp14:
0x192: {  	(pc) =	sbr.rel @p1 .LBB2_23-.Ltmp14, $4  }
0x193: {  	_ = 	snop  }
0x194: {  	s2 =	sadd.s32 $0x80, s2  }
0x195: {  	s12 =	sand.u32 $0x400, s2;
	v11 =	vadd.f32 v11, v12  }
0x196: {  	s11 =	sand.u32 $0x70, s10;
	s10 =	sadd.s32 $0x10, s10;
	s13 =	sadd.s32 s12, s29  }
0x197: {  	(v2sf) =	vpush v10, $0x7;
	_ =	sdelay $0xa  }
0x198: {  	s2 =	sadd.s32 s12, s31;
	s10 =	sadd.s32 s11, s13;
	[tilespmem:s0+$0x0] =	vst v11  }
0x199: {  	s0 =	sadd.s32 s11, s2;
	v11 =	vld [tilespmem:s10+$0x300]  }
0x19a: {  	v12 =	vld [tilespmem:s0+$0x0];
	_ =	sdelay $0x1  }
0x19b: {  	s11 =	spop (v2sf)  }
0x19c: {  	s12 =	sshll.u32 s11, $0x8;
	s2 =	sshll.u32 s11, $0x7  }
0x19d: {  	s13 =	simm.s32 $0x0;
	s10 =	sand.u32 $0xFFFFF800, s12;
	s2 =	sand.u32 $0x380, s2  }
0x19e: {  	v11 =	vadd.f32 v11, v12;
	s12 =	sand.u32 $0x400, s13;
	s2 =	sor.u32 s2, s10  }
0x19f: {  	s31 =	sadd.s32 $0xB200, s2;
	s2 =	sand.u32 $0x70, s13;
	s13 =	sadd.s32 s12, s29  }
0x1a0: {  	[tilespmem:s0+$0x0] =	vst v11;
	s10 =	sadd.s32 s12, s31;
	s12 =	sadd.s32 s2, s13  }
0x1a1: {  	s0 =	sadd.s32 s2, s10;
	v11 =	vld [tilespmem:s12+$0x380]  }
0x1a2: {  	v63 =	vld [tilespmem:s0+$0x0];
	_ =	sdelay $0x3  }
0x1a3: {  	s2 =	simm.s32 $0x80  }
0x1a4: {  	s13 =	simm.s32 $0x10;
	s12 =	sand.u32 $0x400, s2;
	v11 =	vadd.f32 v11, v63  }
0x1a5: {  	s11 =	sand.u32 $0x70, s13;
	s10 =	simm.s32 $0x20;
	s13 =	sadd.s32 s12, s29  }
.LBB2_25:
0x1a6: {  	p1 =	sne.s32 s10, $0xF0;
	s12 =	sadd.s32 s12, s31;
	s13 =	sadd.s32 s11, s13;
	[tilespmem:s0+$0x0] =	vst v11  }
0x1a7: {  	s0 =	sadd.s32 s11, s12;
	v11 =	vld [tilespmem:s13+$0x380]  }
0x1a8: {  	v12 =	vld [tilespmem:s0+$0x0];
	_ =	sdelay $0x1  }
.Ltmp15:
0x1a9: {  	(pc) =	sbr.rel @p1 .LBB2_25-.Ltmp15, $4  }
0x1aa: {  	_ = 	snop  }
0x1ab: {  	s2 =	sadd.s32 $0x80, s2  }
0x1ac: {  	s12 =	sand.u32 $0x400, s2;
	v11 =	vadd.f32 v11, v12  }
0x1ad: {  	s11 =	sand.u32 $0x70, s10;
	s10 =	sadd.s32 $0x10, s10;
	s13 =	sadd.s32 s12, s29  }
0x1ae: {  	(v2sf) =	vpush v10, $0x8;
	_ =	sdelay $0xa  }
0x1af: {  	s2 =	sadd.s32 s12, s31;
	s10 =	sadd.s32 s11, s13;
	[tilespmem:s0+$0x0] =	vst v11  }
0x1b0: {  	s0 =	sadd.s32 s11, s2;
	v11 =	vld [tilespmem:s10+$0x380]  }
0x1b1: {  	v12 =	vld [tilespmem:s0+$0x0];
	_ =	sdelay $0x1  }
0x1b2: {  	s11 =	spop (v2sf)  }
0x1b3: {  	s12 =	sshll.u32 s11, $0x8;
	s2 =	sshll.u32 s11, $0x7  }
0x1b4: {  	s13 =	simm.s32 $0x0;
	s10 =	sand.u32 $0xFFFFF800, s12;
	s2 =	sand.u32 $0x380, s2  }
0x1b5: {  	s31 =	sadd.s32 $0x3900, s30;
	v11 =	vadd.f32 v11, v12;
	s12 =	sand.u32 $0x400, s13;
	s2 =	sor.u32 s2, s10  }
0x1b6: {  	s30 =	sadd.s32 $0xB200, s2;
	s2 =	sand.u32 $0x70, s13;
	s13 =	sadd.s32 s12, s31  }
0x1b7: {  	[tilespmem:s0+$0x0] =	vst v11;
	s10 =	sadd.s32 s12, s30;
	s12 =	sadd.s32 s2, s13  }
0x1b8: {  	s0 =	sadd.s32 s2, s10;
	v11 =	vld [tilespmem:s12+$0x0]  }
0x1b9: {  	v63 =	vld [tilespmem:s0+$0x0];
	_ =	sdelay $0x3  }
0x1ba: {  	s2 =	simm.s32 $0x80  }
0x1bb: {  	s13 =	simm.s32 $0x10;
	s12 =	sand.u32 $0x400, s2;
	v11 =	vadd.f32 v11, v63  }
0x1bc: {  	s11 =	sand.u32 $0x70, s13;
	s10 =	simm.s32 $0x20;
	s13 =	sadd.s32 s12, s31  }
.LBB2_27:
0x1bd: {  	p1 =	sne.s32 s10, $0xF0;
	s12 =	sadd.s32 s12, s30;
	s13 =	sadd.s32 s11, s13;
	[tilespmem:s0+$0x0] =	vst v11  }
0x1be: {  	s0 =	sadd.s32 s11, s12;
	v11 =	vld [tilespmem:s13+$0x0]  }
0x1bf: {  	v12 =	vld [tilespmem:s0+$0x0];
	_ =	sdelay $0x1  }
.Ltmp16:
0x1c0: {  	(pc) =	sbr.rel @p1 .LBB2_27-.Ltmp16, $4  }
0x1c1: {  	_ = 	snop  }
0x1c2: {  	s2 =	sadd.s32 $0x80, s2  }
0x1c3: {  	s12 =	sand.u32 $0x400, s2;
	v11 =	vadd.f32 v11, v12  }
0x1c4: {  	s11 =	sand.u32 $0x70, s10;
	s10 =	sadd.s32 $0x10, s10;
	s13 =	sadd.s32 s12, s31  }
0x1c5: {  	(v2sf) =	vpush v10, $0x9;
	_ =	sdelay $0xa  }
0x1c6: {  	s2 =	sadd.s32 s12, s30;
	s10 =	sadd.s32 s11, s13;
	[tilespmem:s0+$0x0] =	vst v11  }
0x1c7: {  	s0 =	sadd.s32 s11, s2;
	v11 =	vld [tilespmem:s10+$0x0]  }
0x1c8: {  	v12 =	vld [tilespmem:s0+$0x0];
	_ =	sdelay $0x1  }
0x1c9: {  	s10 =	spop (v2sf)  }
0x1ca: {  	s11 =	sshll.u32 s10, $0x8;
	s2 =	sshll.u32 s10, $0x7  }
0x1cb: {  	s12 =	simm.s32 $0x0;
	s10 =	sand.u32 $0xFFFFF800, s11;
	s2 =	sand.u32 $0x380, s2  }
0x1cc: {  	s13 =	sand.u32 $0x400, s12;
	v11 =	vadd.f32 v11, v12;
	s2 =	sor.u32 s2, s10  }
0x1cd: {  	s31 =	sadd.s32 s13, s29;
	s30 =	sadd.s32 $0xB200, s2;
	s2 =	sand.u32 $0x70, s12  }
0x1ce: {  	[tilespmem:s0+$0x0] =	vst v11;
	s12 =	sadd.s32 s13, s30;
	s13 =	sadd.s32 s2, s31  }
0x1cf: {  	s0 =	sadd.s32 s2, s12;
	v11 =	vld [tilespmem:s13+$0x880]  }
0x1d0: {  	v63 =	vld [tilespmem:s0+$0x0];
	_ =	sdelay $0x3  }
0x1d1: {  	s2 =	simm.s32 $0x80  }
0x1d2: {  	s31 =	simm.s32 $0x10;
	s12 =	sand.u32 $0x400, s2;
	v11 =	vadd.f32 v11, v63  }
0x1d3: {  	s10 =	simm.s32 $0x20;
	s11 =	sand.u32 $0x70, s31;
	s13 =	sadd.s32 s12, s29  }
.LBB2_29:
0x1d4: {  	p1 =	sne.s32 s10, $0xF0;
	s12 =	sadd.s32 s12, s30;
	s13 =	sadd.s32 s11, s13;
	[tilespmem:s0+$0x0] =	vst v11  }
0x1d5: {  	s0 =	sadd.s32 s11, s12;
	v11 =	vld [tilespmem:s13+$0x880]  }
0x1d6: {  	v12 =	vld [tilespmem:s0+$0x0];
	_ =	sdelay $0x1  }
.Ltmp17:
0x1d7: {  	(pc) =	sbr.rel @p1 .LBB2_29-.Ltmp17, $4  }
0x1d8: {  	_ = 	snop  }
0x1d9: {  	s2 =	sadd.s32 $0x80, s2  }
0x1da: {  	s12 =	sand.u32 $0x400, s2;
	v11 =	vadd.f32 v11, v12  }
0x1db: {  	s11 =	sand.u32 $0x70, s10;
	s10 =	sadd.s32 $0x10, s10;
	s13 =	sadd.s32 s12, s29  }
0x1dc: {  	(v2sf) =	vpush v10, $0xA;
	_ =	sdelay $0xa  }
0x1dd: {  	s2 =	sadd.s32 s12, s30;
	s10 =	sadd.s32 s11, s13;
	[tilespmem:s0+$0x0] =	vst v11  }
0x1de: {  	s0 =	sadd.s32 s11, s2;
	v11 =	vld [tilespmem:s10+$0x880]  }
0x1df: {  	v12 =	vld [tilespmem:s0+$0x0];
	_ =	sdelay $0x1  }
0x1e0: {  	s10 =	spop (v2sf)  }
0x1e1: {  	s11 =	sshll.u32 s10, $0x8;
	s2 =	sshll.u32 s10, $0x7  }
0x1e2: {  	s12 =	simm.s32 $0x0;
	s10 =	sand.u32 $0xFFFFF800, s11;
	s2 =	sand.u32 $0x380, s2  }
0x1e3: {  	s13 =	sand.u32 $0x400, s12;
	v11 =	vadd.f32 v11, v12;
	s2 =	sor.u32 s2, s10  }
0x1e4: {  	s31 =	sadd.s32 s13, s29;
	s30 =	sadd.s32 $0xB200, s2;
	s2 =	sand.u32 $0x70, s12  }
0x1e5: {  	[tilespmem:s0+$0x0] =	vst v11;
	s12 =	sadd.s32 s13, s30;
	s13 =	sadd.s32 s2, s31  }
0x1e6: {  	s0 =	sadd.s32 s2, s12;
	v11 =	vld [tilespmem:s13+$0x900]  }
0x1e7: {  	v63 =	vld [tilespmem:s0+$0x0];
	_ =	sdelay $0x3  }
0x1e8: {  	s2 =	simm.s32 $0x80  }
0x1e9: {  	s31 =	simm.s32 $0x10;
	s12 =	sand.u32 $0x400, s2;
	v11 =	vadd.f32 v11, v63  }
0x1ea: {  	s10 =	simm.s32 $0x20;
	s11 =	sand.u32 $0x70, s31;
	s13 =	sadd.s32 s12, s29  }
.LBB2_31:
0x1eb: {  	p1 =	sne.s32 s10, $0xF0;
	s12 =	sadd.s32 s12, s30;
	s13 =	sadd.s32 s11, s13;
	[tilespmem:s0+$0x0] =	vst v11  }
0x1ec: {  	s0 =	sadd.s32 s11, s12;
	v11 =	vld [tilespmem:s13+$0x900]  }
0x1ed: {  	v12 =	vld [tilespmem:s0+$0x0];
	_ =	sdelay $0x1  }
.Ltmp18:
0x1ee: {  	(pc) =	sbr.rel @p1 .LBB2_31-.Ltmp18, $4  }
0x1ef: {  	_ = 	snop  }
0x1f0: {  	s2 =	sadd.s32 $0x80, s2  }
0x1f1: {  	s12 =	sand.u32 $0x400, s2;
	v11 =	vadd.f32 v11, v12  }
0x1f2: {  	s11 =	sand.u32 $0x70, s10;
	s10 =	sadd.s32 $0x10, s10;
	s13 =	sadd.s32 s12, s29  }
0x1f3: {  	(v2sf) =	vpush v10, $0xB;
	_ =	sdelay $0xa  }
0x1f4: {  	s2 =	sadd.s32 s12, s30;
	s10 =	sadd.s32 s11, s13;
	[tilespmem:s0+$0x0] =	vst v11  }
0x1f5: {  	s0 =	sadd.s32 s11, s2;
	v11 =	vld [tilespmem:s10+$0x900]  }
0x1f6: {  	v12 =	vld [tilespmem:s0+$0x0];
	_ =	sdelay $0x1  }
0x1f7: {  	s10 =	spop (v2sf)  }
0x1f8: {  	s11 =	sshll.u32 s10, $0x8;
	s2 =	sshll.u32 s10, $0x7  }
0x1f9: {  	s12 =	simm.s32 $0x0;
	s10 =	sand.u32 $0xFFFFF800, s11;
	s2 =	sand.u32 $0x380, s2  }
0x1fa: {  	s13 =	sand.u32 $0x400, s12;
	v11 =	vadd.f32 v11, v12;
	s2 =	sor.u32 s2, s10  }
0x1fb: {  	s31 =	sadd.s32 s13, s29;
	s30 =	sadd.s32 $0xB200, s2;
	s2 =	sand.u32 $0x70, s12  }
0x1fc: {  	[tilespmem:s0+$0x0] =	vst v11;
	s12 =	sadd.s32 s13, s30;
	s13 =	sadd.s32 s2, s31  }
0x1fd: {  	s0 =	sadd.s32 s2, s12;
	v11 =	vld [tilespmem:s13+$0x980]  }
0x1fe: {  	v63 =	vld [tilespmem:s0+$0x0];
	_ =	sdelay $0x3  }
0x1ff: {  	s2 =	simm.s32 $0x80  }
0x200: {  	s31 =	simm.s32 $0x10;
	s12 =	sand.u32 $0x400, s2;
	v11 =	vadd.f32 v11, v63  }
0x201: {  	s10 =	simm.s32 $0x20;
	s11 =	sand.u32 $0x70, s31;
	s13 =	sadd.s32 s12, s29  }
.LBB2_33:
0x202: {  	p1 =	sne.s32 s10, $0xF0;
	s12 =	sadd.s32 s12, s30;
	s13 =	sadd.s32 s11, s13;
	[tilespmem:s0+$0x0] =	vst v11  }
0x203: {  	s0 =	sadd.s32 s11, s12;
	v11 =	vld [tilespmem:s13+$0x980]  }
0x204: {  	v12 =	vld [tilespmem:s0+$0x0];
	_ =	sdelay $0x1  }
.Ltmp19:
0x205: {  	(pc) =	sbr.rel @p1 .LBB2_33-.Ltmp19, $4  }
0x206: {  	_ = 	snop  }
0x207: {  	s2 =	sadd.s32 $0x80, s2  }
0x208: {  	s12 =	sand.u32 $0x400, s2;
	v11 =	vadd.f32 v11, v12  }
0x209: {  	s11 =	sand.u32 $0x70, s10;
	s10 =	sadd.s32 $0x10, s10;
	s13 =	sadd.s32 s12, s29  }
0x20a: {  	(v2sf) =	vpush v10, $0xC;
	_ =	sdelay $0xa  }
0x20b: {  	s2 =	sadd.s32 s12, s30;
	s10 =	sadd.s32 s11, s13;
	[tilespmem:s0+$0x0] =	vst v11  }
0x20c: {  	s0 =	sadd.s32 s11, s2;
	v11 =	vld [tilespmem:s10+$0x980]  }
0x20d: {  	v12 =	vld [tilespmem:s0+$0x0];
	_ =	sdelay $0x1  }
0x20e: {  	s10 =	spop (v2sf)  }
0x20f: {  	s11 =	sshll.u32 s10, $0x8;
	s2 =	sshll.u32 s10, $0x7  }
0x210: {  	s12 =	simm.s32 $0x0;
	s10 =	sand.u32 $0xFFFFF800, s11;
	s2 =	sand.u32 $0x380, s2  }
0x211: {  	s13 =	sand.u32 $0x400, s12;
	v11 =	vadd.f32 v11, v12;
	s2 =	sor.u32 s2, s10  }
0x212: {  	s31 =	sadd.s32 s13, s29;
	s30 =	sadd.s32 $0xB200, s2;
	s2 =	sand.u32 $0x70, s12  }
0x213: {  	[tilespmem:s0+$0x0] =	vst v11;
	s12 =	sadd.s32 s13, s30;
	s13 =	sadd.s32 s2, s31  }
0x214: {  	s0 =	sadd.s32 s2, s12;
	v11 =	vld [tilespmem:s13+$0xA00]  }
0x215: {  	v63 =	vld [tilespmem:s0+$0x0];
	_ =	sdelay $0x3  }
0x216: {  	s2 =	simm.s32 $0x80  }
0x217: {  	s31 =	simm.s32 $0x10;
	s12 =	sand.u32 $0x400, s2;
	v11 =	vadd.f32 v11, v63  }
0x218: {  	s10 =	simm.s32 $0x20;
	s11 =	sand.u32 $0x70, s31;
	s13 =	sadd.s32 s12, s29  }
.LBB2_35:
0x219: {  	p1 =	sne.s32 s10, $0xF0;
	s12 =	sadd.s32 s12, s30;
	s13 =	sadd.s32 s11, s13;
	[tilespmem:s0+$0x0] =	vst v11  }
0x21a: {  	s0 =	sadd.s32 s11, s12;
	v11 =	vld [tilespmem:s13+$0xA00]  }
0x21b: {  	v12 =	vld [tilespmem:s0+$0x0];
	_ =	sdelay $0x1  }
.Ltmp20:
0x21c: {  	(pc) =	sbr.rel @p1 .LBB2_35-.Ltmp20, $4  }
0x21d: {  	_ = 	snop  }
0x21e: {  	s2 =	sadd.s32 $0x80, s2  }
0x21f: {  	s12 =	sand.u32 $0x400, s2;
	v11 =	vadd.f32 v11, v12  }
0x220: {  	s11 =	sand.u32 $0x70, s10;
	s10 =	sadd.s32 $0x10, s10;
	s13 =	sadd.s32 s12, s29  }
0x221: {  	(v2sf) =	vpush v10, $0xD;
	_ =	sdelay $0xa  }
0x222: {  	s2 =	sadd.s32 s12, s30;
	s10 =	sadd.s32 s11, s13;
	[tilespmem:s0+$0x0] =	vst v11  }
0x223: {  	s0 =	sadd.s32 s11, s2;
	v11 =	vld [tilespmem:s10+$0xA00]  }
0x224: {  	v12 =	vld [tilespmem:s0+$0x0];
	_ =	sdelay $0x1  }
0x225: {  	s10 =	spop (v2sf)  }
0x226: {  	s11 =	sshll.u32 s10, $0x8;
	s2 =	sshll.u32 s10, $0x7  }
0x227: {  	s12 =	simm.s32 $0x0;
	s10 =	sand.u32 $0xFFFFF800, s11;
	s2 =	sand.u32 $0x380, s2  }
0x228: {  	s13 =	sand.u32 $0x400, s12;
	v11 =	vadd.f32 v11, v12;
	s2 =	sor.u32 s2, s10  }
0x229: {  	s31 =	sadd.s32 s13, s29;
	s30 =	sadd.s32 $0xB200, s2;
	s2 =	sand.u32 $0x70, s12  }
0x22a: {  	[tilespmem:s0+$0x0] =	vst v11;
	s12 =	sadd.s32 s13, s30;
	s13 =	sadd.s32 s2, s31  }
0x22b: {  	s0 =	sadd.s32 s2, s12;
	v11 =	vld [tilespmem:s13+$0xA80]  }
0x22c: {  	v63 =	vld [tilespmem:s0+$0x0];
	_ =	sdelay $0x3  }
0x22d: {  	s2 =	simm.s32 $0x80  }
0x22e: {  	s31 =	simm.s32 $0x10;
	s12 =	sand.u32 $0x400, s2;
	v11 =	vadd.f32 v11, v63  }
0x22f: {  	s10 =	simm.s32 $0x20;
	s11 =	sand.u32 $0x70, s31;
	s13 =	sadd.s32 s12, s29  }
.LBB2_37:
0x230: {  	p1 =	sne.s32 s10, $0xF0;
	s12 =	sadd.s32 s12, s30;
	s13 =	sadd.s32 s11, s13;
	[tilespmem:s0+$0x0] =	vst v11  }
0x231: {  	s0 =	sadd.s32 s11, s12;
	v11 =	vld [tilespmem:s13+$0xA80]  }
0x232: {  	v12 =	vld [tilespmem:s0+$0x0];
	_ =	sdelay $0x1  }
.Ltmp21:
0x233: {  	(pc) =	sbr.rel @p1 .LBB2_37-.Ltmp21, $4  }
0x234: {  	_ = 	snop  }
0x235: {  	s2 =	sadd.s32 $0x80, s2  }
0x236: {  	s12 =	sand.u32 $0x400, s2;
	v11 =	vadd.f32 v11, v12  }
0x237: {  	s11 =	sand.u32 $0x70, s10;
	s10 =	sadd.s32 $0x10, s10;
	s13 =	sadd.s32 s12, s29  }
0x238: {  	(v2sf) =	vpush v10, $0xE;
	_ =	sdelay $0xa  }
0x239: {  	s2 =	sadd.s32 s12, s30;
	s10 =	sadd.s32 s11, s13;
	[tilespmem:s0+$0x0] =	vst v11  }
0x23a: {  	s0 =	sadd.s32 s11, s2;
	v11 =	vld [tilespmem:s10+$0xA80]  }
0x23b: {  	v12 =	vld [tilespmem:s0+$0x0];
	_ =	sdelay $0x1  }
0x23c: {  	s10 =	spop (v2sf)  }
0x23d: {  	s11 =	sshll.u32 s10, $0x8;
	s2 =	sshll.u32 s10, $0x7  }
0x23e: {  	s12 =	simm.s32 $0x0;
	s10 =	sand.u32 $0xFFFFF800, s11;
	s2 =	sand.u32 $0x380, s2  }
0x23f: {  	s13 =	sand.u32 $0x400, s12;
	v11 =	vadd.f32 v11, v12;
	s2 =	sor.u32 s2, s10  }
0x240: {  	s31 =	sadd.s32 s13, s29;
	s30 =	sadd.s32 $0xB200, s2;
	s2 =	sand.u32 $0x70, s12  }
0x241: {  	[tilespmem:s0+$0x0] =	vst v11;
	s12 =	sadd.s32 s13, s30;
	s13 =	sadd.s32 s2, s31  }
0x242: {  	s0 =	sadd.s32 s2, s12;
	v11 =	vld [tilespmem:s13+$0xB00]  }
0x243: {  	v63 =	vld [tilespmem:s0+$0x0];
	_ =	sdelay $0x3  }
0x244: {  	s2 =	simm.s32 $0x80  }
0x245: {  	s31 =	simm.s32 $0x10;
	s12 =	sand.u32 $0x400, s2;
	v11 =	vadd.f32 v11, v63  }
0x246: {  	s10 =	simm.s32 $0x20;
	s11 =	sand.u32 $0x70, s31;
	s13 =	sadd.s32 s12, s29  }
.LBB2_39:
0x247: {  	p1 =	sne.s32 s10, $0xF0;
	s12 =	sadd.s32 s12, s30;
	s13 =	sadd.s32 s11, s13;
	[tilespmem:s0+$0x0] =	vst v11  }
0x248: {  	s0 =	sadd.s32 s11, s12;
	v11 =	vld [tilespmem:s13+$0xB00]  }
0x249: {  	v12 =	vld [tilespmem:s0+$0x0];
	_ =	sdelay $0x1  }
.Ltmp22:
0x24a: {  	(pc) =	sbr.rel @p1 .LBB2_39-.Ltmp22, $4  }
0x24b: {  	_ = 	snop  }
0x24c: {  	s2 =	sadd.s32 $0x80, s2  }
0x24d: {  	s12 =	sand.u32 $0x400, s2;
	v11 =	vadd.f32 v11, v12  }
0x24e: {  	s11 =	sand.u32 $0x70, s10;
	s10 =	sadd.s32 $0x10, s10;
	s13 =	sadd.s32 s12, s29  }
0x24f: {  	(v2sf) =	vpush v10, $0xF;
	_ =	sdelay $0xa  }
0x250: {  	s2 =	sadd.s32 s12, s30;
	s10 =	sadd.s32 s11, s13;
	[tilespmem:s0+$0x0] =	vst v11  }
0x251: {  	s0 =	sadd.s32 s11, s2;
	v10 =	vld [tilespmem:s10+$0xB00]  }
0x252: {  	v11 =	vld [tilespmem:s0+$0x0];
	_ =	sdelay $0x1  }
0x253: {  	s10 =	spop (v2sf)  }
0x254: {  	s11 =	sshll.u32 s10, $0x8;
	s2 =	sshll.u32 s10, $0x7  }
0x255: {  	s12 =	simm.s32 $0x0;
	s10 =	sand.u32 $0xFFFFF800, s11;
	s2 =	sand.u32 $0x380, s2  }
0x256: {  	s13 =	sand.u32 $0x400, s12;
	v10 =	vadd.f32 v10, v11;
	s2 =	sor.u32 s2, s10  }
0x257: {  	s31 =	sadd.s32 s13, s29;
	s30 =	sadd.s32 $0xB200, s2;
	s2 =	sand.u32 $0x70, s12  }
0x258: {  	[tilespmem:s0+$0x0] =	vst v10;
	s12 =	sadd.s32 s13, s30;
	s13 =	sadd.s32 s2, s31  }
0x259: {  	s0 =	sadd.s32 s2, s12;
	v10 =	vld [tilespmem:s13+$0xB80]  }
0x25a: {  	v11 =	vld [tilespmem:s0+$0x0];
	_ =	sdelay $0x3  }
0x25b: {  	s2 =	simm.s32 $0x80  }
0x25c: {  	s31 =	simm.s32 $0x10;
	s12 =	sand.u32 $0x400, s2;
	v10 =	vadd.f32 v10, v11  }
0x25d: {  	s10 =	simm.s32 $0x20;
	s11 =	sand.u32 $0x70, s31;
	s13 =	sadd.s32 s12, s29  }
.LBB2_41:
0x25e: {  	p1 =	sne.s32 s10, $0xF0;
	s12 =	sadd.s32 s12, s30;
	s13 =	sadd.s32 s11, s13;
	[tilespmem:s0+$0x0] =	vst v10  }
0x25f: {  	s0 =	sadd.s32 s11, s12;
	v10 =	vld [tilespmem:s13+$0xB80]  }
0x260: {  	v11 =	vld [tilespmem:s0+$0x0];
	_ =	sdelay $0x1  }
.Ltmp23:
0x261: {  	(pc) =	sbr.rel @p1 .LBB2_41-.Ltmp23, $4  }
0x262: {  	_ = 	snop  }
0x263: {  	s2 =	sadd.s32 $0x80, s2  }
0x264: {  	s12 =	sand.u32 $0x400, s2;
	v10 =	vadd.f32 v10, v11  }
0x265: {  	s11 =	sand.u32 $0x70, s10;
	s10 =	sadd.s32 $0x10, s10;
	s13 =	sadd.s32 s12, s29  }
0x266: {  	s2 =	sadd.s32 s12, s30;
	s10 =	sadd.s32 s11, s13;
	[tilespmem:s0+$0x0] =	vst v10  }
0x267: {  	s31 =	sadd.s32 s11, s2;
	v10 =	vld [tilespmem:s10+$0xB80]  }
0x268: {  	v11 =	vld [tilespmem:s31+$0x0]  }
0x269: {  	s28 =	sadd.s32 $0x1, s28  }
0x26a: {  	p1 =	sne.s32 s28, $0x4  }
.Ltmp24:
0x26b: {  	_ = 	snop;
	(pc) =	sbr.rel @p1 .LBB2_10-.Ltmp24, $3  }
0x26c: {  	_ = 	snop  }
0x26d: {  	v10 =	vadd.f32 v10, v11;
	_ =	sdelay $0x1  }
0x26e: {  	[tilespmem:s31+$0x0] =	vst v10  }
0x26f: {  	s0 =	sadd.s32 $0x2, s26  }
0x270: {  	p1 =	sge.s32 s0, s23  }
0x271: {  	s0 =	sshll.u32 @!p1 s0, $0x8  }
0x272: {  	s0 =	sshra.s32 @!p1 s0, $0x2  }
0x273: {  	v9 =	vld @!p1 [tilespmem:s0+$0x1000];
	_ =	sdelay $0x4  }
0x274: {  	v10 =	vshll.u32 @!p1 v9, $0x1  }
0x275: {  	v11 =	vlaneseq.u32 @!p1;
	v9 =	vand.u32 @!p1 $0x7, v9;
	v10 =	vand.u32 @!p1 $0xFFFFFFF0, v10  }
0x276: {  	v12 =	vshrl.u32 @!p1 v11, $0x3;
	v9 =	vor.u32 @!p1 v9, v10;
	v10 =	vand.u32 @!p1 $0x7, v11  }
0x277: {  	v12 =	vmul.u32 @!p1 $0x8, v12;
	v13 =	vperm.xlane @!p1 v9, v10  }
0x278: {  	v11 =	vor.u32 @!p1 $0x8, v11  }
0x279: {  	v9 =	vperm.xlane @!p1 v9, v11;
	v13 =	vadd.s32 @!p1 v12, v13;
	_ =	sdelay $0x1  }
0x27a: {  	v9 =	vadd.s32 @!p1 v12, v9;
	_ =	sdelay $0x1  }
0x27b: {  	vm1 =	vmmov @!p1 $0xffff;
	s2 =	simm.s32 @!p1 $0x0;
	s10 =	simm.s32 @!p1 $0x3100  }
0x27c: {  	[tilespmem:s10], [sflag:$0x1] =	stream.indirect_vreg.gather @!p1 [hbm4b:s1+s2], $0x80, v13, vm1, $0x2000b8;
	[tilespmem:$0x1BA00] =	vst v63  }
0x27d: {  	s10 =	simm.s32 @!p1 $0x3900  }
0x27e: {  	[tilespmem:s10], [sflag:$0x1] =	stream.indirect_vreg.gather @!p1 [hbm4b:s1+s2], $0x80, v9, vm1, $0x2000b8;
	[tilespmem:$0x1BA00] =	vst v63  }
0x27f: {  	v9 =	vld @!p1 [tilespmem:s0+$0x1010];
	_ =	sdelay $0x4  }
0x280: {  	v13 =	vshll.u32 @!p1 v9, $0x1  }
0x281: {  	v9 =	vand.u32 @!p1 $0x7, v9;
	v13 =	vand.u32 @!p1 $0xFFFFFFF0, v13  }
0x282: {  	v9 =	vor.u32 @!p1 v9, v13  }
0x283: {  	v13 =	vperm.xlane @!p1 v9, v10;
	_ =	sdelay $0x1  }
0x284: {  	v9 =	vperm.xlane @!p1 v9, v11;
	v13 =	vadd.s32 @!p1 v12, v13;
	_ =	sdelay $0x1  }
0x285: {  	v9 =	vadd.s32 @!p1 v12, v9;
	_ =	sdelay $0x1  }
0x286: {  	s10 =	simm.s32 @!p1 $0x4100  }
0x287: {  	[tilespmem:s10], [sflag:$0x1] =	stream.indirect_vreg.gather @!p1 [hbm4b:s1+s2], $0x80, v13, vm1, $0x2000b8;
	[tilespmem:$0x1BA00] =	vst v63  }
0x288: {  	s10 =	simm.s32 @!p1 $0x4900  }
0x289: {  	[tilespmem:s10], [sflag:$0x1] =	stream.indirect_vreg.gather @!p1 [hbm4b:s1+s2], $0x80, v9, vm1, $0x2000b8;
	[tilespmem:$0x1BA00] =	vst v63  }
0x28a: {  	v9 =	vld @!p1 [tilespmem:s0+$0x1020];
	_ =	sdelay $0x4  }
0x28b: {  	v13 =	vshll.u32 @!p1 v9, $0x1  }
0x28c: {  	v9 =	vand.u32 @!p1 $0x7, v9;
	v13 =	vand.u32 @!p1 $0xFFFFFFF0, v13  }
0x28d: {  	v9 =	vor.u32 @!p1 v9, v13  }
0x28e: {  	v13 =	vperm.xlane @!p1 v9, v10;
	_ =	sdelay $0x1  }
0x28f: {  	v9 =	vperm.xlane @!p1 v9, v11;
	v13 =	vadd.s32 @!p1 v12, v13;
	_ =	sdelay $0x1  }
0x290: {  	v9 =	vadd.s32 @!p1 v12, v9;
	_ =	sdelay $0x1  }
0x291: {  	s10 =	simm.s32 @!p1 $0x5100  }
0x292: {  	[tilespmem:s10], [sflag:$0x1] =	stream.indirect_vreg.gather @!p1 [hbm4b:s1+s2], $0x80, v13, vm1, $0x2000b8;
	[tilespmem:$0x1BA00] =	vst v63  }
0x293: {  	s10 =	simm.s32 @!p1 $0x5900  }
0x294: {  	[tilespmem:s10], [sflag:$0x1] =	stream.indirect_vreg.gather @!p1 [hbm4b:s1+s2], $0x80, v9, vm1, $0x2000b8;
	[tilespmem:$0x1BA00] =	vst v63  }
0x295: {  	v9 =	vld @!p1 [tilespmem:s0+$0x1030];
	_ =	sdelay $0x4  }
0x296: {  	v13 =	vshll.u32 @!p1 v9, $0x1  }
0x297: {  	v9 =	vand.u32 @!p1 $0x7, v9;
	v13 =	vand.u32 @!p1 $0xFFFFFFF0, v13  }
0x298: {  	v9 =	vor.u32 @!p1 v9, v13  }
0x299: {  	v10 =	vperm.xlane @!p1 v9, v10;
	_ =	sdelay $0x1  }
0x29a: {  	v9 =	vperm.xlane @!p1 v9, v11;
	v10 =	vadd.s32 @!p1 v12, v10;
	_ =	sdelay $0x1  }
0x29b: {  	v9 =	vadd.s32 @!p1 v12, v9  }
.Ltmp25:
0x29c: {  	_ = 	snop;
	(pc) =	sbr.rel @p0 .LBB2_78-.Ltmp25, $4  }
0x29d: {  	s0 =	simm.s32 @!p1 $0x6100  }
0x29e: {  	[tilespmem:s0], [sflag:$0x1] =	stream.indirect_vreg.gather @!p1 [hbm4b:s1+s2], $0x80, v10, vm1, $0x2000b8;
	[tilespmem:$0x1BA00] =	vst v63  }
0x29f: {  	s0 =	simm.s32 @!p1 $0x6900  }
0x2a0: {  	[tilespmem:s0], [sflag:$0x1] =	stream.indirect_vreg.gather @!p1 [hbm4b:s1+s2], $0x80, v9, vm1, $0x2000b8;
	[tilespmem:$0x1BA00] =	vst v63  }
0x2a1: {  	s0 =	sshll.u32 s25, $0x8  }
0x2a2: {  	_ =	swait.ge [sflag:s19], $0x4000;
	s0 =	sshra.s32 s0, $0x2  }
0x2a3: {  	[sflag:s19] =	ssyncset.done $0x0;
	s0 =	sadd.s32 $0x2080, s0  }
0x2a4: {  	s25 =	simm.s32 $0x0;
	s26 =	simm.s32 $0x0;
	[sflag:s19] =	ssyncadd.s32 $0xFFFFC000;
	v9 =	vmov s0  }
.LBB2_45:
0x2a5: {  	_ =	sdelay $0x1  }
0x2a6: {  	s0 =	sshll.u32 s26, $0x4  }
0x2a7: {  	s0 =	sand.u32 $0x3FFFFFF0, s0  }
0x2a8: {  	v10 =	vld.idx.msk [tilespmem:v9+s0+$0x0 ss:$0x1], $0xffff;
	_ =	sdelay $0x4  }
0x2a9: {  	(v2sf) =	vpush v10, $0x0;
	_ =	sdelay $0xe  }
0x2aa: {  	s10 =	spop (v2sf)  }
0x2ab: {  	s2 =	sshll.u32 s10, $0x8;
	s0 =	sshll.u32 s10, $0x7;
	s10 =	sshll.u32 s26, $0xC  }
0x2ac: {  	s2 =	sand.u32 $0xFFFFF800, s2;
	s0 =	sand.u32 $0x380, s0;
	s29 =	sand.u32 $0x3FFFF000, s10  }
0x2ad: {  	s11 =	sand.u32 $0x400, s25;
	s0 =	sor.u32 s0, s2;
	s28 =	sadd.s32 $0x7100, s29  }
0x2ae: {  	s12 =	sand.u32 $0x70, s25;
	s30 =	sadd.s32 $0xB200, s0;
	s13 =	sadd.s32 s11, s28  }
0x2af: {  	s2 =	sadd.s32 s11, s30;
	s10 =	sadd.s32 s12, s13  }
0x2b0: {  	s0 =	sadd.s32 s12, s2;
	v11 =	vld [tilespmem:s10+$0x0]  }
0x2b1: {  	v12 =	vld [tilespmem:s0+$0x0];
	_ =	sdelay $0x3  }
0x2b2: {  	s2 =	simm.s32 $0x80  }
0x2b3: {  	s31 =	simm.s32 $0x10;
	s12 =	sand.u32 $0x400, s2;
	v11 =	vadd.f32 v11, v12  }
0x2b4: {  	s11 =	sand.u32 $0x70, s31;
	s10 =	simm.s32 $0x20;
	s13 =	sadd.s32 s12, s28  }
.LBB2_46:
0x2b5: {  	p0 =	sne.s32 s10, $0xF0;
	s12 =	sadd.s32 s12, s30;
	s13 =	sadd.s32 s11, s13;
	[tilespmem:s0+$0x0] =	vst v11  }
0x2b6: {  	s0 =	sadd.s32 s11, s12;
	v11 =	vld [tilespmem:s13+$0x0]  }
0x2b7: {  	v12 =	vld [tilespmem:s0+$0x0];
	_ =	sdelay $0x1  }
.Ltmp26:
0x2b8: {  	(pc) =	sbr.rel @p0 .LBB2_46-.Ltmp26, $4  }
0x2b9: {  	_ = 	snop  }
0x2ba: {  	s2 =	sadd.s32 $0x80, s2  }
0x2bb: {  	s12 =	sand.u32 $0x400, s2;
	v11 =	vadd.f32 v11, v12  }
0x2bc: {  	s11 =	sand.u32 $0x70, s10;
	s10 =	sadd.s32 $0x10, s10;
	s13 =	sadd.s32 s12, s28  }
0x2bd: {  	(v2sf) =	vpush v10, $0x1;
	_ =	sdelay $0xa  }
0x2be: {  	s2 =	sadd.s32 s12, s30;
	s10 =	sadd.s32 s11, s13;
	[tilespmem:s0+$0x0] =	vst v11  }
0x2bf: {  	s0 =	sadd.s32 s11, s2;
	v11 =	vld [tilespmem:s10+$0x0]  }
0x2c0: {  	v12 =	vld [tilespmem:s0+$0x0];
	_ =	sdelay $0x1  }
0x2c1: {  	s10 =	spop (v2sf)  }
0x2c2: {  	s11 =	sshll.u32 s10, $0x8;
	s2 =	sshll.u32 s10, $0x7  }
0x2c3: {  	s12 =	simm.s32 $0x0;
	s10 =	sand.u32 $0xFFFFF800, s11;
	s2 =	sand.u32 $0x380, s2  }
0x2c4: {  	s13 =	sand.u32 $0x400, s12;
	v11 =	vadd.f32 v11, v12;
	s2 =	sor.u32 s2, s10  }
0x2c5: {  	s31 =	sadd.s32 s13, s28;
	s30 =	sadd.s32 $0xB200, s2;
	s2 =	sand.u32 $0x70, s12  }
0x2c6: {  	[tilespmem:s0+$0x0] =	vst v11;
	s12 =	sadd.s32 s13, s30;
	s13 =	sadd.s32 s2, s31  }
0x2c7: {  	s0 =	sadd.s32 s2, s12;
	v11 =	vld [tilespmem:s13+$0x80]  }
0x2c8: {  	v63 =	vld [tilespmem:s0+$0x0];
	_ =	sdelay $0x3  }
0x2c9: {  	s2 =	simm.s32 $0x80  }
0x2ca: {  	s31 =	simm.s32 $0x10;
	s12 =	sand.u32 $0x400, s2;
	v11 =	vadd.f32 v11, v63  }
0x2cb: {  	s10 =	simm.s32 $0x20;
	s11 =	sand.u32 $0x70, s31;
	s13 =	sadd.s32 s12, s28  }
.LBB2_48:
0x2cc: {  	p0 =	sne.s32 s10, $0xF0;
	s12 =	sadd.s32 s12, s30;
	s13 =	sadd.s32 s11, s13;
	[tilespmem:s0+$0x0] =	vst v11  }
0x2cd: {  	s0 =	sadd.s32 s11, s12;
	v11 =	vld [tilespmem:s13+$0x80]  }
0x2ce: {  	v12 =	vld [tilespmem:s0+$0x0];
	_ =	sdelay $0x1  }
.Ltmp27:
0x2cf: {  	(pc) =	sbr.rel @p0 .LBB2_48-.Ltmp27, $4  }
0x2d0: {  	_ = 	snop  }
0x2d1: {  	s2 =	sadd.s32 $0x80, s2  }
0x2d2: {  	s12 =	sand.u32 $0x400, s2;
	v11 =	vadd.f32 v11, v12  }
0x2d3: {  	s11 =	sand.u32 $0x70, s10;
	s10 =	sadd.s32 $0x10, s10;
	s13 =	sadd.s32 s12, s28  }
0x2d4: {  	(v2sf) =	vpush v10, $0x2;
	_ =	sdelay $0xa  }
0x2d5: {  	s2 =	sadd.s32 s12, s30;
	s10 =	sadd.s32 s11, s13;
	[tilespmem:s0+$0x0] =	vst v11  }
0x2d6: {  	s0 =	sadd.s32 s11, s2;
	v11 =	vld [tilespmem:s10+$0x80]  }
0x2d7: {  	v12 =	vld [tilespmem:s0+$0x0];
	_ =	sdelay $0x1  }
0x2d8: {  	s10 =	spop (v2sf)  }
0x2d9: {  	s11 =	sshll.u32 s10, $0x8;
	s2 =	sshll.u32 s10, $0x7  }
0x2da: {  	s12 =	simm.s32 $0x0;
	s10 =	sand.u32 $0xFFFFF800, s11;
	s2 =	sand.u32 $0x380, s2  }
0x2db: {  	s13 =	sand.u32 $0x400, s12;
	v11 =	vadd.f32 v11, v12;
	s2 =	sor.u32 s2, s10  }
0x2dc: {  	s31 =	sadd.s32 s13, s28;
	s30 =	sadd.s32 $0xB200, s2;
	s2 =	sand.u32 $0x70, s12  }
0x2dd: {  	[tilespmem:s0+$0x0] =	vst v11;
	s12 =	sadd.s32 s13, s30;
	s13 =	sadd.s32 s2, s31  }
0x2de: {  	s0 =	sadd.s32 s2, s12;
	v11 =	vld [tilespmem:s13+$0x100]  }
0x2df: {  	v63 =	vld [tilespmem:s0+$0x0];
	_ =	sdelay $0x3  }
0x2e0: {  	s2 =	simm.s32 $0x80  }
0x2e1: {  	s31 =	simm.s32 $0x10;
	s12 =	sand.u32 $0x400, s2;
	v11 =	vadd.f32 v11, v63  }
0x2e2: {  	s10 =	simm.s32 $0x20;
	s11 =	sand.u32 $0x70, s31;
	s13 =	sadd.s32 s12, s28  }
.LBB2_50:
0x2e3: {  	p0 =	sne.s32 s10, $0xF0;
	s12 =	sadd.s32 s12, s30;
	s13 =	sadd.s32 s11, s13;
	[tilespmem:s0+$0x0] =	vst v11  }
0x2e4: {  	s0 =	sadd.s32 s11, s12;
	v11 =	vld [tilespmem:s13+$0x100]  }
0x2e5: {  	v12 =	vld [tilespmem:s0+$0x0];
	_ =	sdelay $0x1  }
.Ltmp28:
0x2e6: {  	(pc) =	sbr.rel @p0 .LBB2_50-.Ltmp28, $4  }
0x2e7: {  	_ = 	snop  }
0x2e8: {  	s2 =	sadd.s32 $0x80, s2  }
0x2e9: {  	s12 =	sand.u32 $0x400, s2;
	v11 =	vadd.f32 v11, v12  }
0x2ea: {  	s11 =	sand.u32 $0x70, s10;
	s10 =	sadd.s32 $0x10, s10;
	s13 =	sadd.s32 s12, s28  }
0x2eb: {  	(v2sf) =	vpush v10, $0x3;
	_ =	sdelay $0xa  }
0x2ec: {  	s2 =	sadd.s32 s12, s30;
	s10 =	sadd.s32 s11, s13;
	[tilespmem:s0+$0x0] =	vst v11  }
0x2ed: {  	s0 =	sadd.s32 s11, s2;
	v11 =	vld [tilespmem:s10+$0x100]  }
0x2ee: {  	v12 =	vld [tilespmem:s0+$0x0];
	_ =	sdelay $0x1  }
0x2ef: {  	s10 =	spop (v2sf)  }
0x2f0: {  	s11 =	sshll.u32 s10, $0x8;
	s2 =	sshll.u32 s10, $0x7  }
0x2f1: {  	s12 =	simm.s32 $0x0;
	s10 =	sand.u32 $0xFFFFF800, s11;
	s2 =	sand.u32 $0x380, s2  }
0x2f2: {  	s13 =	sand.u32 $0x400, s12;
	v11 =	vadd.f32 v11, v12;
	s2 =	sor.u32 s2, s10  }
0x2f3: {  	s31 =	sadd.s32 s13, s28;
	s30 =	sadd.s32 $0xB200, s2;
	s2 =	sand.u32 $0x70, s12  }
0x2f4: {  	[tilespmem:s0+$0x0] =	vst v11;
	s12 =	sadd.s32 s13, s30;
	s13 =	sadd.s32 s2, s31  }
0x2f5: {  	s0 =	sadd.s32 s2, s12;
	v11 =	vld [tilespmem:s13+$0x180]  }
0x2f6: {  	v63 =	vld [tilespmem:s0+$0x0];
	_ =	sdelay $0x3  }
0x2f7: {  	s2 =	simm.s32 $0x80  }
0x2f8: {  	s31 =	simm.s32 $0x10;
	s12 =	sand.u32 $0x400, s2;
	v11 =	vadd.f32 v11, v63  }
0x2f9: {  	s10 =	simm.s32 $0x20;
	s11 =	sand.u32 $0x70, s31;
	s13 =	sadd.s32 s12, s28  }
.LBB2_52:
0x2fa: {  	p0 =	sne.s32 s10, $0xF0;
	s12 =	sadd.s32 s12, s30;
	s13 =	sadd.s32 s11, s13;
	[tilespmem:s0+$0x0] =	vst v11  }
0x2fb: {  	s0 =	sadd.s32 s11, s12;
	v11 =	vld [tilespmem:s13+$0x180]  }
0x2fc: {  	v12 =	vld [tilespmem:s0+$0x0];
	_ =	sdelay $0x1  }
.Ltmp29:
0x2fd: {  	(pc) =	sbr.rel @p0 .LBB2_52-.Ltmp29, $4  }
0x2fe: {  	_ = 	snop  }
0x2ff: {  	s2 =	sadd.s32 $0x80, s2  }
0x300: {  	s12 =	sand.u32 $0x400, s2;
	v11 =	vadd.f32 v11, v12  }
0x301: {  	s11 =	sand.u32 $0x70, s10;
	s10 =	sadd.s32 $0x10, s10;
	s13 =	sadd.s32 s12, s28  }
0x302: {  	(v2sf) =	vpush v10, $0x4;
	_ =	sdelay $0xa  }
0x303: {  	s2 =	sadd.s32 s12, s30;
	s10 =	sadd.s32 s11, s13;
	[tilespmem:s0+$0x0] =	vst v11  }
0x304: {  	s0 =	sadd.s32 s11, s2;
	v11 =	vld [tilespmem:s10+$0x180]  }
0x305: {  	v12 =	vld [tilespmem:s0+$0x0];
	_ =	sdelay $0x1  }
0x306: {  	s10 =	spop (v2sf)  }
0x307: {  	s11 =	sshll.u32 s10, $0x8;
	s2 =	sshll.u32 s10, $0x7  }
0x308: {  	s12 =	simm.s32 $0x0;
	s10 =	sand.u32 $0xFFFFF800, s11;
	s2 =	sand.u32 $0x380, s2  }
0x309: {  	s13 =	sand.u32 $0x400, s12;
	v11 =	vadd.f32 v11, v12;
	s2 =	sor.u32 s2, s10  }
0x30a: {  	s31 =	sadd.s32 s13, s28;
	s30 =	sadd.s32 $0xB200, s2;
	s2 =	sand.u32 $0x70, s12  }
0x30b: {  	[tilespmem:s0+$0x0] =	vst v11;
	s12 =	sadd.s32 s13, s30;
	s13 =	sadd.s32 s2, s31  }
0x30c: {  	s0 =	sadd.s32 s2, s12;
	v11 =	vld [tilespmem:s13+$0x200]  }
0x30d: {  	v63 =	vld [tilespmem:s0+$0x0];
	_ =	sdelay $0x3  }
0x30e: {  	s2 =	simm.s32 $0x80  }
0x30f: {  	s31 =	simm.s32 $0x10;
	s12 =	sand.u32 $0x400, s2;
	v11 =	vadd.f32 v11, v63  }
0x310: {  	s10 =	simm.s32 $0x20;
	s11 =	sand.u32 $0x70, s31;
	s13 =	sadd.s32 s12, s28  }
.LBB2_54:
0x311: {  	p0 =	sne.s32 s10, $0xF0;
	s12 =	sadd.s32 s12, s30;
	s13 =	sadd.s32 s11, s13;
	[tilespmem:s0+$0x0] =	vst v11  }
0x312: {  	s0 =	sadd.s32 s11, s12;
	v11 =	vld [tilespmem:s13+$0x200]  }
0x313: {  	v12 =	vld [tilespmem:s0+$0x0];
	_ =	sdelay $0x1  }
.Ltmp30:
0x314: {  	(pc) =	sbr.rel @p0 .LBB2_54-.Ltmp30, $4  }
0x315: {  	_ = 	snop  }
0x316: {  	s2 =	sadd.s32 $0x80, s2  }
0x317: {  	s12 =	sand.u32 $0x400, s2;
	v11 =	vadd.f32 v11, v12  }
0x318: {  	s11 =	sand.u32 $0x70, s10;
	s10 =	sadd.s32 $0x10, s10;
	s13 =	sadd.s32 s12, s28  }
0x319: {  	(v2sf) =	vpush v10, $0x5;
	_ =	sdelay $0xa  }
0x31a: {  	s2 =	sadd.s32 s12, s30;
	s10 =	sadd.s32 s11, s13;
	[tilespmem:s0+$0x0] =	vst v11  }
0x31b: {  	s0 =	sadd.s32 s11, s2;
	v11 =	vld [tilespmem:s10+$0x200]  }
0x31c: {  	v12 =	vld [tilespmem:s0+$0x0];
	_ =	sdelay $0x1  }
0x31d: {  	s10 =	spop (v2sf)  }
0x31e: {  	s11 =	sshll.u32 s10, $0x8;
	s2 =	sshll.u32 s10, $0x7  }
0x31f: {  	s12 =	simm.s32 $0x0;
	s10 =	sand.u32 $0xFFFFF800, s11;
	s2 =	sand.u32 $0x380, s2  }
0x320: {  	s13 =	sand.u32 $0x400, s12;
	v11 =	vadd.f32 v11, v12;
	s2 =	sor.u32 s2, s10  }
0x321: {  	s31 =	sadd.s32 s13, s28;
	s30 =	sadd.s32 $0xB200, s2;
	s2 =	sand.u32 $0x70, s12  }
0x322: {  	[tilespmem:s0+$0x0] =	vst v11;
	s12 =	sadd.s32 s13, s30;
	s13 =	sadd.s32 s2, s31  }
0x323: {  	s0 =	sadd.s32 s2, s12;
	v11 =	vld [tilespmem:s13+$0x280]  }
0x324: {  	v63 =	vld [tilespmem:s0+$0x0];
	_ =	sdelay $0x3  }
0x325: {  	s2 =	simm.s32 $0x80  }
0x326: {  	s31 =	simm.s32 $0x10;
	s12 =	sand.u32 $0x400, s2;
	v11 =	vadd.f32 v11, v63  }
0x327: {  	s10 =	simm.s32 $0x20;
	s11 =	sand.u32 $0x70, s31;
	s13 =	sadd.s32 s12, s28  }
.LBB2_56:
0x328: {  	p0 =	sne.s32 s10, $0xF0;
	s12 =	sadd.s32 s12, s30;
	s13 =	sadd.s32 s11, s13;
	[tilespmem:s0+$0x0] =	vst v11  }
0x329: {  	s0 =	sadd.s32 s11, s12;
	v11 =	vld [tilespmem:s13+$0x280]  }
0x32a: {  	v12 =	vld [tilespmem:s0+$0x0];
	_ =	sdelay $0x1  }
.Ltmp31:
0x32b: {  	(pc) =	sbr.rel @p0 .LBB2_56-.Ltmp31, $4  }
0x32c: {  	_ = 	snop  }
0x32d: {  	s2 =	sadd.s32 $0x80, s2  }
0x32e: {  	s12 =	sand.u32 $0x400, s2;
	v11 =	vadd.f32 v11, v12  }
0x32f: {  	s11 =	sand.u32 $0x70, s10;
	s10 =	sadd.s32 $0x10, s10;
	s13 =	sadd.s32 s12, s28  }
0x330: {  	(v2sf) =	vpush v10, $0x6;
	_ =	sdelay $0xa  }
0x331: {  	s2 =	sadd.s32 s12, s30;
	s10 =	sadd.s32 s11, s13;
	[tilespmem:s0+$0x0] =	vst v11  }
0x332: {  	s0 =	sadd.s32 s11, s2;
	v11 =	vld [tilespmem:s10+$0x280]  }
0x333: {  	v12 =	vld [tilespmem:s0+$0x0];
	_ =	sdelay $0x1  }
0x334: {  	s10 =	spop (v2sf)  }
0x335: {  	s11 =	sshll.u32 s10, $0x8;
	s2 =	sshll.u32 s10, $0x7  }
0x336: {  	s12 =	simm.s32 $0x0;
	s10 =	sand.u32 $0xFFFFF800, s11;
	s2 =	sand.u32 $0x380, s2  }
0x337: {  	s13 =	sand.u32 $0x400, s12;
	v11 =	vadd.f32 v11, v12;
	s2 =	sor.u32 s2, s10  }
0x338: {  	s31 =	sadd.s32 s13, s28;
	s30 =	sadd.s32 $0xB200, s2;
	s2 =	sand.u32 $0x70, s12  }
0x339: {  	[tilespmem:s0+$0x0] =	vst v11;
	s12 =	sadd.s32 s13, s30;
	s13 =	sadd.s32 s2, s31  }
0x33a: {  	s0 =	sadd.s32 s2, s12;
	v11 =	vld [tilespmem:s13+$0x300]  }
0x33b: {  	v63 =	vld [tilespmem:s0+$0x0];
	_ =	sdelay $0x3  }
0x33c: {  	s2 =	simm.s32 $0x80  }
0x33d: {  	s31 =	simm.s32 $0x10;
	s12 =	sand.u32 $0x400, s2;
	v11 =	vadd.f32 v11, v63  }
0x33e: {  	s10 =	simm.s32 $0x20;
	s11 =	sand.u32 $0x70, s31;
	s13 =	sadd.s32 s12, s28  }
.LBB2_58:
0x33f: {  	p0 =	sne.s32 s10, $0xF0;
	s12 =	sadd.s32 s12, s30;
	s13 =	sadd.s32 s11, s13;
	[tilespmem:s0+$0x0] =	vst v11  }
0x340: {  	s0 =	sadd.s32 s11, s12;
	v11 =	vld [tilespmem:s13+$0x300]  }
0x341: {  	v12 =	vld [tilespmem:s0+$0x0];
	_ =	sdelay $0x1  }
.Ltmp32:
0x342: {  	(pc) =	sbr.rel @p0 .LBB2_58-.Ltmp32, $4  }
0x343: {  	_ = 	snop  }
0x344: {  	s2 =	sadd.s32 $0x80, s2  }
0x345: {  	s12 =	sand.u32 $0x400, s2;
	v11 =	vadd.f32 v11, v12  }
0x346: {  	s11 =	sand.u32 $0x70, s10;
	s10 =	sadd.s32 $0x10, s10;
	s13 =	sadd.s32 s12, s28  }
0x347: {  	(v2sf) =	vpush v10, $0x7;
	_ =	sdelay $0xa  }
0x348: {  	s2 =	sadd.s32 s12, s30;
	s10 =	sadd.s32 s11, s13;
	[tilespmem:s0+$0x0] =	vst v11  }
0x349: {  	s0 =	sadd.s32 s11, s2;
	v11 =	vld [tilespmem:s10+$0x300]  }
0x34a: {  	v12 =	vld [tilespmem:s0+$0x0];
	_ =	sdelay $0x1  }
0x34b: {  	s10 =	spop (v2sf)  }
0x34c: {  	s11 =	sshll.u32 s10, $0x8;
	s2 =	sshll.u32 s10, $0x7  }
0x34d: {  	s12 =	simm.s32 $0x0;
	s10 =	sand.u32 $0xFFFFF800, s11;
	s2 =	sand.u32 $0x380, s2  }
0x34e: {  	s13 =	sand.u32 $0x400, s12;
	v11 =	vadd.f32 v11, v12;
	s2 =	sor.u32 s2, s10  }
0x34f: {  	s31 =	sadd.s32 s13, s28;
	s30 =	sadd.s32 $0xB200, s2;
	s2 =	sand.u32 $0x70, s12  }
0x350: {  	[tilespmem:s0+$0x0] =	vst v11;
	s12 =	sadd.s32 s13, s30;
	s13 =	sadd.s32 s2, s31  }
0x351: {  	s0 =	sadd.s32 s2, s12;
	v11 =	vld [tilespmem:s13+$0x380]  }
0x352: {  	v63 =	vld [tilespmem:s0+$0x0];
	_ =	sdelay $0x3  }
0x353: {  	s2 =	simm.s32 $0x80  }
0x354: {  	s31 =	simm.s32 $0x10;
	s12 =	sand.u32 $0x400, s2;
	v11 =	vadd.f32 v11, v63  }
0x355: {  	s10 =	simm.s32 $0x20;
	s11 =	sand.u32 $0x70, s31;
	s13 =	sadd.s32 s12, s28  }
.LBB2_60:
0x356: {  	p0 =	sne.s32 s10, $0xF0;
	s12 =	sadd.s32 s12, s30;
	s13 =	sadd.s32 s11, s13;
	[tilespmem:s0+$0x0] =	vst v11  }
0x357: {  	s0 =	sadd.s32 s11, s12;
	v11 =	vld [tilespmem:s13+$0x380]  }
0x358: {  	v12 =	vld [tilespmem:s0+$0x0];
	_ =	sdelay $0x1  }
.Ltmp33:
0x359: {  	(pc) =	sbr.rel @p0 .LBB2_60-.Ltmp33, $4  }
0x35a: {  	_ = 	snop  }
0x35b: {  	s2 =	sadd.s32 $0x80, s2  }
0x35c: {  	s12 =	sand.u32 $0x400, s2;
	v11 =	vadd.f32 v11, v12  }
0x35d: {  	s11 =	sand.u32 $0x70, s10;
	s10 =	sadd.s32 $0x10, s10;
	s13 =	sadd.s32 s12, s28  }
0x35e: {  	(v2sf) =	vpush v10, $0x8;
	_ =	sdelay $0xa  }
0x35f: {  	s2 =	sadd.s32 s12, s30;
	s10 =	sadd.s32 s11, s13;
	[tilespmem:s0+$0x0] =	vst v11  }
0x360: {  	s0 =	sadd.s32 s11, s2;
	v11 =	vld [tilespmem:s10+$0x380]  }
0x361: {  	v12 =	vld [tilespmem:s0+$0x0];
	_ =	sdelay $0x1  }
0x362: {  	s10 =	spop (v2sf)  }
0x363: {  	s11 =	sshll.u32 s10, $0x8;
	s2 =	sshll.u32 s10, $0x7  }
0x364: {  	s12 =	simm.s32 $0x0;
	s10 =	sand.u32 $0xFFFFF800, s11;
	s2 =	sand.u32 $0x380, s2  }
0x365: {  	s30 =	sadd.s32 $0x7900, s29;
	s13 =	sand.u32 $0x400, s12;
	v11 =	vadd.f32 v11, v12;
	s2 =	sor.u32 s2, s10  }
0x366: {  	s31 =	sadd.s32 s13, s30;
	s29 =	sadd.s32 $0xB200, s2;
	s2 =	sand.u32 $0x70, s12  }
0x367: {  	[tilespmem:s0+$0x0] =	vst v11;
	s12 =	sadd.s32 s13, s29;
	s13 =	sadd.s32 s2, s31  }
0x368: {  	s0 =	sadd.s32 s2, s12;
	v11 =	vld [tilespmem:s13+$0x0]  }
0x369: {  	v63 =	vld [tilespmem:s0+$0x0];
	_ =	sdelay $0x3  }
0x36a: {  	s2 =	simm.s32 $0x80  }
0x36b: {  	s31 =	simm.s32 $0x10;
	s12 =	sand.u32 $0x400, s2;
	v11 =	vadd.f32 v11, v63  }
0x36c: {  	s10 =	simm.s32 $0x20;
	s11 =	sand.u32 $0x70, s31;
	s13 =	sadd.s32 s12, s30  }
.LBB2_62:
0x36d: {  	p0 =	sne.s32 s10, $0xF0;
	s12 =	sadd.s32 s12, s29;
	s13 =	sadd.s32 s11, s13;
	[tilespmem:s0+$0x0] =	vst v11  }
0x36e: {  	s0 =	sadd.s32 s11, s12;
	v11 =	vld [tilespmem:s13+$0x0]  }
0x36f: {  	v12 =	vld [tilespmem:s0+$0x0];
	_ =	sdelay $0x1  }
.Ltmp34:
0x370: {  	(pc) =	sbr.rel @p0 .LBB2_62-.Ltmp34, $4  }
0x371: {  	_ = 	snop  }
0x372: {  	s2 =	sadd.s32 $0x80, s2  }
0x373: {  	s12 =	sand.u32 $0x400, s2;
	v11 =	vadd.f32 v11, v12  }
0x374: {  	s11 =	sand.u32 $0x70, s10;
	s10 =	sadd.s32 $0x10, s10;
	s13 =	sadd.s32 s12, s30  }
0x375: {  	(v2sf) =	vpush v10, $0x9;
	_ =	sdelay $0xa  }
0x376: {  	s2 =	sadd.s32 s12, s29;
	s10 =	sadd.s32 s11, s13;
	[tilespmem:s0+$0x0] =	vst v11  }
0x377: {  	s0 =	sadd.s32 s11, s2;
	v11 =	vld [tilespmem:s10+$0x0]  }
0x378: {  	v12 =	vld [tilespmem:s0+$0x0];
	_ =	sdelay $0x1  }
0x379: {  	s11 =	spop (v2sf)  }
0x37a: {  	s12 =	sshll.u32 s11, $0x8;
	s2 =	sshll.u32 s11, $0x7  }
0x37b: {  	s13 =	simm.s32 $0x0;
	s10 =	sand.u32 $0xFFFFF800, s12;
	s2 =	sand.u32 $0x380, s2  }
0x37c: {  	s30 =	sand.u32 $0x400, s13;
	v11 =	vadd.f32 v11, v12;
	s2 =	sor.u32 s2, s10  }
0x37d: {  	s31 =	sand.u32 $0x70, s13;
	s12 =	sadd.s32 s30, s28;
	s29 =	sadd.s32 $0xB200, s2  }
0x37e: {  	[tilespmem:s0+$0x0] =	vst v11;
	s13 =	sadd.s32 s30, s29;
	s30 =	sadd.s32 s31, s12  }
0x37f: {  	s0 =	sadd.s32 s31, s13;
	v11 =	vld [tilespmem:s30+$0x880]  }
0x380: {  	v63 =	vld [tilespmem:s0+$0x0];
	_ =	sdelay $0x3  }
0x381: {  	s2 =	simm.s32 $0x80  }
0x382: {  	s12 =	sand.u32 $0x400, s2;
	s31 =	simm.s32 $0x10;
	v11 =	vadd.f32 v11, v63  }
0x383: {  	s10 =	simm.s32 $0x20;
	s13 =	sadd.s32 s12, s28;
	s11 =	sand.u32 $0x70, s31  }
.LBB2_64:
0x384: {  	p0 =	sne.s32 s10, $0xF0;
	s12 =	sadd.s32 s12, s29;
	s13 =	sadd.s32 s11, s13;
	[tilespmem:s0+$0x0] =	vst v11  }
0x385: {  	s0 =	sadd.s32 s11, s12;
	v11 =	vld [tilespmem:s13+$0x880]  }
0x386: {  	v12 =	vld [tilespmem:s0+$0x0];
	_ =	sdelay $0x1  }
.Ltmp35:
0x387: {  	(pc) =	sbr.rel @p0 .LBB2_64-.Ltmp35, $4  }
0x388: {  	_ = 	snop  }
0x389: {  	s2 =	sadd.s32 $0x80, s2  }
0x38a: {  	s12 =	sand.u32 $0x400, s2;
	v11 =	vadd.f32 v11, v12  }
0x38b: {  	s11 =	sand.u32 $0x70, s10;
	s10 =	sadd.s32 $0x10, s10;
	s13 =	sadd.s32 s12, s28  }
0x38c: {  	(v2sf) =	vpush v10, $0xA;
	_ =	sdelay $0xa  }
0x38d: {  	s2 =	sadd.s32 s12, s29;
	s10 =	sadd.s32 s11, s13;
	[tilespmem:s0+$0x0] =	vst v11  }
0x38e: {  	s0 =	sadd.s32 s11, s2;
	v11 =	vld [tilespmem:s10+$0x880]  }
0x38f: {  	v12 =	vld [tilespmem:s0+$0x0];
	_ =	sdelay $0x1  }
0x390: {  	s11 =	spop (v2sf)  }
0x391: {  	s12 =	sshll.u32 s11, $0x8;
	s2 =	sshll.u32 s11, $0x7  }
0x392: {  	s13 =	simm.s32 $0x0;
	s10 =	sand.u32 $0xFFFFF800, s12;
	s2 =	sand.u32 $0x380, s2  }
0x393: {  	s30 =	sand.u32 $0x400, s13;
	v11 =	vadd.f32 v11, v12;
	s2 =	sor.u32 s2, s10  }
0x394: {  	s31 =	sand.u32 $0x70, s13;
	s12 =	sadd.s32 s30, s28;
	s29 =	sadd.s32 $0xB200, s2  }
0x395: {  	[tilespmem:s0+$0x0] =	vst v11;
	s13 =	sadd.s32 s30, s29;
	s30 =	sadd.s32 s31, s12  }
0x396: {  	s0 =	sadd.s32 s31, s13;
	v11 =	vld [tilespmem:s30+$0x900]  }
0x397: {  	v63 =	vld [tilespmem:s0+$0x0];
	_ =	sdelay $0x3  }
0x398: {  	s2 =	simm.s32 $0x80  }
0x399: {  	s12 =	sand.u32 $0x400, s2;
	s31 =	simm.s32 $0x10;
	v11 =	vadd.f32 v11, v63  }
0x39a: {  	s10 =	simm.s32 $0x20;
	s13 =	sadd.s32 s12, s28;
	s11 =	sand.u32 $0x70, s31  }
.LBB2_66:
0x39b: {  	p0 =	sne.s32 s10, $0xF0;
	s12 =	sadd.s32 s12, s29;
	s13 =	sadd.s32 s11, s13;
	[tilespmem:s0+$0x0] =	vst v11  }
0x39c: {  	s0 =	sadd.s32 s11, s12;
	v11 =	vld [tilespmem:s13+$0x900]  }
0x39d: {  	v12 =	vld [tilespmem:s0+$0x0];
	_ =	sdelay $0x1  }
.Ltmp36:
0x39e: {  	(pc) =	sbr.rel @p0 .LBB2_66-.Ltmp36, $4  }
0x39f: {  	_ = 	snop  }
0x3a0: {  	s2 =	sadd.s32 $0x80, s2  }
0x3a1: {  	s12 =	sand.u32 $0x400, s2;
	v11 =	vadd.f32 v11, v12  }
0x3a2: {  	s11 =	sand.u32 $0x70, s10;
	s10 =	sadd.s32 $0x10, s10;
	s13 =	sadd.s32 s12, s28  }
0x3a3: {  	(v2sf) =	vpush v10, $0xB;
	_ =	sdelay $0xa  }
0x3a4: {  	s2 =	sadd.s32 s12, s29;
	s10 =	sadd.s32 s11, s13;
	[tilespmem:s0+$0x0] =	vst v11  }
0x3a5: {  	s0 =	sadd.s32 s11, s2;
	v11 =	vld [tilespmem:s10+$0x900]  }
0x3a6: {  	v12 =	vld [tilespmem:s0+$0x0];
	_ =	sdelay $0x1  }
0x3a7: {  	s11 =	spop (v2sf)  }
0x3a8: {  	s12 =	sshll.u32 s11, $0x8;
	s2 =	sshll.u32 s11, $0x7  }
0x3a9: {  	s13 =	simm.s32 $0x0;
	s10 =	sand.u32 $0xFFFFF800, s12;
	s2 =	sand.u32 $0x380, s2  }
0x3aa: {  	s30 =	sand.u32 $0x400, s13;
	v11 =	vadd.f32 v11, v12;
	s2 =	sor.u32 s2, s10  }
0x3ab: {  	s31 =	sand.u32 $0x70, s13;
	s12 =	sadd.s32 s30, s28;
	s29 =	sadd.s32 $0xB200, s2  }
0x3ac: {  	[tilespmem:s0+$0x0] =	vst v11;
	s13 =	sadd.s32 s30, s29;
	s30 =	sadd.s32 s31, s12  }
0x3ad: {  	s0 =	sadd.s32 s31, s13;
	v11 =	vld [tilespmem:s30+$0x980]  }
0x3ae: {  	v63 =	vld [tilespmem:s0+$0x0];
	_ =	sdelay $0x3  }
0x3af: {  	s2 =	simm.s32 $0x80  }
0x3b0: {  	s12 =	sand.u32 $0x400, s2;
	s31 =	simm.s32 $0x10;
	v11 =	vadd.f32 v11, v63  }
0x3b1: {  	s10 =	simm.s32 $0x20;
	s13 =	sadd.s32 s12, s28;
	s11 =	sand.u32 $0x70, s31  }
.LBB2_68:
0x3b2: {  	p0 =	sne.s32 s10, $0xF0;
	s12 =	sadd.s32 s12, s29;
	s13 =	sadd.s32 s11, s13;
	[tilespmem:s0+$0x0] =	vst v11  }
0x3b3: {  	s0 =	sadd.s32 s11, s12;
	v11 =	vld [tilespmem:s13+$0x980]  }
0x3b4: {  	v12 =	vld [tilespmem:s0+$0x0];
	_ =	sdelay $0x1  }
.Ltmp37:
0x3b5: {  	(pc) =	sbr.rel @p0 .LBB2_68-.Ltmp37, $4  }
0x3b6: {  	_ = 	snop  }
0x3b7: {  	s2 =	sadd.s32 $0x80, s2  }
0x3b8: {  	s12 =	sand.u32 $0x400, s2;
	v11 =	vadd.f32 v11, v12  }
0x3b9: {  	s11 =	sand.u32 $0x70, s10;
	s10 =	sadd.s32 $0x10, s10;
	s13 =	sadd.s32 s12, s28  }
0x3ba: {  	(v2sf) =	vpush v10, $0xC;
	_ =	sdelay $0xa  }
0x3bb: {  	s2 =	sadd.s32 s12, s29;
	s10 =	sadd.s32 s11, s13;
	[tilespmem:s0+$0x0] =	vst v11  }
0x3bc: {  	s0 =	sadd.s32 s11, s2;
	v11 =	vld [tilespmem:s10+$0x980]  }
0x3bd: {  	v12 =	vld [tilespmem:s0+$0x0];
	_ =	sdelay $0x1  }
0x3be: {  	s11 =	spop (v2sf)  }
0x3bf: {  	s12 =	sshll.u32 s11, $0x8;
	s2 =	sshll.u32 s11, $0x7  }
0x3c0: {  	s13 =	simm.s32 $0x0;
	s10 =	sand.u32 $0xFFFFF800, s12;
	s2 =	sand.u32 $0x380, s2  }
0x3c1: {  	s30 =	sand.u32 $0x400, s13;
	v11 =	vadd.f32 v11, v12;
	s2 =	sor.u32 s2, s10  }
0x3c2: {  	s31 =	sand.u32 $0x70, s13;
	s12 =	sadd.s32 s30, s28;
	s29 =	sadd.s32 $0xB200, s2  }
0x3c3: {  	[tilespmem:s0+$0x0] =	vst v11;
	s13 =	sadd.s32 s30, s29;
	s30 =	sadd.s32 s31, s12  }
0x3c4: {  	s0 =	sadd.s32 s31, s13;
	v11 =	vld [tilespmem:s30+$0xA00]  }
0x3c5: {  	v63 =	vld [tilespmem:s0+$0x0];
	_ =	sdelay $0x3  }
0x3c6: {  	s2 =	simm.s32 $0x80  }
0x3c7: {  	s12 =	sand.u32 $0x400, s2;
	s31 =	simm.s32 $0x10;
	v11 =	vadd.f32 v11, v63  }
0x3c8: {  	s10 =	simm.s32 $0x20;
	s13 =	sadd.s32 s12, s28;
	s11 =	sand.u32 $0x70, s31  }
.LBB2_70:
0x3c9: {  	p0 =	sne.s32 s10, $0xF0;
	s12 =	sadd.s32 s12, s29;
	s13 =	sadd.s32 s11, s13;
	[tilespmem:s0+$0x0] =	vst v11  }
0x3ca: {  	s0 =	sadd.s32 s11, s12;
	v11 =	vld [tilespmem:s13+$0xA00]  }
0x3cb: {  	v12 =	vld [tilespmem:s0+$0x0];
	_ =	sdelay $0x1  }
.Ltmp38:
0x3cc: {  	(pc) =	sbr.rel @p0 .LBB2_70-.Ltmp38, $4  }
0x3cd: {  	_ = 	snop  }
0x3ce: {  	s2 =	sadd.s32 $0x80, s2  }
0x3cf: {  	s12 =	sand.u32 $0x400, s2;
	v11 =	vadd.f32 v11, v12  }
0x3d0: {  	s11 =	sand.u32 $0x70, s10;
	s10 =	sadd.s32 $0x10, s10;
	s13 =	sadd.s32 s12, s28  }
0x3d1: {  	(v2sf) =	vpush v10, $0xD;
	_ =	sdelay $0xa  }
0x3d2: {  	s2 =	sadd.s32 s12, s29;
	s10 =	sadd.s32 s11, s13;
	[tilespmem:s0+$0x0] =	vst v11  }
0x3d3: {  	s0 =	sadd.s32 s11, s2;
	v11 =	vld [tilespmem:s10+$0xA00]  }
0x3d4: {  	v12 =	vld [tilespmem:s0+$0x0];
	_ =	sdelay $0x1  }
0x3d5: {  	s11 =	spop (v2sf)  }
0x3d6: {  	s12 =	sshll.u32 s11, $0x8;
	s2 =	sshll.u32 s11, $0x7  }
0x3d7: {  	s13 =	simm.s32 $0x0;
	s10 =	sand.u32 $0xFFFFF800, s12;
	s2 =	sand.u32 $0x380, s2  }
0x3d8: {  	s30 =	sand.u32 $0x400, s13;
	v11 =	vadd.f32 v11, v12;
	s2 =	sor.u32 s2, s10  }
0x3d9: {  	s31 =	sand.u32 $0x70, s13;
	s12 =	sadd.s32 s30, s28;
	s29 =	sadd.s32 $0xB200, s2  }
0x3da: {  	[tilespmem:s0+$0x0] =	vst v11;
	s13 =	sadd.s32 s30, s29;
	s30 =	sadd.s32 s31, s12  }
0x3db: {  	s0 =	sadd.s32 s31, s13;
	v11 =	vld [tilespmem:s30+$0xA80]  }
0x3dc: {  	v63 =	vld [tilespmem:s0+$0x0];
	_ =	sdelay $0x3  }
0x3dd: {  	s2 =	simm.s32 $0x80  }
0x3de: {  	s12 =	sand.u32 $0x400, s2;
	s31 =	simm.s32 $0x10;
	v11 =	vadd.f32 v11, v63  }
0x3df: {  	s10 =	simm.s32 $0x20;
	s13 =	sadd.s32 s12, s28;
	s11 =	sand.u32 $0x70, s31  }
.LBB2_72:
0x3e0: {  	p0 =	sne.s32 s10, $0xF0;
	s12 =	sadd.s32 s12, s29;
	s13 =	sadd.s32 s11, s13;
	[tilespmem:s0+$0x0] =	vst v11  }
0x3e1: {  	s0 =	sadd.s32 s11, s12;
	v11 =	vld [tilespmem:s13+$0xA80]  }
0x3e2: {  	v12 =	vld [tilespmem:s0+$0x0];
	_ =	sdelay $0x1  }
.Ltmp39:
0x3e3: {  	(pc) =	sbr.rel @p0 .LBB2_72-.Ltmp39, $4  }
0x3e4: {  	_ = 	snop  }
0x3e5: {  	s2 =	sadd.s32 $0x80, s2  }
0x3e6: {  	s12 =	sand.u32 $0x400, s2;
	v11 =	vadd.f32 v11, v12  }
0x3e7: {  	s11 =	sand.u32 $0x70, s10;
	s10 =	sadd.s32 $0x10, s10;
	s13 =	sadd.s32 s12, s28  }
0x3e8: {  	(v2sf) =	vpush v10, $0xE;
	_ =	sdelay $0xa  }
0x3e9: {  	s2 =	sadd.s32 s12, s29;
	s10 =	sadd.s32 s11, s13;
	[tilespmem:s0+$0x0] =	vst v11  }
0x3ea: {  	s0 =	sadd.s32 s11, s2;
	v11 =	vld [tilespmem:s10+$0xA80]  }
0x3eb: {  	v12 =	vld [tilespmem:s0+$0x0];
	_ =	sdelay $0x1  }
0x3ec: {  	s11 =	spop (v2sf)  }
0x3ed: {  	s12 =	sshll.u32 s11, $0x8;
	s2 =	sshll.u32 s11, $0x7  }
0x3ee: {  	s13 =	simm.s32 $0x0;
	s10 =	sand.u32 $0xFFFFF800, s12;
	s2 =	sand.u32 $0x380, s2  }
0x3ef: {  	s30 =	sand.u32 $0x400, s13;
	v11 =	vadd.f32 v11, v12;
	s2 =	sor.u32 s2, s10  }
0x3f0: {  	s31 =	sand.u32 $0x70, s13;
	s12 =	sadd.s32 s30, s28;
	s29 =	sadd.s32 $0xB200, s2  }
0x3f1: {  	[tilespmem:s0+$0x0] =	vst v11;
	s13 =	sadd.s32 s30, s29;
	s30 =	sadd.s32 s31, s12  }
0x3f2: {  	s0 =	sadd.s32 s31, s13;
	v11 =	vld [tilespmem:s30+$0xB00]  }
0x3f3: {  	v63 =	vld [tilespmem:s0+$0x0];
	_ =	sdelay $0x3  }
0x3f4: {  	s2 =	simm.s32 $0x80  }
0x3f5: {  	s12 =	sand.u32 $0x400, s2;
	s31 =	simm.s32 $0x10;
	v11 =	vadd.f32 v11, v63  }
0x3f6: {  	s10 =	simm.s32 $0x20;
	s13 =	sadd.s32 s12, s28;
	s11 =	sand.u32 $0x70, s31  }
.LBB2_74:
0x3f7: {  	p0 =	sne.s32 s10, $0xF0;
	s12 =	sadd.s32 s12, s29;
	s13 =	sadd.s32 s11, s13;
	[tilespmem:s0+$0x0] =	vst v11  }
0x3f8: {  	s0 =	sadd.s32 s11, s12;
	v11 =	vld [tilespmem:s13+$0xB00]  }
0x3f9: {  	v12 =	vld [tilespmem:s0+$0x0];
	_ =	sdelay $0x1  }
.Ltmp40:
0x3fa: {  	(pc) =	sbr.rel @p0 .LBB2_74-.Ltmp40, $4  }
0x3fb: {  	_ = 	snop  }
0x3fc: {  	s2 =	sadd.s32 $0x80, s2  }
0x3fd: {  	s12 =	sand.u32 $0x400, s2;
	v11 =	vadd.f32 v11, v12  }
0x3fe: {  	s11 =	sand.u32 $0x70, s10;
	s10 =	sadd.s32 $0x10, s10;
	s13 =	sadd.s32 s12, s28  }
0x3ff: {  	(v2sf) =	vpush v10, $0xF;
	_ =	sdelay $0xa  }
0x400: {  	s2 =	sadd.s32 s12, s29;
	s10 =	sadd.s32 s11, s13;
	[tilespmem:s0+$0x0] =	vst v11  }
0x401: {  	s0 =	sadd.s32 s11, s2;
	v10 =	vld [tilespmem:s10+$0xB00]  }
0x402: {  	v11 =	vld [tilespmem:s0+$0x0];
	_ =	sdelay $0x1  }
0x403: {  	s11 =	spop (v2sf)  }
0x404: {  	s12 =	sshll.u32 s11, $0x8;
	s2 =	sshll.u32 s11, $0x7  }
0x405: {  	s13 =	simm.s32 $0x0;
	s10 =	sand.u32 $0xFFFFF800, s12;
	s2 =	sand.u32 $0x380, s2  }
0x406: {  	s30 =	sand.u32 $0x400, s13;
	v10 =	vadd.f32 v10, v11;
	s2 =	sor.u32 s2, s10  }
0x407: {  	s31 =	sand.u32 $0x70, s13;
	s12 =	sadd.s32 s30, s28;
	s29 =	sadd.s32 $0xB200, s2  }
0x408: {  	[tilespmem:s0+$0x0] =	vst v10;
	s13 =	sadd.s32 s30, s29;
	s30 =	sadd.s32 s31, s12  }
0x409: {  	s0 =	sadd.s32 s31, s13;
	v10 =	vld [tilespmem:s30+$0xB80]  }
0x40a: {  	v11 =	vld [tilespmem:s0+$0x0];
	_ =	sdelay $0x3  }
0x40b: {  	s2 =	simm.s32 $0x80  }
0x40c: {  	s12 =	sand.u32 $0x400, s2;
	s31 =	simm.s32 $0x10;
	v10 =	vadd.f32 v10, v11  }
0x40d: {  	s10 =	simm.s32 $0x20;
	s13 =	sadd.s32 s12, s28;
	s11 =	sand.u32 $0x70, s31  }
.LBB2_76:
0x40e: {  	p0 =	sne.s32 s10, $0xF0;
	s12 =	sadd.s32 s12, s29;
	s13 =	sadd.s32 s11, s13;
	[tilespmem:s0+$0x0] =	vst v10  }
0x40f: {  	s0 =	sadd.s32 s11, s12;
	v10 =	vld [tilespmem:s13+$0xB80]  }
0x410: {  	v11 =	vld [tilespmem:s0+$0x0];
	_ =	sdelay $0x1  }
.Ltmp41:
0x411: {  	(pc) =	sbr.rel @p0 .LBB2_76-.Ltmp41, $4  }
0x412: {  	_ = 	snop  }
0x413: {  	s2 =	sadd.s32 $0x80, s2  }
0x414: {  	s12 =	sand.u32 $0x400, s2;
	v10 =	vadd.f32 v10, v11  }
0x415: {  	s11 =	sand.u32 $0x70, s10;
	s10 =	sadd.s32 $0x10, s10;
	s13 =	sadd.s32 s12, s28  }
0x416: {  	s2 =	sadd.s32 s12, s29;
	s10 =	sadd.s32 s11, s13;
	[tilespmem:s0+$0x0] =	vst v10  }
0x417: {  	s31 =	sadd.s32 s11, s2;
	v10 =	vld [tilespmem:s10+$0xB80]  }
0x418: {  	v11 =	vld [tilespmem:s31+$0x0]  }
0x419: {  	s26 =	sadd.s32 $0x1, s26  }
0x41a: {  	p0 =	sne.s32 s26, $0x4  }
.Ltmp42:
0x41b: {  	_ = 	snop;
	(pc) =	sbr.rel @p0 .LBB2_45-.Ltmp42, $4  }
.Ltmp43:
0x41c: {  	_ = 	snop;
	(pc) =	sbr.rel @!p0 .LBB2_78-.Ltmp43, $4  }
0x41d: {  	v10 =	vadd.f32 v10, v11  }
0x41e: {  	_ = 	snop  }
0x41f: {  	[tilespmem:s31+$0x0] =	vst v10  }
0x420: {  	_ = 	snop  }
.LBB2_80:
0x421: {  	_ =	sfence.sel $0x180000  }
0x422: {  	[bflag:$0x0] =	sbarrier.arrive $0xFFFF  }
0x423: {  	_ =	strace $0x9000004A  }
0x424: {  	s0 =	stileid.u32;
	[bflag:$0x2] =	sbarrier.arrive $0xFFFF  }
0x425: {  	p0 =	sne.s32 s0, $0x0;
	s0 =	rddreg [dreg:$0x4]  }
0x426: {  	s0 =	sadd.s32 @!p0 $0x100000, s0  }
0x427: {  	[sflag:s0] =	ssyncadd.tile.s32 @!p0 $0x1;
	_ =	shalt  }
.Lfunc_end2:
_tile_overlayer_lowered:
.L_overlay_start_2:
0x428: {  	(tag) =	ssettag $0x2  }
0x429: {  	s0 =	rddreg [dreg:$0x0];
	s2 =	stileid.u32  }
0x42a: {  	s1 =	rddreg [dreg:$0x1];
	p0 =	sne.s32 s2, $0x0  }
0x42b: {  	s3 =	rddreg [dreg:$0x2];
	[bflag:$0x3] =	sbarrier.arrive $0xFFFF;
	s2 =	simm.s32 @!p0 $0x1C03  }
0x42c: {  	[timem:s3], [sflag:s2] =	dma.local @!p0 [hbm:s0], s1  }
0x42d: {  	s0 =	simm.s32 @!p0 $0x3  }
0x42e: {  	_ =	swait.ge @!p0 [sflag:s0], s1  }
0x42f: {  	s1 =	ssub.s32 @!p0 $0x0, s1;
	[sflag:s0] =	ssyncset.done @!p0 $0x0  }
0x430: {  	[sflag:s0] =	ssyncadd.s32 @!p0 s1  }
0x431: {  	[bflag:$0x3] =	sbarrier.arrive $0xFFFF  }
0x432: {  	_ =	shalt  }

</sc_bundles>
